<compile_context>
chip_gen: v7x
topology: tpu7x:2x2x1
jax: 0.10.2.dev20260603
libtpu: 0.0.44.dev20260713+nightly
codegen_flags: <defaults>
</compile_context>

<pallas_src>
import functools

import jax
import jax.numpy as jnp
from jax import lax
from jax.experimental import pallas as pl
from jax.experimental.pallas import tpu as pltpu
from jax.experimental.pallas import tpu_sc as plsc

N = 10000
E = 320000

NC = 2
NS = 16
NW = NC * NS
CH = 128
CG = 8
NCHUNKS = 2560
TPT = NCHUNKS // NS
E_PAD = NCHUNKS * CH
N_PAD = 10112
RPT = N_PAD // NS


_MESH = plsc.VectorSubcoreMesh(
    core_axis_name="c", subcore_axis_name="s", num_cores=NC)


def _gather_loop(table, src_r, dst_r, srcv, dstv, bufs, sems, acc, chunk0,
                 ngroups, cntv=None):
    ones_v = jnp.ones((16,), jnp.float32)

    def group(g, carry):
        g0 = pl.multiple_of(chunk0 + g * CG, CG)
        pltpu.sync_copy(src_r.at[pl.ds(g0, CG)], srcv)
        pltpu.sync_copy(dst_r.at[pl.ds(g0, CG)], dstv)
        h = pltpu.async_copy(table.at[srcv.at[0]], bufs[0], sems[0])
        for j in range(CG):
            if j + 1 < CG:
                h_next = pltpu.async_copy(
                    table.at[srcv.at[j + 1]], bufs[(j + 1) % 2],
                    sems[(j + 1) % 2])
            if cntv is not None:
                for k in range(CH // 16):
                    idx = dstv[j, pl.ds(k * 16, 16)]
                    plsc.addupdate_scatter(cntv, [idx], ones_v)
            h.wait()
            pltpu.sync_copy(bufs[j % 2], acc.at[dstv.at[j]], add=True)
            if j + 1 < CG:
                h = h_next
        return carry

    lax.fori_loop(0, ngroups, group, 0)


def _make_agg(with_cnt):
    out_type = [jax.ShapeDtypeStruct((NC, N_PAD, 128), jnp.float32)]
    scratch = [
        pltpu.VMEM((CG, CH), jnp.int32),
        pltpu.VMEM((CG, CH), jnp.int32),
        pltpu.VMEM((CH, 128), jnp.float32),
        pltpu.VMEM((CH, 128), jnp.float32),
        pltpu.VMEM_SHARED((N_PAD, 128), jnp.float32),
        pltpu.SemaphoreType.DMA,
        pltpu.SemaphoreType.DMA,
    ]
    if with_cnt:
        out_type.append(jax.ShapeDtypeStruct((NW, N_PAD), jnp.float32))
        scratch.append(pltpu.VMEM((N_PAD,), jnp.float32))

    def common(table, src_r, dst_r, zeros, out_s, srcv, dstv, rows0, rows1,
               acc, sem0, sem1, out_c=None, cntv=None):
        c = lax.axis_index("c")
        s = lax.axis_index("s")
        r0 = s * RPT
        chunk0 = c * (NCHUNKS // NC) + s * (TPT // NC)
        pltpu.sync_copy(zeros.at[pl.ds(r0, RPT)], acc.at[pl.ds(r0, RPT)])
        if with_cnt:
            zv = jnp.zeros((16,), jnp.float32)
            for i in range(N_PAD // 16):
                cntv[pl.ds(i * 16, 16)] = zv
        plsc.subcore_barrier()
        _gather_loop(table, src_r, dst_r, srcv, dstv, (rows0, rows1),
                     (sem0, sem1), acc, chunk0, TPT // NC // CG, cntv)
        plsc.subcore_barrier()
        pltpu.sync_copy(acc.at[pl.ds(r0, RPT)], out_s.at[c, pl.ds(r0, RPT)])
        if with_cnt:
            wid = s * NC + c
            pltpu.sync_copy(cntv, out_c.at[wid])

    if with_cnt:
        def body(table, src_r, dst_r, zeros, out_s, out_c,
                 srcv, dstv, rows0, rows1, acc, sem0, sem1, cntv):
            common(table, src_r, dst_r, zeros, out_s, srcv, dstv, rows0,
                   rows1, acc, sem0, sem1, out_c=out_c, cntv=cntv)
    else:
        def body(table, src_r, dst_r, zeros, out_s,
                 srcv, dstv, rows0, rows1, acc, sem0, sem1):
            common(table, src_r, dst_r, zeros, out_s, srcv, dstv, rows0,
                   rows1, acc, sem0, sem1)

    return pl.kernel(
        body, mesh=_MESH, out_type=out_type, scratch_types=scratch,
        compiler_params=pltpu.CompilerParams(
            needs_layout_passes=False) if with_cnt else None)


_agg_cnt = _make_agg(True)
_agg128 = _make_agg(False)

B = 1000
GRID = N // B


def _inv_cnt(cntp_ref):
    cnt = jnp.sum(cntp_ref[...], axis=1)[:, None]
    return 1.0 / jnp.maximum(cnt, 1.0)


def _tc_a(s1p, cntp, x, w1lt, b1, w1rt, w2lt, h1_o, y2_o):
    mean = (s1p[0] + s1p[1]) * _inv_cnt(cntp)
    h1 = jnp.maximum(
        jnp.dot(mean, w1lt[...], preferred_element_type=jnp.float32)
        + b1[...]
        + jnp.dot(x[...], w1rt[...], preferred_element_type=jnp.float32),
        0.0,
    )
    h1_o[...] = h1
    y2_o[...] = jnp.dot(h1, w2lt[...], preferred_element_type=jnp.float32)


def _tc_b(s2p, cntp, h1, w2rt, b2, wlint, blin, h3_o):
    mean2 = (s2p[0] + s2p[1]) * _inv_cnt(cntp)
    h2 = jnp.maximum(
        mean2 + b2[...]
        + jnp.dot(h1[...], w2rt[...], preferred_element_type=jnp.float32),
        0.0,
    )
    h3_o[...] = (
        jnp.dot(h2, wlint[...], preferred_element_type=jnp.float32) + blin[...]
    )


def _tc_c(s4p, cntp, h3, w4lt, b4, w4rt, out_o):
    mean4 = (s4p[0] + s4p[1]) * _inv_cnt(cntp)
    out_o[...] = (
        jnp.dot(mean4, w4lt[...], preferred_element_type=jnp.float32)
        + b4[...]
        + jnp.dot(h3[...], w4rt[...], preferred_element_type=jnp.float32)
    )


def _rows(d):
    return pl.BlockSpec((B, d), lambda i: (i, 0))


def _part(d):
    return pl.BlockSpec((B, d), lambda i: (i, 0))


def _part2(d):
    return pl.BlockSpec((2, B, d), lambda i: (0, i, 0))


def _full(r, c):
    return pl.BlockSpec((r, c), lambda i: (0, 0))


_CNT_SPEC = pl.BlockSpec((B, NW), lambda i: (i, 0))


def kernel(x, edge_index, W1l, b1, W1r, W2l, b2, W2r, Wlin, blin, W4l, b4, W4r):
    pad_src = jnp.arange(E_PAD - E, dtype=jnp.int32) % N
    src = jnp.concatenate([edge_index[0], pad_src]).reshape(NCHUNKS, CH)
    pad_dst = N + jnp.arange(E_PAD - E, dtype=jnp.int32) % (N_PAD - N)
    dst = jnp.concatenate([edge_index[1], pad_dst]).reshape(NCHUNKS, CH)
    z128 = jnp.zeros((N_PAD, 128), jnp.float32)

    s1p, cntp = _agg_cnt(x, src, dst, z128)
    cntp = cntp.T

    h1, y2 = pl.pallas_call(
        _tc_a,
        grid=(GRID,),
        in_specs=[_part2(128), _CNT_SPEC, _rows(128), _full(128, 256),
                  _full(1, 256), _full(128, 256), _full(256, 128)],
        out_specs=[_rows(256), _rows(128)],
        out_shape=[jax.ShapeDtypeStruct((N, 256), jnp.float32),
                   jax.ShapeDtypeStruct((N, 128), jnp.float32)],
    )(s1p, cntp, x, W1l.T, b1.reshape(1, -1), W1r.T, W2l.T)

    (s2p,) = _agg128(y2, src, dst, z128)

    h3 = pl.pallas_call(
        _tc_b,
        grid=(GRID,),
        in_specs=[_part2(128), _CNT_SPEC, _rows(256), _full(256, 128),
                  _full(1, 128), _full(128, 128), _full(1, 128)],
        out_specs=_rows(128),
        out_shape=jax.ShapeDtypeStruct((N, 128), jnp.float32),
    )(s2p, cntp, h1, W2r.T, b2.reshape(1, -1), Wlin.T, blin.reshape(1, -1))

    (s4p,) = _agg128(h3, src, dst, z128)

    out = pl.pallas_call(
        _tc_c,
        grid=(GRID,),
        in_specs=[_part2(128), _CNT_SPEC, _rows(128), _full(128, 64),
                  _full(1, 64), _full(128, 64)],
        out_specs=_rows(64),
        out_shape=jax.ShapeDtypeStruct((N, 64), jnp.float32),
    )(s4p, cntp, h3, W4l.T, b4.reshape(1, -1), W4r.T)

    return out

# --- scband reference (transcript-rebuilt; emitter-appended) ---
"""Pipeline reference for scband-gcnencoder-69166153334987 (READ-ONLY COPY).

The authoritative reference and input builder live on the scoring server;
editing this copy changes nothing except your own understanding.
"""

import jax, jax.numpy as jnp
import numpy as np

N = 10000
E = 320000
D_IN = 128
OUT = 64  # out_channels; hidden dims: 4*OUT=256, 2*OUT=128


def sage(x, edge_index, Wl, bl, Wr):
    # PyG SAGEConv (aggr='mean', root_weight=True): out = lin_l(mean_j x_j) + lin_r(x_i)
    src = edge_index[0]
    dst = edge_index[1]
    msgs = jnp.take(x, src, axis=0)
    s = jax.ops.segment_sum(msgs, dst, num_segments=N)
    cnt = jax.ops.segment_sum(jnp.ones((E,), dtype=x.dtype), dst, num_segments=N)
    mean = s / jnp.maximum(cnt, 1.0)[:, None]
    return mean @ Wl.T + bl + x @ Wr.T


def setup_inputs(seed: int = 0) -> dict:
    key = jax.random.key(seed)
    ks = [jax.random.fold_in(key, i) for i in range(16)]
    x = jax.random.normal(ks[0], (N, D_IN), dtype=jnp.float32)
    edge_index = jax.random.randint(ks[1], (2, E), 0, N, dtype=jnp.int32)
    sc = 0.05
    # conv1: SAGEConv(in=128 -> 4*OUT=256)
    W1l = jax.random.normal(ks[2], (4 * OUT, D_IN), dtype=jnp.float32) * sc
    b1 = jnp.zeros((4 * OUT,), dtype=jnp.float32)
    W1r = jax.random.normal(ks[3], (4 * OUT, D_IN), dtype=jnp.float32) * sc
    # conv2: SAGEConv(4*OUT=256 -> 2*OUT=128)
    W2l = jax.random.normal(ks[4], (2 * OUT, 4 * OUT), dtype=jnp.float32) * sc
    b2 = jnp.zeros((2 * OUT,), dtype=jnp.float32)
    W2r = jax.random.normal(ks[5], (2 * OUT, 4 * OUT), dtype=jnp.float32) * sc
    # linear: sized 2*OUT->2*OUT so shapes compose (see notes re: original code bug)
    Wlin = jax.random.normal(ks[6], (2 * OUT, 2 * OUT), dtype=jnp.float32) * sc
    blin = jnp.zeros((2 * OUT,), dtype=jnp.float32)
    # conv4: SAGEConv(2*OUT=128 -> OUT=64)
    W4l = jax.random.normal(ks[7], (OUT, 2 * OUT), dtype=jnp.float32) * sc
    b4 = jnp.zeros((OUT,), dtype=jnp.float32)
    W4r = jax.random.normal(ks[8], (OUT, 2 * OUT), dtype=jnp.float32) * sc
    return {
        "x": x, "edge_index": edge_index,
        "W1l": W1l, "b1": b1, "W1r": W1r,
        "W2l": W2l, "b2": b2, "W2r": W2r,
        "Wlin": Wlin, "blin": blin,
        "W4l": W4l, "b4": b4, "W4r": W4r,
    }


def reference(x, edge_index, W1l, b1, W1r, W2l, b2, W2r, Wlin, blin, W4l, b4, W4r):
    h = jax.nn.relu(sage(x, edge_index, W1l, b1, W1r))
    h = jax.nn.relu(sage(h, edge_index, W2l, b2, W2r))
    # dropout p=0.1 -> identity in eval mode
    h = h @ Wlin.T + blin
    h = sage(h, edge_index, W4l, b4, W4r)
    return h

if __name__ == "__main__":
    import jax
    _d = setup_inputs()
    print(jax.jit(kernel)(*tuple(_d.values())))

</pallas_src>

<mosaic_0001>
#map = affine_map<(d0, d1) -> (0, 0)>
#map1 = affine_map<(d0, d1) -> (0, 0, 0)>
module attributes {stable_mosaic.version = 14 : i64} {
  func.func @body(%arg0: i32, %arg1: i32, %arg2: memref<10000x128xf32, #tpu.memory_space<hbm>>, %arg3: memref<2560x128xi32, #tpu.memory_space<hbm>>, %arg4: memref<2560x128xi32, #tpu.memory_space<hbm>>, %arg5: memref<10112x128xf32, #tpu.memory_space<hbm>>, %arg6: memref<2x10112x128xf32, #tpu.memory_space<hbm>>, %arg7: memref<8x128xi32, #tpu.memory_space<vmem>>, %arg8: memref<8x128xi32, #tpu.memory_space<vmem>>, %arg9: memref<128x128xf32, #tpu.memory_space<vmem>>, %arg10: memref<128x128xf32, #tpu.memory_space<vmem>>, %arg11: memref<10112x128xf32, #tpu.memory_space<vmem_shared>>, %arg12: memref<!tpu.dma_semaphore, #tpu.memory_space<semaphore_mem>>, %arg13: memref<!tpu.dma_semaphore, #tpu.memory_space<semaphore_mem>>) attributes {dimension_semantics = [#tpu.dimension_semantics<core_parallel>, #tpu.dimension_semantics<subcore_parallel>], iteration_bounds = array<i64: 2, 16>, scalar_prefetch = 0 : i64, scratch_operands = 7 : i64, tpu.core_type = #tpu.core_type<sc_vector_subcore>, window_params = [{transform_indices = #map}, {transform_indices = #map}, {transform_indices = #map}, {transform_indices = #map}, {transform_indices = #map1}]} {
    %mul3A = arith.constant 632 : i32
    %mul3A_0 = arith.muli %arg1, %mul3A : i32
    %mul3A_1 = arith.constant 1280 : i32
    %mul3A_2 = arith.muli %arg0, %mul3A_1 : i32
    %mul3A_3 = arith.constant 80 : i32
    %mul3A_4 = arith.muli %arg1, %mul3A_3 : i32
    %add3A = arith.addi %mul3A_2, %mul3A_4 : i32
    "tpu.region"() ({
      %run_scoped3A = tpu.sem_alloc : memref<!tpu.dma_semaphore, #tpu.memory_space<semaphore_mem>>
      %dma_start3A = arith.constant 0 : i32
      %dma_start3A_12 = tpu.memref_slice %arg11[%mul3A_0, %dma_start3A] : memref<10112x128xf32, #tpu.memory_space<vmem_shared>> -> memref<632x128xf32, #tpu.memory_space<vmem_shared>>
      %dma_start3A_13 = arith.constant 0 : i32
      %dma_start3A_14 = tpu.memref_slice %arg5[%mul3A_0, %dma_start3A_13] : memref<10112x128xf32, #tpu.memory_space<hbm>> -> memref<632x128xf32, #tpu.memory_space<hbm>>
      tpu.enqueue_dma source(%dma_start3A_14 : memref<632x128xf32, #tpu.memory_space<hbm>>) target(%dma_start3A_12 : memref<632x128xf32, #tpu.memory_space<vmem_shared>>) target_semaphore(%run_scoped3A : memref<!tpu.dma_semaphore, #tpu.memory_space<semaphore_mem>>)
      %dma_wait3A = arith.constant 0 : i32
      %dma_wait3A_15 = tpu.memref_slice %arg11[%mul3A_0, %dma_wait3A] : memref<10112x128xf32, #tpu.memory_space<vmem_shared>> -> memref<632x128xf32, #tpu.memory_space<vmem_shared>>
      %dma_wait3A_16 = arith.constant 0 : i32
      %dma_wait3A_17 = tpu.memref_slice %arg5[%mul3A_0, %dma_wait3A_16] : memref<10112x128xf32, #tpu.memory_space<hbm>> -> memref<632x128xf32, #tpu.memory_space<hbm>>
      tpu.wait_dma2 semaphore(%run_scoped3A : memref<!tpu.dma_semaphore, #tpu.memory_space<semaphore_mem>>) src(%dma_wait3A_17 : memref<632x128xf32, #tpu.memory_space<hbm>>) dst(%dma_wait3A_15 : memref<632x128xf32, #tpu.memory_space<vmem_shared>>)
      tpu.yield
    }) : () -> ()
    %barrier3A = arith.constant 0 : index
    tpu.barrier barrier_id(%barrier3A)
    %broadcast_in_dim3A = arith.constant 1.000000e+00 : f32
    %broadcast_in_dim3A_5 = vector.broadcast %broadcast_in_dim3A : f32 to vector<16xf32>
    %scan3A = arith.constant 0 : i32
    %scan3A_6 = arith.constant 0 : i32
    %scan3A_7 = arith.constant 10 : i32
    %scan3A_8 = arith.addi %scan3A_6, %scan3A_7 : i32
    %scan3A_9 = arith.constant 1 : i32
    scf.for %scan3A_12 = %scan3A_6 to %scan3A_8 step %scan3A_9  : i32 {
      %mul3A_13 = arith.constant 8 : i32
      %mul3A_14 = arith.muli %scan3A_12, %mul3A_13 : i32
      %add3A_15 = arith.addi %add3A, %mul3A_14 : i32
      %multiple_of3A = tpu.assume_multiple %add3A_15, 8 : i32
      "tpu.region"() ({
        %run_scoped3A_133 = tpu.sem_alloc : memref<!tpu.dma_semaphore, #tpu.memory_space<semaphore_mem>>
        %dma_start3A_134 = arith.constant 0 : i32
        %dma_start3A_135 = tpu.memref_slice %arg3[%multiple_of3A, %dma_start3A_134] : memref<2560x128xi32, #tpu.memory_space<hbm>> -> memref<8x128xi32, #tpu.memory_space<hbm>>
        %dma_start3A_136 = arith.constant 0 : i32
        %dma_start3A_137 = tpu.memref_slice %arg3[%multiple_of3A, %dma_start3A_136] : memref<2560x128xi32, #tpu.memory_space<hbm>> -> memref<8x128xi32, #tpu.memory_space<hbm>>
        tpu.enqueue_dma source(%dma_start3A_137 : memref<8x128xi32, #tpu.memory_space<hbm>>) target(%arg7 : memref<8x128xi32, #tpu.memory_space<vmem>>) target_semaphore(%run_scoped3A_133 : memref<!tpu.dma_semaphore, #tpu.memory_space<semaphore_mem>>)
        %dma_wait3A_138 = arith.constant 0 : i32
        %dma_wait3A_139 = tpu.memref_slice %arg3[%multiple_of3A, %dma_wait3A_138] : memref<2560x128xi32, #tpu.memory_space<hbm>> -> memref<8x128xi32, #tpu.memory_space<hbm>>
        %dma_wait3A_140 = arith.constant 0 : i32
        %dma_wait3A_141 = tpu.memref_slice %arg3[%multiple_of3A, %dma_wait3A_140] : memref<2560x128xi32, #tpu.memory_space<hbm>> -> memref<8x128xi32, #tpu.memory_space<hbm>>
        tpu.wait_dma2 semaphore(%run_scoped3A_133 : memref<!tpu.dma_semaphore, #tpu.memory_space<semaphore_mem>>) src(%dma_wait3A_141 : memref<8x128xi32, #tpu.memory_space<hbm>>) dst(%arg7 : memref<8x128xi32, #tpu.memory_space<vmem>>)
        tpu.yield
      }) : () -> ()
      "tpu.region"() ({
        %run_scoped3A_133 = tpu.sem_alloc : memref<!tpu.dma_semaphore, #tpu.memory_space<semaphore_mem>>
        %dma_start3A_134 = arith.constant 0 : i32
        %dma_start3A_135 = tpu.memref_slice %arg4[%multiple_of3A, %dma_start3A_134] : memref<2560x128xi32, #tpu.memory_space<hbm>> -> memref<8x128xi32, #tpu.memory_space<hbm>>
        %dma_start3A_136 = arith.constant 0 : i32
        %dma_start3A_137 = tpu.memref_slice %arg4[%multiple_of3A, %dma_start3A_136] : memref<2560x128xi32, #tpu.memory_space<hbm>> -> memref<8x128xi32, #tpu.memory_space<hbm>>
        tpu.enqueue_dma source(%dma_start3A_137 : memref<8x128xi32, #tpu.memory_space<hbm>>) target(%arg8 : memref<8x128xi32, #tpu.memory_space<vmem>>) target_semaphore(%run_scoped3A_133 : memref<!tpu.dma_semaphore, #tpu.memory_space<semaphore_mem>>)
        %dma_wait3A_138 = arith.constant 0 : i32
        %dma_wait3A_139 = tpu.memref_slice %arg4[%multiple_of3A, %dma_wait3A_138] : memref<2560x128xi32, #tpu.memory_space<hbm>> -> memref<8x128xi32, #tpu.memory_space<hbm>>
        %dma_wait3A_140 = arith.constant 0 : i32
        %dma_wait3A_141 = tpu.memref_slice %arg4[%multiple_of3A, %dma_wait3A_140] : memref<2560x128xi32, #tpu.memory_space<hbm>> -> memref<8x128xi32, #tpu.memory_space<hbm>>
        tpu.wait_dma2 semaphore(%run_scoped3A_133 : memref<!tpu.dma_semaphore, #tpu.memory_space<semaphore_mem>>) src(%dma_wait3A_141 : memref<8x128xi32, #tpu.memory_space<hbm>>) dst(%arg8 : memref<8x128xi32, #tpu.memory_space<vmem>>)
        tpu.yield
      }) : () -> ()
      %dma_start3A = arith.constant 0 : i32
      %dma_start3A_16 = arith.constant 0 : i32
      %dma_start3A_17 = tpu.memref_slice %arg7[%dma_start3A, %dma_start3A_16] : memref<8x128xi32, #tpu.memory_space<vmem>> -> memref<1x128xi32, #tpu.memory_space<vmem>>
      %dma_start3A_18 = tpu.memref_squeeze %dma_start3A_17 : memref<1x128xi32, #tpu.memory_space<vmem>> -> memref<128xi32, #tpu.memory_space<vmem>>
      %dma_start3A_19 = arith.constant 0 : i32
      %dma_start3A_20 = arith.constant 0 : i32
      %dma_start3A_21 = tpu.memref_slice %arg2[%dma_start3A_19, %dma_start3A_20] : memref<10000x128xf32, #tpu.memory_space<hbm>> -> memref<10000x128xf32, #tpu.memory_space<hbm>>
      tpu.enqueue_indirect_dma source(%dma_start3A_21 : memref<10000x128xf32, #tpu.memory_space<hbm>>) target(%arg9 : memref<128x128xf32, #tpu.memory_space<vmem>>) offsets(%dma_start3A_18 : memref<128xi32, #tpu.memory_space<vmem>>) semaphore(%arg12 : memref<!tpu.dma_semaphore, #tpu.memory_space<semaphore_mem>>)
      %dma_start3A_22 = arith.constant 1 : i32
      %dma_start3A_23 = arith.constant 0 : i32
      %dma_start3A_24 = tpu.memref_slice %arg7[%dma_start3A_22, %dma_start3A_23] : memref<8x128xi32, #tpu.memory_space<vmem>> -> memref<1x128xi32, #tpu.memory_space<vmem>>
      %dma_start3A_25 = tpu.memref_squeeze %dma_start3A_24 : memref<1x128xi32, #tpu.memory_space<vmem>> -> memref<128xi32, #tpu.memory_space<vmem>>
      %dma_start3A_26 = arith.constant 0 : i32
      %dma_start3A_27 = arith.constant 0 : i32
      %dma_start3A_28 = tpu.memref_slice %arg2[%dma_start3A_26, %dma_start3A_27] : memref<10000x128xf32, #tpu.memory_space<hbm>> -> memref<10000x128xf32, #tpu.memory_space<hbm>>
      tpu.enqueue_indirect_dma source(%dma_start3A_28 : memref<10000x128xf32, #tpu.memory_space<hbm>>) target(%arg10 : memref<128x128xf32, #tpu.memory_space<vmem>>) offsets(%dma_start3A_25 : memref<128xi32, #tpu.memory_space<vmem>>) semaphore(%arg13 : memref<!tpu.dma_semaphore, #tpu.memory_space<semaphore_mem>>)
      %dma_wait3A = arith.constant 0 : i32
      %dma_wait3A_29 = arith.constant 0 : i32
      %dma_wait3A_30 = tpu.memref_slice %arg7[%dma_wait3A, %dma_wait3A_29] : memref<8x128xi32, #tpu.memory_space<vmem>> -> memref<1x128xi32, #tpu.memory_space<vmem>>
      %dma_wait3A_31 = tpu.memref_squeeze %dma_wait3A_30 : memref<1x128xi32, #tpu.memory_space<vmem>> -> memref<128xi32, #tpu.memory_space<vmem>>
      %dma_wait3A_32 = arith.constant 0 : i32
      %dma_wait3A_33 = arith.constant 0 : i32
      %dma_wait3A_34 = tpu.memref_slice %arg2[%dma_wait3A_32, %dma_wait3A_33] : memref<10000x128xf32, #tpu.memory_space<hbm>> -> memref<10000x128xf32, #tpu.memory_space<hbm>>
      tpu.wait_indirect_dma semaphore(%arg12 : memref<!tpu.dma_semaphore, #tpu.memory_space<semaphore_mem>>) src(%dma_wait3A_34 : memref<10000x128xf32, #tpu.memory_space<hbm>>) dst(%arg9 : memref<128x128xf32, #tpu.memory_space<vmem>>)
      %run_scoped3A = arith.constant 0 : i32
      "tpu.region"() ({
        %run_scoped3A_133 = tpu.sem_alloc : memref<!tpu.dma_semaphore, #tpu.memory_space<semaphore_mem>>
        %dma_start3A_134 = arith.constant 0 : i32
        %dma_start3A_135 = tpu.memref_slice %arg8[%run_scoped3A, %dma_start3A_134] : memref<8x128xi32, #tpu.memory_space<vmem>> -> memref<1x128xi32, #tpu.memory_space<vmem>>
        %dma_start3A_136 = tpu.memref_squeeze %dma_start3A_135 : memref<1x128xi32, #tpu.memory_space<vmem>> -> memref<128xi32, #tpu.memory_space<vmem>>
        %dma_start3A_137 = arith.constant 0 : i32
        %dma_start3A_138 = arith.constant 0 : i32
        %dma_start3A_139 = tpu.memref_slice %arg11[%dma_start3A_137, %dma_start3A_138] : memref<10112x128xf32, #tpu.memory_space<vmem_shared>> -> memref<10112x128xf32, #tpu.memory_space<vmem_shared>>
        tpu.enqueue_indirect_dma source(%arg9 : memref<128x128xf32, #tpu.memory_space<vmem>>) target(%dma_start3A_139 : memref<10112x128xf32, #tpu.memory_space<vmem_shared>>) offsets(%dma_start3A_136 : memref<128xi32, #tpu.memory_space<vmem>>) semaphore(%run_scoped3A_133 : memref<!tpu.dma_semaphore, #tpu.memory_space<semaphore_mem>>) {add = true}
        %dma_wait3A_140 = arith.constant 0 : i32
        %dma_wait3A_141 = tpu.memref_slice %arg8[%run_scoped3A, %dma_wait3A_140] : memref<8x128xi32, #tpu.memory_space<vmem>> -> memref<1x128xi32, #tpu.memory_space<vmem>>
        %dma_wait3A_142 = tpu.memref_squeeze %dma_wait3A_141 : memref<1x128xi32, #tpu.memory_space<vmem>> -> memref<128xi32, #tpu.memory_space<vmem>>
        %dma_wait3A_143 = arith.constant 0 : i32
        %dma_wait3A_144 = arith.constant 0 : i32
        %dma_wait3A_145 = tpu.memref_slice %arg11[%dma_wait3A_143, %dma_wait3A_144] : memref<10112x128xf32, #tpu.memory_space<vmem_shared>> -> memref<10112x128xf32, #tpu.memory_space<vmem_shared>>
        tpu.wait_indirect_dma semaphore(%run_scoped3A_133 : memref<!tpu.dma_semaphore, #tpu.memory_space<semaphore_mem>>) src(%arg9 : memref<128x128xf32, #tpu.memory_space<vmem>>) dst(%dma_wait3A_145 : memref<10112x128xf32, #tpu.memory_space<vmem_shared>>)
        tpu.yield
      }) : () -> ()
      %dma_start3A_35 = arith.constant 2 : i32
      %dma_start3A_36 = arith.constant 0 : i32
      %dma_start3A_37 = tpu.memref_slice %arg7[%dma_start3A_35, %dma_start3A_36] : memref<8x128xi32, #tpu.memory_space<vmem>> -> memref<1x128xi32, #tpu.memory_space<vmem>>
      %dma_start3A_38 = tpu.memref_squeeze %dma_start3A_37 : memref<1x128xi32, #tpu.memory_space<vmem>> -> memref<128xi32, #tpu.memory_space<vmem>>
      %dma_start3A_39 = arith.constant 0 : i32
      %dma_start3A_40 = arith.constant 0 : i32
      %dma_start3A_41 = tpu.memref_slice %arg2[%dma_start3A_39, %dma_start3A_40] : memref<10000x128xf32, #tpu.memory_space<hbm>> -> memref<10000x128xf32, #tpu.memory_space<hbm>>
      tpu.enqueue_indirect_dma source(%dma_start3A_41 : memref<10000x128xf32, #tpu.memory_space<hbm>>) target(%arg9 : memref<128x128xf32, #tpu.memory_space<vmem>>) offsets(%dma_start3A_38 : memref<128xi32, #tpu.memory_space<vmem>>) semaphore(%arg12 : memref<!tpu.dma_semaphore, #tpu.memory_space<semaphore_mem>>)
      %dma_wait3A_42 = arith.constant 1 : i32
      %dma_wait3A_43 = arith.constant 0 : i32
      %dma_wait3A_44 = tpu.memref_slice %arg7[%dma_wait3A_42, %dma_wait3A_43] : memref<8x128xi32, #tpu.memory_space<vmem>> -> memref<1x128xi32, #tpu.memory_space<vmem>>
      %dma_wait3A_45 = tpu.memref_squeeze %dma_wait3A_44 : memref<1x128xi32, #tpu.memory_space<vmem>> -> memref<128xi32, #tpu.memory_space<vmem>>
      %dma_wait3A_46 = arith.constant 0 : i32
      %dma_wait3A_47 = arith.constant 0 : i32
      %dma_wait3A_48 = tpu.memref_slice %arg2[%dma_wait3A_46, %dma_wait3A_47] : memref<10000x128xf32, #tpu.memory_space<hbm>> -> memref<10000x128xf32, #tpu.memory_space<hbm>>
      tpu.wait_indirect_dma semaphore(%arg13 : memref<!tpu.dma_semaphore, #tpu.memory_space<semaphore_mem>>) src(%dma_wait3A_48 : memref<10000x128xf32, #tpu.memory_space<hbm>>) dst(%arg10 : memref<128x128xf32, #tpu.memory_space<vmem>>)
      %run_scoped3A_49 = arith.constant 1 : i32
      "tpu.region"() ({
        %run_scoped3A_133 = tpu.sem_alloc : memref<!tpu.dma_semaphore, #tpu.memory_space<semaphore_mem>>
        %dma_start3A_134 = arith.constant 0 : i32
        %dma_start3A_135 = tpu.memref_slice %arg8[%run_scoped3A_49, %dma_start3A_134] : memref<8x128xi32, #tpu.memory_space<vmem>> -> memref<1x128xi32, #tpu.memory_space<vmem>>
        %dma_start3A_136 = tpu.memref_squeeze %dma_start3A_135 : memref<1x128xi32, #tpu.memory_space<vmem>> -> memref<128xi32, #tpu.memory_space<vmem>>
        %dma_start3A_137 = arith.constant 0 : i32
        %dma_start3A_138 = arith.constant 0 : i32
        %dma_start3A_139 = tpu.memref_slice %arg11[%dma_start3A_137, %dma_start3A_138] : memref<10112x128xf32, #tpu.memory_space<vmem_shared>> -> memref<10112x128xf32, #tpu.memory_space<vmem_shared>>
        tpu.enqueue_indirect_dma source(%arg10 : memref<128x128xf32, #tpu.memory_space<vmem>>) target(%dma_start3A_139 : memref<10112x128xf32, #tpu.memory_space<vmem_shared>>) offsets(%dma_start3A_136 : memref<128xi32, #tpu.memory_space<vmem>>) semaphore(%run_scoped3A_133 : memref<!tpu.dma_semaphore, #tpu.memory_space<semaphore_mem>>) {add = true}
        %dma_wait3A_140 = arith.constant 0 : i32
        %dma_wait3A_141 = tpu.memref_slice %arg8[%run_scoped3A_49, %dma_wait3A_140] : memref<8x128xi32, #tpu.memory_space<vmem>> -> memref<1x128xi32, #tpu.memory_space<vmem>>
        %dma_wait3A_142 = tpu.memref_squeeze %dma_wait3A_141 : memref<1x128xi32, #tpu.memory_space<vmem>> -> memref<128xi32, #tpu.memory_space<vmem>>
        %dma_wait3A_143 = arith.constant 0 : i32
        %dma_wait3A_144 = arith.constant 0 : i32
        %dma_wait3A_145 = tpu.memref_slice %arg11[%dma_wait3A_143, %dma_wait3A_144] : memref<10112x128xf32, #tpu.memory_space<vmem_shared>> -> memref<10112x128xf32, #tpu.memory_space<vmem_shared>>
        tpu.wait_indirect_dma semaphore(%run_scoped3A_133 : memref<!tpu.dma_semaphore, #tpu.memory_space<semaphore_mem>>) src(%arg10 : memref<128x128xf32, #tpu.memory_space<vmem>>) dst(%dma_wait3A_145 : memref<10112x128xf32, #tpu.memory_space<vmem_shared>>)
        tpu.yield
      }) : () -> ()
      %dma_start3A_50 = arith.constant 3 : i32
      %dma_start3A_51 = arith.constant 0 : i32
      %dma_start3A_52 = tpu.memref_slice %arg7[%dma_start3A_50, %dma_start3A_51] : memref<8x128xi32, #tpu.memory_space<vmem>> -> memref<1x128xi32, #tpu.memory_space<vmem>>
      %dma_start3A_53 = tpu.memref_squeeze %dma_start3A_52 : memref<1x128xi32, #tpu.memory_space<vmem>> -> memref<128xi32, #tpu.memory_space<vmem>>
      %dma_start3A_54 = arith.constant 0 : i32
      %dma_start3A_55 = arith.constant 0 : i32
      %dma_start3A_56 = tpu.memref_slice %arg2[%dma_start3A_54, %dma_start3A_55] : memref<10000x128xf32, #tpu.memory_space<hbm>> -> memref<10000x128xf32, #tpu.memory_space<hbm>>
      tpu.enqueue_indirect_dma source(%dma_start3A_56 : memref<10000x128xf32, #tpu.memory_space<hbm>>) target(%arg10 : memref<128x128xf32, #tpu.memory_space<vmem>>) offsets(%dma_start3A_53 : memref<128xi32, #tpu.memory_space<vmem>>) semaphore(%arg13 : memref<!tpu.dma_semaphore, #tpu.memory_space<semaphore_mem>>)
      %dma_wait3A_57 = arith.constant 2 : i32
      %dma_wait3A_58 = arith.constant 0 : i32
      %dma_wait3A_59 = tpu.memref_slice %arg7[%dma_wait3A_57, %dma_wait3A_58] : memref<8x128xi32, #tpu.memory_space<vmem>> -> memref<1x128xi32, #tpu.memory_space<vmem>>
      %dma_wait3A_60 = tpu.memref_squeeze %dma_wait3A_59 : memref<1x128xi32, #tpu.memory_space<vmem>> -> memref<128xi32, #tpu.memory_space<vmem>>
      %dma_wait3A_61 = arith.constant 0 : i32
      %dma_wait3A_62 = arith.constant 0 : i32
      %dma_wait3A_63 = tpu.memref_slice %arg2[%dma_wait3A_61, %dma_wait3A_62] : memref<10000x128xf32, #tpu.memory_space<hbm>> -> memref<10000x128xf32, #tpu.memory_space<hbm>>
      tpu.wait_indirect_dma semaphore(%arg12 : memref<!tpu.dma_semaphore, #tpu.memory_space<semaphore_mem>>) src(%dma_wait3A_63 : memref<10000x128xf32, #tpu.memory_space<hbm>>) dst(%arg9 : memref<128x128xf32, #tpu.memory_space<vmem>>)
      %run_scoped3A_64 = arith.constant 2 : i32
      "tpu.region"() ({
        %run_scoped3A_133 = tpu.sem_alloc : memref<!tpu.dma_semaphore, #tpu.memory_space<semaphore_mem>>
        %dma_start3A_134 = arith.constant 0 : i32
        %dma_start3A_135 = tpu.memref_slice %arg8[%run_scoped3A_64, %dma_start3A_134] : memref<8x128xi32, #tpu.memory_space<vmem>> -> memref<1x128xi32, #tpu.memory_space<vmem>>
        %dma_start3A_136 = tpu.memref_squeeze %dma_start3A_135 : memref<1x128xi32, #tpu.memory_space<vmem>> -> memref<128xi32, #tpu.memory_space<vmem>>
        %dma_start3A_137 = arith.constant 0 : i32
        %dma_start3A_138 = arith.constant 0 : i32
        %dma_start3A_139 = tpu.memref_slice %arg11[%dma_start3A_137, %dma_start3A_138] : memref<10112x128xf32, #tpu.memory_space<vmem_shared>> -> memref<10112x128xf32, #tpu.memory_space<vmem_shared>>
        tpu.enqueue_indirect_dma source(%arg9 : memref<128x128xf32, #tpu.memory_space<vmem>>) target(%dma_start3A_139 : memref<10112x128xf32, #tpu.memory_space<vmem_shared>>) offsets(%dma_start3A_136 : memref<128xi32, #tpu.memory_space<vmem>>) semaphore(%run_scoped3A_133 : memref<!tpu.dma_semaphore, #tpu.memory_space<semaphore_mem>>) {add = true}
        %dma_wait3A_140 = arith.constant 0 : i32
        %dma_wait3A_141 = tpu.memref_slice %arg8[%run_scoped3A_64, %dma_wait3A_140] : memref<8x128xi32, #tpu.memory_space<vmem>> -> memref<1x128xi32, #tpu.memory_space<vmem>>
        %dma_wait3A_142 = tpu.memref_squeeze %dma_wait3A_141 : memref<1x128xi32, #tpu.memory_space<vmem>> -> memref<128xi32, #tpu.memory_space<vmem>>
        %dma_wait3A_143 = arith.constant 0 : i32
        %dma_wait3A_144 = arith.constant 0 : i32
        %dma_wait3A_145 = tpu.memref_slice %arg11[%dma_wait3A_143, %dma_wait3A_144] : memref<10112x128xf32, #tpu.memory_space<vmem_shared>> -> memref<10112x128xf32, #tpu.memory_space<vmem_shared>>
        tpu.wait_indirect_dma semaphore(%run_scoped3A_133 : memref<!tpu.dma_semaphore, #tpu.memory_space<semaphore_mem>>) src(%arg9 : memref<128x128xf32, #tpu.memory_space<vmem>>) dst(%dma_wait3A_145 : memref<10112x128xf32, #tpu.memory_space<vmem_shared>>)
        tpu.yield
      }) : () -> ()
      %dma_start3A_65 = arith.constant 4 : i32
      %dma_start3A_66 = arith.constant 0 : i32
      %dma_start3A_67 = tpu.memref_slice %arg7[%dma_start3A_65, %dma_start3A_66] : memref<8x128xi32, #tpu.memory_space<vmem>> -> memref<1x128xi32, #tpu.memory_space<vmem>>
      %dma_start3A_68 = tpu.memref_squeeze %dma_start3A_67 : memref<1x128xi32, #tpu.memory_space<vmem>> -> memref<128xi32, #tpu.memory_space<vmem>>
      %dma_start3A_69 = arith.constant 0 : i32
      %dma_start3A_70 = arith.constant 0 : i32
      %dma_start3A_71 = tpu.memref_slice %arg2[%dma_start3A_69, %dma_start3A_70] : memref<10000x128xf32, #tpu.memory_space<hbm>> -> memref<10000x128xf32, #tpu.memory_space<hbm>>
      tpu.enqueue_indirect_dma source(%dma_start3A_71 : memref<10000x128xf32, #tpu.memory_space<hbm>>) target(%arg9 : memref<128x128xf32, #tpu.memory_space<vmem>>) offsets(%dma_start3A_68 : memref<128xi32, #tpu.memory_space<vmem>>) semaphore(%arg12 : memref<!tpu.dma_semaphore, #tpu.memory_space<semaphore_mem>>)
      %dma_wait3A_72 = arith.constant 3 : i32
      %dma_wait3A_73 = arith.constant 0 : i32
      %dma_wait3A_74 = tpu.memref_slice %arg7[%dma_wait3A_72, %dma_wait3A_73] : memref<8x128xi32, #tpu.memory_space<vmem>> -> memref<1x128xi32, #tpu.memory_space<vmem>>
      %dma_wait3A_75 = tpu.memref_squeeze %dma_wait3A_74 : memref<1x128xi32, #tpu.memory_space<vmem>> -> memref<128xi32, #tpu.memory_space<vmem>>
      %dma_wait3A_76 = arith.constant 0 : i32
      %dma_wait3A_77 = arith.constant 0 : i32
      %dma_wait3A_78 = tpu.memref_slice %arg2[%dma_wait3A_76, %dma_wait3A_77] : memref<10000x128xf32, #tpu.memory_space<hbm>> -> memref<10000x128xf32, #tpu.memory_space<hbm>>
      tpu.wait_indirect_dma semaphore(%arg13 : memref<!tpu.dma_semaphore, #tpu.memory_space<semaphore_mem>>) src(%dma_wait3A_78 : memref<10000x128xf32, #tpu.memory_space<hbm>>) dst(%arg10 : memref<128x128xf32, #tpu.memory_space<vmem>>)
      %run_scoped3A_79 = arith.constant 3 : i32
      "tpu.region"() ({
        %run_scoped3A_133 = tpu.sem_alloc : memref<!tpu.dma_semaphore, #tpu.memory_space<semaphore_mem>>
        %dma_start3A_134 = arith.constant 0 : i32
        %dma_start3A_135 = tpu.memref_slice %arg8[%run_scoped3A_79, %dma_start3A_134] : memref<8x128xi32, #tpu.memory_space<vmem>> -> memref<1x128xi32, #tpu.memory_space<vmem>>
        %dma_start3A_136 = tpu.memref_squeeze %dma_start3A_135 : memref<1x128xi32, #tpu.memory_space<vmem>> -> memref<128xi32, #tpu.memory_space<vmem>>
        %dma_start3A_137 = arith.constant 0 : i32
        %dma_start3A_138 = arith.constant 0 : i32
        %dma_start3A_139 = tpu.memref_slice %arg11[%dma_start3A_137, %dma_start3A_138] : memref<10112x128xf32, #tpu.memory_space<vmem_shared>> -> memref<10112x128xf32, #tpu.memory_space<vmem_shared>>
        tpu.enqueue_indirect_dma source(%arg10 : memref<128x128xf32, #tpu.memory_space<vmem>>) target(%dma_start3A_139 : memref<10112x128xf32, #tpu.memory_space<vmem_shared>>) offsets(%dma_start3A_136 : memref<128xi32, #tpu.memory_space<vmem>>) semaphore(%run_scoped3A_133 : memref<!tpu.dma_semaphore, #tpu.memory_space<semaphore_mem>>) {add = true}
        %dma_wait3A_140 = arith.constant 0 : i32
        %dma_wait3A_141 = tpu.memref_slice %arg8[%run_scoped3A_79, %dma_wait3A_140] : memref<8x128xi32, #tpu.memory_space<vmem>> -> memref<1x128xi32, #tpu.memory_space<vmem>>
        %dma_wait3A_142 = tpu.memref_squeeze %dma_wait3A_141 : memref<1x128xi32, #tpu.memory_space<vmem>> -> memref<128xi32, #tpu.memory_space<vmem>>
        %dma_wait3A_143 = arith.constant 0 : i32
        %dma_wait3A_144 = arith.constant 0 : i32
        %dma_wait3A_145 = tpu.memref_slice %arg11[%dma_wait3A_143, %dma_wait3A_144] : memref<10112x128xf32, #tpu.memory_space<vmem_shared>> -> memref<10112x128xf32, #tpu.memory_space<vmem_shared>>
        tpu.wait_indirect_dma semaphore(%run_scoped3A_133 : memref<!tpu.dma_semaphore, #tpu.memory_space<semaphore_mem>>) src(%arg10 : memref<128x128xf32, #tpu.memory_space<vmem>>) dst(%dma_wait3A_145 : memref<10112x128xf32, #tpu.memory_space<vmem_shared>>)
        tpu.yield
      }) : () -> ()
      %dma_start3A_80 = arith.constant 5 : i32
      %dma_start3A_81 = arith.constant 0 : i32
      %dma_start3A_82 = tpu.memref_slice %arg7[%dma_start3A_80, %dma_start3A_81] : memref<8x128xi32, #tpu.memory_space<vmem>> -> memref<1x128xi32, #tpu.memory_space<vmem>>
      %dma_start3A_83 = tpu.memref_squeeze %dma_start3A_82 : memref<1x128xi32, #tpu.memory_space<vmem>> -> memref<128xi32, #tpu.memory_space<vmem>>
      %dma_start3A_84 = arith.constant 0 : i32
      %dma_start3A_85 = arith.constant 0 : i32
      %dma_start3A_86 = tpu.memref_slice %arg2[%dma_start3A_84, %dma_start3A_85] : memref<10000x128xf32, #tpu.memory_space<hbm>> -> memref<10000x128xf32, #tpu.memory_space<hbm>>
      tpu.enqueue_indirect_dma source(%dma_start3A_86 : memref<10000x128xf32, #tpu.memory_space<hbm>>) target(%arg10 : memref<128x128xf32, #tpu.memory_space<vmem>>) offsets(%dma_start3A_83 : memref<128xi32, #tpu.memory_space<vmem>>) semaphore(%arg13 : memref<!tpu.dma_semaphore, #tpu.memory_space<semaphore_mem>>)
      %dma_wait3A_87 = arith.constant 4 : i32
      %dma_wait3A_88 = arith.constant 0 : i32
      %dma_wait3A_89 = tpu.memref_slice %arg7[%dma_wait3A_87, %dma_wait3A_88] : memref<8x128xi32, #tpu.memory_space<vmem>> -> memref<1x128xi32, #tpu.memory_space<vmem>>
      %dma_wait3A_90 = tpu.memref_squeeze %dma_wait3A_89 : memref<1x128xi32, #tpu.memory_space<vmem>> -> memref<128xi32, #tpu.memory_space<vmem>>
      %dma_wait3A_91 = arith.constant 0 : i32
      %dma_wait3A_92 = arith.constant 0 : i32
      %dma_wait3A_93 = tpu.memref_slice %arg2[%dma_wait3A_91, %dma_wait3A_92] : memref<10000x128xf32, #tpu.memory_space<hbm>> -> memref<10000x128xf32, #tpu.memory_space<hbm>>
      tpu.wait_indirect_dma semaphore(%arg12 : memref<!tpu.dma_semaphore, #tpu.memory_space<semaphore_mem>>) src(%dma_wait3A_93 : memref<10000x128xf32, #tpu.memory_space<hbm>>) dst(%arg9 : memref<128x128xf32, #tpu.memory_space<vmem>>)
      %run_scoped3A_94 = arith.constant 4 : i32
      "tpu.region"() ({
        %run_scoped3A_133 = tpu.sem_alloc : memref<!tpu.dma_semaphore, #tpu.memory_space<semaphore_mem>>
        %dma_start3A_134 = arith.constant 0 : i32
        %dma_start3A_135 = tpu.memref_slice %arg8[%run_scoped3A_94, %dma_start3A_134] : memref<8x128xi32, #tpu.memory_space<vmem>> -> memref<1x128xi32, #tpu.memory_space<vmem>>
        %dma_start3A_136 = tpu.memref_squeeze %dma_start3A_135 : memref<1x128xi32, #tpu.memory_space<vmem>> -> memref<128xi32, #tpu.memory_space<vmem>>
        %dma_start3A_137 = arith.constant 0 : i32
        %dma_start3A_138 = arith.constant 0 : i32
        %dma_start3A_139 = tpu.memref_slice %arg11[%dma_start3A_137, %dma_start3A_138] : memref<10112x128xf32, #tpu.memory_space<vmem_shared>> -> memref<10112x128xf32, #tpu.memory_space<vmem_shared>>
        tpu.enqueue_indirect_dma source(%arg9 : memref<128x128xf32, #tpu.memory_space<vmem>>) target(%dma_start3A_139 : memref<10112x128xf32, #tpu.memory_space<vmem_shared>>) offsets(%dma_start3A_136 : memref<128xi32, #tpu.memory_space<vmem>>) semaphore(%run_scoped3A_133 : memref<!tpu.dma_semaphore, #tpu.memory_space<semaphore_mem>>) {add = true}
        %dma_wait3A_140 = arith.constant 0 : i32
        %dma_wait3A_141 = tpu.memref_slice %arg8[%run_scoped3A_94, %dma_wait3A_140] : memref<8x128xi32, #tpu.memory_space<vmem>> -> memref<1x128xi32, #tpu.memory_space<vmem>>
        %dma_wait3A_142 = tpu.memref_squeeze %dma_wait3A_141 : memref<1x128xi32, #tpu.memory_space<vmem>> -> memref<128xi32, #tpu.memory_space<vmem>>
        %dma_wait3A_143 = arith.constant 0 : i32
        %dma_wait3A_144 = arith.constant 0 : i32
        %dma_wait3A_145 = tpu.memref_slice %arg11[%dma_wait3A_143, %dma_wait3A_144] : memref<10112x128xf32, #tpu.memory_space<vmem_shared>> -> memref<10112x128xf32, #tpu.memory_space<vmem_shared>>
        tpu.wait_indirect_dma semaphore(%run_scoped3A_133 : memref<!tpu.dma_semaphore, #tpu.memory_space<semaphore_mem>>) src(%arg9 : memref<128x128xf32, #tpu.memory_space<vmem>>) dst(%dma_wait3A_145 : memref<10112x128xf32, #tpu.memory_space<vmem_shared>>)
        tpu.yield
      }) : () -> ()
      %dma_start3A_95 = arith.constant 6 : i32
      %dma_start3A_96 = arith.constant 0 : i32
      %dma_start3A_97 = tpu.memref_slice %arg7[%dma_start3A_95, %dma_start3A_96] : memref<8x128xi32, #tpu.memory_space<vmem>> -> memref<1x128xi32, #tpu.memory_space<vmem>>
      %dma_start3A_98 = tpu.memref_squeeze %dma_start3A_97 : memref<1x128xi32, #tpu.memory_space<vmem>> -> memref<128xi32, #tpu.memory_space<vmem>>
      %dma_start3A_99 = arith.constant 0 : i32
      %dma_start3A_100 = arith.constant 0 : i32
      %dma_start3A_101 = tpu.memref_slice %arg2[%dma_start3A_99, %dma_start3A_100] : memref<10000x128xf32, #tpu.memory_space<hbm>> -> memref<10000x128xf32, #tpu.memory_space<hbm>>
      tpu.enqueue_indirect_dma source(%dma_start3A_101 : memref<10000x128xf32, #tpu.memory_space<hbm>>) target(%arg9 : memref<128x128xf32, #tpu.memory_space<vmem>>) offsets(%dma_start3A_98 : memref<128xi32, #tpu.memory_space<vmem>>) semaphore(%arg12 : memref<!tpu.dma_semaphore, #tpu.memory_space<semaphore_mem>>)
      %dma_wait3A_102 = arith.constant 5 : i32
      %dma_wait3A_103 = arith.constant 0 : i32
      %dma_wait3A_104 = tpu.memref_slice %arg7[%dma_wait3A_102, %dma_wait3A_103] : memref<8x128xi32, #tpu.memory_space<vmem>> -> memref<1x128xi32, #tpu.memory_space<vmem>>
      %dma_wait3A_105 = tpu.memref_squeeze %dma_wait3A_104 : memref<1x128xi32, #tpu.memory_space<vmem>> -> memref<128xi32, #tpu.memory_space<vmem>>
      %dma_wait3A_106 = arith.constant 0 : i32
      %dma_wait3A_107 = arith.constant 0 : i32
      %dma_wait3A_108 = tpu.memref_slice %arg2[%dma_wait3A_106, %dma_wait3A_107] : memref<10000x128xf32, #tpu.memory_space<hbm>> -> memref<10000x128xf32, #tpu.memory_space<hbm>>
      tpu.wait_indirect_dma semaphore(%arg13 : memref<!tpu.dma_semaphore, #tpu.memory_space<semaphore_mem>>) src(%dma_wait3A_108 : memref<10000x128xf32, #tpu.memory_space<hbm>>) dst(%arg10 : memref<128x128xf32, #tpu.memory_space<vmem>>)
      %run_scoped3A_109 = arith.constant 5 : i32
      "tpu.region"() ({
        %run_scoped3A_133 = tpu.sem_alloc : memref<!tpu.dma_semaphore, #tpu.memory_space<semaphore_mem>>
        %dma_start3A_134 = arith.constant 0 : i32
        %dma_start3A_135 = tpu.memref_slice %arg8[%run_scoped3A_109, %dma_start3A_134] : memref<8x128xi32, #tpu.memory_space<vmem>> -> memref<1x128xi32, #tpu.memory_space<vmem>>
        %dma_start3A_136 = tpu.memref_squeeze %dma_start3A_135 : memref<1x128xi32, #tpu.memory_space<vmem>> -> memref<128xi32, #tpu.memory_space<vmem>>
        %dma_start3A_137 = arith.constant 0 : i32
        %dma_start3A_138 = arith.constant 0 : i32
        %dma_start3A_139 = tpu.memref_slice %arg11[%dma_start3A_137, %dma_start3A_138] : memref<10112x128xf32, #tpu.memory_space<vmem_shared>> -> memref<10112x128xf32, #tpu.memory_space<vmem_shared>>
        tpu.enqueue_indirect_dma source(%arg10 : memref<128x128xf32, #tpu.memory_space<vmem>>) target(%dma_start3A_139 : memref<10112x128xf32, #tpu.memory_space<vmem_shared>>) offsets(%dma_start3A_136 : memref<128xi32, #tpu.memory_space<vmem>>) semaphore(%run_scoped3A_133 : memref<!tpu.dma_semaphore, #tpu.memory_space<semaphore_mem>>) {add = true}
        %dma_wait3A_140 = arith.constant 0 : i32
        %dma_wait3A_141 = tpu.memref_slice %arg8[%run_scoped3A_109, %dma_wait3A_140] : memref<8x128xi32, #tpu.memory_space<vmem>> -> memref<1x128xi32, #tpu.memory_space<vmem>>
        %dma_wait3A_142 = tpu.memref_squeeze %dma_wait3A_141 : memref<1x128xi32, #tpu.memory_space<vmem>> -> memref<128xi32, #tpu.memory_space<vmem>>
        %dma_wait3A_143 = arith.constant 0 : i32
        %dma_wait3A_144 = arith.constant 0 : i32
        %dma_wait3A_145 = tpu.memref_slice %arg11[%dma_wait3A_143, %dma_wait3A_144] : memref<10112x128xf32, #tpu.memory_space<vmem_shared>> -> memref<10112x128xf32, #tpu.memory_space<vmem_shared>>
        tpu.wait_indirect_dma semaphore(%run_scoped3A_133 : memref<!tpu.dma_semaphore, #tpu.memory_space<semaphore_mem>>) src(%arg10 : memref<128x128xf32, #tpu.memory_space<vmem>>) dst(%dma_wait3A_145 : memref<10112x128xf32, #tpu.memory_space<vmem_shared>>)
        tpu.yield
      }) : () -> ()
      %dma_start3A_110 = arith.constant 7 : i32
      %dma_start3A_111 = arith.constant 0 : i32
      %dma_start3A_112 = tpu.memref_slice %arg7[%dma_start3A_110, %dma_start3A_111] : memref<8x128xi32, #tpu.memory_space<vmem>> -> memref<1x128xi32, #tpu.memory_space<vmem>>
      %dma_start3A_113 = tpu.memref_squeeze %dma_start3A_112 : memref<1x128xi32, #tpu.memory_space<vmem>> -> memref<128xi32, #tpu.memory_space<vmem>>
      %dma_start3A_114 = arith.constant 0 : i32
      %dma_start3A_115 = arith.constant 0 : i32
      %dma_start3A_116 = tpu.memref_slice %arg2[%dma_start3A_114, %dma_start3A_115] : memref<10000x128xf32, #tpu.memory_space<hbm>> -> memref<10000x128xf32, #tpu.memory_space<hbm>>
      tpu.enqueue_indirect_dma source(%dma_start3A_116 : memref<10000x128xf32, #tpu.memory_space<hbm>>) target(%arg10 : memref<128x128xf32, #tpu.memory_space<vmem>>) offsets(%dma_start3A_113 : memref<128xi32, #tpu.memory_space<vmem>>) semaphore(%arg13 : memref<!tpu.dma_semaphore, #tpu.memory_space<semaphore_mem>>)
      %dma_wait3A_117 = arith.constant 6 : i32
      %dma_wait3A_118 = arith.constant 0 : i32
      %dma_wait3A_119 = tpu.memref_slice %arg7[%dma_wait3A_117, %dma_wait3A_118] : memref<8x128xi32, #tpu.memory_space<vmem>> -> memref<1x128xi32, #tpu.memory_space<vmem>>
      %dma_wait3A_120 = tpu.memref_squeeze %dma_wait3A_119 : memref<1x128xi32, #tpu.memory_space<vmem>> -> memref<128xi32, #tpu.memory_space<vmem>>
      %dma_wait3A_121 = arith.constant 0 : i32
      %dma_wait3A_122 = arith.constant 0 : i32
      %dma_wait3A_123 = tpu.memref_slice %arg2[%dma_wait3A_121, %dma_wait3A_122] : memref<10000x128xf32, #tpu.memory_space<hbm>> -> memref<10000x128xf32, #tpu.memory_space<hbm>>
      tpu.wait_indirect_dma semaphore(%arg12 : memref<!tpu.dma_semaphore, #tpu.memory_space<semaphore_mem>>) src(%dma_wait3A_123 : memref<10000x128xf32, #tpu.memory_space<hbm>>) dst(%arg9 : memref<128x128xf32, #tpu.memory_space<vmem>>)
      %run_scoped3A_124 = arith.constant 6 : i32
      "tpu.region"() ({
        %run_scoped3A_133 = tpu.sem_alloc : memref<!tpu.dma_semaphore, #tpu.memory_space<semaphore_mem>>
        %dma_start3A_134 = arith.constant 0 : i32
        %dma_start3A_135 = tpu.memref_slice %arg8[%run_scoped3A_124, %dma_start3A_134] : memref<8x128xi32, #tpu.memory_space<vmem>> -> memref<1x128xi32, #tpu.memory_space<vmem>>
        %dma_start3A_136 = tpu.memref_squeeze %dma_start3A_135 : memref<1x128xi32, #tpu.memory_space<vmem>> -> memref<128xi32, #tpu.memory_space<vmem>>
        %dma_start3A_137 = arith.constant 0 : i32
        %dma_start3A_138 = arith.constant 0 : i32
        %dma_start3A_139 = tpu.memref_slice %arg11[%dma_start3A_137, %dma_start3A_138] : memref<10112x128xf32, #tpu.memory_space<vmem_shared>> -> memref<10112x128xf32, #tpu.memory_space<vmem_shared>>
        tpu.enqueue_indirect_dma source(%arg9 : memref<128x128xf32, #tpu.memory_space<vmem>>) target(%dma_start3A_139 : memref<10112x128xf32, #tpu.memory_space<vmem_shared>>) offsets(%dma_start3A_136 : memref<128xi32, #tpu.memory_space<vmem>>) semaphore(%run_scoped3A_133 : memref<!tpu.dma_semaphore, #tpu.memory_space<semaphore_mem>>) {add = true}
        %dma_wait3A_140 = arith.constant 0 : i32
        %dma_wait3A_141 = tpu.memref_slice %arg8[%run_scoped3A_124, %dma_wait3A_140] : memref<8x128xi32, #tpu.memory_space<vmem>> -> memref<1x128xi32, #tpu.memory_space<vmem>>
        %dma_wait3A_142 = tpu.memref_squeeze %dma_wait3A_141 : memref<1x128xi32, #tpu.memory_space<vmem>> -> memref<128xi32, #tpu.memory_space<vmem>>
        %dma_wait3A_143 = arith.constant 0 : i32
        %dma_wait3A_144 = arith.constant 0 : i32
        %dma_wait3A_145 = tpu.memref_slice %arg11[%dma_wait3A_143, %dma_wait3A_144] : memref<10112x128xf32, #tpu.memory_space<vmem_shared>> -> memref<10112x128xf32, #tpu.memory_space<vmem_shared>>
        tpu.wait_indirect_dma semaphore(%run_scoped3A_133 : memref<!tpu.dma_semaphore, #tpu.memory_space<semaphore_mem>>) src(%arg9 : memref<128x128xf32, #tpu.memory_space<vmem>>) dst(%dma_wait3A_145 : memref<10112x128xf32, #tpu.memory_space<vmem_shared>>)
        tpu.yield
      }) : () -> ()
      %dma_wait3A_125 = arith.constant 7 : i32
      %dma_wait3A_126 = arith.constant 0 : i32
      %dma_wait3A_127 = tpu.memref_slice %arg7[%dma_wait3A_125, %dma_wait3A_126] : memref<8x128xi32, #tpu.memory_space<vmem>> -> memref<1x128xi32, #tpu.memory_space<vmem>>
      %dma_wait3A_128 = tpu.memref_squeeze %dma_wait3A_127 : memref<1x128xi32, #tpu.memory_space<vmem>> -> memref<128xi32, #tpu.memory_space<vmem>>
      %dma_wait3A_129 = arith.constant 0 : i32
      %dma_wait3A_130 = arith.constant 0 : i32
      %dma_wait3A_131 = tpu.memref_slice %arg2[%dma_wait3A_129, %dma_wait3A_130] : memref<10000x128xf32, #tpu.memory_space<hbm>> -> memref<10000x128xf32, #tpu.memory_space<hbm>>
      tpu.wait_indirect_dma semaphore(%arg13 : memref<!tpu.dma_semaphore, #tpu.memory_space<semaphore_mem>>) src(%dma_wait3A_131 : memref<10000x128xf32, #tpu.memory_space<hbm>>) dst(%arg10 : memref<128x128xf32, #tpu.memory_space<vmem>>)
      %run_scoped3A_132 = arith.constant 7 : i32
      "tpu.region"() ({
        %run_scoped3A_133 = tpu.sem_alloc : memref<!tpu.dma_semaphore, #tpu.memory_space<semaphore_mem>>
        %dma_start3A_134 = arith.constant 0 : i32
        %dma_start3A_135 = tpu.memref_slice %arg8[%run_scoped3A_132, %dma_start3A_134] : memref<8x128xi32, #tpu.memory_space<vmem>> -> memref<1x128xi32, #tpu.memory_space<vmem>>
        %dma_start3A_136 = tpu.memref_squeeze %dma_start3A_135 : memref<1x128xi32, #tpu.memory_space<vmem>> -> memref<128xi32, #tpu.memory_space<vmem>>
        %dma_start3A_137 = arith.constant 0 : i32
        %dma_start3A_138 = arith.constant 0 : i32
        %dma_start3A_139 = tpu.memref_slice %arg11[%dma_start3A_137, %dma_start3A_138] : memref<10112x128xf32, #tpu.memory_space<vmem_shared>> -> memref<10112x128xf32, #tpu.memory_space<vmem_shared>>
        tpu.enqueue_indirect_dma source(%arg10 : memref<128x128xf32, #tpu.memory_space<vmem>>) target(%dma_start3A_139 : memref<10112x128xf32, #tpu.memory_space<vmem_shared>>) offsets(%dma_start3A_136 : memref<128xi32, #tpu.memory_space<vmem>>) semaphore(%run_scoped3A_133 : memref<!tpu.dma_semaphore, #tpu.memory_space<semaphore_mem>>) {add = true}
        %dma_wait3A_140 = arith.constant 0 : i32
        %dma_wait3A_141 = tpu.memref_slice %arg8[%run_scoped3A_132, %dma_wait3A_140] : memref<8x128xi32, #tpu.memory_space<vmem>> -> memref<1x128xi32, #tpu.memory_space<vmem>>
        %dma_wait3A_142 = tpu.memref_squeeze %dma_wait3A_141 : memref<1x128xi32, #tpu.memory_space<vmem>> -> memref<128xi32, #tpu.memory_space<vmem>>
        %dma_wait3A_143 = arith.constant 0 : i32
        %dma_wait3A_144 = arith.constant 0 : i32
        %dma_wait3A_145 = tpu.memref_slice %arg11[%dma_wait3A_143, %dma_wait3A_144] : memref<10112x128xf32, #tpu.memory_space<vmem_shared>> -> memref<10112x128xf32, #tpu.memory_space<vmem_shared>>
        tpu.wait_indirect_dma semaphore(%run_scoped3A_133 : memref<!tpu.dma_semaphore, #tpu.memory_space<semaphore_mem>>) src(%arg10 : memref<128x128xf32, #tpu.memory_space<vmem>>) dst(%dma_wait3A_145 : memref<10112x128xf32, #tpu.memory_space<vmem_shared>>)
        tpu.yield
      }) : () -> ()
    }
    %scan3A_10 = arith.constant 10 : i32
    %barrier3A_11 = arith.constant 0 : index
    tpu.barrier barrier_id(%barrier3A_11)
    "tpu.region"() ({
      %run_scoped3A = tpu.sem_alloc : memref<!tpu.dma_semaphore, #tpu.memory_space<semaphore_mem>>
      %dma_start3A = arith.constant 0 : i32
      %dma_start3A_12 = tpu.memref_slice %arg6[%arg0, %mul3A_0, %dma_start3A] : memref<2x10112x128xf32, #tpu.memory_space<hbm>> -> memref<1x632x128xf32, #tpu.memory_space<hbm>>
      %dma_start3A_13 = tpu.memref_squeeze %dma_start3A_12 : memref<1x632x128xf32, #tpu.memory_space<hbm>> -> memref<632x128xf32, #tpu.memory_space<hbm>>
      %dma_start3A_14 = arith.constant 0 : i32
      %dma_start3A_15 = tpu.memref_slice %arg11[%mul3A_0, %dma_start3A_14] : memref<10112x128xf32, #tpu.memory_space<vmem_shared>> -> memref<632x128xf32, #tpu.memory_space<vmem_shared>>
      tpu.enqueue_dma source(%dma_start3A_15 : memref<632x128xf32, #tpu.memory_space<vmem_shared>>) target(%dma_start3A_13 : memref<632x128xf32, #tpu.memory_space<hbm>>) target_semaphore(%run_scoped3A : memref<!tpu.dma_semaphore, #tpu.memory_space<semaphore_mem>>)
      %dma_wait3A = arith.constant 0 : i32
      %dma_wait3A_16 = tpu.memref_slice %arg6[%arg0, %mul3A_0, %dma_wait3A] : memref<2x10112x128xf32, #tpu.memory_space<hbm>> -> memref<1x632x128xf32, #tpu.memory_space<hbm>>
      %dma_wait3A_17 = tpu.memref_squeeze %dma_wait3A_16 : memref<1x632x128xf32, #tpu.memory_space<hbm>> -> memref<632x128xf32, #tpu.memory_space<hbm>>
      %dma_wait3A_18 = arith.constant 0 : i32
      %dma_wait3A_19 = tpu.memref_slice %arg11[%mul3A_0, %dma_wait3A_18] : memref<10112x128xf32, #tpu.memory_space<vmem_shared>> -> memref<632x128xf32, #tpu.memory_space<vmem_shared>>
      tpu.wait_dma2 semaphore(%run_scoped3A : memref<!tpu.dma_semaphore, #tpu.memory_space<semaphore_mem>>) src(%dma_wait3A_19 : memref<632x128xf32, #tpu.memory_space<vmem_shared>>) dst(%dma_wait3A_17 : memref<632x128xf32, #tpu.memory_space<hbm>>)
      tpu.yield
    }) : () -> ()
    return
  }
}

#map = affine_map<(d0, d1) -> (0, 0)>
#map1 = affine_map<(d0, d1) -> (0, 0, 0)>
module attributes {stable_mosaic.version = 14 : i64} {
  func.func @body(%arg0: i32, %arg1: i32, %arg2: memref<10000x128xf32, #tpu.memory_space<hbm>>, %arg3: memref<2560x128xi32, #tpu.memory_space<hbm>>, %arg4: memref<2560x128xi32, #tpu.memory_space<hbm>>, %arg5: memref<10112x128xf32, #tpu.memory_space<hbm>>, %arg6: memref<2x10112x128xf32, #tpu.memory_space<hbm>>, %arg7: memref<32x10112xf32, #tpu.memory_space<hbm>>, %arg8: memref<8x128xi32, #tpu.memory_space<vmem>>, %arg9: memref<8x128xi32, #tpu.memory_space<vmem>>, %arg10: memref<128x128xf32, #tpu.memory_space<vmem>>, %arg11: memref<128x128xf32, #tpu.memory_space<vmem>>, %arg12: memref<10112x128xf32, #tpu.memory_space<vmem_shared>>, %arg13: memref<!tpu.dma_semaphore, #tpu.memory_space<semaphore_mem>>, %arg14: memref<!tpu.dma_semaphore, #tpu.memory_space<semaphore_mem>>, %arg15: memref<10112xf32, #tpu.memory_space<vmem>>) attributes {dimension_semantics = [#tpu.dimension_semantics<core_parallel>, #tpu.dimension_semantics<subcore_parallel>], iteration_bounds = array<i64: 2, 16>, scalar_prefetch = 0 : i64, scratch_operands = 8 : i64, tpu.core_type = #tpu.core_type<sc_vector_subcore>, window_params = [{transform_indices = #map}, {transform_indices = #map}, {transform_indices = #map}, {transform_indices = #map}, {transform_indices = #map1}, {transform_indices = #map}]} {
    %mul3A = arith.constant 632 : i32
    %mul3A_0 = arith.muli %arg1, %mul3A : i32
    %mul3A_1 = arith.constant 1280 : i32
    %mul3A_2 = arith.muli %arg0, %mul3A_1 : i32
    %mul3A_3 = arith.constant 80 : i32
    %mul3A_4 = arith.muli %arg1, %mul3A_3 : i32
    %add3A = arith.addi %mul3A_2, %mul3A_4 : i32
    "tpu.region"() ({
      %run_scoped3A = tpu.sem_alloc : memref<!tpu.dma_semaphore, #tpu.memory_space<semaphore_mem>>
      %dma_start3A = arith.constant 0 : i32
      %dma_start3A_1280 = tpu.memref_slice %arg12[%mul3A_0, %dma_start3A] : memref<10112x128xf32, #tpu.memory_space<vmem_shared>> -> memref<632x128xf32, #tpu.memory_space<vmem_shared>>
      %dma_start3A_1281 = arith.constant 0 : i32
      %dma_start3A_1282 = tpu.memref_slice %arg5[%mul3A_0, %dma_start3A_1281] : memref<10112x128xf32, #tpu.memory_space<hbm>> -> memref<632x128xf32, #tpu.memory_space<hbm>>
      tpu.enqueue_dma source(%dma_start3A_1282 : memref<632x128xf32, #tpu.memory_space<hbm>>) target(%dma_start3A_1280 : memref<632x128xf32, #tpu.memory_space<vmem_shared>>) target_semaphore(%run_scoped3A : memref<!tpu.dma_semaphore, #tpu.memory_space<semaphore_mem>>)
      %dma_wait3A = arith.constant 0 : i32
      %dma_wait3A_1283 = tpu.memref_slice %arg12[%mul3A_0, %dma_wait3A] : memref<10112x128xf32, #tpu.memory_space<vmem_shared>> -> memref<632x128xf32, #tpu.memory_space<vmem_shared>>
      %dma_wait3A_1284 = arith.constant 0 : i32
      %dma_wait3A_1285 = tpu.memref_slice %arg5[%mul3A_0, %dma_wait3A_1284] : memref<10112x128xf32, #tpu.memory_space<hbm>> -> memref<632x128xf32, #tpu.memory_space<hbm>>
      tpu.wait_dma2 semaphore(%run_scoped3A : memref<!tpu.dma_semaphore, #tpu.memory_space<semaphore_mem>>) src(%dma_wait3A_1285 : memref<632x128xf32, #tpu.memory_space<hbm>>) dst(%dma_wait3A_1283 : memref<632x128xf32, #tpu.memory_space<vmem_shared>>)
      tpu.yield
    }) : () -> ()
    %broadcast_in_dim3A = arith.constant 0.000000e+00 : f32
    %broadcast_in_dim3A_5 = vector.broadcast %broadcast_in_dim3A : f32 to vector<16xf32>
    %swap3A = arith.constant 0 : index
    %swap3A_6 = tpu.vector_load %arg15[%swap3A] {strides = array<i32>} : memref<10112xf32, #tpu.memory_space<vmem>>, vector<16xf32>,
    tpu.vector_store %arg15[%swap3A], %broadcast_in_dim3A_5 {strides = array<i32>} : memref<10112xf32, #tpu.memory_space<vmem>>, vector<16xf32>,
    %swap3A_7 = arith.constant 16 : index
    %swap3A_8 = tpu.vector_load %arg15[%swap3A_7] {strides = array<i32>} : memref<10112xf32, #tpu.memory_space<vmem>>, vector<16xf32>,
    tpu.vector_store %arg15[%swap3A_7], %broadcast_in_dim3A_5 {strides = array<i32>} : memref<10112xf32, #tpu.memory_space<vmem>>, vector<16xf32>,
    %swap3A_9 = arith.constant 32 : index
    %swap3A_10 = tpu.vector_load %arg15[%swap3A_9] {strides = array<i32>} : memref<10112xf32, #tpu.memory_space<vmem>>, vector<16xf32>,
    tpu.vector_store %arg15[%swap3A_9], %broadcast_in_dim3A_5 {strides = array<i32>} : memref<10112xf32, #tpu.memory_space<vmem>>, vector<16xf32>,
    %swap3A_11 = arith.constant 48 : index
    %swap3A_12 = tpu.vector_load %arg15[%swap3A_11] {strides = array<i32>} : memref<10112xf32, #tpu.memory_space<vmem>>, vector<16xf32>,
    tpu.vector_store %arg15[%swap3A_11], %broadcast_in_dim3A_5 {strides = array<i32>} : memref<10112xf32, #tpu.memory_space<vmem>>, vector<16xf32>,
    %swap3A_13 = arith.constant 64 : index
    %swap3A_14 = tpu.vector_load %arg15[%swap3A_13] {strides = array<i32>} : memref<10112xf32, #tpu.memory_space<vmem>>, vector<16xf32>,
    tpu.vector_store %arg15[%swap3A_13], %broadcast_in_dim3A_5 {strides = array<i32>} : memref<10112xf32, #tpu.memory_space<vmem>>, vector<16xf32>,
    %swap3A_15 = arith.constant 80 : index
    %swap3A_16 = tpu.vector_load %arg15[%swap3A_15] {strides = array<i32>} : memref<10112xf32, #tpu.memory_space<vmem>>, vector<16xf32>,
    tpu.vector_store %arg15[%swap3A_15], %broadcast_in_dim3A_5 {strides = array<i32>} : memref<10112xf32, #tpu.memory_space<vmem>>, vector<16xf32>,
    %swap3A_17 = arith.constant 96 : index
    %swap3A_18 = tpu.vector_load %arg15[%swap3A_17] {strides = array<i32>} : memref<10112xf32, #tpu.memory_space<vmem>>, vector<16xf32>,
    tpu.vector_store %arg15[%swap3A_17], %broadcast_in_dim3A_5 {strides = array<i32>} : memref<10112xf32, #tpu.memory_space<vmem>>, vector<16xf32>,
    %swap3A_19 = arith.constant 112 : index
    %swap3A_20 = tpu.vector_load %arg15[%swap3A_19] {strides = array<i32>} : memref<10112xf32, #tpu.memory_space<vmem>>, vector<16xf32>,
    tpu.vector_store %arg15[%swap3A_19], %broadcast_in_dim3A_5 {strides = array<i32>} : memref<10112xf32, #tpu.memory_space<vmem>>, vector<16xf32>,
    %swap3A_21 = arith.constant 128 : index
    %swap3A_22 = tpu.vector_load %arg15[%swap3A_21] {strides = array<i32>} : memref<10112xf32, #tpu.memory_space<vmem>>, vector<16xf32>,
    tpu.vector_store %arg15[%swap3A_21], %broadcast_in_dim3A_5 {strides = array<i32>} : memref<10112xf32, #tpu.memory_space<vmem>>, vector<16xf32>,
    %swap3A_23 = arith.constant 144 : index
    %swap3A_24 = tpu.vector_load %arg15[%swap3A_23] {strides = array<i32>} : memref<10112xf32, #tpu.memory_space<vmem>>, vector<16xf32>,
    tpu.vector_store %arg15[%swap3A_23], %broadcast_in_dim3A_5 {strides = array<i32>} : memref<10112xf32, #tpu.memory_space<vmem>>, vector<16xf32>,
    %swap3A_25 = arith.constant 160 : index
    %swap3A_26 = tpu.vector_load %arg15[%swap3A_25] {strides = array<i32>} : memref<10112xf32, #tpu.memory_space<vmem>>, vector<16xf32>,
    tpu.vector_store %arg15[%swap3A_25], %broadcast_in_dim3A_5 {strides = array<i32>} : memref<10112xf32, #tpu.memory_space<vmem>>, vector<16xf32>,
    %swap3A_27 = arith.constant 176 : index
    %swap3A_28 = tpu.vector_load %arg15[%swap3A_27] {strides = array<i32>} : memref<10112xf32, #tpu.memory_space<vmem>>, vector<16xf32>,
    tpu.vector_store %arg15[%swap3A_27], %broadcast_in_dim3A_5 {strides = array<i32>} : memref<10112xf32, #tpu.memory_space<vmem>>, vector<16xf32>,
    %swap3A_29 = arith.constant 192 : index
    %swap3A_30 = tpu.vector_load %arg15[%swap3A_29] {strides = array<i32>} : memref<10112xf32, #tpu.memory_space<vmem>>, vector<16xf32>,
    tpu.vector_store %arg15[%swap3A_29], %broadcast_in_dim3A_5 {strides = array<i32>} : memref<10112xf32, #tpu.memory_space<vmem>>, vector<16xf32>,
    %swap3A_31 = arith.constant 208 : index
    %swap3A_32 = tpu.vector_load %arg15[%swap3A_31] {strides = array<i32>} : memref<10112xf32, #tpu.memory_space<vmem>>, vector<16xf32>,
    tpu.vector_store %arg15[%swap3A_31], %broadcast_in_dim3A_5 {strides = array<i32>} : memref<10112xf32, #tpu.memory_space<vmem>>, vector<16xf32>,
    %swap3A_33 = arith.constant 224 : index
    %swap3A_34 = tpu.vector_load %arg15[%swap3A_33] {strides = array<i32>} : memref<10112xf32, #tpu.memory_space<vmem>>, vector<16xf32>,
    tpu.vector_store %arg15[%swap3A_33], %broadcast_in_dim3A_5 {strides = array<i32>} : memref<10112xf32, #tpu.memory_space<vmem>>, vector<16xf32>,
    %swap3A_35 = arith.constant 240 : index
    %swap3A_36 = tpu.vector_load %arg15[%swap3A_35] {strides = array<i32>} : memref<10112xf32, #tpu.memory_space<vmem>>, vector<16xf32>,
    tpu.vector_store %arg15[%swap3A_35], %broadcast_in_dim3A_5 {strides = array<i32>} : memref<10112xf32, #tpu.memory_space<vmem>>, vector<16xf32>,
    %swap3A_37 = arith.constant 256 : index
    %swap3A_38 = tpu.vector_load %arg15[%swap3A_37] {strides = array<i32>} : memref<10112xf32, #tpu.memory_space<vmem>>, vector<16xf32>,
    tpu.vector_store %arg15[%swap3A_37], %broadcast_in_dim3A_5 {strides = array<i32>} : memref<10112xf32, #tpu.memory_space<vmem>>, vector<16xf32>,
    %swap3A_39 = arith.constant 272 : index
    %swap3A_40 = tpu.vector_load %arg15[%swap3A_39] {strides = array<i32>} : memref<10112xf32, #tpu.memory_space<vmem>>, vector<16xf32>,
    tpu.vector_store %arg15[%swap3A_39], %broadcast_in_dim3A_5 {strides = array<i32>} : memref<10112xf32, #tpu.memory_space<vmem>>, vector<16xf32>,
    %swap3A_41 = arith.constant 288 : index
    %swap3A_42 = tpu.vector_load %arg15[%swap3A_41] {strides = array<i32>} : memref<10112xf32, #tpu.memory_space<vmem>>, vector<16xf32>,
    tpu.vector_store %arg15[%swap3A_41], %broadcast_in_dim3A_5 {strides = array<i32>} : memref<10112xf32, #tpu.memory_space<vmem>>, vector<16xf32>,
    %swap3A_43 = arith.constant 304 : index
    %swap3A_44 = tpu.vector_load %arg15[%swap3A_43] {strides = array<i32>} : memref<10112xf32, #tpu.memory_space<vmem>>, vector<16xf32>,
    tpu.vector_store %arg15[%swap3A_43], %broadcast_in_dim3A_5 {strides = array<i32>} : memref<10112xf32, #tpu.memory_space<vmem>>, vector<16xf32>,
    %swap3A_45 = arith.constant 320 : index
    %swap3A_46 = tpu.vector_load %arg15[%swap3A_45] {strides = array<i32>} : memref<10112xf32, #tpu.memory_space<vmem>>, vector<16xf32>,
    tpu.vector_store %arg15[%swap3A_45], %broadcast_in_dim3A_5 {strides = array<i32>} : memref<10112xf32, #tpu.memory_space<vmem>>, vector<16xf32>,
    %swap3A_47 = arith.constant 336 : index
    %swap3A_48 = tpu.vector_load %arg15[%swap3A_47] {strides = array<i32>} : memref<10112xf32, #tpu.memory_space<vmem>>, vector<16xf32>,
    tpu.vector_store %arg15[%swap3A_47], %broadcast_in_dim3A_5 {strides = array<i32>} : memref<10112xf32, #tpu.memory_space<vmem>>, vector<16xf32>,
    %swap3A_49 = arith.constant 352 : index
    %swap3A_50 = tpu.vector_load %arg15[%swap3A_49] {strides = array<i32>} : memref<10112xf32, #tpu.memory_space<vmem>>, vector<16xf32>,
    tpu.vector_store %arg15[%swap3A_49], %broadcast_in_dim3A_5 {strides = array<i32>} : memref<10112xf32, #tpu.memory_space<vmem>>, vector<16xf32>,
    %swap3A_51 = arith.constant 368 : index
    %swap3A_52 = tpu.vector_load %arg15[%swap3A_51] {strides = array<i32>} : memref<10112xf32, #tpu.memory_space<vmem>>, vector<16xf32>,
    tpu.vector_store %arg15[%swap3A_51], %broadcast_in_dim3A_5 {strides = array<i32>} : memref<10112xf32, #tpu.memory_space<vmem>>, vector<16xf32>,
    %swap3A_53 = arith.constant 384 : index
    %swap3A_54 = tpu.vector_load %arg15[%swap3A_53] {strides = array<i32>} : memref<10112xf32, #tpu.memory_space<vmem>>, vector<16xf32>,
    tpu.vector_store %arg15[%swap3A_53], %broadcast_in_dim3A_5 {strides = array<i32>} : memref<10112xf32, #tpu.memory_space<vmem>>, vector<16xf32>,
    %swap3A_55 = arith.constant 400 : index
    %swap3A_56 = tpu.vector_load %arg15[%swap3A_55] {strides = array<i32>} : memref<10112xf32, #tpu.memory_space<vmem>>, vector<16xf32>,
    tpu.vector_store %arg15[%swap3A_55], %broadcast_in_dim3A_5 {strides = array<i32>} : memref<10112xf32, #tpu.memory_space<vmem>>, vector<16xf32>,
    %swap3A_57 = arith.constant 416 : index
    %swap3A_58 = tpu.vector_load %arg15[%swap3A_57] {strides = array<i32>} : memref<10112xf32, #tpu.memory_space<vmem>>, vector<16xf32>,
    tpu.vector_store %arg15[%swap3A_57], %broadcast_in_dim3A_5 {strides = array<i32>} : memref<10112xf32, #tpu.memory_space<vmem>>, vector<16xf32>,
    %swap3A_59 = arith.constant 432 : index
    %swap3A_60 = tpu.vector_load %arg15[%swap3A_59] {strides = array<i32>} : memref<10112xf32, #tpu.memory_space<vmem>>, vector<16xf32>,
    tpu.vector_store %arg15[%swap3A_59], %broadcast_in_dim3A_5 {strides = array<i32>} : memref<10112xf32, #tpu.memory_space<vmem>>, vector<16xf32>,
    %swap3A_61 = arith.constant 448 : index
    %swap3A_62 = tpu.vector_load %arg15[%swap3A_61] {strides = array<i32>} : memref<10112xf32, #tpu.memory_space<vmem>>, vector<16xf32>,
    tpu.vector_store %arg15[%swap3A_61], %broadcast_in_dim3A_5 {strides = array<i32>} : memref<10112xf32, #tpu.memory_space<vmem>>, vector<16xf32>,
    %swap3A_63 = arith.constant 464 : index
    %swap3A_64 = tpu.vector_load %arg15[%swap3A_63] {strides = array<i32>} : memref<10112xf32, #tpu.memory_space<vmem>>, vector<16xf32>,
    tpu.vector_store %arg15[%swap3A_63], %broadcast_in_dim3A_5 {strides = array<i32>} : memref<10112xf32, #tpu.memory_space<vmem>>, vector<16xf32>,
    %swap3A_65 = arith.constant 480 : index
    %swap3A_66 = tpu.vector_load %arg15[%swap3A_65] {strides = array<i32>} : memref<10112xf32, #tpu.memory_space<vmem>>, vector<16xf32>,
    tpu.vector_store %arg15[%swap3A_65], %broadcast_in_dim3A_5 {strides = array<i32>} : memref<10112xf32, #tpu.memory_space<vmem>>, vector<16xf32>,
    %swap3A_67 = arith.constant 496 : index
    %swap3A_68 = tpu.vector_load %arg15[%swap3A_67] {strides = array<i32>} : memref<10112xf32, #tpu.memory_space<vmem>>, vector<16xf32>,
    tpu.vector_store %arg15[%swap3A_67], %broadcast_in_dim3A_5 {strides = array<i32>} : memref<10112xf32, #tpu.memory_space<vmem>>, vector<16xf32>,
    %swap3A_69 = arith.constant 512 : index
    %swap3A_70 = tpu.vector_load %arg15[%swap3A_69] {strides = array<i32>} : memref<10112xf32, #tpu.memory_space<vmem>>, vector<16xf32>,
    tpu.vector_store %arg15[%swap3A_69], %broadcast_in_dim3A_5 {strides = array<i32>} : memref<10112xf32, #tpu.memory_space<vmem>>, vector<16xf32>,
    %swap3A_71 = arith.constant 528 : index
    %swap3A_72 = tpu.vector_load %arg15[%swap3A_71] {strides = array<i32>} : memref<10112xf32, #tpu.memory_space<vmem>>, vector<16xf32>,
    tpu.vector_store %arg15[%swap3A_71], %broadcast_in_dim3A_5 {strides = array<i32>} : memref<10112xf32, #tpu.memory_space<vmem>>, vector<16xf32>,
    %swap3A_73 = arith.constant 544 : index
    %swap3A_74 = tpu.vector_load %arg15[%swap3A_73] {strides = array<i32>} : memref<10112xf32, #tpu.memory_space<vmem>>, vector<16xf32>,
    tpu.vector_store %arg15[%swap3A_73], %broadcast_in_dim3A_5 {strides = array<i32>} : memref<10112xf32, #tpu.memory_space<vmem>>, vector<16xf32>,
    %swap3A_75 = arith.constant 560 : index
    %swap3A_76 = tpu.vector_load %arg15[%swap3A_75] {strides = array<i32>} : memref<10112xf32, #tpu.memory_space<vmem>>, vector<16xf32>,
    tpu.vector_store %arg15[%swap3A_75], %broadcast_in_dim3A_5 {strides = array<i32>} : memref<10112xf32, #tpu.memory_space<vmem>>, vector<16xf32>,
    %swap3A_77 = arith.constant 576 : index
    %swap3A_78 = tpu.vector_load %arg15[%swap3A_77] {strides = array<i32>} : memref<10112xf32, #tpu.memory_space<vmem>>, vector<16xf32>,
    tpu.vector_store %arg15[%swap3A_77], %broadcast_in_dim3A_5 {strides = array<i32>} : memref<10112xf32, #tpu.memory_space<vmem>>, vector<16xf32>,
    %swap3A_79 = arith.constant 592 : index
    %swap3A_80 = tpu.vector_load %arg15[%swap3A_79] {strides = array<i32>} : memref<10112xf32, #tpu.memory_space<vmem>>, vector<16xf32>,
    tpu.vector_store %arg15[%swap3A_79], %broadcast_in_dim3A_5 {strides = array<i32>} : memref<10112xf32, #tpu.memory_space<vmem>>, vector<16xf32>,
    %swap3A_81 = arith.constant 608 : index
    %swap3A_82 = tpu.vector_load %arg15[%swap3A_81] {strides = array<i32>} : memref<10112xf32, #tpu.memory_space<vmem>>, vector<16xf32>,
    tpu.vector_store %arg15[%swap3A_81], %broadcast_in_dim3A_5 {strides = array<i32>} : memref<10112xf32, #tpu.memory_space<vmem>>, vector<16xf32>,
    %swap3A_83 = arith.constant 624 : index
    %swap3A_84 = tpu.vector_load %arg15[%swap3A_83] {strides = array<i32>} : memref<10112xf32, #tpu.memory_space<vmem>>, vector<16xf32>,
    tpu.vector_store %arg15[%swap3A_83], %broadcast_in_dim3A_5 {strides = array<i32>} : memref<10112xf32, #tpu.memory_space<vmem>>, vector<16xf32>,
    %swap3A_85 = arith.constant 640 : index
    %swap3A_86 = tpu.vector_load %arg15[%swap3A_85] {strides = array<i32>} : memref<10112xf32, #tpu.memory_space<vmem>>, vector<16xf32>,
    tpu.vector_store %arg15[%swap3A_85], %broadcast_in_dim3A_5 {strides = array<i32>} : memref<10112xf32, #tpu.memory_space<vmem>>, vector<16xf32>,
    %swap3A_87 = arith.constant 656 : index
    %swap3A_88 = tpu.vector_load %arg15[%swap3A_87] {strides = array<i32>} : memref<10112xf32, #tpu.memory_space<vmem>>, vector<16xf32>,
    tpu.vector_store %arg15[%swap3A_87], %broadcast_in_dim3A_5 {strides = array<i32>} : memref<10112xf32, #tpu.memory_space<vmem>>, vector<16xf32>,
    %swap3A_89 = arith.constant 672 : index
    %swap3A_90 = tpu.vector_load %arg15[%swap3A_89] {strides = array<i32>} : memref<10112xf32, #tpu.memory_space<vmem>>, vector<16xf32>,
    tpu.vector_store %arg15[%swap3A_89], %broadcast_in_dim3A_5 {strides = array<i32>} : memref<10112xf32, #tpu.memory_space<vmem>>, vector<16xf32>,
    %swap3A_91 = arith.constant 688 : index
    %swap3A_92 = tpu.vector_load %arg15[%swap3A_91] {strides = array<i32>} : memref<10112xf32, #tpu.memory_space<vmem>>, vector<16xf32>,
    tpu.vector_store %arg15[%swap3A_91], %broadcast_in_dim3A_5 {strides = array<i32>} : memref<10112xf32, #tpu.memory_space<vmem>>, vector<16xf32>,
    %swap3A_93 = arith.constant 704 : index
    %swap3A_94 = tpu.vector_load %arg15[%swap3A_93] {strides = array<i32>} : memref<10112xf32, #tpu.memory_space<vmem>>, vector<16xf32>,
    tpu.vector_store %arg15[%swap3A_93], %broadcast_in_dim3A_5 {strides = array<i32>} : memref<10112xf32, #tpu.memory_space<vmem>>, vector<16xf32>,
    %swap3A_95 = arith.constant 720 : index
    %swap3A_96 = tpu.vector_load %arg15[%swap3A_95] {strides = array<i32>} : memref<10112xf32, #tpu.memory_space<vmem>>, vector<16xf32>,
    tpu.vector_store %arg15[%swap3A_95], %broadcast_in_dim3A_5 {strides = array<i32>} : memref<10112xf32, #tpu.memory_space<vmem>>, vector<16xf32>,
    %swap3A_97 = arith.constant 736 : index
    %swap3A_98 = tpu.vector_load %arg15[%swap3A_97] {strides = array<i32>} : memref<10112xf32, #tpu.memory_space<vmem>>, vector<16xf32>,
    tpu.vector_store %arg15[%swap3A_97], %broadcast_in_dim3A_5 {strides = array<i32>} : memref<10112xf32, #tpu.memory_space<vmem>>, vector<16xf32>,
    %swap3A_99 = arith.constant 752 : index
    %swap3A_100 = tpu.vector_load %arg15[%swap3A_99] {strides = array<i32>} : memref<10112xf32, #tpu.memory_space<vmem>>, vector<16xf32>,
    tpu.vector_store %arg15[%swap3A_99], %broadcast_in_dim3A_5 {strides = array<i32>} : memref<10112xf32, #tpu.memory_space<vmem>>, vector<16xf32>,
    %swap3A_101 = arith.constant 768 : index
    %swap3A_102 = tpu.vector_load %arg15[%swap3A_101] {strides = array<i32>} : memref<10112xf32, #tpu.memory_space<vmem>>, vector<16xf32>,
    tpu.vector_store %arg15[%swap3A_101], %broadcast_in_dim3A_5 {strides = array<i32>} : memref<10112xf32, #tpu.memory_space<vmem>>, vector<16xf32>,
    %swap3A_103 = arith.constant 784 : index
    %swap3A_104 = tpu.vector_load %arg15[%swap3A_103] {strides = array<i32>} : memref<10112xf32, #tpu.memory_space<vmem>>, vector<16xf32>,
    tpu.vector_store %arg15[%swap3A_103], %broadcast_in_dim3A_5 {strides = array<i32>} : memref<10112xf32, #tpu.memory_space<vmem>>, vector<16xf32>,
    %swap3A_105 = arith.constant 800 : index
    %swap3A_106 = tpu.vector_load %arg15[%swap3A_105] {strides = array<i32>} : memref<10112xf32, #tpu.memory_space<vmem>>, vector<16xf32>,
    tpu.vector_store %arg15[%swap3A_105], %broadcast_in_dim3A_5 {strides = array<i32>} : memref<10112xf32, #tpu.memory_space<vmem>>, vector<16xf32>,
    %swap3A_107 = arith.constant 816 : index
    %swap3A_108 = tpu.vector_load %arg15[%swap3A_107] {strides = array<i32>} : memref<10112xf32, #tpu.memory_space<vmem>>, vector<16xf32>,
    tpu.vector_store %arg15[%swap3A_107], %broadcast_in_dim3A_5 {strides = array<i32>} : memref<10112xf32, #tpu.memory_space<vmem>>, vector<16xf32>,
    %swap3A_109 = arith.constant 832 : index
    %swap3A_110 = tpu.vector_load %arg15[%swap3A_109] {strides = array<i32>} : memref<10112xf32, #tpu.memory_space<vmem>>, vector<16xf32>,
    tpu.vector_store %arg15[%swap3A_109], %broadcast_in_dim3A_5 {strides = array<i32>} : memref<10112xf32, #tpu.memory_space<vmem>>, vector<16xf32>,
    %swap3A_111 = arith.constant 848 : index
    %swap3A_112 = tpu.vector_load %arg15[%swap3A_111] {strides = array<i32>} : memref<10112xf32, #tpu.memory_space<vmem>>, vector<16xf32>,
    tpu.vector_store %arg15[%swap3A_111], %broadcast_in_dim3A_5 {strides = array<i32>} : memref<10112xf32, #tpu.memory_space<vmem>>, vector<16xf32>,
    %swap3A_113 = arith.constant 864 : index
    %swap3A_114 = tpu.vector_load %arg15[%swap3A_113] {strides = array<i32>} : memref<10112xf32, #tpu.memory_space<vmem>>, vector<16xf32>,
    tpu.vector_store %arg15[%swap3A_113], %broadcast_in_dim3A_5 {strides = array<i32>} : memref<10112xf32, #tpu.memory_space<vmem>>, vector<16xf32>,
    %swap3A_115 = arith.constant 880 : index
    %swap3A_116 = tpu.vector_load %arg15[%swap3A_115] {strides = array<i32>} : memref<10112xf32, #tpu.memory_space<vmem>>, vector<16xf32>,
    tpu.vector_store %arg15[%swap3A_115], %broadcast_in_dim3A_5 {strides = array<i32>} : memref<10112xf32, #tpu.memory_space<vmem>>, vector<16xf32>,
    %swap3A_117 = arith.constant 896 : index
    %swap3A_118 = tpu.vector_load %arg15[%swap3A_117] {strides = array<i32>} : memref<10112xf32, #tpu.memory_space<vmem>>, vector<16xf32>,
    tpu.vector_store %arg15[%swap3A_117], %broadcast_in_dim3A_5 {strides = array<i32>} : memref<10112xf32, #tpu.memory_space<vmem>>, vector<16xf32>,
    %swap3A_119 = arith.constant 912 : index
    %swap3A_120 = tpu.vector_load %arg15[%swap3A_119] {strides = array<i32>} : memref<10112xf32, #tpu.memory_space<vmem>>, vector<16xf32>,
    tpu.vector_store %arg15[%swap3A_119], %broadcast_in_dim3A_5 {strides = array<i32>} : memref<10112xf32, #tpu.memory_space<vmem>>, vector<16xf32>,
    %swap3A_121 = arith.constant 928 : index
    %swap3A_122 = tpu.vector_load %arg15[%swap3A_121] {strides = array<i32>} : memref<10112xf32, #tpu.memory_space<vmem>>, vector<16xf32>,
    tpu.vector_store %arg15[%swap3A_121], %broadcast_in_dim3A_5 {strides = array<i32>} : memref<10112xf32, #tpu.memory_space<vmem>>, vector<16xf32>,
    %swap3A_123 = arith.constant 944 : index
    %swap3A_124 = tpu.vector_load %arg15[%swap3A_123] {strides = array<i32>} : memref<10112xf32, #tpu.memory_space<vmem>>, vector<16xf32>,
    tpu.vector_store %arg15[%swap3A_123], %broadcast_in_dim3A_5 {strides = array<i32>} : memref<10112xf32, #tpu.memory_space<vmem>>, vector<16xf32>,
    %swap3A_125 = arith.constant 960 : index
    %swap3A_126 = tpu.vector_load %arg15[%swap3A_125] {strides = array<i32>} : memref<10112xf32, #tpu.memory_space<vmem>>, vector<16xf32>,
    tpu.vector_store %arg15[%swap3A_125], %broadcast_in_dim3A_5 {strides = array<i32>} : memref<10112xf32, #tpu.memory_space<vmem>>, vector<16xf32>,
    %swap3A_127 = arith.constant 976 : index
    %swap3A_128 = tpu.vector_load %arg15[%swap3A_127] {strides = array<i32>} : memref<10112xf32, #tpu.memory_space<vmem>>, vector<16xf32>,
    tpu.vector_store %arg15[%swap3A_127], %broadcast_in_dim3A_5 {strides = array<i32>} : memref<10112xf32, #tpu.memory_space<vmem>>, vector<16xf32>,
    %swap3A_129 = arith.constant 992 : index
    %swap3A_130 = tpu.vector_load %arg15[%swap3A_129] {strides = array<i32>} : memref<10112xf32, #tpu.memory_space<vmem>>, vector<16xf32>,
    tpu.vector_store %arg15[%swap3A_129], %broadcast_in_dim3A_5 {strides = array<i32>} : memref<10112xf32, #tpu.memory_space<vmem>>, vector<16xf32>,
    %swap3A_131 = arith.constant 1008 : index
    %swap3A_132 = tpu.vector_load %arg15[%swap3A_131] {strides = array<i32>} : memref<10112xf32, #tpu.memory_space<vmem>>, vector<16xf32>,
    tpu.vector_store %arg15[%swap3A_131], %broadcast_in_dim3A_5 {strides = array<i32>} : memref<10112xf32, #tpu.memory_space<vmem>>, vector<16xf32>,
    %swap3A_133 = arith.constant 1024 : index
    %swap3A_134 = tpu.vector_load %arg15[%swap3A_133] {strides = array<i32>} : memref<10112xf32, #tpu.memory_space<vmem>>, vector<16xf32>,
    tpu.vector_store %arg15[%swap3A_133], %broadcast_in_dim3A_5 {strides = array<i32>} : memref<10112xf32, #tpu.memory_space<vmem>>, vector<16xf32>,
    %swap3A_135 = arith.constant 1040 : index
    %swap3A_136 = tpu.vector_load %arg15[%swap3A_135] {strides = array<i32>} : memref<10112xf32, #tpu.memory_space<vmem>>, vector<16xf32>,
    tpu.vector_store %arg15[%swap3A_135], %broadcast_in_dim3A_5 {strides = array<i32>} : memref<10112xf32, #tpu.memory_space<vmem>>, vector<16xf32>,
    %swap3A_137 = arith.constant 1056 : index
    %swap3A_138 = tpu.vector_load %arg15[%swap3A_137] {strides = array<i32>} : memref<10112xf32, #tpu.memory_space<vmem>>, vector<16xf32>,
    tpu.vector_store %arg15[%swap3A_137], %broadcast_in_dim3A_5 {strides = array<i32>} : memref<10112xf32, #tpu.memory_space<vmem>>, vector<16xf32>,
    %swap3A_139 = arith.constant 1072 : index
    %swap3A_140 = tpu.vector_load %arg15[%swap3A_139] {strides = array<i32>} : memref<10112xf32, #tpu.memory_space<vmem>>, vector<16xf32>,
    tpu.vector_store %arg15[%swap3A_139], %broadcast_in_dim3A_5 {strides = array<i32>} : memref<10112xf32, #tpu.memory_space<vmem>>, vector<16xf32>,
    %swap3A_141 = arith.constant 1088 : index
    %swap3A_142 = tpu.vector_load %arg15[%swap3A_141] {strides = array<i32>} : memref<10112xf32, #tpu.memory_space<vmem>>, vector<16xf32>,
    tpu.vector_store %arg15[%swap3A_141], %broadcast_in_dim3A_5 {strides = array<i32>} : memref<10112xf32, #tpu.memory_space<vmem>>, vector<16xf32>,
    %swap3A_143 = arith.constant 1104 : index
    %swap3A_144 = tpu.vector_load %arg15[%swap3A_143] {strides = array<i32>} : memref<10112xf32, #tpu.memory_space<vmem>>, vector<16xf32>,
    tpu.vector_store %arg15[%swap3A_143], %broadcast_in_dim3A_5 {strides = array<i32>} : memref<10112xf32, #tpu.memory_space<vmem>>, vector<16xf32>,
    %swap3A_145 = arith.constant 1120 : index
    %swap3A_146 = tpu.vector_load %arg15[%swap3A_145] {strides = array<i32>} : memref<10112xf32, #tpu.memory_space<vmem>>, vector<16xf32>,
    tpu.vector_store %arg15[%swap3A_145], %broadcast_in_dim3A_5 {strides = array<i32>} : memref<10112xf32, #tpu.memory_space<vmem>>, vector<16xf32>,
    %swap3A_147 = arith.constant 1136 : index
    %swap3A_148 = tpu.vector_load %arg15[%swap3A_147] {strides = array<i32>} : memref<10112xf32, #tpu.memory_space<vmem>>, vector<16xf32>,
    tpu.vector_store %arg15[%swap3A_147], %broadcast_in_dim3A_5 {strides = array<i32>} : memref<10112xf32, #tpu.memory_space<vmem>>, vector<16xf32>,
    %swap3A_149 = arith.constant 1152 : index
    %swap3A_150 = tpu.vector_load %arg15[%swap3A_149] {strides = array<i32>} : memref<10112xf32, #tpu.memory_space<vmem>>, vector<16xf32>,
    tpu.vector_store %arg15[%swap3A_149], %broadcast_in_dim3A_5 {strides = array<i32>} : memref<10112xf32, #tpu.memory_space<vmem>>, vector<16xf32>,
    %swap3A_151 = arith.constant 1168 : index
    %swap3A_152 = tpu.vector_load %arg15[%swap3A_151] {strides = array<i32>} : memref<10112xf32, #tpu.memory_space<vmem>>, vector<16xf32>,
    tpu.vector_store %arg15[%swap3A_151], %broadcast_in_dim3A_5 {strides = array<i32>} : memref<10112xf32, #tpu.memory_space<vmem>>, vector<16xf32>,
    %swap3A_153 = arith.constant 1184 : index
    %swap3A_154 = tpu.vector_load %arg15[%swap3A_153] {strides = array<i32>} : memref<10112xf32, #tpu.memory_space<vmem>>, vector<16xf32>,
    tpu.vector_store %arg15[%swap3A_153], %broadcast_in_dim3A_5 {strides = array<i32>} : memref<10112xf32, #tpu.memory_space<vmem>>, vector<16xf32>,
    %swap3A_155 = arith.constant 1200 : index
    %swap3A_156 = tpu.vector_load %arg15[%swap3A_155] {strides = array<i32>} : memref<10112xf32, #tpu.memory_space<vmem>>, vector<16xf32>,
    tpu.vector_store %arg15[%swap3A_155], %broadcast_in_dim3A_5 {strides = array<i32>} : memref<10112xf32, #tpu.memory_space<vmem>>, vector<16xf32>,
    %swap3A_157 = arith.constant 1216 : index
    %swap3A_158 = tpu.vector_load %arg15[%swap3A_157] {strides = array<i32>} : memref<10112xf32, #tpu.memory_space<vmem>>, vector<16xf32>,
    tpu.vector_store %arg15[%swap3A_157], %broadcast_in_dim3A_5 {strides = array<i32>} : memref<10112xf32, #tpu.memory_space<vmem>>, vector<16xf32>,
    %swap3A_159 = arith.constant 1232 : index
    %swap3A_160 = tpu.vector_load %arg15[%swap3A_159] {strides = array<i32>} : memref<10112xf32, #tpu.memory_space<vmem>>, vector<16xf32>,
    tpu.vector_store %arg15[%swap3A_159], %broadcast_in_dim3A_5 {strides = array<i32>} : memref<10112xf32, #tpu.memory_space<vmem>>, vector<16xf32>,
    %swap3A_161 = arith.constant 1248 : index
    %swap3A_162 = tpu.vector_load %arg15[%swap3A_161] {strides = array<i32>} : memref<10112xf32, #tpu.memory_space<vmem>>, vector<16xf32>,
    tpu.vector_store %arg15[%swap3A_161], %broadcast_in_dim3A_5 {strides = array<i32>} : memref<10112xf32, #tpu.memory_space<vmem>>, vector<16xf32>,
    %swap3A_163 = arith.constant 1264 : index
    %swap3A_164 = tpu.vector_load %arg15[%swap3A_163] {strides = array<i32>} : memref<10112xf32, #tpu.memory_space<vmem>>, vector<16xf32>,
    tpu.vector_store %arg15[%swap3A_163], %broadcast_in_dim3A_5 {strides = array<i32>} : memref<10112xf32, #tpu.memory_space<vmem>>, vector<16xf32>,
    %swap3A_165 = arith.constant 1280 : index
    %swap3A_166 = tpu.vector_load %arg15[%swap3A_165] {strides = array<i32>} : memref<10112xf32, #tpu.memory_space<vmem>>, vector<16xf32>,
    tpu.vector_store %arg15[%swap3A_165], %broadcast_in_dim3A_5 {strides = array<i32>} : memref<10112xf32, #tpu.memory_space<vmem>>, vector<16xf32>,
    %swap3A_167 = arith.constant 1296 : index
    %swap3A_168 = tpu.vector_load %arg15[%swap3A_167] {strides = array<i32>} : memref<10112xf32, #tpu.memory_space<vmem>>, vector<16xf32>,
    tpu.vector_store %arg15[%swap3A_167], %broadcast_in_dim3A_5 {strides = array<i32>} : memref<10112xf32, #tpu.memory_space<vmem>>, vector<16xf32>,
    %swap3A_169 = arith.constant 1312 : index
    %swap3A_170 = tpu.vector_load %arg15[%swap3A_169] {strides = array<i32>} : memref<10112xf32, #tpu.memory_space<vmem>>, vector<16xf32>,
    tpu.vector_store %arg15[%swap3A_169], %broadcast_in_dim3A_5 {strides = array<i32>} : memref<10112xf32, #tpu.memory_space<vmem>>, vector<16xf32>,
    %swap3A_171 = arith.constant 1328 : index
    %swap3A_172 = tpu.vector_load %arg15[%swap3A_171] {strides = array<i32>} : memref<10112xf32, #tpu.memory_space<vmem>>, vector<16xf32>,
    tpu.vector_store %arg15[%swap3A_171], %broadcast_in_dim3A_5 {strides = array<i32>} : memref<10112xf32, #tpu.memory_space<vmem>>, vector<16xf32>,
    %swap3A_173 = arith.constant 1344 : index
    %swap3A_174 = tpu.vector_load %arg15[%swap3A_173] {strides = array<i32>} : memref<10112xf32, #tpu.memory_space<vmem>>, vector<16xf32>,
    tpu.vector_store %arg15[%swap3A_173], %broadcast_in_dim3A_5 {strides = array<i32>} : memref<10112xf32, #tpu.memory_space<vmem>>, vector<16xf32>,
    %swap3A_175 = arith.constant 1360 : index
    %swap3A_176 = tpu.vector_load %arg15[%swap3A_175] {strides = array<i32>} : memref<10112xf32, #tpu.memory_space<vmem>>, vector<16xf32>,
    tpu.vector_store %arg15[%swap3A_175], %broadcast_in_dim3A_5 {strides = array<i32>} : memref<10112xf32, #tpu.memory_space<vmem>>, vector<16xf32>,
    %swap3A_177 = arith.constant 1376 : index
    %swap3A_178 = tpu.vector_load %arg15[%swap3A_177] {strides = array<i32>} : memref<10112xf32, #tpu.memory_space<vmem>>, vector<16xf32>,
    tpu.vector_store %arg15[%swap3A_177], %broadcast_in_dim3A_5 {strides = array<i32>} : memref<10112xf32, #tpu.memory_space<vmem>>, vector<16xf32>,
    %swap3A_179 = arith.constant 1392 : index
    %swap3A_180 = tpu.vector_load %arg15[%swap3A_179] {strides = array<i32>} : memref<10112xf32, #tpu.memory_space<vmem>>, vector<16xf32>,
    tpu.vector_store %arg15[%swap3A_179], %broadcast_in_dim3A_5 {strides = array<i32>} : memref<10112xf32, #tpu.memory_space<vmem>>, vector<16xf32>,
    %swap3A_181 = arith.constant 1408 : index
    %swap3A_182 = tpu.vector_load %arg15[%swap3A_181] {strides = array<i32>} : memref<10112xf32, #tpu.memory_space<vmem>>, vector<16xf32>,
    tpu.vector_store %arg15[%swap3A_181], %broadcast_in_dim3A_5 {strides = array<i32>} : memref<10112xf32, #tpu.memory_space<vmem>>, vector<16xf32>,
    %swap3A_183 = arith.constant 1424 : index
    %swap3A_184 = tpu.vector_load %arg15[%swap3A_183] {strides = array<i32>} : memref<10112xf32, #tpu.memory_space<vmem>>, vector<16xf32>,
    tpu.vector_store %arg15[%swap3A_183], %broadcast_in_dim3A_5 {strides = array<i32>} : memref<10112xf32, #tpu.memory_space<vmem>>, vector<16xf32>,
    %swap3A_185 = arith.constant 1440 : index
    %swap3A_186 = tpu.vector_load %arg15[%swap3A_185] {strides = array<i32>} : memref<10112xf32, #tpu.memory_space<vmem>>, vector<16xf32>,
    tpu.vector_store %arg15[%swap3A_185], %broadcast_in_dim3A_5 {strides = array<i32>} : memref<10112xf32, #tpu.memory_space<vmem>>, vector<16xf32>,
    %swap3A_187 = arith.constant 1456 : index
    %swap3A_188 = tpu.vector_load %arg15[%swap3A_187] {strides = array<i32>} : memref<10112xf32, #tpu.memory_space<vmem>>, vector<16xf32>,
    tpu.vector_store %arg15[%swap3A_187], %broadcast_in_dim3A_5 {strides = array<i32>} : memref<10112xf32, #tpu.memory_space<vmem>>, vector<16xf32>,
    %swap3A_189 = arith.constant 1472 : index
    %swap3A_190 = tpu.vector_load %arg15[%swap3A_189] {strides = array<i32>} : memref<10112xf32, #tpu.memory_space<vmem>>, vector<16xf32>,
    tpu.vector_store %arg15[%swap3A_189], %broadcast_in_dim3A_5 {strides = array<i32>} : memref<10112xf32, #tpu.memory_space<vmem>>, vector<16xf32>,
    %swap3A_191 = arith.constant 1488 : index
    %swap3A_192 = tpu.vector_load %arg15[%swap3A_191] {strides = array<i32>} : memref<10112xf32, #tpu.memory_space<vmem>>, vector<16xf32>,
    tpu.vector_store %arg15[%swap3A_191], %broadcast_in_dim3A_5 {strides = array<i32>} : memref<10112xf32, #tpu.memory_space<vmem>>, vector<16xf32>,
    %swap3A_193 = arith.constant 1504 : index
    %swap3A_194 = tpu.vector_load %arg15[%swap3A_193] {strides = array<i32>} : memref<10112xf32, #tpu.memory_space<vmem>>, vector<16xf32>,
    tpu.vector_store %arg15[%swap3A_193], %broadcast_in_dim3A_5 {strides = array<i32>} : memref<10112xf32, #tpu.memory_space<vmem>>, vector<16xf32>,
    %swap3A_195 = arith.constant 1520 : index
    %swap3A_196 = tpu.vector_load %arg15[%swap3A_195] {strides = array<i32>} : memref<10112xf32, #tpu.memory_space<vmem>>, vector<16xf32>,
    tpu.vector_store %arg15[%swap3A_195], %broadcast_in_dim3A_5 {strides = array<i32>} : memref<10112xf32, #tpu.memory_space<vmem>>, vector<16xf32>,
    %swap3A_197 = arith.constant 1536 : index
    %swap3A_198 = tpu.vector_load %arg15[%swap3A_197] {strides = array<i32>} : memref<10112xf32, #tpu.memory_space<vmem>>, vector<16xf32>,
    tpu.vector_store %arg15[%swap3A_197], %broadcast_in_dim3A_5 {strides = array<i32>} : memref<10112xf32, #tpu.memory_space<vmem>>, vector<16xf32>,
    %swap3A_199 = arith.constant 1552 : index
    %swap3A_200 = tpu.vector_load %arg15[%swap3A_199] {strides = array<i32>} : memref<10112xf32, #tpu.memory_space<vmem>>, vector<16xf32>,
    tpu.vector_store %arg15[%swap3A_199], %broadcast_in_dim3A_5 {strides = array<i32>} : memref<10112xf32, #tpu.memory_space<vmem>>, vector<16xf32>,
    %swap3A_201 = arith.constant 1568 : index
    %swap3A_202 = tpu.vector_load %arg15[%swap3A_201] {strides = array<i32>} : memref<10112xf32, #tpu.memory_space<vmem>>, vector<16xf32>,
    tpu.vector_store %arg15[%swap3A_201], %broadcast_in_dim3A_5 {strides = array<i32>} : memref<10112xf32, #tpu.memory_space<vmem>>, vector<16xf32>,
    %swap3A_203 = arith.constant 1584 : index
    %swap3A_204 = tpu.vector_load %arg15[%swap3A_203] {strides = array<i32>} : memref<10112xf32, #tpu.memory_space<vmem>>, vector<16xf32>,
    tpu.vector_store %arg15[%swap3A_203], %broadcast_in_dim3A_5 {strides = array<i32>} : memref<10112xf32, #tpu.memory_space<vmem>>, vector<16xf32>,
    %swap3A_205 = arith.constant 1600 : index
    %swap3A_206 = tpu.vector_load %arg15[%swap3A_205] {strides = array<i32>} : memref<10112xf32, #tpu.memory_space<vmem>>, vector<16xf32>,
    tpu.vector_store %arg15[%swap3A_205], %broadcast_in_dim3A_5 {strides = array<i32>} : memref<10112xf32, #tpu.memory_space<vmem>>, vector<16xf32>,
    %swap3A_207 = arith.constant 1616 : index
    %swap3A_208 = tpu.vector_load %arg15[%swap3A_207] {strides = array<i32>} : memref<10112xf32, #tpu.memory_space<vmem>>, vector<16xf32>,
    tpu.vector_store %arg15[%swap3A_207], %broadcast_in_dim3A_5 {strides = array<i32>} : memref<10112xf32, #tpu.memory_space<vmem>>, vector<16xf32>,
    %swap3A_209 = arith.constant 1632 : index
    %swap3A_210 = tpu.vector_load %arg15[%swap3A_209] {strides = array<i32>} : memref<10112xf32, #tpu.memory_space<vmem>>, vector<16xf32>,
    tpu.vector_store %arg15[%swap3A_209], %broadcast_in_dim3A_5 {strides = array<i32>} : memref<10112xf32, #tpu.memory_space<vmem>>, vector<16xf32>,
    %swap3A_211 = arith.constant 1648 : index
    %swap3A_212 = tpu.vector_load %arg15[%swap3A_211] {strides = array<i32>} : memref<10112xf32, #tpu.memory_space<vmem>>, vector<16xf32>,
    tpu.vector_store %arg15[%swap3A_211], %broadcast_in_dim3A_5 {strides = array<i32>} : memref<10112xf32, #tpu.memory_space<vmem>>, vector<16xf32>,
    %swap3A_213 = arith.constant 1664 : index
    %swap3A_214 = tpu.vector_load %arg15[%swap3A_213] {strides = array<i32>} : memref<10112xf32, #tpu.memory_space<vmem>>, vector<16xf32>,
    tpu.vector_store %arg15[%swap3A_213], %broadcast_in_dim3A_5 {strides = array<i32>} : memref<10112xf32, #tpu.memory_space<vmem>>, vector<16xf32>,
    %swap3A_215 = arith.constant 1680 : index
    %swap3A_216 = tpu.vector_load %arg15[%swap3A_215] {strides = array<i32>} : memref<10112xf32, #tpu.memory_space<vmem>>, vector<16xf32>,
    tpu.vector_store %arg15[%swap3A_215], %broadcast_in_dim3A_5 {strides = array<i32>} : memref<10112xf32, #tpu.memory_space<vmem>>, vector<16xf32>,
    %swap3A_217 = arith.constant 1696 : index
    %swap3A_218 = tpu.vector_load %arg15[%swap3A_217] {strides = array<i32>} : memref<10112xf32, #tpu.memory_space<vmem>>, vector<16xf32>,
    tpu.vector_store %arg15[%swap3A_217], %broadcast_in_dim3A_5 {strides = array<i32>} : memref<10112xf32, #tpu.memory_space<vmem>>, vector<16xf32>,
    %swap3A_219 = arith.constant 1712 : index
    %swap3A_220 = tpu.vector_load %arg15[%swap3A_219] {strides = array<i32>} : memref<10112xf32, #tpu.memory_space<vmem>>, vector<16xf32>,
    tpu.vector_store %arg15[%swap3A_219], %broadcast_in_dim3A_5 {strides = array<i32>} : memref<10112xf32, #tpu.memory_space<vmem>>, vector<16xf32>,
    %swap3A_221 = arith.constant 1728 : index
    %swap3A_222 = tpu.vector_load %arg15[%swap3A_221] {strides = array<i32>} : memref<10112xf32, #tpu.memory_space<vmem>>, vector<16xf32>,
    tpu.vector_store %arg15[%swap3A_221], %broadcast_in_dim3A_5 {strides = array<i32>} : memref<10112xf32, #tpu.memory_space<vmem>>, vector<16xf32>,
    %swap3A_223 = arith.constant 1744 : index
    %swap3A_224 = tpu.vector_load %arg15[%swap3A_223] {strides = array<i32>} : memref<10112xf32, #tpu.memory_space<vmem>>, vector<16xf32>,
    tpu.vector_store %arg15[%swap3A_223], %broadcast_in_dim3A_5 {strides = array<i32>} : memref<10112xf32, #tpu.memory_space<vmem>>, vector<16xf32>,
    %swap3A_225 = arith.constant 1760 : index
    %swap3A_226 = tpu.vector_load %arg15[%swap3A_225] {strides = array<i32>} : memref<10112xf32, #tpu.memory_space<vmem>>, vector<16xf32>,
    tpu.vector_store %arg15[%swap3A_225], %broadcast_in_dim3A_5 {strides = array<i32>} : memref<10112xf32, #tpu.memory_space<vmem>>, vector<16xf32>,
    %swap3A_227 = arith.constant 1776 : index
    %swap3A_228 = tpu.vector_load %arg15[%swap3A_227] {strides = array<i32>} : memref<10112xf32, #tpu.memory_space<vmem>>, vector<16xf32>,
    tpu.vector_store %arg15[%swap3A_227], %broadcast_in_dim3A_5 {strides = array<i32>} : memref<10112xf32, #tpu.memory_space<vmem>>, vector<16xf32>,
    %swap3A_229 = arith.constant 1792 : index
    %swap3A_230 = tpu.vector_load %arg15[%swap3A_229] {strides = array<i32>} : memref<10112xf32, #tpu.memory_space<vmem>>, vector<16xf32>,
    tpu.vector_store %arg15[%swap3A_229], %broadcast_in_dim3A_5 {strides = array<i32>} : memref<10112xf32, #tpu.memory_space<vmem>>, vector<16xf32>,
    %swap3A_231 = arith.constant 1808 : index
    %swap3A_232 = tpu.vector_load %arg15[%swap3A_231] {strides = array<i32>} : memref<10112xf32, #tpu.memory_space<vmem>>, vector<16xf32>,
    tpu.vector_store %arg15[%swap3A_231], %broadcast_in_dim3A_5 {strides = array<i32>} : memref<10112xf32, #tpu.memory_space<vmem>>, vector<16xf32>,
    %swap3A_233 = arith.constant 1824 : index
    %swap3A_234 = tpu.vector_load %arg15[%swap3A_233] {strides = array<i32>} : memref<10112xf32, #tpu.memory_space<vmem>>, vector<16xf32>,
    tpu.vector_store %arg15[%swap3A_233], %broadcast_in_dim3A_5 {strides = array<i32>} : memref<10112xf32, #tpu.memory_space<vmem>>, vector<16xf32>,
    %swap3A_235 = arith.constant 1840 : index
    %swap3A_236 = tpu.vector_load %arg15[%swap3A_235] {strides = array<i32>} : memref<10112xf32, #tpu.memory_space<vmem>>, vector<16xf32>,
    tpu.vector_store %arg15[%swap3A_235], %broadcast_in_dim3A_5 {strides = array<i32>} : memref<10112xf32, #tpu.memory_space<vmem>>, vector<16xf32>,
    %swap3A_237 = arith.constant 1856 : index
    %swap3A_238 = tpu.vector_load %arg15[%swap3A_237] {strides = array<i32>} : memref<10112xf32, #tpu.memory_space<vmem>>, vector<16xf32>,
    tpu.vector_store %arg15[%swap3A_237], %broadcast_in_dim3A_5 {strides = array<i32>} : memref<10112xf32, #tpu.memory_space<vmem>>, vector<16xf32>,
    %swap3A_239 = arith.constant 1872 : index
    %swap3A_240 = tpu.vector_load %arg15[%swap3A_239] {strides = array<i32>} : memref<10112xf32, #tpu.memory_space<vmem>>, vector<16xf32>,
    tpu.vector_store %arg15[%swap3A_239], %broadcast_in_dim3A_5 {strides = array<i32>} : memref<10112xf32, #tpu.memory_space<vmem>>, vector<16xf32>,
    %swap3A_241 = arith.constant 1888 : index
    %swap3A_242 = tpu.vector_load %arg15[%swap3A_241] {strides = array<i32>} : memref<10112xf32, #tpu.memory_space<vmem>>, vector<16xf32>,
    tpu.vector_store %arg15[%swap3A_241], %broadcast_in_dim3A_5 {strides = array<i32>} : memref<10112xf32, #tpu.memory_space<vmem>>, vector<16xf32>,
    %swap3A_243 = arith.constant 1904 : index
    %swap3A_244 = tpu.vector_load %arg15[%swap3A_243] {strides = array<i32>} : memref<10112xf32, #tpu.memory_space<vmem>>, vector<16xf32>,
    tpu.vector_store %arg15[%swap3A_243], %broadcast_in_dim3A_5 {strides = array<i32>} : memref<10112xf32, #tpu.memory_space<vmem>>, vector<16xf32>,
    %swap3A_245 = arith.constant 1920 : index
    %swap3A_246 = tpu.vector_load %arg15[%swap3A_245] {strides = array<i32>} : memref<10112xf32, #tpu.memory_space<vmem>>, vector<16xf32>,
    tpu.vector_store %arg15[%swap3A_245], %broadcast_in_dim3A_5 {strides = array<i32>} : memref<10112xf32, #tpu.memory_space<vmem>>, vector<16xf32>,
    %swap3A_247 = arith.constant 1936 : index
    %swap3A_248 = tpu.vector_load %arg15[%swap3A_247] {strides = array<i32>} : memref<10112xf32, #tpu.memory_space<vmem>>, vector<16xf32>,
    tpu.vector_store %arg15[%swap3A_247], %broadcast_in_dim3A_5 {strides = array<i32>} : memref<10112xf32, #tpu.memory_space<vmem>>, vector<16xf32>,
    %swap3A_249 = arith.constant 1952 : index
    %swap3A_250 = tpu.vector_load %arg15[%swap3A_249] {strides = array<i32>} : memref<10112xf32, #tpu.memory_space<vmem>>, vector<16xf32>,
    tpu.vector_store %arg15[%swap3A_249], %broadcast_in_dim3A_5 {strides = array<i32>} : memref<10112xf32, #tpu.memory_space<vmem>>, vector<16xf32>,
    %swap3A_251 = arith.constant 1968 : index
    %swap3A_252 = tpu.vector_load %arg15[%swap3A_251] {strides = array<i32>} : memref<10112xf32, #tpu.memory_space<vmem>>, vector<16xf32>,
    tpu.vector_store %arg15[%swap3A_251], %broadcast_in_dim3A_5 {strides = array<i32>} : memref<10112xf32, #tpu.memory_space<vmem>>, vector<16xf32>,
    %swap3A_253 = arith.constant 1984 : index
    %swap3A_254 = tpu.vector_load %arg15[%swap3A_253] {strides = array<i32>} : memref<10112xf32, #tpu.memory_space<vmem>>, vector<16xf32>,
    tpu.vector_store %arg15[%swap3A_253], %broadcast_in_dim3A_5 {strides = array<i32>} : memref<10112xf32, #tpu.memory_space<vmem>>, vector<16xf32>,
    %swap3A_255 = arith.constant 2000 : index
    %swap3A_256 = tpu.vector_load %arg15[%swap3A_255] {strides = array<i32>} : memref<10112xf32, #tpu.memory_space<vmem>>, vector<16xf32>,
    tpu.vector_store %arg15[%swap3A_255], %broadcast_in_dim3A_5 {strides = array<i32>} : memref<10112xf32, #tpu.memory_space<vmem>>, vector<16xf32>,
    %swap3A_257 = arith.constant 2016 : index
    %swap3A_258 = tpu.vector_load %arg15[%swap3A_257] {strides = array<i32>} : memref<10112xf32, #tpu.memory_space<vmem>>, vector<16xf32>,
    tpu.vector_store %arg15[%swap3A_257], %broadcast_in_dim3A_5 {strides = array<i32>} : memref<10112xf32, #tpu.memory_space<vmem>>, vector<16xf32>,
    %swap3A_259 = arith.constant 2032 : index
    %swap3A_260 = tpu.vector_load %arg15[%swap3A_259] {strides = array<i32>} : memref<10112xf32, #tpu.memory_space<vmem>>, vector<16xf32>,
    tpu.vector_store %arg15[%swap3A_259], %broadcast_in_dim3A_5 {strides = array<i32>} : memref<10112xf32, #tpu.memory_space<vmem>>, vector<16xf32>,
    %swap3A_261 = arith.constant 2048 : index
    %swap3A_262 = tpu.vector_load %arg15[%swap3A_261] {strides = array<i32>} : memref<10112xf32, #tpu.memory_space<vmem>>, vector<16xf32>,
    tpu.vector_store %arg15[%swap3A_261], %broadcast_in_dim3A_5 {strides = array<i32>} : memref<10112xf32, #tpu.memory_space<vmem>>, vector<16xf32>,
    %swap3A_263 = arith.constant 2064 : index
    %swap3A_264 = tpu.vector_load %arg15[%swap3A_263] {strides = array<i32>} : memref<10112xf32, #tpu.memory_space<vmem>>, vector<16xf32>,
    tpu.vector_store %arg15[%swap3A_263], %broadcast_in_dim3A_5 {strides = array<i32>} : memref<10112xf32, #tpu.memory_space<vmem>>, vector<16xf32>,
    %swap3A_265 = arith.constant 2080 : index
    %swap3A_266 = tpu.vector_load %arg15[%swap3A_265] {strides = array<i32>} : memref<10112xf32, #tpu.memory_space<vmem>>, vector<16xf32>,
    tpu.vector_store %arg15[%swap3A_265], %broadcast_in_dim3A_5 {strides = array<i32>} : memref<10112xf32, #tpu.memory_space<vmem>>, vector<16xf32>,
    %swap3A_267 = arith.constant 2096 : index
    %swap3A_268 = tpu.vector_load %arg15[%swap3A_267] {strides = array<i32>} : memref<10112xf32, #tpu.memory_space<vmem>>, vector<16xf32>,
    tpu.vector_store %arg15[%swap3A_267], %broadcast_in_dim3A_5 {strides = array<i32>} : memref<10112xf32, #tpu.memory_space<vmem>>, vector<16xf32>,
    %swap3A_269 = arith.constant 2112 : index
    %swap3A_270 = tpu.vector_load %arg15[%swap3A_269] {strides = array<i32>} : memref<10112xf32, #tpu.memory_space<vmem>>, vector<16xf32>,
    tpu.vector_store %arg15[%swap3A_269], %broadcast_in_dim3A_5 {strides = array<i32>} : memref<10112xf32, #tpu.memory_space<vmem>>, vector<16xf32>,
    %swap3A_271 = arith.constant 2128 : index
    %swap3A_272 = tpu.vector_load %arg15[%swap3A_271] {strides = array<i32>} : memref<10112xf32, #tpu.memory_space<vmem>>, vector<16xf32>,
    tpu.vector_store %arg15[%swap3A_271], %broadcast_in_dim3A_5 {strides = array<i32>} : memref<10112xf32, #tpu.memory_space<vmem>>, vector<16xf32>,
    %swap3A_273 = arith.constant 2144 : index
    %swap3A_274 = tpu.vector_load %arg15[%swap3A_273] {strides = array<i32>} : memref<10112xf32, #tpu.memory_space<vmem>>, vector<16xf32>,
    tpu.vector_store %arg15[%swap3A_273], %broadcast_in_dim3A_5 {strides = array<i32>} : memref<10112xf32, #tpu.memory_space<vmem>>, vector<16xf32>,
    %swap3A_275 = arith.constant 2160 : index
    %swap3A_276 = tpu.vector_load %arg15[%swap3A_275] {strides = array<i32>} : memref<10112xf32, #tpu.memory_space<vmem>>, vector<16xf32>,
    tpu.vector_store %arg15[%swap3A_275], %broadcast_in_dim3A_5 {strides = array<i32>} : memref<10112xf32, #tpu.memory_space<vmem>>, vector<16xf32>,
    %swap3A_277 = arith.constant 2176 : index
    %swap3A_278 = tpu.vector_load %arg15[%swap3A_277] {strides = array<i32>} : memref<10112xf32, #tpu.memory_space<vmem>>, vector<16xf32>,
    tpu.vector_store %arg15[%swap3A_277], %broadcast_in_dim3A_5 {strides = array<i32>} : memref<10112xf32, #tpu.memory_space<vmem>>, vector<16xf32>,
    %swap3A_279 = arith.constant 2192 : index
    %swap3A_280 = tpu.vector_load %arg15[%swap3A_279] {strides = array<i32>} : memref<10112xf32, #tpu.memory_space<vmem>>, vector<16xf32>,
    tpu.vector_store %arg15[%swap3A_279], %broadcast_in_dim3A_5 {strides = array<i32>} : memref<10112xf32, #tpu.memory_space<vmem>>, vector<16xf32>,
    %swap3A_281 = arith.constant 2208 : index
    %swap3A_282 = tpu.vector_load %arg15[%swap3A_281] {strides = array<i32>} : memref<10112xf32, #tpu.memory_space<vmem>>, vector<16xf32>,
    tpu.vector_store %arg15[%swap3A_281], %broadcast_in_dim3A_5 {strides = array<i32>} : memref<10112xf32, #tpu.memory_space<vmem>>, vector<16xf32>,
    %swap3A_283 = arith.constant 2224 : index
    %swap3A_284 = tpu.vector_load %arg15[%swap3A_283] {strides = array<i32>} : memref<10112xf32, #tpu.memory_space<vmem>>, vector<16xf32>,
    tpu.vector_store %arg15[%swap3A_283], %broadcast_in_dim3A_5 {strides = array<i32>} : memref<10112xf32, #tpu.memory_space<vmem>>, vector<16xf32>,
    %swap3A_285 = arith.constant 2240 : index
    %swap3A_286 = tpu.vector_load %arg15[%swap3A_285] {strides = array<i32>} : memref<10112xf32, #tpu.memory_space<vmem>>, vector<16xf32>,
    tpu.vector_store %arg15[%swap3A_285], %broadcast_in_dim3A_5 {strides = array<i32>} : memref<10112xf32, #tpu.memory_space<vmem>>, vector<16xf32>,
    %swap3A_287 = arith.constant 2256 : index
    %swap3A_288 = tpu.vector_load %arg15[%swap3A_287] {strides = array<i32>} : memref<10112xf32, #tpu.memory_space<vmem>>, vector<16xf32>,
    tpu.vector_store %arg15[%swap3A_287], %broadcast_in_dim3A_5 {strides = array<i32>} : memref<10112xf32, #tpu.memory_space<vmem>>, vector<16xf32>,
    %swap3A_289 = arith.constant 2272 : index
    %swap3A_290 = tpu.vector_load %arg15[%swap3A_289] {strides = array<i32>} : memref<10112xf32, #tpu.memory_space<vmem>>, vector<16xf32>,
    tpu.vector_store %arg15[%swap3A_289], %broadcast_in_dim3A_5 {strides = array<i32>} : memref<10112xf32, #tpu.memory_space<vmem>>, vector<16xf32>,
    %swap3A_291 = arith.constant 2288 : index
    %swap3A_292 = tpu.vector_load %arg15[%swap3A_291] {strides = array<i32>} : memref<10112xf32, #tpu.memory_space<vmem>>, vector<16xf32>,
    tpu.vector_store %arg15[%swap3A_291], %broadcast_in_dim3A_5 {strides = array<i32>} : memref<10112xf32, #tpu.memory_space<vmem>>, vector<16xf32>,
    %swap3A_293 = arith.constant 2304 : index
    %swap3A_294 = tpu.vector_load %arg15[%swap3A_293] {strides = array<i32>} : memref<10112xf32, #tpu.memory_space<vmem>>, vector<16xf32>,
    tpu.vector_store %arg15[%swap3A_293], %broadcast_in_dim3A_5 {strides = array<i32>} : memref<10112xf32, #tpu.memory_space<vmem>>, vector<16xf32>,
    %swap3A_295 = arith.constant 2320 : index
    %swap3A_296 = tpu.vector_load %arg15[%swap3A_295] {strides = array<i32>} : memref<10112xf32, #tpu.memory_space<vmem>>, vector<16xf32>,
    tpu.vector_store %arg15[%swap3A_295], %broadcast_in_dim3A_5 {strides = array<i32>} : memref<10112xf32, #tpu.memory_space<vmem>>, vector<16xf32>,
    %swap3A_297 = arith.constant 2336 : index
    %swap3A_298 = tpu.vector_load %arg15[%swap3A_297] {strides = array<i32>} : memref<10112xf32, #tpu.memory_space<vmem>>, vector<16xf32>,
    tpu.vector_store %arg15[%swap3A_297], %broadcast_in_dim3A_5 {strides = array<i32>} : memref<10112xf32, #tpu.memory_space<vmem>>, vector<16xf32>,
    %swap3A_299 = arith.constant 2352 : index
    %swap3A_300 = tpu.vector_load %arg15[%swap3A_299] {strides = array<i32>} : memref<10112xf32, #tpu.memory_space<vmem>>, vector<16xf32>,
    tpu.vector_store %arg15[%swap3A_299], %broadcast_in_dim3A_5 {strides = array<i32>} : memref<10112xf32, #tpu.memory_space<vmem>>, vector<16xf32>,
    %swap3A_301 = arith.constant 2368 : index
    %swap3A_302 = tpu.vector_load %arg15[%swap3A_301] {strides = array<i32>} : memref<10112xf32, #tpu.memory_space<vmem>>, vector<16xf32>,
    tpu.vector_store %arg15[%swap3A_301], %broadcast_in_dim3A_5 {strides = array<i32>} : memref<10112xf32, #tpu.memory_space<vmem>>, vector<16xf32>,
    %swap3A_303 = arith.constant 2384 : index
    %swap3A_304 = tpu.vector_load %arg15[%swap3A_303] {strides = array<i32>} : memref<10112xf32, #tpu.memory_space<vmem>>, vector<16xf32>,
    tpu.vector_store %arg15[%swap3A_303], %broadcast_in_dim3A_5 {strides = array<i32>} : memref<10112xf32, #tpu.memory_space<vmem>>, vector<16xf32>,
    %swap3A_305 = arith.constant 2400 : index
    %swap3A_306 = tpu.vector_load %arg15[%swap3A_305] {strides = array<i32>} : memref<10112xf32, #tpu.memory_space<vmem>>, vector<16xf32>,
    tpu.vector_store %arg15[%swap3A_305], %broadcast_in_dim3A_5 {strides = array<i32>} : memref<10112xf32, #tpu.memory_space<vmem>>, vector<16xf32>,
    %swap3A_307 = arith.constant 2416 : index
    %swap3A_308 = tpu.vector_load %arg15[%swap3A_307] {strides = array<i32>} : memref<10112xf32, #tpu.memory_space<vmem>>, vector<16xf32>,
    tpu.vector_store %arg15[%swap3A_307], %broadcast_in_dim3A_5 {strides = array<i32>} : memref<10112xf32, #tpu.memory_space<vmem>>, vector<16xf32>,
    %swap3A_309 = arith.constant 2432 : index
    %swap3A_310 = tpu.vector_load %arg15[%swap3A_309] {strides = array<i32>} : memref<10112xf32, #tpu.memory_space<vmem>>, vector<16xf32>,
    tpu.vector_store %arg15[%swap3A_309], %broadcast_in_dim3A_5 {strides = array<i32>} : memref<10112xf32, #tpu.memory_space<vmem>>, vector<16xf32>,
    %swap3A_311 = arith.constant 2448 : index
    %swap3A_312 = tpu.vector_load %arg15[%swap3A_311] {strides = array<i32>} : memref<10112xf32, #tpu.memory_space<vmem>>, vector<16xf32>,
    tpu.vector_store %arg15[%swap3A_311], %broadcast_in_dim3A_5 {strides = array<i32>} : memref<10112xf32, #tpu.memory_space<vmem>>, vector<16xf32>,
    %swap3A_313 = arith.constant 2464 : index
    %swap3A_314 = tpu.vector_load %arg15[%swap3A_313] {strides = array<i32>} : memref<10112xf32, #tpu.memory_space<vmem>>, vector<16xf32>,
    tpu.vector_store %arg15[%swap3A_313], %broadcast_in_dim3A_5 {strides = array<i32>} : memref<10112xf32, #tpu.memory_space<vmem>>, vector<16xf32>,
    %swap3A_315 = arith.constant 2480 : index
    %swap3A_316 = tpu.vector_load %arg15[%swap3A_315] {strides = array<i32>} : memref<10112xf32, #tpu.memory_space<vmem>>, vector<16xf32>,
    tpu.vector_store %arg15[%swap3A_315], %broadcast_in_dim3A_5 {strides = array<i32>} : memref<10112xf32, #tpu.memory_space<vmem>>, vector<16xf32>,
    %swap3A_317 = arith.constant 2496 : index
    %swap3A_318 = tpu.vector_load %arg15[%swap3A_317] {strides = array<i32>} : memref<10112xf32, #tpu.memory_space<vmem>>, vector<16xf32>,
    tpu.vector_store %arg15[%swap3A_317], %broadcast_in_dim3A_5 {strides = array<i32>} : memref<10112xf32, #tpu.memory_space<vmem>>, vector<16xf32>,
    %swap3A_319 = arith.constant 2512 : index
    %swap3A_320 = tpu.vector_load %arg15[%swap3A_319] {strides = array<i32>} : memref<10112xf32, #tpu.memory_space<vmem>>, vector<16xf32>,
    tpu.vector_store %arg15[%swap3A_319], %broadcast_in_dim3A_5 {strides = array<i32>} : memref<10112xf32, #tpu.memory_space<vmem>>, vector<16xf32>,
    %swap3A_321 = arith.constant 2528 : index
    %swap3A_322 = tpu.vector_load %arg15[%swap3A_321] {strides = array<i32>} : memref<10112xf32, #tpu.memory_space<vmem>>, vector<16xf32>,
    tpu.vector_store %arg15[%swap3A_321], %broadcast_in_dim3A_5 {strides = array<i32>} : memref<10112xf32, #tpu.memory_space<vmem>>, vector<16xf32>,
    %swap3A_323 = arith.constant 2544 : index
    %swap3A_324 = tpu.vector_load %arg15[%swap3A_323] {strides = array<i32>} : memref<10112xf32, #tpu.memory_space<vmem>>, vector<16xf32>,
    tpu.vector_store %arg15[%swap3A_323], %broadcast_in_dim3A_5 {strides = array<i32>} : memref<10112xf32, #tpu.memory_space<vmem>>, vector<16xf32>,
    %swap3A_325 = arith.constant 2560 : index
    %swap3A_326 = tpu.vector_load %arg15[%swap3A_325] {strides = array<i32>} : memref<10112xf32, #tpu.memory_space<vmem>>, vector<16xf32>,
    tpu.vector_store %arg15[%swap3A_325], %broadcast_in_dim3A_5 {strides = array<i32>} : memref<10112xf32, #tpu.memory_space<vmem>>, vector<16xf32>,
    %swap3A_327 = arith.constant 2576 : index
    %swap3A_328 = tpu.vector_load %arg15[%swap3A_327] {strides = array<i32>} : memref<10112xf32, #tpu.memory_space<vmem>>, vector<16xf32>,
    tpu.vector_store %arg15[%swap3A_327], %broadcast_in_dim3A_5 {strides = array<i32>} : memref<10112xf32, #tpu.memory_space<vmem>>, vector<16xf32>,
    %swap3A_329 = arith.constant 2592 : index
    %swap3A_330 = tpu.vector_load %arg15[%swap3A_329] {strides = array<i32>} : memref<10112xf32, #tpu.memory_space<vmem>>, vector<16xf32>,
    tpu.vector_store %arg15[%swap3A_329], %broadcast_in_dim3A_5 {strides = array<i32>} : memref<10112xf32, #tpu.memory_space<vmem>>, vector<16xf32>,
    %swap3A_331 = arith.constant 2608 : index
    %swap3A_332 = tpu.vector_load %arg15[%swap3A_331] {strides = array<i32>} : memref<10112xf32, #tpu.memory_space<vmem>>, vector<16xf32>,
    tpu.vector_store %arg15[%swap3A_331], %broadcast_in_dim3A_5 {strides = array<i32>} : memref<10112xf32, #tpu.memory_space<vmem>>, vector<16xf32>,
    %swap3A_333 = arith.constant 2624 : index
    %swap3A_334 = tpu.vector_load %arg15[%swap3A_333] {strides = array<i32>} : memref<10112xf32, #tpu.memory_space<vmem>>, vector<16xf32>,
    tpu.vector_store %arg15[%swap3A_333], %broadcast_in_dim3A_5 {strides = array<i32>} : memref<10112xf32, #tpu.memory_space<vmem>>, vector<16xf32>,
    %swap3A_335 = arith.constant 2640 : index
    %swap3A_336 = tpu.vector_load %arg15[%swap3A_335] {strides = array<i32>} : memref<10112xf32, #tpu.memory_space<vmem>>, vector<16xf32>,
    tpu.vector_store %arg15[%swap3A_335], %broadcast_in_dim3A_5 {strides = array<i32>} : memref<10112xf32, #tpu.memory_space<vmem>>, vector<16xf32>,
    %swap3A_337 = arith.constant 2656 : index
    %swap3A_338 = tpu.vector_load %arg15[%swap3A_337] {strides = array<i32>} : memref<10112xf32, #tpu.memory_space<vmem>>, vector<16xf32>,
    tpu.vector_store %arg15[%swap3A_337], %broadcast_in_dim3A_5 {strides = array<i32>} : memref<10112xf32, #tpu.memory_space<vmem>>, vector<16xf32>,
    %swap3A_339 = arith.constant 2672 : index
    %swap3A_340 = tpu.vector_load %arg15[%swap3A_339] {strides = array<i32>} : memref<10112xf32, #tpu.memory_space<vmem>>, vector<16xf32>,
    tpu.vector_store %arg15[%swap3A_339], %broadcast_in_dim3A_5 {strides = array<i32>} : memref<10112xf32, #tpu.memory_space<vmem>>, vector<16xf32>,
    %swap3A_341 = arith.constant 2688 : index
    %swap3A_342 = tpu.vector_load %arg15[%swap3A_341] {strides = array<i32>} : memref<10112xf32, #tpu.memory_space<vmem>>, vector<16xf32>,
    tpu.vector_store %arg15[%swap3A_341], %broadcast_in_dim3A_5 {strides = array<i32>} : memref<10112xf32, #tpu.memory_space<vmem>>, vector<16xf32>,
    %swap3A_343 = arith.constant 2704 : index
    %swap3A_344 = tpu.vector_load %arg15[%swap3A_343] {strides = array<i32>} : memref<10112xf32, #tpu.memory_space<vmem>>, vector<16xf32>,
    tpu.vector_store %arg15[%swap3A_343], %broadcast_in_dim3A_5 {strides = array<i32>} : memref<10112xf32, #tpu.memory_space<vmem>>, vector<16xf32>,
    %swap3A_345 = arith.constant 2720 : index
    %swap3A_346 = tpu.vector_load %arg15[%swap3A_345] {strides = array<i32>} : memref<10112xf32, #tpu.memory_space<vmem>>, vector<16xf32>,
    tpu.vector_store %arg15[%swap3A_345], %broadcast_in_dim3A_5 {strides = array<i32>} : memref<10112xf32, #tpu.memory_space<vmem>>, vector<16xf32>,
    %swap3A_347 = arith.constant 2736 : index
    %swap3A_348 = tpu.vector_load %arg15[%swap3A_347] {strides = array<i32>} : memref<10112xf32, #tpu.memory_space<vmem>>, vector<16xf32>,
    tpu.vector_store %arg15[%swap3A_347], %broadcast_in_dim3A_5 {strides = array<i32>} : memref<10112xf32, #tpu.memory_space<vmem>>, vector<16xf32>,
    %swap3A_349 = arith.constant 2752 : index
    %swap3A_350 = tpu.vector_load %arg15[%swap3A_349] {strides = array<i32>} : memref<10112xf32, #tpu.memory_space<vmem>>, vector<16xf32>,
    tpu.vector_store %arg15[%swap3A_349], %broadcast_in_dim3A_5 {strides = array<i32>} : memref<10112xf32, #tpu.memory_space<vmem>>, vector<16xf32>,
    %swap3A_351 = arith.constant 2768 : index
    %swap3A_352 = tpu.vector_load %arg15[%swap3A_351] {strides = array<i32>} : memref<10112xf32, #tpu.memory_space<vmem>>, vector<16xf32>,
    tpu.vector_store %arg15[%swap3A_351], %broadcast_in_dim3A_5 {strides = array<i32>} : memref<10112xf32, #tpu.memory_space<vmem>>, vector<16xf32>,
    %swap3A_353 = arith.constant 2784 : index
    %swap3A_354 = tpu.vector_load %arg15[%swap3A_353] {strides = array<i32>} : memref<10112xf32, #tpu.memory_space<vmem>>, vector<16xf32>,
    tpu.vector_store %arg15[%swap3A_353], %broadcast_in_dim3A_5 {strides = array<i32>} : memref<10112xf32, #tpu.memory_space<vmem>>, vector<16xf32>,
    %swap3A_355 = arith.constant 2800 : index
    %swap3A_356 = tpu.vector_load %arg15[%swap3A_355] {strides = array<i32>} : memref<10112xf32, #tpu.memory_space<vmem>>, vector<16xf32>,
    tpu.vector_store %arg15[%swap3A_355], %broadcast_in_dim3A_5 {strides = array<i32>} : memref<10112xf32, #tpu.memory_space<vmem>>, vector<16xf32>,
    %swap3A_357 = arith.constant 2816 : index
    %swap3A_358 = tpu.vector_load %arg15[%swap3A_357] {strides = array<i32>} : memref<10112xf32, #tpu.memory_space<vmem>>, vector<16xf32>,
    tpu.vector_store %arg15[%swap3A_357], %broadcast_in_dim3A_5 {strides = array<i32>} : memref<10112xf32, #tpu.memory_space<vmem>>, vector<16xf32>,
    %swap3A_359 = arith.constant 2832 : index
    %swap3A_360 = tpu.vector_load %arg15[%swap3A_359] {strides = array<i32>} : memref<10112xf32, #tpu.memory_space<vmem>>, vector<16xf32>,
    tpu.vector_store %arg15[%swap3A_359], %broadcast_in_dim3A_5 {strides = array<i32>} : memref<10112xf32, #tpu.memory_space<vmem>>, vector<16xf32>,
    %swap3A_361 = arith.constant 2848 : index
    %swap3A_362 = tpu.vector_load %arg15[%swap3A_361] {strides = array<i32>} : memref<10112xf32, #tpu.memory_space<vmem>>, vector<16xf32>,
    tpu.vector_store %arg15[%swap3A_361], %broadcast_in_dim3A_5 {strides = array<i32>} : memref<10112xf32, #tpu.memory_space<vmem>>, vector<16xf32>,
    %swap3A_363 = arith.constant 2864 : index
    %swap3A_364 = tpu.vector_load %arg15[%swap3A_363] {strides = array<i32>} : memref<10112xf32, #tpu.memory_space<vmem>>, vector<16xf32>,
    tpu.vector_store %arg15[%swap3A_363], %broadcast_in_dim3A_5 {strides = array<i32>} : memref<10112xf32, #tpu.memory_space<vmem>>, vector<16xf32>,
    %swap3A_365 = arith.constant 2880 : index
    %swap3A_366 = tpu.vector_load %arg15[%swap3A_365] {strides = array<i32>} : memref<10112xf32, #tpu.memory_space<vmem>>, vector<16xf32>,
    tpu.vector_store %arg15[%swap3A_365], %broadcast_in_dim3A_5 {strides = array<i32>} : memref<10112xf32, #tpu.memory_space<vmem>>, vector<16xf32>,
    %swap3A_367 = arith.constant 2896 : index
    %swap3A_368 = tpu.vector_load %arg15[%swap3A_367] {strides = array<i32>} : memref<10112xf32, #tpu.memory_space<vmem>>, vector<16xf32>,
    tpu.vector_store %arg15[%swap3A_367], %broadcast_in_dim3A_5 {strides = array<i32>} : memref<10112xf32, #tpu.memory_space<vmem>>, vector<16xf32>,
    %swap3A_369 = arith.constant 2912 : index
    %swap3A_370 = tpu.vector_load %arg15[%swap3A_369] {strides = array<i32>} : memref<10112xf32, #tpu.memory_space<vmem>>, vector<16xf32>,
    tpu.vector_store %arg15[%swap3A_369], %broadcast_in_dim3A_5 {strides = array<i32>} : memref<10112xf32, #tpu.memory_space<vmem>>, vector<16xf32>,
    %swap3A_371 = arith.constant 2928 : index
    %swap3A_372 = tpu.vector_load %arg15[%swap3A_371] {strides = array<i32>} : memref<10112xf32, #tpu.memory_space<vmem>>, vector<16xf32>,
    tpu.vector_store %arg15[%swap3A_371], %broadcast_in_dim3A_5 {strides = array<i32>} : memref<10112xf32, #tpu.memory_space<vmem>>, vector<16xf32>,
    %swap3A_373 = arith.constant 2944 : index
    %swap3A_374 = tpu.vector_load %arg15[%swap3A_373] {strides = array<i32>} : memref<10112xf32, #tpu.memory_space<vmem>>, vector<16xf32>,
    tpu.vector_store %arg15[%swap3A_373], %broadcast_in_dim3A_5 {strides = array<i32>} : memref<10112xf32, #tpu.memory_space<vmem>>, vector<16xf32>,
    %swap3A_375 = arith.constant 2960 : index
    %swap3A_376 = tpu.vector_load %arg15[%swap3A_375] {strides = array<i32>} : memref<10112xf32, #tpu.memory_space<vmem>>, vector<16xf32>,
    tpu.vector_store %arg15[%swap3A_375], %broadcast_in_dim3A_5 {strides = array<i32>} : memref<10112xf32, #tpu.memory_space<vmem>>, vector<16xf32>,
    %swap3A_377 = arith.constant 2976 : index
    %swap3A_378 = tpu.vector_load %arg15[%swap3A_377] {strides = array<i32>} : memref<10112xf32, #tpu.memory_space<vmem>>, vector<16xf32>,
    tpu.vector_store %arg15[%swap3A_377], %broadcast_in_dim3A_5 {strides = array<i32>} : memref<10112xf32, #tpu.memory_space<vmem>>, vector<16xf32>,
    %swap3A_379 = arith.constant 2992 : index
    %swap3A_380 = tpu.vector_load %arg15[%swap3A_379] {strides = array<i32>} : memref<10112xf32, #tpu.memory_space<vmem>>, vector<16xf32>,
    tpu.vector_store %arg15[%swap3A_379], %broadcast_in_dim3A_5 {strides = array<i32>} : memref<10112xf32, #tpu.memory_space<vmem>>, vector<16xf32>,
    %swap3A_381 = arith.constant 3008 : index
    %swap3A_382 = tpu.vector_load %arg15[%swap3A_381] {strides = array<i32>} : memref<10112xf32, #tpu.memory_space<vmem>>, vector<16xf32>,
    tpu.vector_store %arg15[%swap3A_381], %broadcast_in_dim3A_5 {strides = array<i32>} : memref<10112xf32, #tpu.memory_space<vmem>>, vector<16xf32>,
    %swap3A_383 = arith.constant 3024 : index
    %swap3A_384 = tpu.vector_load %arg15[%swap3A_383] {strides = array<i32>} : memref<10112xf32, #tpu.memory_space<vmem>>, vector<16xf32>,
    tpu.vector_store %arg15[%swap3A_383], %broadcast_in_dim3A_5 {strides = array<i32>} : memref<10112xf32, #tpu.memory_space<vmem>>, vector<16xf32>,
    %swap3A_385 = arith.constant 3040 : index
    %swap3A_386 = tpu.vector_load %arg15[%swap3A_385] {strides = array<i32>} : memref<10112xf32, #tpu.memory_space<vmem>>, vector<16xf32>,
    tpu.vector_store %arg15[%swap3A_385], %broadcast_in_dim3A_5 {strides = array<i32>} : memref<10112xf32, #tpu.memory_space<vmem>>, vector<16xf32>,
    %swap3A_387 = arith.constant 3056 : index
    %swap3A_388 = tpu.vector_load %arg15[%swap3A_387] {strides = array<i32>} : memref<10112xf32, #tpu.memory_space<vmem>>, vector<16xf32>,
    tpu.vector_store %arg15[%swap3A_387], %broadcast_in_dim3A_5 {strides = array<i32>} : memref<10112xf32, #tpu.memory_space<vmem>>, vector<16xf32>,
    %swap3A_389 = arith.constant 3072 : index
    %swap3A_390 = tpu.vector_load %arg15[%swap3A_389] {strides = array<i32>} : memref<10112xf32, #tpu.memory_space<vmem>>, vector<16xf32>,
    tpu.vector_store %arg15[%swap3A_389], %broadcast_in_dim3A_5 {strides = array<i32>} : memref<10112xf32, #tpu.memory_space<vmem>>, vector<16xf32>,
    %swap3A_391 = arith.constant 3088 : index
    %swap3A_392 = tpu.vector_load %arg15[%swap3A_391] {strides = array<i32>} : memref<10112xf32, #tpu.memory_space<vmem>>, vector<16xf32>,
    tpu.vector_store %arg15[%swap3A_391], %broadcast_in_dim3A_5 {strides = array<i32>} : memref<10112xf32, #tpu.memory_space<vmem>>, vector<16xf32>,
    %swap3A_393 = arith.constant 3104 : index
    %swap3A_394 = tpu.vector_load %arg15[%swap3A_393] {strides = array<i32>} : memref<10112xf32, #tpu.memory_space<vmem>>, vector<16xf32>,
    tpu.vector_store %arg15[%swap3A_393], %broadcast_in_dim3A_5 {strides = array<i32>} : memref<10112xf32, #tpu.memory_space<vmem>>, vector<16xf32>,
    %swap3A_395 = arith.constant 3120 : index
    %swap3A_396 = tpu.vector_load %arg15[%swap3A_395] {strides = array<i32>} : memref<10112xf32, #tpu.memory_space<vmem>>, vector<16xf32>,
    tpu.vector_store %arg15[%swap3A_395], %broadcast_in_dim3A_5 {strides = array<i32>} : memref<10112xf32, #tpu.memory_space<vmem>>, vector<16xf32>,
    %swap3A_397 = arith.constant 3136 : index
    %swap3A_398 = tpu.vector_load %arg15[%swap3A_397] {strides = array<i32>} : memref<10112xf32, #tpu.memory_space<vmem>>, vector<16xf32>,
    tpu.vector_store %arg15[%swap3A_397], %broadcast_in_dim3A_5 {strides = array<i32>} : memref<10112xf32, #tpu.memory_space<vmem>>, vector<16xf32>,
    %swap3A_399 = arith.constant 3152 : index
    %swap3A_400 = tpu.vector_load %arg15[%swap3A_399] {strides = array<i32>} : memref<10112xf32, #tpu.memory_space<vmem>>, vector<16xf32>,
    tpu.vector_store %arg15[%swap3A_399], %broadcast_in_dim3A_5 {strides = array<i32>} : memref<10112xf32, #tpu.memory_space<vmem>>, vector<16xf32>,
    %swap3A_401 = arith.constant 3168 : index
    %swap3A_402 = tpu.vector_load %arg15[%swap3A_401] {strides = array<i32>} : memref<10112xf32, #tpu.memory_space<vmem>>, vector<16xf32>,
    tpu.vector_store %arg15[%swap3A_401], %broadcast_in_dim3A_5 {strides = array<i32>} : memref<10112xf32, #tpu.memory_space<vmem>>, vector<16xf32>,
    %swap3A_403 = arith.constant 3184 : index
    %swap3A_404 = tpu.vector_load %arg15[%swap3A_403] {strides = array<i32>} : memref<10112xf32, #tpu.memory_space<vmem>>, vector<16xf32>,
    tpu.vector_store %arg15[%swap3A_403], %broadcast_in_dim3A_5 {strides = array<i32>} : memref<10112xf32, #tpu.memory_space<vmem>>, vector<16xf32>,
    %swap3A_405 = arith.constant 3200 : index
    %swap3A_406 = tpu.vector_load %arg15[%swap3A_405] {strides = array<i32>} : memref<10112xf32, #tpu.memory_space<vmem>>, vector<16xf32>,
    tpu.vector_store %arg15[%swap3A_405], %broadcast_in_dim3A_5 {strides = array<i32>} : memref<10112xf32, #tpu.memory_space<vmem>>, vector<16xf32>,
    %swap3A_407 = arith.constant 3216 : index
    %swap3A_408 = tpu.vector_load %arg15[%swap3A_407] {strides = array<i32>} : memref<10112xf32, #tpu.memory_space<vmem>>, vector<16xf32>,
    tpu.vector_store %arg15[%swap3A_407], %broadcast_in_dim3A_5 {strides = array<i32>} : memref<10112xf32, #tpu.memory_space<vmem>>, vector<16xf32>,
    %swap3A_409 = arith.constant 3232 : index
    %swap3A_410 = tpu.vector_load %arg15[%swap3A_409] {strides = array<i32>} : memref<10112xf32, #tpu.memory_space<vmem>>, vector<16xf32>,
    tpu.vector_store %arg15[%swap3A_409], %broadcast_in_dim3A_5 {strides = array<i32>} : memref<10112xf32, #tpu.memory_space<vmem>>, vector<16xf32>,
    %swap3A_411 = arith.constant 3248 : index
    %swap3A_412 = tpu.vector_load %arg15[%swap3A_411] {strides = array<i32>} : memref<10112xf32, #tpu.memory_space<vmem>>, vector<16xf32>,
    tpu.vector_store %arg15[%swap3A_411], %broadcast_in_dim3A_5 {strides = array<i32>} : memref<10112xf32, #tpu.memory_space<vmem>>, vector<16xf32>,
    %swap3A_413 = arith.constant 3264 : index
    %swap3A_414 = tpu.vector_load %arg15[%swap3A_413] {strides = array<i32>} : memref<10112xf32, #tpu.memory_space<vmem>>, vector<16xf32>,
    tpu.vector_store %arg15[%swap3A_413], %broadcast_in_dim3A_5 {strides = array<i32>} : memref<10112xf32, #tpu.memory_space<vmem>>, vector<16xf32>,
    %swap3A_415 = arith.constant 3280 : index
    %swap3A_416 = tpu.vector_load %arg15[%swap3A_415] {strides = array<i32>} : memref<10112xf32, #tpu.memory_space<vmem>>, vector<16xf32>,
    tpu.vector_store %arg15[%swap3A_415], %broadcast_in_dim3A_5 {strides = array<i32>} : memref<10112xf32, #tpu.memory_space<vmem>>, vector<16xf32>,
    %swap3A_417 = arith.constant 3296 : index
    %swap3A_418 = tpu.vector_load %arg15[%swap3A_417] {strides = array<i32>} : memref<10112xf32, #tpu.memory_space<vmem>>, vector<16xf32>,
    tpu.vector_store %arg15[%swap3A_417], %broadcast_in_dim3A_5 {strides = array<i32>} : memref<10112xf32, #tpu.memory_space<vmem>>, vector<16xf32>,
    %swap3A_419 = arith.constant 3312 : index
    %swap3A_420 = tpu.vector_load %arg15[%swap3A_419] {strides = array<i32>} : memref<10112xf32, #tpu.memory_space<vmem>>, vector<16xf32>,
    tpu.vector_store %arg15[%swap3A_419], %broadcast_in_dim3A_5 {strides = array<i32>} : memref<10112xf32, #tpu.memory_space<vmem>>, vector<16xf32>,
    %swap3A_421 = arith.constant 3328 : index
    %swap3A_422 = tpu.vector_load %arg15[%swap3A_421] {strides = array<i32>} : memref<10112xf32, #tpu.memory_space<vmem>>, vector<16xf32>,
    tpu.vector_store %arg15[%swap3A_421], %broadcast_in_dim3A_5 {strides = array<i32>} : memref<10112xf32, #tpu.memory_space<vmem>>, vector<16xf32>,
    %swap3A_423 = arith.constant 3344 : index
    %swap3A_424 = tpu.vector_load %arg15[%swap3A_423] {strides = array<i32>} : memref<10112xf32, #tpu.memory_space<vmem>>, vector<16xf32>,
    tpu.vector_store %arg15[%swap3A_423], %broadcast_in_dim3A_5 {strides = array<i32>} : memref<10112xf32, #tpu.memory_space<vmem>>, vector<16xf32>,
    %swap3A_425 = arith.constant 3360 : index
    %swap3A_426 = tpu.vector_load %arg15[%swap3A_425] {strides = array<i32>} : memref<10112xf32, #tpu.memory_space<vmem>>, vector<16xf32>,
    tpu.vector_store %arg15[%swap3A_425], %broadcast_in_dim3A_5 {strides = array<i32>} : memref<10112xf32, #tpu.memory_space<vmem>>, vector<16xf32>,
    %swap3A_427 = arith.constant 3376 : index
    %swap3A_428 = tpu.vector_load %arg15[%swap3A_427] {strides = array<i32>} : memref<10112xf32, #tpu.memory_space<vmem>>, vector<16xf32>,
    tpu.vector_store %arg15[%swap3A_427], %broadcast_in_dim3A_5 {strides = array<i32>} : memref<10112xf32, #tpu.memory_space<vmem>>, vector<16xf32>,
    %swap3A_429 = arith.constant 3392 : index
    %swap3A_430 = tpu.vector_load %arg15[%swap3A_429] {strides = array<i32>} : memref<10112xf32, #tpu.memory_space<vmem>>, vector<16xf32>,
    tpu.vector_store %arg15[%swap3A_429], %broadcast_in_dim3A_5 {strides = array<i32>} : memref<10112xf32, #tpu.memory_space<vmem>>, vector<16xf32>,
    %swap3A_431 = arith.constant 3408 : index
    %swap3A_432 = tpu.vector_load %arg15[%swap3A_431] {strides = array<i32>} : memref<10112xf32, #tpu.memory_space<vmem>>, vector<16xf32>,
    tpu.vector_store %arg15[%swap3A_431], %broadcast_in_dim3A_5 {strides = array<i32>} : memref<10112xf32, #tpu.memory_space<vmem>>, vector<16xf32>,
    %swap3A_433 = arith.constant 3424 : index
    %swap3A_434 = tpu.vector_load %arg15[%swap3A_433] {strides = array<i32>} : memref<10112xf32, #tpu.memory_space<vmem>>, vector<16xf32>,
    tpu.vector_store %arg15[%swap3A_433], %broadcast_in_dim3A_5 {strides = array<i32>} : memref<10112xf32, #tpu.memory_space<vmem>>, vector<16xf32>,
    %swap3A_435 = arith.constant 3440 : index
    %swap3A_436 = tpu.vector_load %arg15[%swap3A_435] {strides = array<i32>} : memref<10112xf32, #tpu.memory_space<vmem>>, vector<16xf32>,
    tpu.vector_store %arg15[%swap3A_435], %broadcast_in_dim3A_5 {strides = array<i32>} : memref<10112xf32, #tpu.memory_space<vmem>>, vector<16xf32>,
    %swap3A_437 = arith.constant 3456 : index
    %swap3A_438 = tpu.vector_load %arg15[%swap3A_437] {strides = array<i32>} : memref<10112xf32, #tpu.memory_space<vmem>>, vector<16xf32>,
    tpu.vector_store %arg15[%swap3A_437], %broadcast_in_dim3A_5 {strides = array<i32>} : memref<10112xf32, #tpu.memory_space<vmem>>, vector<16xf32>,
    %swap3A_439 = arith.constant 3472 : index
    %swap3A_440 = tpu.vector_load %arg15[%swap3A_439] {strides = array<i32>} : memref<10112xf32, #tpu.memory_space<vmem>>, vector<16xf32>,
    tpu.vector_store %arg15[%swap3A_439], %broadcast_in_dim3A_5 {strides = array<i32>} : memref<10112xf32, #tpu.memory_space<vmem>>, vector<16xf32>,
    %swap3A_441 = arith.constant 3488 : index
    %swap3A_442 = tpu.vector_load %arg15[%swap3A_441] {strides = array<i32>} : memref<10112xf32, #tpu.memory_space<vmem>>, vector<16xf32>,
    tpu.vector_store %arg15[%swap3A_441], %broadcast_in_dim3A_5 {strides = array<i32>} : memref<10112xf32, #tpu.memory_space<vmem>>, vector<16xf32>,
    %swap3A_443 = arith.constant 3504 : index
    %swap3A_444 = tpu.vector_load %arg15[%swap3A_443] {strides = array<i32>} : memref<10112xf32, #tpu.memory_space<vmem>>, vector<16xf32>,
    tpu.vector_store %arg15[%swap3A_443], %broadcast_in_dim3A_5 {strides = array<i32>} : memref<10112xf32, #tpu.memory_space<vmem>>, vector<16xf32>,
    %swap3A_445 = arith.constant 3520 : index
    %swap3A_446 = tpu.vector_load %arg15[%swap3A_445] {strides = array<i32>} : memref<10112xf32, #tpu.memory_space<vmem>>, vector<16xf32>,
    tpu.vector_store %arg15[%swap3A_445], %broadcast_in_dim3A_5 {strides = array<i32>} : memref<10112xf32, #tpu.memory_space<vmem>>, vector<16xf32>,
    %swap3A_447 = arith.constant 3536 : index
    %swap3A_448 = tpu.vector_load %arg15[%swap3A_447] {strides = array<i32>} : memref<10112xf32, #tpu.memory_space<vmem>>, vector<16xf32>,
    tpu.vector_store %arg15[%swap3A_447], %broadcast_in_dim3A_5 {strides = array<i32>} : memref<10112xf32, #tpu.memory_space<vmem>>, vector<16xf32>,
    %swap3A_449 = arith.constant 3552 : index
    %swap3A_450 = tpu.vector_load %arg15[%swap3A_449] {strides = array<i32>} : memref<10112xf32, #tpu.memory_space<vmem>>, vector<16xf32>,
    tpu.vector_store %arg15[%swap3A_449], %broadcast_in_dim3A_5 {strides = array<i32>} : memref<10112xf32, #tpu.memory_space<vmem>>, vector<16xf32>,
    %swap3A_451 = arith.constant 3568 : index
    %swap3A_452 = tpu.vector_load %arg15[%swap3A_451] {strides = array<i32>} : memref<10112xf32, #tpu.memory_space<vmem>>, vector<16xf32>,
    tpu.vector_store %arg15[%swap3A_451], %broadcast_in_dim3A_5 {strides = array<i32>} : memref<10112xf32, #tpu.memory_space<vmem>>, vector<16xf32>,
    %swap3A_453 = arith.constant 3584 : index
    %swap3A_454 = tpu.vector_load %arg15[%swap3A_453] {strides = array<i32>} : memref<10112xf32, #tpu.memory_space<vmem>>, vector<16xf32>,
    tpu.vector_store %arg15[%swap3A_453], %broadcast_in_dim3A_5 {strides = array<i32>} : memref<10112xf32, #tpu.memory_space<vmem>>, vector<16xf32>,
    %swap3A_455 = arith.constant 3600 : index
    %swap3A_456 = tpu.vector_load %arg15[%swap3A_455] {strides = array<i32>} : memref<10112xf32, #tpu.memory_space<vmem>>, vector<16xf32>,
    tpu.vector_store %arg15[%swap3A_455], %broadcast_in_dim3A_5 {strides = array<i32>} : memref<10112xf32, #tpu.memory_space<vmem>>, vector<16xf32>,
    %swap3A_457 = arith.constant 3616 : index
    %swap3A_458 = tpu.vector_load %arg15[%swap3A_457] {strides = array<i32>} : memref<10112xf32, #tpu.memory_space<vmem>>, vector<16xf32>,
    tpu.vector_store %arg15[%swap3A_457], %broadcast_in_dim3A_5 {strides = array<i32>} : memref<10112xf32, #tpu.memory_space<vmem>>, vector<16xf32>,
    %swap3A_459 = arith.constant 3632 : index
    %swap3A_460 = tpu.vector_load %arg15[%swap3A_459] {strides = array<i32>} : memref<10112xf32, #tpu.memory_space<vmem>>, vector<16xf32>,
    tpu.vector_store %arg15[%swap3A_459], %broadcast_in_dim3A_5 {strides = array<i32>} : memref<10112xf32, #tpu.memory_space<vmem>>, vector<16xf32>,
    %swap3A_461 = arith.constant 3648 : index
    %swap3A_462 = tpu.vector_load %arg15[%swap3A_461] {strides = array<i32>} : memref<10112xf32, #tpu.memory_space<vmem>>, vector<16xf32>,
    tpu.vector_store %arg15[%swap3A_461], %broadcast_in_dim3A_5 {strides = array<i32>} : memref<10112xf32, #tpu.memory_space<vmem>>, vector<16xf32>,
    %swap3A_463 = arith.constant 3664 : index
    %swap3A_464 = tpu.vector_load %arg15[%swap3A_463] {strides = array<i32>} : memref<10112xf32, #tpu.memory_space<vmem>>, vector<16xf32>,
    tpu.vector_store %arg15[%swap3A_463], %broadcast_in_dim3A_5 {strides = array<i32>} : memref<10112xf32, #tpu.memory_space<vmem>>, vector<16xf32>,
    %swap3A_465 = arith.constant 3680 : index
    %swap3A_466 = tpu.vector_load %arg15[%swap3A_465] {strides = array<i32>} : memref<10112xf32, #tpu.memory_space<vmem>>, vector<16xf32>,
    tpu.vector_store %arg15[%swap3A_465], %broadcast_in_dim3A_5 {strides = array<i32>} : memref<10112xf32, #tpu.memory_space<vmem>>, vector<16xf32>,
    %swap3A_467 = arith.constant 3696 : index
    %swap3A_468 = tpu.vector_load %arg15[%swap3A_467] {strides = array<i32>} : memref<10112xf32, #tpu.memory_space<vmem>>, vector<16xf32>,
    tpu.vector_store %arg15[%swap3A_467], %broadcast_in_dim3A_5 {strides = array<i32>} : memref<10112xf32, #tpu.memory_space<vmem>>, vector<16xf32>,
    %swap3A_469 = arith.constant 3712 : index
    %swap3A_470 = tpu.vector_load %arg15[%swap3A_469] {strides = array<i32>} : memref<10112xf32, #tpu.memory_space<vmem>>, vector<16xf32>,
    tpu.vector_store %arg15[%swap3A_469], %broadcast_in_dim3A_5 {strides = array<i32>} : memref<10112xf32, #tpu.memory_space<vmem>>, vector<16xf32>,
    %swap3A_471 = arith.constant 3728 : index
    %swap3A_472 = tpu.vector_load %arg15[%swap3A_471] {strides = array<i32>} : memref<10112xf32, #tpu.memory_space<vmem>>, vector<16xf32>,
    tpu.vector_store %arg15[%swap3A_471], %broadcast_in_dim3A_5 {strides = array<i32>} : memref<10112xf32, #tpu.memory_space<vmem>>, vector<16xf32>,
    %swap3A_473 = arith.constant 3744 : index
    %swap3A_474 = tpu.vector_load %arg15[%swap3A_473] {strides = array<i32>} : memref<10112xf32, #tpu.memory_space<vmem>>, vector<16xf32>,
    tpu.vector_store %arg15[%swap3A_473], %broadcast_in_dim3A_5 {strides = array<i32>} : memref<10112xf32, #tpu.memory_space<vmem>>, vector<16xf32>,
    %swap3A_475 = arith.constant 3760 : index
    %swap3A_476 = tpu.vector_load %arg15[%swap3A_475] {strides = array<i32>} : memref<10112xf32, #tpu.memory_space<vmem>>, vector<16xf32>,
    tpu.vector_store %arg15[%swap3A_475], %broadcast_in_dim3A_5 {strides = array<i32>} : memref<10112xf32, #tpu.memory_space<vmem>>, vector<16xf32>,
    %swap3A_477 = arith.constant 3776 : index
    %swap3A_478 = tpu.vector_load %arg15[%swap3A_477] {strides = array<i32>} : memref<10112xf32, #tpu.memory_space<vmem>>, vector<16xf32>,
    tpu.vector_store %arg15[%swap3A_477], %broadcast_in_dim3A_5 {strides = array<i32>} : memref<10112xf32, #tpu.memory_space<vmem>>, vector<16xf32>,
    %swap3A_479 = arith.constant 3792 : index
    %swap3A_480 = tpu.vector_load %arg15[%swap3A_479] {strides = array<i32>} : memref<10112xf32, #tpu.memory_space<vmem>>, vector<16xf32>,
    tpu.vector_store %arg15[%swap3A_479], %broadcast_in_dim3A_5 {strides = array<i32>} : memref<10112xf32, #tpu.memory_space<vmem>>, vector<16xf32>,
    %swap3A_481 = arith.constant 3808 : index
    %swap3A_482 = tpu.vector_load %arg15[%swap3A_481] {strides = array<i32>} : memref<10112xf32, #tpu.memory_space<vmem>>, vector<16xf32>,
    tpu.vector_store %arg15[%swap3A_481], %broadcast_in_dim3A_5 {strides = array<i32>} : memref<10112xf32, #tpu.memory_space<vmem>>, vector<16xf32>,
    %swap3A_483 = arith.constant 3824 : index
    %swap3A_484 = tpu.vector_load %arg15[%swap3A_483] {strides = array<i32>} : memref<10112xf32, #tpu.memory_space<vmem>>, vector<16xf32>,
    tpu.vector_store %arg15[%swap3A_483], %broadcast_in_dim3A_5 {strides = array<i32>} : memref<10112xf32, #tpu.memory_space<vmem>>, vector<16xf32>,
    %swap3A_485 = arith.constant 3840 : index
    %swap3A_486 = tpu.vector_load %arg15[%swap3A_485] {strides = array<i32>} : memref<10112xf32, #tpu.memory_space<vmem>>, vector<16xf32>,
    tpu.vector_store %arg15[%swap3A_485], %broadcast_in_dim3A_5 {strides = array<i32>} : memref<10112xf32, #tpu.memory_space<vmem>>, vector<16xf32>,
    %swap3A_487 = arith.constant 3856 : index
    %swap3A_488 = tpu.vector_load %arg15[%swap3A_487] {strides = array<i32>} : memref<10112xf32, #tpu.memory_space<vmem>>, vector<16xf32>,
    tpu.vector_store %arg15[%swap3A_487], %broadcast_in_dim3A_5 {strides = array<i32>} : memref<10112xf32, #tpu.memory_space<vmem>>, vector<16xf32>,
    %swap3A_489 = arith.constant 3872 : index
    %swap3A_490 = tpu.vector_load %arg15[%swap3A_489] {strides = array<i32>} : memref<10112xf32, #tpu.memory_space<vmem>>, vector<16xf32>,
    tpu.vector_store %arg15[%swap3A_489], %broadcast_in_dim3A_5 {strides = array<i32>} : memref<10112xf32, #tpu.memory_space<vmem>>, vector<16xf32>,
    %swap3A_491 = arith.constant 3888 : index
    %swap3A_492 = tpu.vector_load %arg15[%swap3A_491] {strides = array<i32>} : memref<10112xf32, #tpu.memory_space<vmem>>, vector<16xf32>,
    tpu.vector_store %arg15[%swap3A_491], %broadcast_in_dim3A_5 {strides = array<i32>} : memref<10112xf32, #tpu.memory_space<vmem>>, vector<16xf32>,
    %swap3A_493 = arith.constant 3904 : index
    %swap3A_494 = tpu.vector_load %arg15[%swap3A_493] {strides = array<i32>} : memref<10112xf32, #tpu.memory_space<vmem>>, vector<16xf32>,
    tpu.vector_store %arg15[%swap3A_493], %broadcast_in_dim3A_5 {strides = array<i32>} : memref<10112xf32, #tpu.memory_space<vmem>>, vector<16xf32>,
    %swap3A_495 = arith.constant 3920 : index
    %swap3A_496 = tpu.vector_load %arg15[%swap3A_495] {strides = array<i32>} : memref<10112xf32, #tpu.memory_space<vmem>>, vector<16xf32>,
    tpu.vector_store %arg15[%swap3A_495], %broadcast_in_dim3A_5 {strides = array<i32>} : memref<10112xf32, #tpu.memory_space<vmem>>, vector<16xf32>,
    %swap3A_497 = arith.constant 3936 : index
    %swap3A_498 = tpu.vector_load %arg15[%swap3A_497] {strides = array<i32>} : memref<10112xf32, #tpu.memory_space<vmem>>, vector<16xf32>,
    tpu.vector_store %arg15[%swap3A_497], %broadcast_in_dim3A_5 {strides = array<i32>} : memref<10112xf32, #tpu.memory_space<vmem>>, vector<16xf32>,
    %swap3A_499 = arith.constant 3952 : index
    %swap3A_500 = tpu.vector_load %arg15[%swap3A_499] {strides = array<i32>} : memref<10112xf32, #tpu.memory_space<vmem>>, vector<16xf32>,
    tpu.vector_store %arg15[%swap3A_499], %broadcast_in_dim3A_5 {strides = array<i32>} : memref<10112xf32, #tpu.memory_space<vmem>>, vector<16xf32>,
    %swap3A_501 = arith.constant 3968 : index
    %swap3A_502 = tpu.vector_load %arg15[%swap3A_501] {strides = array<i32>} : memref<10112xf32, #tpu.memory_space<vmem>>, vector<16xf32>,
    tpu.vector_store %arg15[%swap3A_501], %broadcast_in_dim3A_5 {strides = array<i32>} : memref<10112xf32, #tpu.memory_space<vmem>>, vector<16xf32>,
    %swap3A_503 = arith.constant 3984 : index
    %swap3A_504 = tpu.vector_load %arg15[%swap3A_503] {strides = array<i32>} : memref<10112xf32, #tpu.memory_space<vmem>>, vector<16xf32>,
    tpu.vector_store %arg15[%swap3A_503], %broadcast_in_dim3A_5 {strides = array<i32>} : memref<10112xf32, #tpu.memory_space<vmem>>, vector<16xf32>,
    %swap3A_505 = arith.constant 4000 : index
    %swap3A_506 = tpu.vector_load %arg15[%swap3A_505] {strides = array<i32>} : memref<10112xf32, #tpu.memory_space<vmem>>, vector<16xf32>,
    tpu.vector_store %arg15[%swap3A_505], %broadcast_in_dim3A_5 {strides = array<i32>} : memref<10112xf32, #tpu.memory_space<vmem>>, vector<16xf32>,
    %swap3A_507 = arith.constant 4016 : index
    %swap3A_508 = tpu.vector_load %arg15[%swap3A_507] {strides = array<i32>} : memref<10112xf32, #tpu.memory_space<vmem>>, vector<16xf32>,
    tpu.vector_store %arg15[%swap3A_507], %broadcast_in_dim3A_5 {strides = array<i32>} : memref<10112xf32, #tpu.memory_space<vmem>>, vector<16xf32>,
    %swap3A_509 = arith.constant 4032 : index
    %swap3A_510 = tpu.vector_load %arg15[%swap3A_509] {strides = array<i32>} : memref<10112xf32, #tpu.memory_space<vmem>>, vector<16xf32>,
    tpu.vector_store %arg15[%swap3A_509], %broadcast_in_dim3A_5 {strides = array<i32>} : memref<10112xf32, #tpu.memory_space<vmem>>, vector<16xf32>,
    %swap3A_511 = arith.constant 4048 : index
    %swap3A_512 = tpu.vector_load %arg15[%swap3A_511] {strides = array<i32>} : memref<10112xf32, #tpu.memory_space<vmem>>, vector<16xf32>,
    tpu.vector_store %arg15[%swap3A_511], %broadcast_in_dim3A_5 {strides = array<i32>} : memref<10112xf32, #tpu.memory_space<vmem>>, vector<16xf32>,
    %swap3A_513 = arith.constant 4064 : index
    %swap3A_514 = tpu.vector_load %arg15[%swap3A_513] {strides = array<i32>} : memref<10112xf32, #tpu.memory_space<vmem>>, vector<16xf32>,
    tpu.vector_store %arg15[%swap3A_513], %broadcast_in_dim3A_5 {strides = array<i32>} : memref<10112xf32, #tpu.memory_space<vmem>>, vector<16xf32>,
    %swap3A_515 = arith.constant 4080 : index
    %swap3A_516 = tpu.vector_load %arg15[%swap3A_515] {strides = array<i32>} : memref<10112xf32, #tpu.memory_space<vmem>>, vector<16xf32>,
    tpu.vector_store %arg15[%swap3A_515], %broadcast_in_dim3A_5 {strides = array<i32>} : memref<10112xf32, #tpu.memory_space<vmem>>, vector<16xf32>,
    %swap3A_517 = arith.constant 4096 : index
    %swap3A_518 = tpu.vector_load %arg15[%swap3A_517] {strides = array<i32>} : memref<10112xf32, #tpu.memory_space<vmem>>, vector<16xf32>,
    tpu.vector_store %arg15[%swap3A_517], %broadcast_in_dim3A_5 {strides = array<i32>} : memref<10112xf32, #tpu.memory_space<vmem>>, vector<16xf32>,
    %swap3A_519 = arith.constant 4112 : index
    %swap3A_520 = tpu.vector_load %arg15[%swap3A_519] {strides = array<i32>} : memref<10112xf32, #tpu.memory_space<vmem>>, vector<16xf32>,
    tpu.vector_store %arg15[%swap3A_519], %broadcast_in_dim3A_5 {strides = array<i32>} : memref<10112xf32, #tpu.memory_space<vmem>>, vector<16xf32>,
    %swap3A_521 = arith.constant 4128 : index
    %swap3A_522 = tpu.vector_load %arg15[%swap3A_521] {strides = array<i32>} : memref<10112xf32, #tpu.memory_space<vmem>>, vector<16xf32>,
    tpu.vector_store %arg15[%swap3A_521], %broadcast_in_dim3A_5 {strides = array<i32>} : memref<10112xf32, #tpu.memory_space<vmem>>, vector<16xf32>,
    %swap3A_523 = arith.constant 4144 : index
    %swap3A_524 = tpu.vector_load %arg15[%swap3A_523] {strides = array<i32>} : memref<10112xf32, #tpu.memory_space<vmem>>, vector<16xf32>,
    tpu.vector_store %arg15[%swap3A_523], %broadcast_in_dim3A_5 {strides = array<i32>} : memref<10112xf32, #tpu.memory_space<vmem>>, vector<16xf32>,
    %swap3A_525 = arith.constant 4160 : index
    %swap3A_526 = tpu.vector_load %arg15[%swap3A_525] {strides = array<i32>} : memref<10112xf32, #tpu.memory_space<vmem>>, vector<16xf32>,
    tpu.vector_store %arg15[%swap3A_525], %broadcast_in_dim3A_5 {strides = array<i32>} : memref<10112xf32, #tpu.memory_space<vmem>>, vector<16xf32>,
    %swap3A_527 = arith.constant 4176 : index
    %swap3A_528 = tpu.vector_load %arg15[%swap3A_527] {strides = array<i32>} : memref<10112xf32, #tpu.memory_space<vmem>>, vector<16xf32>,
    tpu.vector_store %arg15[%swap3A_527], %broadcast_in_dim3A_5 {strides = array<i32>} : memref<10112xf32, #tpu.memory_space<vmem>>, vector<16xf32>,
    %swap3A_529 = arith.constant 4192 : index
    %swap3A_530 = tpu.vector_load %arg15[%swap3A_529] {strides = array<i32>} : memref<10112xf32, #tpu.memory_space<vmem>>, vector<16xf32>,
    tpu.vector_store %arg15[%swap3A_529], %broadcast_in_dim3A_5 {strides = array<i32>} : memref<10112xf32, #tpu.memory_space<vmem>>, vector<16xf32>,
    %swap3A_531 = arith.constant 4208 : index
    %swap3A_532 = tpu.vector_load %arg15[%swap3A_531] {strides = array<i32>} : memref<10112xf32, #tpu.memory_space<vmem>>, vector<16xf32>,
    tpu.vector_store %arg15[%swap3A_531], %broadcast_in_dim3A_5 {strides = array<i32>} : memref<10112xf32, #tpu.memory_space<vmem>>, vector<16xf32>,
    %swap3A_533 = arith.constant 4224 : index
    %swap3A_534 = tpu.vector_load %arg15[%swap3A_533] {strides = array<i32>} : memref<10112xf32, #tpu.memory_space<vmem>>, vector<16xf32>,
    tpu.vector_store %arg15[%swap3A_533], %broadcast_in_dim3A_5 {strides = array<i32>} : memref<10112xf32, #tpu.memory_space<vmem>>, vector<16xf32>,
    %swap3A_535 = arith.constant 4240 : index
    %swap3A_536 = tpu.vector_load %arg15[%swap3A_535] {strides = array<i32>} : memref<10112xf32, #tpu.memory_space<vmem>>, vector<16xf32>,
    tpu.vector_store %arg15[%swap3A_535], %broadcast_in_dim3A_5 {strides = array<i32>} : memref<10112xf32, #tpu.memory_space<vmem>>, vector<16xf32>,
    %swap3A_537 = arith.constant 4256 : index
    %swap3A_538 = tpu.vector_load %arg15[%swap3A_537] {strides = array<i32>} : memref<10112xf32, #tpu.memory_space<vmem>>, vector<16xf32>,
    tpu.vector_store %arg15[%swap3A_537], %broadcast_in_dim3A_5 {strides = array<i32>} : memref<10112xf32, #tpu.memory_space<vmem>>, vector<16xf32>,
    %swap3A_539 = arith.constant 4272 : index
    %swap3A_540 = tpu.vector_load %arg15[%swap3A_539] {strides = array<i32>} : memref<10112xf32, #tpu.memory_space<vmem>>, vector<16xf32>,
    tpu.vector_store %arg15[%swap3A_539], %broadcast_in_dim3A_5 {strides = array<i32>} : memref<10112xf32, #tpu.memory_space<vmem>>, vector<16xf32>,
    %swap3A_541 = arith.constant 4288 : index
    %swap3A_542 = tpu.vector_load %arg15[%swap3A_541] {strides = array<i32>} : memref<10112xf32, #tpu.memory_space<vmem>>, vector<16xf32>,
    tpu.vector_store %arg15[%swap3A_541], %broadcast_in_dim3A_5 {strides = array<i32>} : memref<10112xf32, #tpu.memory_space<vmem>>, vector<16xf32>,
    %swap3A_543 = arith.constant 4304 : index
    %swap3A_544 = tpu.vector_load %arg15[%swap3A_543] {strides = array<i32>} : memref<10112xf32, #tpu.memory_space<vmem>>, vector<16xf32>,
    tpu.vector_store %arg15[%swap3A_543], %broadcast_in_dim3A_5 {strides = array<i32>} : memref<10112xf32, #tpu.memory_space<vmem>>, vector<16xf32>,
    %swap3A_545 = arith.constant 4320 : index
    %swap3A_546 = tpu.vector_load %arg15[%swap3A_545] {strides = array<i32>} : memref<10112xf32, #tpu.memory_space<vmem>>, vector<16xf32>,
    tpu.vector_store %arg15[%swap3A_545], %broadcast_in_dim3A_5 {strides = array<i32>} : memref<10112xf32, #tpu.memory_space<vmem>>, vector<16xf32>,
    %swap3A_547 = arith.constant 4336 : index
    %swap3A_548 = tpu.vector_load %arg15[%swap3A_547] {strides = array<i32>} : memref<10112xf32, #tpu.memory_space<vmem>>, vector<16xf32>,
    tpu.vector_store %arg15[%swap3A_547], %broadcast_in_dim3A_5 {strides = array<i32>} : memref<10112xf32, #tpu.memory_space<vmem>>, vector<16xf32>,
    %swap3A_549 = arith.constant 4352 : index
    %swap3A_550 = tpu.vector_load %arg15[%swap3A_549] {strides = array<i32>} : memref<10112xf32, #tpu.memory_space<vmem>>, vector<16xf32>,
    tpu.vector_store %arg15[%swap3A_549], %broadcast_in_dim3A_5 {strides = array<i32>} : memref<10112xf32, #tpu.memory_space<vmem>>, vector<16xf32>,
    %swap3A_551 = arith.constant 4368 : index
    %swap3A_552 = tpu.vector_load %arg15[%swap3A_551] {strides = array<i32>} : memref<10112xf32, #tpu.memory_space<vmem>>, vector<16xf32>,
    tpu.vector_store %arg15[%swap3A_551], %broadcast_in_dim3A_5 {strides = array<i32>} : memref<10112xf32, #tpu.memory_space<vmem>>, vector<16xf32>,
    %swap3A_553 = arith.constant 4384 : index
    %swap3A_554 = tpu.vector_load %arg15[%swap3A_553] {strides = array<i32>} : memref<10112xf32, #tpu.memory_space<vmem>>, vector<16xf32>,
    tpu.vector_store %arg15[%swap3A_553], %broadcast_in_dim3A_5 {strides = array<i32>} : memref<10112xf32, #tpu.memory_space<vmem>>, vector<16xf32>,
    %swap3A_555 = arith.constant 4400 : index
    %swap3A_556 = tpu.vector_load %arg15[%swap3A_555] {strides = array<i32>} : memref<10112xf32, #tpu.memory_space<vmem>>, vector<16xf32>,
    tpu.vector_store %arg15[%swap3A_555], %broadcast_in_dim3A_5 {strides = array<i32>} : memref<10112xf32, #tpu.memory_space<vmem>>, vector<16xf32>,
    %swap3A_557 = arith.constant 4416 : index
    %swap3A_558 = tpu.vector_load %arg15[%swap3A_557] {strides = array<i32>} : memref<10112xf32, #tpu.memory_space<vmem>>, vector<16xf32>,
    tpu.vector_store %arg15[%swap3A_557], %broadcast_in_dim3A_5 {strides = array<i32>} : memref<10112xf32, #tpu.memory_space<vmem>>, vector<16xf32>,
    %swap3A_559 = arith.constant 4432 : index
    %swap3A_560 = tpu.vector_load %arg15[%swap3A_559] {strides = array<i32>} : memref<10112xf32, #tpu.memory_space<vmem>>, vector<16xf32>,
    tpu.vector_store %arg15[%swap3A_559], %broadcast_in_dim3A_5 {strides = array<i32>} : memref<10112xf32, #tpu.memory_space<vmem>>, vector<16xf32>,
    %swap3A_561 = arith.constant 4448 : index
    %swap3A_562 = tpu.vector_load %arg15[%swap3A_561] {strides = array<i32>} : memref<10112xf32, #tpu.memory_space<vmem>>, vector<16xf32>,
    tpu.vector_store %arg15[%swap3A_561], %broadcast_in_dim3A_5 {strides = array<i32>} : memref<10112xf32, #tpu.memory_space<vmem>>, vector<16xf32>,
    %swap3A_563 = arith.constant 4464 : index
    %swap3A_564 = tpu.vector_load %arg15[%swap3A_563] {strides = array<i32>} : memref<10112xf32, #tpu.memory_space<vmem>>, vector<16xf32>,
    tpu.vector_store %arg15[%swap3A_563], %broadcast_in_dim3A_5 {strides = array<i32>} : memref<10112xf32, #tpu.memory_space<vmem>>, vector<16xf32>,
    %swap3A_565 = arith.constant 4480 : index
    %swap3A_566 = tpu.vector_load %arg15[%swap3A_565] {strides = array<i32>} : memref<10112xf32, #tpu.memory_space<vmem>>, vector<16xf32>,
    tpu.vector_store %arg15[%swap3A_565], %broadcast_in_dim3A_5 {strides = array<i32>} : memref<10112xf32, #tpu.memory_space<vmem>>, vector<16xf32>,
    %swap3A_567 = arith.constant 4496 : index
    %swap3A_568 = tpu.vector_load %arg15[%swap3A_567] {strides = array<i32>} : memref<10112xf32, #tpu.memory_space<vmem>>, vector<16xf32>,
    tpu.vector_store %arg15[%swap3A_567], %broadcast_in_dim3A_5 {strides = array<i32>} : memref<10112xf32, #tpu.memory_space<vmem>>, vector<16xf32>,
    %swap3A_569 = arith.constant 4512 : index
    %swap3A_570 = tpu.vector_load %arg15[%swap3A_569] {strides = array<i32>} : memref<10112xf32, #tpu.memory_space<vmem>>, vector<16xf32>,
    tpu.vector_store %arg15[%swap3A_569], %broadcast_in_dim3A_5 {strides = array<i32>} : memref<10112xf32, #tpu.memory_space<vmem>>, vector<16xf32>,
    %swap3A_571 = arith.constant 4528 : index
    %swap3A_572 = tpu.vector_load %arg15[%swap3A_571] {strides = array<i32>} : memref<10112xf32, #tpu.memory_space<vmem>>, vector<16xf32>,
    tpu.vector_store %arg15[%swap3A_571], %broadcast_in_dim3A_5 {strides = array<i32>} : memref<10112xf32, #tpu.memory_space<vmem>>, vector<16xf32>,
    %swap3A_573 = arith.constant 4544 : index
    %swap3A_574 = tpu.vector_load %arg15[%swap3A_573] {strides = array<i32>} : memref<10112xf32, #tpu.memory_space<vmem>>, vector<16xf32>,
    tpu.vector_store %arg15[%swap3A_573], %broadcast_in_dim3A_5 {strides = array<i32>} : memref<10112xf32, #tpu.memory_space<vmem>>, vector<16xf32>,
    %swap3A_575 = arith.constant 4560 : index
    %swap3A_576 = tpu.vector_load %arg15[%swap3A_575] {strides = array<i32>} : memref<10112xf32, #tpu.memory_space<vmem>>, vector<16xf32>,
    tpu.vector_store %arg15[%swap3A_575], %broadcast_in_dim3A_5 {strides = array<i32>} : memref<10112xf32, #tpu.memory_space<vmem>>, vector<16xf32>,
    %swap3A_577 = arith.constant 4576 : index
    %swap3A_578 = tpu.vector_load %arg15[%swap3A_577] {strides = array<i32>} : memref<10112xf32, #tpu.memory_space<vmem>>, vector<16xf32>,
    tpu.vector_store %arg15[%swap3A_577], %broadcast_in_dim3A_5 {strides = array<i32>} : memref<10112xf32, #tpu.memory_space<vmem>>, vector<16xf32>,
    %swap3A_579 = arith.constant 4592 : index
    %swap3A_580 = tpu.vector_load %arg15[%swap3A_579] {strides = array<i32>} : memref<10112xf32, #tpu.memory_space<vmem>>, vector<16xf32>,
    tpu.vector_store %arg15[%swap3A_579], %broadcast_in_dim3A_5 {strides = array<i32>} : memref<10112xf32, #tpu.memory_space<vmem>>, vector<16xf32>,
    %swap3A_581 = arith.constant 4608 : index
    %swap3A_582 = tpu.vector_load %arg15[%swap3A_581] {strides = array<i32>} : memref<10112xf32, #tpu.memory_space<vmem>>, vector<16xf32>,
    tpu.vector_store %arg15[%swap3A_581], %broadcast_in_dim3A_5 {strides = array<i32>} : memref<10112xf32, #tpu.memory_space<vmem>>, vector<16xf32>,
    %swap3A_583 = arith.constant 4624 : index
    %swap3A_584 = tpu.vector_load %arg15[%swap3A_583] {strides = array<i32>} : memref<10112xf32, #tpu.memory_space<vmem>>, vector<16xf32>,
    tpu.vector_store %arg15[%swap3A_583], %broadcast_in_dim3A_5 {strides = array<i32>} : memref<10112xf32, #tpu.memory_space<vmem>>, vector<16xf32>,
    %swap3A_585 = arith.constant 4640 : index
    %swap3A_586 = tpu.vector_load %arg15[%swap3A_585] {strides = array<i32>} : memref<10112xf32, #tpu.memory_space<vmem>>, vector<16xf32>,
    tpu.vector_store %arg15[%swap3A_585], %broadcast_in_dim3A_5 {strides = array<i32>} : memref<10112xf32, #tpu.memory_space<vmem>>, vector<16xf32>,
    %swap3A_587 = arith.constant 4656 : index
    %swap3A_588 = tpu.vector_load %arg15[%swap3A_587] {strides = array<i32>} : memref<10112xf32, #tpu.memory_space<vmem>>, vector<16xf32>,
    tpu.vector_store %arg15[%swap3A_587], %broadcast_in_dim3A_5 {strides = array<i32>} : memref<10112xf32, #tpu.memory_space<vmem>>, vector<16xf32>,
    %swap3A_589 = arith.constant 4672 : index
    %swap3A_590 = tpu.vector_load %arg15[%swap3A_589] {strides = array<i32>} : memref<10112xf32, #tpu.memory_space<vmem>>, vector<16xf32>,
    tpu.vector_store %arg15[%swap3A_589], %broadcast_in_dim3A_5 {strides = array<i32>} : memref<10112xf32, #tpu.memory_space<vmem>>, vector<16xf32>,
    %swap3A_591 = arith.constant 4688 : index
    %swap3A_592 = tpu.vector_load %arg15[%swap3A_591] {strides = array<i32>} : memref<10112xf32, #tpu.memory_space<vmem>>, vector<16xf32>,
    tpu.vector_store %arg15[%swap3A_591], %broadcast_in_dim3A_5 {strides = array<i32>} : memref<10112xf32, #tpu.memory_space<vmem>>, vector<16xf32>,
    %swap3A_593 = arith.constant 4704 : index
    %swap3A_594 = tpu.vector_load %arg15[%swap3A_593] {strides = array<i32>} : memref<10112xf32, #tpu.memory_space<vmem>>, vector<16xf32>,
    tpu.vector_store %arg15[%swap3A_593], %broadcast_in_dim3A_5 {strides = array<i32>} : memref<10112xf32, #tpu.memory_space<vmem>>, vector<16xf32>,
    %swap3A_595 = arith.constant 4720 : index
    %swap3A_596 = tpu.vector_load %arg15[%swap3A_595] {strides = array<i32>} : memref<10112xf32, #tpu.memory_space<vmem>>, vector<16xf32>,
    tpu.vector_store %arg15[%swap3A_595], %broadcast_in_dim3A_5 {strides = array<i32>} : memref<10112xf32, #tpu.memory_space<vmem>>, vector<16xf32>,
    %swap3A_597 = arith.constant 4736 : index
    %swap3A_598 = tpu.vector_load %arg15[%swap3A_597] {strides = array<i32>} : memref<10112xf32, #tpu.memory_space<vmem>>, vector<16xf32>,
    tpu.vector_store %arg15[%swap3A_597], %broadcast_in_dim3A_5 {strides = array<i32>} : memref<10112xf32, #tpu.memory_space<vmem>>, vector<16xf32>,
    %swap3A_599 = arith.constant 4752 : index
    %swap3A_600 = tpu.vector_load %arg15[%swap3A_599] {strides = array<i32>} : memref<10112xf32, #tpu.memory_space<vmem>>, vector<16xf32>,
    tpu.vector_store %arg15[%swap3A_599], %broadcast_in_dim3A_5 {strides = array<i32>} : memref<10112xf32, #tpu.memory_space<vmem>>, vector<16xf32>,
    %swap3A_601 = arith.constant 4768 : index
    %swap3A_602 = tpu.vector_load %arg15[%swap3A_601] {strides = array<i32>} : memref<10112xf32, #tpu.memory_space<vmem>>, vector<16xf32>,
    tpu.vector_store %arg15[%swap3A_601], %broadcast_in_dim3A_5 {strides = array<i32>} : memref<10112xf32, #tpu.memory_space<vmem>>, vector<16xf32>,
    %swap3A_603 = arith.constant 4784 : index
    %swap3A_604 = tpu.vector_load %arg15[%swap3A_603] {strides = array<i32>} : memref<10112xf32, #tpu.memory_space<vmem>>, vector<16xf32>,
    tpu.vector_store %arg15[%swap3A_603], %broadcast_in_dim3A_5 {strides = array<i32>} : memref<10112xf32, #tpu.memory_space<vmem>>, vector<16xf32>,
    %swap3A_605 = arith.constant 4800 : index
    %swap3A_606 = tpu.vector_load %arg15[%swap3A_605] {strides = array<i32>} : memref<10112xf32, #tpu.memory_space<vmem>>, vector<16xf32>,
    tpu.vector_store %arg15[%swap3A_605], %broadcast_in_dim3A_5 {strides = array<i32>} : memref<10112xf32, #tpu.memory_space<vmem>>, vector<16xf32>,
    %swap3A_607 = arith.constant 4816 : index
    %swap3A_608 = tpu.vector_load %arg15[%swap3A_607] {strides = array<i32>} : memref<10112xf32, #tpu.memory_space<vmem>>, vector<16xf32>,
    tpu.vector_store %arg15[%swap3A_607], %broadcast_in_dim3A_5 {strides = array<i32>} : memref<10112xf32, #tpu.memory_space<vmem>>, vector<16xf32>,
    %swap3A_609 = arith.constant 4832 : index
    %swap3A_610 = tpu.vector_load %arg15[%swap3A_609] {strides = array<i32>} : memref<10112xf32, #tpu.memory_space<vmem>>, vector<16xf32>,
    tpu.vector_store %arg15[%swap3A_609], %broadcast_in_dim3A_5 {strides = array<i32>} : memref<10112xf32, #tpu.memory_space<vmem>>, vector<16xf32>,
    %swap3A_611 = arith.constant 4848 : index
    %swap3A_612 = tpu.vector_load %arg15[%swap3A_611] {strides = array<i32>} : memref<10112xf32, #tpu.memory_space<vmem>>, vector<16xf32>,
    tpu.vector_store %arg15[%swap3A_611], %broadcast_in_dim3A_5 {strides = array<i32>} : memref<10112xf32, #tpu.memory_space<vmem>>, vector<16xf32>,
    %swap3A_613 = arith.constant 4864 : index
    %swap3A_614 = tpu.vector_load %arg15[%swap3A_613] {strides = array<i32>} : memref<10112xf32, #tpu.memory_space<vmem>>, vector<16xf32>,
    tpu.vector_store %arg15[%swap3A_613], %broadcast_in_dim3A_5 {strides = array<i32>} : memref<10112xf32, #tpu.memory_space<vmem>>, vector<16xf32>,
    %swap3A_615 = arith.constant 4880 : index
    %swap3A_616 = tpu.vector_load %arg15[%swap3A_615] {strides = array<i32>} : memref<10112xf32, #tpu.memory_space<vmem>>, vector<16xf32>,
    tpu.vector_store %arg15[%swap3A_615], %broadcast_in_dim3A_5 {strides = array<i32>} : memref<10112xf32, #tpu.memory_space<vmem>>, vector<16xf32>,
    %swap3A_617 = arith.constant 4896 : index
    %swap3A_618 = tpu.vector_load %arg15[%swap3A_617] {strides = array<i32>} : memref<10112xf32, #tpu.memory_space<vmem>>, vector<16xf32>,
    tpu.vector_store %arg15[%swap3A_617], %broadcast_in_dim3A_5 {strides = array<i32>} : memref<10112xf32, #tpu.memory_space<vmem>>, vector<16xf32>,
    %swap3A_619 = arith.constant 4912 : index
    %swap3A_620 = tpu.vector_load %arg15[%swap3A_619] {strides = array<i32>} : memref<10112xf32, #tpu.memory_space<vmem>>, vector<16xf32>,
    tpu.vector_store %arg15[%swap3A_619], %broadcast_in_dim3A_5 {strides = array<i32>} : memref<10112xf32, #tpu.memory_space<vmem>>, vector<16xf32>,
    %swap3A_621 = arith.constant 4928 : index
    %swap3A_622 = tpu.vector_load %arg15[%swap3A_621] {strides = array<i32>} : memref<10112xf32, #tpu.memory_space<vmem>>, vector<16xf32>,
    tpu.vector_store %arg15[%swap3A_621], %broadcast_in_dim3A_5 {strides = array<i32>} : memref<10112xf32, #tpu.memory_space<vmem>>, vector<16xf32>,
    %swap3A_623 = arith.constant 4944 : index
    %swap3A_624 = tpu.vector_load %arg15[%swap3A_623] {strides = array<i32>} : memref<10112xf32, #tpu.memory_space<vmem>>, vector<16xf32>,
    tpu.vector_store %arg15[%swap3A_623], %broadcast_in_dim3A_5 {strides = array<i32>} : memref<10112xf32, #tpu.memory_space<vmem>>, vector<16xf32>,
    %swap3A_625 = arith.constant 4960 : index
    %swap3A_626 = tpu.vector_load %arg15[%swap3A_625] {strides = array<i32>} : memref<10112xf32, #tpu.memory_space<vmem>>, vector<16xf32>,
    tpu.vector_store %arg15[%swap3A_625], %broadcast_in_dim3A_5 {strides = array<i32>} : memref<10112xf32, #tpu.memory_space<vmem>>, vector<16xf32>,
    %swap3A_627 = arith.constant 4976 : index
    %swap3A_628 = tpu.vector_load %arg15[%swap3A_627] {strides = array<i32>} : memref<10112xf32, #tpu.memory_space<vmem>>, vector<16xf32>,
    tpu.vector_store %arg15[%swap3A_627], %broadcast_in_dim3A_5 {strides = array<i32>} : memref<10112xf32, #tpu.memory_space<vmem>>, vector<16xf32>,
    %swap3A_629 = arith.constant 4992 : index
    %swap3A_630 = tpu.vector_load %arg15[%swap3A_629] {strides = array<i32>} : memref<10112xf32, #tpu.memory_space<vmem>>, vector<16xf32>,
    tpu.vector_store %arg15[%swap3A_629], %broadcast_in_dim3A_5 {strides = array<i32>} : memref<10112xf32, #tpu.memory_space<vmem>>, vector<16xf32>,
    %swap3A_631 = arith.constant 5008 : index
    %swap3A_632 = tpu.vector_load %arg15[%swap3A_631] {strides = array<i32>} : memref<10112xf32, #tpu.memory_space<vmem>>, vector<16xf32>,
    tpu.vector_store %arg15[%swap3A_631], %broadcast_in_dim3A_5 {strides = array<i32>} : memref<10112xf32, #tpu.memory_space<vmem>>, vector<16xf32>,
    %swap3A_633 = arith.constant 5024 : index
    %swap3A_634 = tpu.vector_load %arg15[%swap3A_633] {strides = array<i32>} : memref<10112xf32, #tpu.memory_space<vmem>>, vector<16xf32>,
    tpu.vector_store %arg15[%swap3A_633], %broadcast_in_dim3A_5 {strides = array<i32>} : memref<10112xf32, #tpu.memory_space<vmem>>, vector<16xf32>,
    %swap3A_635 = arith.constant 5040 : index
    %swap3A_636 = tpu.vector_load %arg15[%swap3A_635] {strides = array<i32>} : memref<10112xf32, #tpu.memory_space<vmem>>, vector<16xf32>,
    tpu.vector_store %arg15[%swap3A_635], %broadcast_in_dim3A_5 {strides = array<i32>} : memref<10112xf32, #tpu.memory_space<vmem>>, vector<16xf32>,
    %swap3A_637 = arith.constant 5056 : index
    %swap3A_638 = tpu.vector_load %arg15[%swap3A_637] {strides = array<i32>} : memref<10112xf32, #tpu.memory_space<vmem>>, vector<16xf32>,
    tpu.vector_store %arg15[%swap3A_637], %broadcast_in_dim3A_5 {strides = array<i32>} : memref<10112xf32, #tpu.memory_space<vmem>>, vector<16xf32>,
    %swap3A_639 = arith.constant 5072 : index
    %swap3A_640 = tpu.vector_load %arg15[%swap3A_639] {strides = array<i32>} : memref<10112xf32, #tpu.memory_space<vmem>>, vector<16xf32>,
    tpu.vector_store %arg15[%swap3A_639], %broadcast_in_dim3A_5 {strides = array<i32>} : memref<10112xf32, #tpu.memory_space<vmem>>, vector<16xf32>,
    %swap3A_641 = arith.constant 5088 : index
    %swap3A_642 = tpu.vector_load %arg15[%swap3A_641] {strides = array<i32>} : memref<10112xf32, #tpu.memory_space<vmem>>, vector<16xf32>,
    tpu.vector_store %arg15[%swap3A_641], %broadcast_in_dim3A_5 {strides = array<i32>} : memref<10112xf32, #tpu.memory_space<vmem>>, vector<16xf32>,
    %swap3A_643 = arith.constant 5104 : index
    %swap3A_644 = tpu.vector_load %arg15[%swap3A_643] {strides = array<i32>} : memref<10112xf32, #tpu.memory_space<vmem>>, vector<16xf32>,
    tpu.vector_store %arg15[%swap3A_643], %broadcast_in_dim3A_5 {strides = array<i32>} : memref<10112xf32, #tpu.memory_space<vmem>>, vector<16xf32>,
    %swap3A_645 = arith.constant 5120 : index
    %swap3A_646 = tpu.vector_load %arg15[%swap3A_645] {strides = array<i32>} : memref<10112xf32, #tpu.memory_space<vmem>>, vector<16xf32>,
    tpu.vector_store %arg15[%swap3A_645], %broadcast_in_dim3A_5 {strides = array<i32>} : memref<10112xf32, #tpu.memory_space<vmem>>, vector<16xf32>,
    %swap3A_647 = arith.constant 5136 : index
    %swap3A_648 = tpu.vector_load %arg15[%swap3A_647] {strides = array<i32>} : memref<10112xf32, #tpu.memory_space<vmem>>, vector<16xf32>,
    tpu.vector_store %arg15[%swap3A_647], %broadcast_in_dim3A_5 {strides = array<i32>} : memref<10112xf32, #tpu.memory_space<vmem>>, vector<16xf32>,
    %swap3A_649 = arith.constant 5152 : index
    %swap3A_650 = tpu.vector_load %arg15[%swap3A_649] {strides = array<i32>} : memref<10112xf32, #tpu.memory_space<vmem>>, vector<16xf32>,
    tpu.vector_store %arg15[%swap3A_649], %broadcast_in_dim3A_5 {strides = array<i32>} : memref<10112xf32, #tpu.memory_space<vmem>>, vector<16xf32>,
    %swap3A_651 = arith.constant 5168 : index
    %swap3A_652 = tpu.vector_load %arg15[%swap3A_651] {strides = array<i32>} : memref<10112xf32, #tpu.memory_space<vmem>>, vector<16xf32>,
    tpu.vector_store %arg15[%swap3A_651], %broadcast_in_dim3A_5 {strides = array<i32>} : memref<10112xf32, #tpu.memory_space<vmem>>, vector<16xf32>,
    %swap3A_653 = arith.constant 5184 : index
    %swap3A_654 = tpu.vector_load %arg15[%swap3A_653] {strides = array<i32>} : memref<10112xf32, #tpu.memory_space<vmem>>, vector<16xf32>,
    tpu.vector_store %arg15[%swap3A_653], %broadcast_in_dim3A_5 {strides = array<i32>} : memref<10112xf32, #tpu.memory_space<vmem>>, vector<16xf32>,
    %swap3A_655 = arith.constant 5200 : index
    %swap3A_656 = tpu.vector_load %arg15[%swap3A_655] {strides = array<i32>} : memref<10112xf32, #tpu.memory_space<vmem>>, vector<16xf32>,
    tpu.vector_store %arg15[%swap3A_655], %broadcast_in_dim3A_5 {strides = array<i32>} : memref<10112xf32, #tpu.memory_space<vmem>>, vector<16xf32>,
    %swap3A_657 = arith.constant 5216 : index
    %swap3A_658 = tpu.vector_load %arg15[%swap3A_657] {strides = array<i32>} : memref<10112xf32, #tpu.memory_space<vmem>>, vector<16xf32>,
    tpu.vector_store %arg15[%swap3A_657], %broadcast_in_dim3A_5 {strides = array<i32>} : memref<10112xf32, #tpu.memory_space<vmem>>, vector<16xf32>,
    %swap3A_659 = arith.constant 5232 : index
    %swap3A_660 = tpu.vector_load %arg15[%swap3A_659] {strides = array<i32>} : memref<10112xf32, #tpu.memory_space<vmem>>, vector<16xf32>,
    tpu.vector_store %arg15[%swap3A_659], %broadcast_in_dim3A_5 {strides = array<i32>} : memref<10112xf32, #tpu.memory_space<vmem>>, vector<16xf32>,
    %swap3A_661 = arith.constant 5248 : index
    %swap3A_662 = tpu.vector_load %arg15[%swap3A_661] {strides = array<i32>} : memref<10112xf32, #tpu.memory_space<vmem>>, vector<16xf32>,
    tpu.vector_store %arg15[%swap3A_661], %broadcast_in_dim3A_5 {strides = array<i32>} : memref<10112xf32, #tpu.memory_space<vmem>>, vector<16xf32>,
    %swap3A_663 = arith.constant 5264 : index
    %swap3A_664 = tpu.vector_load %arg15[%swap3A_663] {strides = array<i32>} : memref<10112xf32, #tpu.memory_space<vmem>>, vector<16xf32>,
    tpu.vector_store %arg15[%swap3A_663], %broadcast_in_dim3A_5 {strides = array<i32>} : memref<10112xf32, #tpu.memory_space<vmem>>, vector<16xf32>,
    %swap3A_665 = arith.constant 5280 : index
    %swap3A_666 = tpu.vector_load %arg15[%swap3A_665] {strides = array<i32>} : memref<10112xf32, #tpu.memory_space<vmem>>, vector<16xf32>,
    tpu.vector_store %arg15[%swap3A_665], %broadcast_in_dim3A_5 {strides = array<i32>} : memref<10112xf32, #tpu.memory_space<vmem>>, vector<16xf32>,
    %swap3A_667 = arith.constant 5296 : index
    %swap3A_668 = tpu.vector_load %arg15[%swap3A_667] {strides = array<i32>} : memref<10112xf32, #tpu.memory_space<vmem>>, vector<16xf32>,
    tpu.vector_store %arg15[%swap3A_667], %broadcast_in_dim3A_5 {strides = array<i32>} : memref<10112xf32, #tpu.memory_space<vmem>>, vector<16xf32>,
    %swap3A_669 = arith.constant 5312 : index
    %swap3A_670 = tpu.vector_load %arg15[%swap3A_669] {strides = array<i32>} : memref<10112xf32, #tpu.memory_space<vmem>>, vector<16xf32>,
    tpu.vector_store %arg15[%swap3A_669], %broadcast_in_dim3A_5 {strides = array<i32>} : memref<10112xf32, #tpu.memory_space<vmem>>, vector<16xf32>,
    %swap3A_671 = arith.constant 5328 : index
    %swap3A_672 = tpu.vector_load %arg15[%swap3A_671] {strides = array<i32>} : memref<10112xf32, #tpu.memory_space<vmem>>, vector<16xf32>,
    tpu.vector_store %arg15[%swap3A_671], %broadcast_in_dim3A_5 {strides = array<i32>} : memref<10112xf32, #tpu.memory_space<vmem>>, vector<16xf32>,
    %swap3A_673 = arith.constant 5344 : index
    %swap3A_674 = tpu.vector_load %arg15[%swap3A_673] {strides = array<i32>} : memref<10112xf32, #tpu.memory_space<vmem>>, vector<16xf32>,
    tpu.vector_store %arg15[%swap3A_673], %broadcast_in_dim3A_5 {strides = array<i32>} : memref<10112xf32, #tpu.memory_space<vmem>>, vector<16xf32>,
    %swap3A_675 = arith.constant 5360 : index
    %swap3A_676 = tpu.vector_load %arg15[%swap3A_675] {strides = array<i32>} : memref<10112xf32, #tpu.memory_space<vmem>>, vector<16xf32>,
    tpu.vector_store %arg15[%swap3A_675], %broadcast_in_dim3A_5 {strides = array<i32>} : memref<10112xf32, #tpu.memory_space<vmem>>, vector<16xf32>,
    %swap3A_677 = arith.constant 5376 : index
    %swap3A_678 = tpu.vector_load %arg15[%swap3A_677] {strides = array<i32>} : memref<10112xf32, #tpu.memory_space<vmem>>, vector<16xf32>,
    tpu.vector_store %arg15[%swap3A_677], %broadcast_in_dim3A_5 {strides = array<i32>} : memref<10112xf32, #tpu.memory_space<vmem>>, vector<16xf32>,
    %swap3A_679 = arith.constant 5392 : index
    %swap3A_680 = tpu.vector_load %arg15[%swap3A_679] {strides = array<i32>} : memref<10112xf32, #tpu.memory_space<vmem>>, vector<16xf32>,
    tpu.vector_store %arg15[%swap3A_679], %broadcast_in_dim3A_5 {strides = array<i32>} : memref<10112xf32, #tpu.memory_space<vmem>>, vector<16xf32>,
    %swap3A_681 = arith.constant 5408 : index
    %swap3A_682 = tpu.vector_load %arg15[%swap3A_681] {strides = array<i32>} : memref<10112xf32, #tpu.memory_space<vmem>>, vector<16xf32>,
    tpu.vector_store %arg15[%swap3A_681], %broadcast_in_dim3A_5 {strides = array<i32>} : memref<10112xf32, #tpu.memory_space<vmem>>, vector<16xf32>,
    %swap3A_683 = arith.constant 5424 : index
    %swap3A_684 = tpu.vector_load %arg15[%swap3A_683] {strides = array<i32>} : memref<10112xf32, #tpu.memory_space<vmem>>, vector<16xf32>,
    tpu.vector_store %arg15[%swap3A_683], %broadcast_in_dim3A_5 {strides = array<i32>} : memref<10112xf32, #tpu.memory_space<vmem>>, vector<16xf32>,
    %swap3A_685 = arith.constant 5440 : index
    %swap3A_686 = tpu.vector_load %arg15[%swap3A_685] {strides = array<i32>} : memref<10112xf32, #tpu.memory_space<vmem>>, vector<16xf32>,
    tpu.vector_store %arg15[%swap3A_685], %broadcast_in_dim3A_5 {strides = array<i32>} : memref<10112xf32, #tpu.memory_space<vmem>>, vector<16xf32>,
    %swap3A_687 = arith.constant 5456 : index
    %swap3A_688 = tpu.vector_load %arg15[%swap3A_687] {strides = array<i32>} : memref<10112xf32, #tpu.memory_space<vmem>>, vector<16xf32>,
    tpu.vector_store %arg15[%swap3A_687], %broadcast_in_dim3A_5 {strides = array<i32>} : memref<10112xf32, #tpu.memory_space<vmem>>, vector<16xf32>,
    %swap3A_689 = arith.constant 5472 : index
    %swap3A_690 = tpu.vector_load %arg15[%swap3A_689] {strides = array<i32>} : memref<10112xf32, #tpu.memory_space<vmem>>, vector<16xf32>,
    tpu.vector_store %arg15[%swap3A_689], %broadcast_in_dim3A_5 {strides = array<i32>} : memref<10112xf32, #tpu.memory_space<vmem>>, vector<16xf32>,
    %swap3A_691 = arith.constant 5488 : index
    %swap3A_692 = tpu.vector_load %arg15[%swap3A_691] {strides = array<i32>} : memref<10112xf32, #tpu.memory_space<vmem>>, vector<16xf32>,
    tpu.vector_store %arg15[%swap3A_691], %broadcast_in_dim3A_5 {strides = array<i32>} : memref<10112xf32, #tpu.memory_space<vmem>>, vector<16xf32>,
    %swap3A_693 = arith.constant 5504 : index
    %swap3A_694 = tpu.vector_load %arg15[%swap3A_693] {strides = array<i32>} : memref<10112xf32, #tpu.memory_space<vmem>>, vector<16xf32>,
    tpu.vector_store %arg15[%swap3A_693], %broadcast_in_dim3A_5 {strides = array<i32>} : memref<10112xf32, #tpu.memory_space<vmem>>, vector<16xf32>,
    %swap3A_695 = arith.constant 5520 : index
    %swap3A_696 = tpu.vector_load %arg15[%swap3A_695] {strides = array<i32>} : memref<10112xf32, #tpu.memory_space<vmem>>, vector<16xf32>,
    tpu.vector_store %arg15[%swap3A_695], %broadcast_in_dim3A_5 {strides = array<i32>} : memref<10112xf32, #tpu.memory_space<vmem>>, vector<16xf32>,
    %swap3A_697 = arith.constant 5536 : index
    %swap3A_698 = tpu.vector_load %arg15[%swap3A_697] {strides = array<i32>} : memref<10112xf32, #tpu.memory_space<vmem>>, vector<16xf32>,
    tpu.vector_store %arg15[%swap3A_697], %broadcast_in_dim3A_5 {strides = array<i32>} : memref<10112xf32, #tpu.memory_space<vmem>>, vector<16xf32>,
    %swap3A_699 = arith.constant 5552 : index
    %swap3A_700 = tpu.vector_load %arg15[%swap3A_699] {strides = array<i32>} : memref<10112xf32, #tpu.memory_space<vmem>>, vector<16xf32>,
    tpu.vector_store %arg15[%swap3A_699], %broadcast_in_dim3A_5 {strides = array<i32>} : memref<10112xf32, #tpu.memory_space<vmem>>, vector<16xf32>,
    %swap3A_701 = arith.constant 5568 : index
    %swap3A_702 = tpu.vector_load %arg15[%swap3A_701] {strides = array<i32>} : memref<10112xf32, #tpu.memory_space<vmem>>, vector<16xf32>,
    tpu.vector_store %arg15[%swap3A_701], %broadcast_in_dim3A_5 {strides = array<i32>} : memref<10112xf32, #tpu.memory_space<vmem>>, vector<16xf32>,
    %swap3A_703 = arith.constant 5584 : index
    %swap3A_704 = tpu.vector_load %arg15[%swap3A_703] {strides = array<i32>} : memref<10112xf32, #tpu.memory_space<vmem>>, vector<16xf32>,
    tpu.vector_store %arg15[%swap3A_703], %broadcast_in_dim3A_5 {strides = array<i32>} : memref<10112xf32, #tpu.memory_space<vmem>>, vector<16xf32>,
    %swap3A_705 = arith.constant 5600 : index
    %swap3A_706 = tpu.vector_load %arg15[%swap3A_705] {strides = array<i32>} : memref<10112xf32, #tpu.memory_space<vmem>>, vector<16xf32>,
    tpu.vector_store %arg15[%swap3A_705], %broadcast_in_dim3A_5 {strides = array<i32>} : memref<10112xf32, #tpu.memory_space<vmem>>, vector<16xf32>,
    %swap3A_707 = arith.constant 5616 : index
    %swap3A_708 = tpu.vector_load %arg15[%swap3A_707] {strides = array<i32>} : memref<10112xf32, #tpu.memory_space<vmem>>, vector<16xf32>,
    tpu.vector_store %arg15[%swap3A_707], %broadcast_in_dim3A_5 {strides = array<i32>} : memref<10112xf32, #tpu.memory_space<vmem>>, vector<16xf32>,
    %swap3A_709 = arith.constant 5632 : index
    %swap3A_710 = tpu.vector_load %arg15[%swap3A_709] {strides = array<i32>} : memref<10112xf32, #tpu.memory_space<vmem>>, vector<16xf32>,
    tpu.vector_store %arg15[%swap3A_709], %broadcast_in_dim3A_5 {strides = array<i32>} : memref<10112xf32, #tpu.memory_space<vmem>>, vector<16xf32>,
    %swap3A_711 = arith.constant 5648 : index
    %swap3A_712 = tpu.vector_load %arg15[%swap3A_711] {strides = array<i32>} : memref<10112xf32, #tpu.memory_space<vmem>>, vector<16xf32>,
    tpu.vector_store %arg15[%swap3A_711], %broadcast_in_dim3A_5 {strides = array<i32>} : memref<10112xf32, #tpu.memory_space<vmem>>, vector<16xf32>,
    %swap3A_713 = arith.constant 5664 : index
    %swap3A_714 = tpu.vector_load %arg15[%swap3A_713] {strides = array<i32>} : memref<10112xf32, #tpu.memory_space<vmem>>, vector<16xf32>,
    tpu.vector_store %arg15[%swap3A_713], %broadcast_in_dim3A_5 {strides = array<i32>} : memref<10112xf32, #tpu.memory_space<vmem>>, vector<16xf32>,
    %swap3A_715 = arith.constant 5680 : index
    %swap3A_716 = tpu.vector_load %arg15[%swap3A_715] {strides = array<i32>} : memref<10112xf32, #tpu.memory_space<vmem>>, vector<16xf32>,
    tpu.vector_store %arg15[%swap3A_715], %broadcast_in_dim3A_5 {strides = array<i32>} : memref<10112xf32, #tpu.memory_space<vmem>>, vector<16xf32>,
    %swap3A_717 = arith.constant 5696 : index
    %swap3A_718 = tpu.vector_load %arg15[%swap3A_717] {strides = array<i32>} : memref<10112xf32, #tpu.memory_space<vmem>>, vector<16xf32>,
    tpu.vector_store %arg15[%swap3A_717], %broadcast_in_dim3A_5 {strides = array<i32>} : memref<10112xf32, #tpu.memory_space<vmem>>, vector<16xf32>,
    %swap3A_719 = arith.constant 5712 : index
    %swap3A_720 = tpu.vector_load %arg15[%swap3A_719] {strides = array<i32>} : memref<10112xf32, #tpu.memory_space<vmem>>, vector<16xf32>,
    tpu.vector_store %arg15[%swap3A_719], %broadcast_in_dim3A_5 {strides = array<i32>} : memref<10112xf32, #tpu.memory_space<vmem>>, vector<16xf32>,
    %swap3A_721 = arith.constant 5728 : index
    %swap3A_722 = tpu.vector_load %arg15[%swap3A_721] {strides = array<i32>} : memref<10112xf32, #tpu.memory_space<vmem>>, vector<16xf32>,
    tpu.vector_store %arg15[%swap3A_721], %broadcast_in_dim3A_5 {strides = array<i32>} : memref<10112xf32, #tpu.memory_space<vmem>>, vector<16xf32>,
    %swap3A_723 = arith.constant 5744 : index
    %swap3A_724 = tpu.vector_load %arg15[%swap3A_723] {strides = array<i32>} : memref<10112xf32, #tpu.memory_space<vmem>>, vector<16xf32>,
    tpu.vector_store %arg15[%swap3A_723], %broadcast_in_dim3A_5 {strides = array<i32>} : memref<10112xf32, #tpu.memory_space<vmem>>, vector<16xf32>,
    %swap3A_725 = arith.constant 5760 : index
    %swap3A_726 = tpu.vector_load %arg15[%swap3A_725] {strides = array<i32>} : memref<10112xf32, #tpu.memory_space<vmem>>, vector<16xf32>,
    tpu.vector_store %arg15[%swap3A_725], %broadcast_in_dim3A_5 {strides = array<i32>} : memref<10112xf32, #tpu.memory_space<vmem>>, vector<16xf32>,
    %swap3A_727 = arith.constant 5776 : index
    %swap3A_728 = tpu.vector_load %arg15[%swap3A_727] {strides = array<i32>} : memref<10112xf32, #tpu.memory_space<vmem>>, vector<16xf32>,
    tpu.vector_store %arg15[%swap3A_727], %broadcast_in_dim3A_5 {strides = array<i32>} : memref<10112xf32, #tpu.memory_space<vmem>>, vector<16xf32>,
    %swap3A_729 = arith.constant 5792 : index
    %swap3A_730 = tpu.vector_load %arg15[%swap3A_729] {strides = array<i32>} : memref<10112xf32, #tpu.memory_space<vmem>>, vector<16xf32>,
    tpu.vector_store %arg15[%swap3A_729], %broadcast_in_dim3A_5 {strides = array<i32>} : memref<10112xf32, #tpu.memory_space<vmem>>, vector<16xf32>,
    %swap3A_731 = arith.constant 5808 : index
    %swap3A_732 = tpu.vector_load %arg15[%swap3A_731] {strides = array<i32>} : memref<10112xf32, #tpu.memory_space<vmem>>, vector<16xf32>,
    tpu.vector_store %arg15[%swap3A_731], %broadcast_in_dim3A_5 {strides = array<i32>} : memref<10112xf32, #tpu.memory_space<vmem>>, vector<16xf32>,
    %swap3A_733 = arith.constant 5824 : index
    %swap3A_734 = tpu.vector_load %arg15[%swap3A_733] {strides = array<i32>} : memref<10112xf32, #tpu.memory_space<vmem>>, vector<16xf32>,
    tpu.vector_store %arg15[%swap3A_733], %broadcast_in_dim3A_5 {strides = array<i32>} : memref<10112xf32, #tpu.memory_space<vmem>>, vector<16xf32>,
    %swap3A_735 = arith.constant 5840 : index
    %swap3A_736 = tpu.vector_load %arg15[%swap3A_735] {strides = array<i32>} : memref<10112xf32, #tpu.memory_space<vmem>>, vector<16xf32>,
    tpu.vector_store %arg15[%swap3A_735], %broadcast_in_dim3A_5 {strides = array<i32>} : memref<10112xf32, #tpu.memory_space<vmem>>, vector<16xf32>,
    %swap3A_737 = arith.constant 5856 : index
    %swap3A_738 = tpu.vector_load %arg15[%swap3A_737] {strides = array<i32>} : memref<10112xf32, #tpu.memory_space<vmem>>, vector<16xf32>,
    tpu.vector_store %arg15[%swap3A_737], %broadcast_in_dim3A_5 {strides = array<i32>} : memref<10112xf32, #tpu.memory_space<vmem>>, vector<16xf32>,
    %swap3A_739 = arith.constant 5872 : index
    %swap3A_740 = tpu.vector_load %arg15[%swap3A_739] {strides = array<i32>} : memref<10112xf32, #tpu.memory_space<vmem>>, vector<16xf32>,
    tpu.vector_store %arg15[%swap3A_739], %broadcast_in_dim3A_5 {strides = array<i32>} : memref<10112xf32, #tpu.memory_space<vmem>>, vector<16xf32>,
    %swap3A_741 = arith.constant 5888 : index
    %swap3A_742 = tpu.vector_load %arg15[%swap3A_741] {strides = array<i32>} : memref<10112xf32, #tpu.memory_space<vmem>>, vector<16xf32>,
    tpu.vector_store %arg15[%swap3A_741], %broadcast_in_dim3A_5 {strides = array<i32>} : memref<10112xf32, #tpu.memory_space<vmem>>, vector<16xf32>,
    %swap3A_743 = arith.constant 5904 : index
    %swap3A_744 = tpu.vector_load %arg15[%swap3A_743] {strides = array<i32>} : memref<10112xf32, #tpu.memory_space<vmem>>, vector<16xf32>,
    tpu.vector_store %arg15[%swap3A_743], %broadcast_in_dim3A_5 {strides = array<i32>} : memref<10112xf32, #tpu.memory_space<vmem>>, vector<16xf32>,
    %swap3A_745 = arith.constant 5920 : index
    %swap3A_746 = tpu.vector_load %arg15[%swap3A_745] {strides = array<i32>} : memref<10112xf32, #tpu.memory_space<vmem>>, vector<16xf32>,
    tpu.vector_store %arg15[%swap3A_745], %broadcast_in_dim3A_5 {strides = array<i32>} : memref<10112xf32, #tpu.memory_space<vmem>>, vector<16xf32>,
    %swap3A_747 = arith.constant 5936 : index
    %swap3A_748 = tpu.vector_load %arg15[%swap3A_747] {strides = array<i32>} : memref<10112xf32, #tpu.memory_space<vmem>>, vector<16xf32>,
    tpu.vector_store %arg15[%swap3A_747], %broadcast_in_dim3A_5 {strides = array<i32>} : memref<10112xf32, #tpu.memory_space<vmem>>, vector<16xf32>,
    %swap3A_749 = arith.constant 5952 : index
    %swap3A_750 = tpu.vector_load %arg15[%swap3A_749] {strides = array<i32>} : memref<10112xf32, #tpu.memory_space<vmem>>, vector<16xf32>,
    tpu.vector_store %arg15[%swap3A_749], %broadcast_in_dim3A_5 {strides = array<i32>} : memref<10112xf32, #tpu.memory_space<vmem>>, vector<16xf32>,
    %swap3A_751 = arith.constant 5968 : index
    %swap3A_752 = tpu.vector_load %arg15[%swap3A_751] {strides = array<i32>} : memref<10112xf32, #tpu.memory_space<vmem>>, vector<16xf32>,
    tpu.vector_store %arg15[%swap3A_751], %broadcast_in_dim3A_5 {strides = array<i32>} : memref<10112xf32, #tpu.memory_space<vmem>>, vector<16xf32>,
    %swap3A_753 = arith.constant 5984 : index
    %swap3A_754 = tpu.vector_load %arg15[%swap3A_753] {strides = array<i32>} : memref<10112xf32, #tpu.memory_space<vmem>>, vector<16xf32>,
    tpu.vector_store %arg15[%swap3A_753], %broadcast_in_dim3A_5 {strides = array<i32>} : memref<10112xf32, #tpu.memory_space<vmem>>, vector<16xf32>,
    %swap3A_755 = arith.constant 6000 : index
    %swap3A_756 = tpu.vector_load %arg15[%swap3A_755] {strides = array<i32>} : memref<10112xf32, #tpu.memory_space<vmem>>, vector<16xf32>,
    tpu.vector_store %arg15[%swap3A_755], %broadcast_in_dim3A_5 {strides = array<i32>} : memref<10112xf32, #tpu.memory_space<vmem>>, vector<16xf32>,
    %swap3A_757 = arith.constant 6016 : index
    %swap3A_758 = tpu.vector_load %arg15[%swap3A_757] {strides = array<i32>} : memref<10112xf32, #tpu.memory_space<vmem>>, vector<16xf32>,
    tpu.vector_store %arg15[%swap3A_757], %broadcast_in_dim3A_5 {strides = array<i32>} : memref<10112xf32, #tpu.memory_space<vmem>>, vector<16xf32>,
    %swap3A_759 = arith.constant 6032 : index
    %swap3A_760 = tpu.vector_load %arg15[%swap3A_759] {strides = array<i32>} : memref<10112xf32, #tpu.memory_space<vmem>>, vector<16xf32>,
    tpu.vector_store %arg15[%swap3A_759], %broadcast_in_dim3A_5 {strides = array<i32>} : memref<10112xf32, #tpu.memory_space<vmem>>, vector<16xf32>,
    %swap3A_761 = arith.constant 6048 : index
    %swap3A_762 = tpu.vector_load %arg15[%swap3A_761] {strides = array<i32>} : memref<10112xf32, #tpu.memory_space<vmem>>, vector<16xf32>,
    tpu.vector_store %arg15[%swap3A_761], %broadcast_in_dim3A_5 {strides = array<i32>} : memref<10112xf32, #tpu.memory_space<vmem>>, vector<16xf32>,
    %swap3A_763 = arith.constant 6064 : index
    %swap3A_764 = tpu.vector_load %arg15[%swap3A_763] {strides = array<i32>} : memref<10112xf32, #tpu.memory_space<vmem>>, vector<16xf32>,
    tpu.vector_store %arg15[%swap3A_763], %broadcast_in_dim3A_5 {strides = array<i32>} : memref<10112xf32, #tpu.memory_space<vmem>>, vector<16xf32>,
    %swap3A_765 = arith.constant 6080 : index
    %swap3A_766 = tpu.vector_load %arg15[%swap3A_765] {strides = array<i32>} : memref<10112xf32, #tpu.memory_space<vmem>>, vector<16xf32>,
    tpu.vector_store %arg15[%swap3A_765], %broadcast_in_dim3A_5 {strides = array<i32>} : memref<10112xf32, #tpu.memory_space<vmem>>, vector<16xf32>,
    %swap3A_767 = arith.constant 6096 : index
    %swap3A_768 = tpu.vector_load %arg15[%swap3A_767] {strides = array<i32>} : memref<10112xf32, #tpu.memory_space<vmem>>, vector<16xf32>,
    tpu.vector_store %arg15[%swap3A_767], %broadcast_in_dim3A_5 {strides = array<i32>} : memref<10112xf32, #tpu.memory_space<vmem>>, vector<16xf32>,
    %swap3A_769 = arith.constant 6112 : index
    %swap3A_770 = tpu.vector_load %arg15[%swap3A_769] {strides = array<i32>} : memref<10112xf32, #tpu.memory_space<vmem>>, vector<16xf32>,
    tpu.vector_store %arg15[%swap3A_769], %broadcast_in_dim3A_5 {strides = array<i32>} : memref<10112xf32, #tpu.memory_space<vmem>>, vector<16xf32>,
    %swap3A_771 = arith.constant 6128 : index
    %swap3A_772 = tpu.vector_load %arg15[%swap3A_771] {strides = array<i32>} : memref<10112xf32, #tpu.memory_space<vmem>>, vector<16xf32>,
    tpu.vector_store %arg15[%swap3A_771], %broadcast_in_dim3A_5 {strides = array<i32>} : memref<10112xf32, #tpu.memory_space<vmem>>, vector<16xf32>,
    %swap3A_773 = arith.constant 6144 : index
    %swap3A_774 = tpu.vector_load %arg15[%swap3A_773] {strides = array<i32>} : memref<10112xf32, #tpu.memory_space<vmem>>, vector<16xf32>,
    tpu.vector_store %arg15[%swap3A_773], %broadcast_in_dim3A_5 {strides = array<i32>} : memref<10112xf32, #tpu.memory_space<vmem>>, vector<16xf32>,
    %swap3A_775 = arith.constant 6160 : index
    %swap3A_776 = tpu.vector_load %arg15[%swap3A_775] {strides = array<i32>} : memref<10112xf32, #tpu.memory_space<vmem>>, vector<16xf32>,
    tpu.vector_store %arg15[%swap3A_775], %broadcast_in_dim3A_5 {strides = array<i32>} : memref<10112xf32, #tpu.memory_space<vmem>>, vector<16xf32>,
    %swap3A_777 = arith.constant 6176 : index
    %swap3A_778 = tpu.vector_load %arg15[%swap3A_777] {strides = array<i32>} : memref<10112xf32, #tpu.memory_space<vmem>>, vector<16xf32>,
    tpu.vector_store %arg15[%swap3A_777], %broadcast_in_dim3A_5 {strides = array<i32>} : memref<10112xf32, #tpu.memory_space<vmem>>, vector<16xf32>,
    %swap3A_779 = arith.constant 6192 : index
    %swap3A_780 = tpu.vector_load %arg15[%swap3A_779] {strides = array<i32>} : memref<10112xf32, #tpu.memory_space<vmem>>, vector<16xf32>,
    tpu.vector_store %arg15[%swap3A_779], %broadcast_in_dim3A_5 {strides = array<i32>} : memref<10112xf32, #tpu.memory_space<vmem>>, vector<16xf32>,
    %swap3A_781 = arith.constant 6208 : index
    %swap3A_782 = tpu.vector_load %arg15[%swap3A_781] {strides = array<i32>} : memref<10112xf32, #tpu.memory_space<vmem>>, vector<16xf32>,
    tpu.vector_store %arg15[%swap3A_781], %broadcast_in_dim3A_5 {strides = array<i32>} : memref<10112xf32, #tpu.memory_space<vmem>>, vector<16xf32>,
    %swap3A_783 = arith.constant 6224 : index
    %swap3A_784 = tpu.vector_load %arg15[%swap3A_783] {strides = array<i32>} : memref<10112xf32, #tpu.memory_space<vmem>>, vector<16xf32>,
    tpu.vector_store %arg15[%swap3A_783], %broadcast_in_dim3A_5 {strides = array<i32>} : memref<10112xf32, #tpu.memory_space<vmem>>, vector<16xf32>,
    %swap3A_785 = arith.constant 6240 : index
    %swap3A_786 = tpu.vector_load %arg15[%swap3A_785] {strides = array<i32>} : memref<10112xf32, #tpu.memory_space<vmem>>, vector<16xf32>,
    tpu.vector_store %arg15[%swap3A_785], %broadcast_in_dim3A_5 {strides = array<i32>} : memref<10112xf32, #tpu.memory_space<vmem>>, vector<16xf32>,
    %swap3A_787 = arith.constant 6256 : index
    %swap3A_788 = tpu.vector_load %arg15[%swap3A_787] {strides = array<i32>} : memref<10112xf32, #tpu.memory_space<vmem>>, vector<16xf32>,
    tpu.vector_store %arg15[%swap3A_787], %broadcast_in_dim3A_5 {strides = array<i32>} : memref<10112xf32, #tpu.memory_space<vmem>>, vector<16xf32>,
    %swap3A_789 = arith.constant 6272 : index
    %swap3A_790 = tpu.vector_load %arg15[%swap3A_789] {strides = array<i32>} : memref<10112xf32, #tpu.memory_space<vmem>>, vector<16xf32>,
    tpu.vector_store %arg15[%swap3A_789], %broadcast_in_dim3A_5 {strides = array<i32>} : memref<10112xf32, #tpu.memory_space<vmem>>, vector<16xf32>,
    %swap3A_791 = arith.constant 6288 : index
    %swap3A_792 = tpu.vector_load %arg15[%swap3A_791] {strides = array<i32>} : memref<10112xf32, #tpu.memory_space<vmem>>, vector<16xf32>,
    tpu.vector_store %arg15[%swap3A_791], %broadcast_in_dim3A_5 {strides = array<i32>} : memref<10112xf32, #tpu.memory_space<vmem>>, vector<16xf32>,
    %swap3A_793 = arith.constant 6304 : index
    %swap3A_794 = tpu.vector_load %arg15[%swap3A_793] {strides = array<i32>} : memref<10112xf32, #tpu.memory_space<vmem>>, vector<16xf32>,
    tpu.vector_store %arg15[%swap3A_793], %broadcast_in_dim3A_5 {strides = array<i32>} : memref<10112xf32, #tpu.memory_space<vmem>>, vector<16xf32>,
    %swap3A_795 = arith.constant 6320 : index
    %swap3A_796 = tpu.vector_load %arg15[%swap3A_795] {strides = array<i32>} : memref<10112xf32, #tpu.memory_space<vmem>>, vector<16xf32>,
    tpu.vector_store %arg15[%swap3A_795], %broadcast_in_dim3A_5 {strides = array<i32>} : memref<10112xf32, #tpu.memory_space<vmem>>, vector<16xf32>,
    %swap3A_797 = arith.constant 6336 : index
    %swap3A_798 = tpu.vector_load %arg15[%swap3A_797] {strides = array<i32>} : memref<10112xf32, #tpu.memory_space<vmem>>, vector<16xf32>,
    tpu.vector_store %arg15[%swap3A_797], %broadcast_in_dim3A_5 {strides = array<i32>} : memref<10112xf32, #tpu.memory_space<vmem>>, vector<16xf32>,
    %swap3A_799 = arith.constant 6352 : index
    %swap3A_800 = tpu.vector_load %arg15[%swap3A_799] {strides = array<i32>} : memref<10112xf32, #tpu.memory_space<vmem>>, vector<16xf32>,
    tpu.vector_store %arg15[%swap3A_799], %broadcast_in_dim3A_5 {strides = array<i32>} : memref<10112xf32, #tpu.memory_space<vmem>>, vector<16xf32>,
    %swap3A_801 = arith.constant 6368 : index
    %swap3A_802 = tpu.vector_load %arg15[%swap3A_801] {strides = array<i32>} : memref<10112xf32, #tpu.memory_space<vmem>>, vector<16xf32>,
    tpu.vector_store %arg15[%swap3A_801], %broadcast_in_dim3A_5 {strides = array<i32>} : memref<10112xf32, #tpu.memory_space<vmem>>, vector<16xf32>,
    %swap3A_803 = arith.constant 6384 : index
    %swap3A_804 = tpu.vector_load %arg15[%swap3A_803] {strides = array<i32>} : memref<10112xf32, #tpu.memory_space<vmem>>, vector<16xf32>,
    tpu.vector_store %arg15[%swap3A_803], %broadcast_in_dim3A_5 {strides = array<i32>} : memref<10112xf32, #tpu.memory_space<vmem>>, vector<16xf32>,
    %swap3A_805 = arith.constant 6400 : index
    %swap3A_806 = tpu.vector_load %arg15[%swap3A_805] {strides = array<i32>} : memref<10112xf32, #tpu.memory_space<vmem>>, vector<16xf32>,
    tpu.vector_store %arg15[%swap3A_805], %broadcast_in_dim3A_5 {strides = array<i32>} : memref<10112xf32, #tpu.memory_space<vmem>>, vector<16xf32>,
    %swap3A_807 = arith.constant 6416 : index
    %swap3A_808 = tpu.vector_load %arg15[%swap3A_807] {strides = array<i32>} : memref<10112xf32, #tpu.memory_space<vmem>>, vector<16xf32>,
    tpu.vector_store %arg15[%swap3A_807], %broadcast_in_dim3A_5 {strides = array<i32>} : memref<10112xf32, #tpu.memory_space<vmem>>, vector<16xf32>,
    %swap3A_809 = arith.constant 6432 : index
    %swap3A_810 = tpu.vector_load %arg15[%swap3A_809] {strides = array<i32>} : memref<10112xf32, #tpu.memory_space<vmem>>, vector<16xf32>,
    tpu.vector_store %arg15[%swap3A_809], %broadcast_in_dim3A_5 {strides = array<i32>} : memref<10112xf32, #tpu.memory_space<vmem>>, vector<16xf32>,
    %swap3A_811 = arith.constant 6448 : index
    %swap3A_812 = tpu.vector_load %arg15[%swap3A_811] {strides = array<i32>} : memref<10112xf32, #tpu.memory_space<vmem>>, vector<16xf32>,
    tpu.vector_store %arg15[%swap3A_811], %broadcast_in_dim3A_5 {strides = array<i32>} : memref<10112xf32, #tpu.memory_space<vmem>>, vector<16xf32>,
    %swap3A_813 = arith.constant 6464 : index
    %swap3A_814 = tpu.vector_load %arg15[%swap3A_813] {strides = array<i32>} : memref<10112xf32, #tpu.memory_space<vmem>>, vector<16xf32>,
    tpu.vector_store %arg15[%swap3A_813], %broadcast_in_dim3A_5 {strides = array<i32>} : memref<10112xf32, #tpu.memory_space<vmem>>, vector<16xf32>,
    %swap3A_815 = arith.constant 6480 : index
    %swap3A_816 = tpu.vector_load %arg15[%swap3A_815] {strides = array<i32>} : memref<10112xf32, #tpu.memory_space<vmem>>, vector<16xf32>,
    tpu.vector_store %arg15[%swap3A_815], %broadcast_in_dim3A_5 {strides = array<i32>} : memref<10112xf32, #tpu.memory_space<vmem>>, vector<16xf32>,
    %swap3A_817 = arith.constant 6496 : index
    %swap3A_818 = tpu.vector_load %arg15[%swap3A_817] {strides = array<i32>} : memref<10112xf32, #tpu.memory_space<vmem>>, vector<16xf32>,
    tpu.vector_store %arg15[%swap3A_817], %broadcast_in_dim3A_5 {strides = array<i32>} : memref<10112xf32, #tpu.memory_space<vmem>>, vector<16xf32>,
    %swap3A_819 = arith.constant 6512 : index
    %swap3A_820 = tpu.vector_load %arg15[%swap3A_819] {strides = array<i32>} : memref<10112xf32, #tpu.memory_space<vmem>>, vector<16xf32>,
    tpu.vector_store %arg15[%swap3A_819], %broadcast_in_dim3A_5 {strides = array<i32>} : memref<10112xf32, #tpu.memory_space<vmem>>, vector<16xf32>,
    %swap3A_821 = arith.constant 6528 : index
    %swap3A_822 = tpu.vector_load %arg15[%swap3A_821] {strides = array<i32>} : memref<10112xf32, #tpu.memory_space<vmem>>, vector<16xf32>,
    tpu.vector_store %arg15[%swap3A_821], %broadcast_in_dim3A_5 {strides = array<i32>} : memref<10112xf32, #tpu.memory_space<vmem>>, vector<16xf32>,
    %swap3A_823 = arith.constant 6544 : index
    %swap3A_824 = tpu.vector_load %arg15[%swap3A_823] {strides = array<i32>} : memref<10112xf32, #tpu.memory_space<vmem>>, vector<16xf32>,
    tpu.vector_store %arg15[%swap3A_823], %broadcast_in_dim3A_5 {strides = array<i32>} : memref<10112xf32, #tpu.memory_space<vmem>>, vector<16xf32>,
    %swap3A_825 = arith.constant 6560 : index
    %swap3A_826 = tpu.vector_load %arg15[%swap3A_825] {strides = array<i32>} : memref<10112xf32, #tpu.memory_space<vmem>>, vector<16xf32>,
    tpu.vector_store %arg15[%swap3A_825], %broadcast_in_dim3A_5 {strides = array<i32>} : memref<10112xf32, #tpu.memory_space<vmem>>, vector<16xf32>,
    %swap3A_827 = arith.constant 6576 : index
    %swap3A_828 = tpu.vector_load %arg15[%swap3A_827] {strides = array<i32>} : memref<10112xf32, #tpu.memory_space<vmem>>, vector<16xf32>,
    tpu.vector_store %arg15[%swap3A_827], %broadcast_in_dim3A_5 {strides = array<i32>} : memref<10112xf32, #tpu.memory_space<vmem>>, vector<16xf32>,
    %swap3A_829 = arith.constant 6592 : index
    %swap3A_830 = tpu.vector_load %arg15[%swap3A_829] {strides = array<i32>} : memref<10112xf32, #tpu.memory_space<vmem>>, vector<16xf32>,
    tpu.vector_store %arg15[%swap3A_829], %broadcast_in_dim3A_5 {strides = array<i32>} : memref<10112xf32, #tpu.memory_space<vmem>>, vector<16xf32>,
    %swap3A_831 = arith.constant 6608 : index
    %swap3A_832 = tpu.vector_load %arg15[%swap3A_831] {strides = array<i32>} : memref<10112xf32, #tpu.memory_space<vmem>>, vector<16xf32>,
    tpu.vector_store %arg15[%swap3A_831], %broadcast_in_dim3A_5 {strides = array<i32>} : memref<10112xf32, #tpu.memory_space<vmem>>, vector<16xf32>,
    %swap3A_833 = arith.constant 6624 : index
    %swap3A_834 = tpu.vector_load %arg15[%swap3A_833] {strides = array<i32>} : memref<10112xf32, #tpu.memory_space<vmem>>, vector<16xf32>,
    tpu.vector_store %arg15[%swap3A_833], %broadcast_in_dim3A_5 {strides = array<i32>} : memref<10112xf32, #tpu.memory_space<vmem>>, vector<16xf32>,
    %swap3A_835 = arith.constant 6640 : index
    %swap3A_836 = tpu.vector_load %arg15[%swap3A_835] {strides = array<i32>} : memref<10112xf32, #tpu.memory_space<vmem>>, vector<16xf32>,
    tpu.vector_store %arg15[%swap3A_835], %broadcast_in_dim3A_5 {strides = array<i32>} : memref<10112xf32, #tpu.memory_space<vmem>>, vector<16xf32>,
    %swap3A_837 = arith.constant 6656 : index
    %swap3A_838 = tpu.vector_load %arg15[%swap3A_837] {strides = array<i32>} : memref<10112xf32, #tpu.memory_space<vmem>>, vector<16xf32>,
    tpu.vector_store %arg15[%swap3A_837], %broadcast_in_dim3A_5 {strides = array<i32>} : memref<10112xf32, #tpu.memory_space<vmem>>, vector<16xf32>,
    %swap3A_839 = arith.constant 6672 : index
    %swap3A_840 = tpu.vector_load %arg15[%swap3A_839] {strides = array<i32>} : memref<10112xf32, #tpu.memory_space<vmem>>, vector<16xf32>,
    tpu.vector_store %arg15[%swap3A_839], %broadcast_in_dim3A_5 {strides = array<i32>} : memref<10112xf32, #tpu.memory_space<vmem>>, vector<16xf32>,
    %swap3A_841 = arith.constant 6688 : index
    %swap3A_842 = tpu.vector_load %arg15[%swap3A_841] {strides = array<i32>} : memref<10112xf32, #tpu.memory_space<vmem>>, vector<16xf32>,
    tpu.vector_store %arg15[%swap3A_841], %broadcast_in_dim3A_5 {strides = array<i32>} : memref<10112xf32, #tpu.memory_space<vmem>>, vector<16xf32>,
    %swap3A_843 = arith.constant 6704 : index
    %swap3A_844 = tpu.vector_load %arg15[%swap3A_843] {strides = array<i32>} : memref<10112xf32, #tpu.memory_space<vmem>>, vector<16xf32>,
    tpu.vector_store %arg15[%swap3A_843], %broadcast_in_dim3A_5 {strides = array<i32>} : memref<10112xf32, #tpu.memory_space<vmem>>, vector<16xf32>,
    %swap3A_845 = arith.constant 6720 : index
    %swap3A_846 = tpu.vector_load %arg15[%swap3A_845] {strides = array<i32>} : memref<10112xf32, #tpu.memory_space<vmem>>, vector<16xf32>,
    tpu.vector_store %arg15[%swap3A_845], %broadcast_in_dim3A_5 {strides = array<i32>} : memref<10112xf32, #tpu.memory_space<vmem>>, vector<16xf32>,
    %swap3A_847 = arith.constant 6736 : index
    %swap3A_848 = tpu.vector_load %arg15[%swap3A_847] {strides = array<i32>} : memref<10112xf32, #tpu.memory_space<vmem>>, vector<16xf32>,
    tpu.vector_store %arg15[%swap3A_847], %broadcast_in_dim3A_5 {strides = array<i32>} : memref<10112xf32, #tpu.memory_space<vmem>>, vector<16xf32>,
    %swap3A_849 = arith.constant 6752 : index
    %swap3A_850 = tpu.vector_load %arg15[%swap3A_849] {strides = array<i32>} : memref<10112xf32, #tpu.memory_space<vmem>>, vector<16xf32>,
    tpu.vector_store %arg15[%swap3A_849], %broadcast_in_dim3A_5 {strides = array<i32>} : memref<10112xf32, #tpu.memory_space<vmem>>, vector<16xf32>,
    %swap3A_851 = arith.constant 6768 : index
    %swap3A_852 = tpu.vector_load %arg15[%swap3A_851] {strides = array<i32>} : memref<10112xf32, #tpu.memory_space<vmem>>, vector<16xf32>,
    tpu.vector_store %arg15[%swap3A_851], %broadcast_in_dim3A_5 {strides = array<i32>} : memref<10112xf32, #tpu.memory_space<vmem>>, vector<16xf32>,
    %swap3A_853 = arith.constant 6784 : index
    %swap3A_854 = tpu.vector_load %arg15[%swap3A_853] {strides = array<i32>} : memref<10112xf32, #tpu.memory_space<vmem>>, vector<16xf32>,
    tpu.vector_store %arg15[%swap3A_853], %broadcast_in_dim3A_5 {strides = array<i32>} : memref<10112xf32, #tpu.memory_space<vmem>>, vector<16xf32>,
    %swap3A_855 = arith.constant 6800 : index
    %swap3A_856 = tpu.vector_load %arg15[%swap3A_855] {strides = array<i32>} : memref<10112xf32, #tpu.memory_space<vmem>>, vector<16xf32>,
    tpu.vector_store %arg15[%swap3A_855], %broadcast_in_dim3A_5 {strides = array<i32>} : memref<10112xf32, #tpu.memory_space<vmem>>, vector<16xf32>,
    %swap3A_857 = arith.constant 6816 : index
    %swap3A_858 = tpu.vector_load %arg15[%swap3A_857] {strides = array<i32>} : memref<10112xf32, #tpu.memory_space<vmem>>, vector<16xf32>,
    tpu.vector_store %arg15[%swap3A_857], %broadcast_in_dim3A_5 {strides = array<i32>} : memref<10112xf32, #tpu.memory_space<vmem>>, vector<16xf32>,
    %swap3A_859 = arith.constant 6832 : index
    %swap3A_860 = tpu.vector_load %arg15[%swap3A_859] {strides = array<i32>} : memref<10112xf32, #tpu.memory_space<vmem>>, vector<16xf32>,
    tpu.vector_store %arg15[%swap3A_859], %broadcast_in_dim3A_5 {strides = array<i32>} : memref<10112xf32, #tpu.memory_space<vmem>>, vector<16xf32>,
    %swap3A_861 = arith.constant 6848 : index
    %swap3A_862 = tpu.vector_load %arg15[%swap3A_861] {strides = array<i32>} : memref<10112xf32, #tpu.memory_space<vmem>>, vector<16xf32>,
    tpu.vector_store %arg15[%swap3A_861], %broadcast_in_dim3A_5 {strides = array<i32>} : memref<10112xf32, #tpu.memory_space<vmem>>, vector<16xf32>,
    %swap3A_863 = arith.constant 6864 : index
    %swap3A_864 = tpu.vector_load %arg15[%swap3A_863] {strides = array<i32>} : memref<10112xf32, #tpu.memory_space<vmem>>, vector<16xf32>,
    tpu.vector_store %arg15[%swap3A_863], %broadcast_in_dim3A_5 {strides = array<i32>} : memref<10112xf32, #tpu.memory_space<vmem>>, vector<16xf32>,
    %swap3A_865 = arith.constant 6880 : index
    %swap3A_866 = tpu.vector_load %arg15[%swap3A_865] {strides = array<i32>} : memref<10112xf32, #tpu.memory_space<vmem>>, vector<16xf32>,
    tpu.vector_store %arg15[%swap3A_865], %broadcast_in_dim3A_5 {strides = array<i32>} : memref<10112xf32, #tpu.memory_space<vmem>>, vector<16xf32>,
    %swap3A_867 = arith.constant 6896 : index
    %swap3A_868 = tpu.vector_load %arg15[%swap3A_867] {strides = array<i32>} : memref<10112xf32, #tpu.memory_space<vmem>>, vector<16xf32>,
    tpu.vector_store %arg15[%swap3A_867], %broadcast_in_dim3A_5 {strides = array<i32>} : memref<10112xf32, #tpu.memory_space<vmem>>, vector<16xf32>,
    %swap3A_869 = arith.constant 6912 : index
    %swap3A_870 = tpu.vector_load %arg15[%swap3A_869] {strides = array<i32>} : memref<10112xf32, #tpu.memory_space<vmem>>, vector<16xf32>,
    tpu.vector_store %arg15[%swap3A_869], %broadcast_in_dim3A_5 {strides = array<i32>} : memref<10112xf32, #tpu.memory_space<vmem>>, vector<16xf32>,
    %swap3A_871 = arith.constant 6928 : index
    %swap3A_872 = tpu.vector_load %arg15[%swap3A_871] {strides = array<i32>} : memref<10112xf32, #tpu.memory_space<vmem>>, vector<16xf32>,
    tpu.vector_store %arg15[%swap3A_871], %broadcast_in_dim3A_5 {strides = array<i32>} : memref<10112xf32, #tpu.memory_space<vmem>>, vector<16xf32>,
    %swap3A_873 = arith.constant 6944 : index
    %swap3A_874 = tpu.vector_load %arg15[%swap3A_873] {strides = array<i32>} : memref<10112xf32, #tpu.memory_space<vmem>>, vector<16xf32>,
    tpu.vector_store %arg15[%swap3A_873], %broadcast_in_dim3A_5 {strides = array<i32>} : memref<10112xf32, #tpu.memory_space<vmem>>, vector<16xf32>,
    %swap3A_875 = arith.constant 6960 : index
    %swap3A_876 = tpu.vector_load %arg15[%swap3A_875] {strides = array<i32>} : memref<10112xf32, #tpu.memory_space<vmem>>, vector<16xf32>,
    tpu.vector_store %arg15[%swap3A_875], %broadcast_in_dim3A_5 {strides = array<i32>} : memref<10112xf32, #tpu.memory_space<vmem>>, vector<16xf32>,
    %swap3A_877 = arith.constant 6976 : index
    %swap3A_878 = tpu.vector_load %arg15[%swap3A_877] {strides = array<i32>} : memref<10112xf32, #tpu.memory_space<vmem>>, vector<16xf32>,
    tpu.vector_store %arg15[%swap3A_877], %broadcast_in_dim3A_5 {strides = array<i32>} : memref<10112xf32, #tpu.memory_space<vmem>>, vector<16xf32>,
    %swap3A_879 = arith.constant 6992 : index
    %swap3A_880 = tpu.vector_load %arg15[%swap3A_879] {strides = array<i32>} : memref<10112xf32, #tpu.memory_space<vmem>>, vector<16xf32>,
    tpu.vector_store %arg15[%swap3A_879], %broadcast_in_dim3A_5 {strides = array<i32>} : memref<10112xf32, #tpu.memory_space<vmem>>, vector<16xf32>,
    %swap3A_881 = arith.constant 7008 : index
    %swap3A_882 = tpu.vector_load %arg15[%swap3A_881] {strides = array<i32>} : memref<10112xf32, #tpu.memory_space<vmem>>, vector<16xf32>,
    tpu.vector_store %arg15[%swap3A_881], %broadcast_in_dim3A_5 {strides = array<i32>} : memref<10112xf32, #tpu.memory_space<vmem>>, vector<16xf32>,
    %swap3A_883 = arith.constant 7024 : index
    %swap3A_884 = tpu.vector_load %arg15[%swap3A_883] {strides = array<i32>} : memref<10112xf32, #tpu.memory_space<vmem>>, vector<16xf32>,
    tpu.vector_store %arg15[%swap3A_883], %broadcast_in_dim3A_5 {strides = array<i32>} : memref<10112xf32, #tpu.memory_space<vmem>>, vector<16xf32>,
    %swap3A_885 = arith.constant 7040 : index
    %swap3A_886 = tpu.vector_load %arg15[%swap3A_885] {strides = array<i32>} : memref<10112xf32, #tpu.memory_space<vmem>>, vector<16xf32>,
    tpu.vector_store %arg15[%swap3A_885], %broadcast_in_dim3A_5 {strides = array<i32>} : memref<10112xf32, #tpu.memory_space<vmem>>, vector<16xf32>,
    %swap3A_887 = arith.constant 7056 : index
    %swap3A_888 = tpu.vector_load %arg15[%swap3A_887] {strides = array<i32>} : memref<10112xf32, #tpu.memory_space<vmem>>, vector<16xf32>,
    tpu.vector_store %arg15[%swap3A_887], %broadcast_in_dim3A_5 {strides = array<i32>} : memref<10112xf32, #tpu.memory_space<vmem>>, vector<16xf32>,
    %swap3A_889 = arith.constant 7072 : index
    %swap3A_890 = tpu.vector_load %arg15[%swap3A_889] {strides = array<i32>} : memref<10112xf32, #tpu.memory_space<vmem>>, vector<16xf32>,
    tpu.vector_store %arg15[%swap3A_889], %broadcast_in_dim3A_5 {strides = array<i32>} : memref<10112xf32, #tpu.memory_space<vmem>>, vector<16xf32>,
    %swap3A_891 = arith.constant 7088 : index
    %swap3A_892 = tpu.vector_load %arg15[%swap3A_891] {strides = array<i32>} : memref<10112xf32, #tpu.memory_space<vmem>>, vector<16xf32>,
    tpu.vector_store %arg15[%swap3A_891], %broadcast_in_dim3A_5 {strides = array<i32>} : memref<10112xf32, #tpu.memory_space<vmem>>, vector<16xf32>,
    %swap3A_893 = arith.constant 7104 : index
    %swap3A_894 = tpu.vector_load %arg15[%swap3A_893] {strides = array<i32>} : memref<10112xf32, #tpu.memory_space<vmem>>, vector<16xf32>,
    tpu.vector_store %arg15[%swap3A_893], %broadcast_in_dim3A_5 {strides = array<i32>} : memref<10112xf32, #tpu.memory_space<vmem>>, vector<16xf32>,
    %swap3A_895 = arith.constant 7120 : index
    %swap3A_896 = tpu.vector_load %arg15[%swap3A_895] {strides = array<i32>} : memref<10112xf32, #tpu.memory_space<vmem>>, vector<16xf32>,
    tpu.vector_store %arg15[%swap3A_895], %broadcast_in_dim3A_5 {strides = array<i32>} : memref<10112xf32, #tpu.memory_space<vmem>>, vector<16xf32>,
    %swap3A_897 = arith.constant 7136 : index
    %swap3A_898 = tpu.vector_load %arg15[%swap3A_897] {strides = array<i32>} : memref<10112xf32, #tpu.memory_space<vmem>>, vector<16xf32>,
    tpu.vector_store %arg15[%swap3A_897], %broadcast_in_dim3A_5 {strides = array<i32>} : memref<10112xf32, #tpu.memory_space<vmem>>, vector<16xf32>,
    %swap3A_899 = arith.constant 7152 : index
    %swap3A_900 = tpu.vector_load %arg15[%swap3A_899] {strides = array<i32>} : memref<10112xf32, #tpu.memory_space<vmem>>, vector<16xf32>,
    tpu.vector_store %arg15[%swap3A_899], %broadcast_in_dim3A_5 {strides = array<i32>} : memref<10112xf32, #tpu.memory_space<vmem>>, vector<16xf32>,
    %swap3A_901 = arith.constant 7168 : index
    %swap3A_902 = tpu.vector_load %arg15[%swap3A_901] {strides = array<i32>} : memref<10112xf32, #tpu.memory_space<vmem>>, vector<16xf32>,
    tpu.vector_store %arg15[%swap3A_901], %broadcast_in_dim3A_5 {strides = array<i32>} : memref<10112xf32, #tpu.memory_space<vmem>>, vector<16xf32>,
    %swap3A_903 = arith.constant 7184 : index
    %swap3A_904 = tpu.vector_load %arg15[%swap3A_903] {strides = array<i32>} : memref<10112xf32, #tpu.memory_space<vmem>>, vector<16xf32>,
    tpu.vector_store %arg15[%swap3A_903], %broadcast_in_dim3A_5 {strides = array<i32>} : memref<10112xf32, #tpu.memory_space<vmem>>, vector<16xf32>,
    %swap3A_905 = arith.constant 7200 : index
    %swap3A_906 = tpu.vector_load %arg15[%swap3A_905] {strides = array<i32>} : memref<10112xf32, #tpu.memory_space<vmem>>, vector<16xf32>,
    tpu.vector_store %arg15[%swap3A_905], %broadcast_in_dim3A_5 {strides = array<i32>} : memref<10112xf32, #tpu.memory_space<vmem>>, vector<16xf32>,
    %swap3A_907 = arith.constant 7216 : index
    %swap3A_908 = tpu.vector_load %arg15[%swap3A_907] {strides = array<i32>} : memref<10112xf32, #tpu.memory_space<vmem>>, vector<16xf32>,
    tpu.vector_store %arg15[%swap3A_907], %broadcast_in_dim3A_5 {strides = array<i32>} : memref<10112xf32, #tpu.memory_space<vmem>>, vector<16xf32>,
    %swap3A_909 = arith.constant 7232 : index
    %swap3A_910 = tpu.vector_load %arg15[%swap3A_909] {strides = array<i32>} : memref<10112xf32, #tpu.memory_space<vmem>>, vector<16xf32>,
    tpu.vector_store %arg15[%swap3A_909], %broadcast_in_dim3A_5 {strides = array<i32>} : memref<10112xf32, #tpu.memory_space<vmem>>, vector<16xf32>,
    %swap3A_911 = arith.constant 7248 : index
    %swap3A_912 = tpu.vector_load %arg15[%swap3A_911] {strides = array<i32>} : memref<10112xf32, #tpu.memory_space<vmem>>, vector<16xf32>,
    tpu.vector_store %arg15[%swap3A_911], %broadcast_in_dim3A_5 {strides = array<i32>} : memref<10112xf32, #tpu.memory_space<vmem>>, vector<16xf32>,
    %swap3A_913 = arith.constant 7264 : index
    %swap3A_914 = tpu.vector_load %arg15[%swap3A_913] {strides = array<i32>} : memref<10112xf32, #tpu.memory_space<vmem>>, vector<16xf32>,
    tpu.vector_store %arg15[%swap3A_913], %broadcast_in_dim3A_5 {strides = array<i32>} : memref<10112xf32, #tpu.memory_space<vmem>>, vector<16xf32>,
    %swap3A_915 = arith.constant 7280 : index
    %swap3A_916 = tpu.vector_load %arg15[%swap3A_915] {strides = array<i32>} : memref<10112xf32, #tpu.memory_space<vmem>>, vector<16xf32>,
    tpu.vector_store %arg15[%swap3A_915], %broadcast_in_dim3A_5 {strides = array<i32>} : memref<10112xf32, #tpu.memory_space<vmem>>, vector<16xf32>,
    %swap3A_917 = arith.constant 7296 : index
    %swap3A_918 = tpu.vector_load %arg15[%swap3A_917] {strides = array<i32>} : memref<10112xf32, #tpu.memory_space<vmem>>, vector<16xf32>,
    tpu.vector_store %arg15[%swap3A_917], %broadcast_in_dim3A_5 {strides = array<i32>} : memref<10112xf32, #tpu.memory_space<vmem>>, vector<16xf32>,
    %swap3A_919 = arith.constant 7312 : index
    %swap3A_920 = tpu.vector_load %arg15[%swap3A_919] {strides = array<i32>} : memref<10112xf32, #tpu.memory_space<vmem>>, vector<16xf32>,
    tpu.vector_store %arg15[%swap3A_919], %broadcast_in_dim3A_5 {strides = array<i32>} : memref<10112xf32, #tpu.memory_space<vmem>>, vector<16xf32>,
    %swap3A_921 = arith.constant 7328 : index
    %swap3A_922 = tpu.vector_load %arg15[%swap3A_921] {strides = array<i32>} : memref<10112xf32, #tpu.memory_space<vmem>>, vector<16xf32>,
    tpu.vector_store %arg15[%swap3A_921], %broadcast_in_dim3A_5 {strides = array<i32>} : memref<10112xf32, #tpu.memory_space<vmem>>, vector<16xf32>,
    %swap3A_923 = arith.constant 7344 : index
    %swap3A_924 = tpu.vector_load %arg15[%swap3A_923] {strides = array<i32>} : memref<10112xf32, #tpu.memory_space<vmem>>, vector<16xf32>,
    tpu.vector_store %arg15[%swap3A_923], %broadcast_in_dim3A_5 {strides = array<i32>} : memref<10112xf32, #tpu.memory_space<vmem>>, vector<16xf32>,
    %swap3A_925 = arith.constant 7360 : index
    %swap3A_926 = tpu.vector_load %arg15[%swap3A_925] {strides = array<i32>} : memref<10112xf32, #tpu.memory_space<vmem>>, vector<16xf32>,
    tpu.vector_store %arg15[%swap3A_925], %broadcast_in_dim3A_5 {strides = array<i32>} : memref<10112xf32, #tpu.memory_space<vmem>>, vector<16xf32>,
    %swap3A_927 = arith.constant 7376 : index
    %swap3A_928 = tpu.vector_load %arg15[%swap3A_927] {strides = array<i32>} : memref<10112xf32, #tpu.memory_space<vmem>>, vector<16xf32>,
    tpu.vector_store %arg15[%swap3A_927], %broadcast_in_dim3A_5 {strides = array<i32>} : memref<10112xf32, #tpu.memory_space<vmem>>, vector<16xf32>,
    %swap3A_929 = arith.constant 7392 : index
    %swap3A_930 = tpu.vector_load %arg15[%swap3A_929] {strides = array<i32>} : memref<10112xf32, #tpu.memory_space<vmem>>, vector<16xf32>,
    tpu.vector_store %arg15[%swap3A_929], %broadcast_in_dim3A_5 {strides = array<i32>} : memref<10112xf32, #tpu.memory_space<vmem>>, vector<16xf32>,
    %swap3A_931 = arith.constant 7408 : index
    %swap3A_932 = tpu.vector_load %arg15[%swap3A_931] {strides = array<i32>} : memref<10112xf32, #tpu.memory_space<vmem>>, vector<16xf32>,
    tpu.vector_store %arg15[%swap3A_931], %broadcast_in_dim3A_5 {strides = array<i32>} : memref<10112xf32, #tpu.memory_space<vmem>>, vector<16xf32>,
    %swap3A_933 = arith.constant 7424 : index
    %swap3A_934 = tpu.vector_load %arg15[%swap3A_933] {strides = array<i32>} : memref<10112xf32, #tpu.memory_space<vmem>>, vector<16xf32>,
    tpu.vector_store %arg15[%swap3A_933], %broadcast_in_dim3A_5 {strides = array<i32>} : memref<10112xf32, #tpu.memory_space<vmem>>, vector<16xf32>,
    %swap3A_935 = arith.constant 7440 : index
    %swap3A_936 = tpu.vector_load %arg15[%swap3A_935] {strides = array<i32>} : memref<10112xf32, #tpu.memory_space<vmem>>, vector<16xf32>,
    tpu.vector_store %arg15[%swap3A_935], %broadcast_in_dim3A_5 {strides = array<i32>} : memref<10112xf32, #tpu.memory_space<vmem>>, vector<16xf32>,
    %swap3A_937 = arith.constant 7456 : index
    %swap3A_938 = tpu.vector_load %arg15[%swap3A_937] {strides = array<i32>} : memref<10112xf32, #tpu.memory_space<vmem>>, vector<16xf32>,
    tpu.vector_store %arg15[%swap3A_937], %broadcast_in_dim3A_5 {strides = array<i32>} : memref<10112xf32, #tpu.memory_space<vmem>>, vector<16xf32>,
    %swap3A_939 = arith.constant 7472 : index
    %swap3A_940 = tpu.vector_load %arg15[%swap3A_939] {strides = array<i32>} : memref<10112xf32, #tpu.memory_space<vmem>>, vector<16xf32>,
    tpu.vector_store %arg15[%swap3A_939], %broadcast_in_dim3A_5 {strides = array<i32>} : memref<10112xf32, #tpu.memory_space<vmem>>, vector<16xf32>,
    %swap3A_941 = arith.constant 7488 : index
    %swap3A_942 = tpu.vector_load %arg15[%swap3A_941] {strides = array<i32>} : memref<10112xf32, #tpu.memory_space<vmem>>, vector<16xf32>,
    tpu.vector_store %arg15[%swap3A_941], %broadcast_in_dim3A_5 {strides = array<i32>} : memref<10112xf32, #tpu.memory_space<vmem>>, vector<16xf32>,
    %swap3A_943 = arith.constant 7504 : index
    %swap3A_944 = tpu.vector_load %arg15[%swap3A_943] {strides = array<i32>} : memref<10112xf32, #tpu.memory_space<vmem>>, vector<16xf32>,
    tpu.vector_store %arg15[%swap3A_943], %broadcast_in_dim3A_5 {strides = array<i32>} : memref<10112xf32, #tpu.memory_space<vmem>>, vector<16xf32>,
    %swap3A_945 = arith.constant 7520 : index
    %swap3A_946 = tpu.vector_load %arg15[%swap3A_945] {strides = array<i32>} : memref<10112xf32, #tpu.memory_space<vmem>>, vector<16xf32>,
    tpu.vector_store %arg15[%swap3A_945], %broadcast_in_dim3A_5 {strides = array<i32>} : memref<10112xf32, #tpu.memory_space<vmem>>, vector<16xf32>,
    %swap3A_947 = arith.constant 7536 : index
    %swap3A_948 = tpu.vector_load %arg15[%swap3A_947] {strides = array<i32>} : memref<10112xf32, #tpu.memory_space<vmem>>, vector<16xf32>,
    tpu.vector_store %arg15[%swap3A_947], %broadcast_in_dim3A_5 {strides = array<i32>} : memref<10112xf32, #tpu.memory_space<vmem>>, vector<16xf32>,
    %swap3A_949 = arith.constant 7552 : index
    %swap3A_950 = tpu.vector_load %arg15[%swap3A_949] {strides = array<i32>} : memref<10112xf32, #tpu.memory_space<vmem>>, vector<16xf32>,
    tpu.vector_store %arg15[%swap3A_949], %broadcast_in_dim3A_5 {strides = array<i32>} : memref<10112xf32, #tpu.memory_space<vmem>>, vector<16xf32>,
    %swap3A_951 = arith.constant 7568 : index
    %swap3A_952 = tpu.vector_load %arg15[%swap3A_951] {strides = array<i32>} : memref<10112xf32, #tpu.memory_space<vmem>>, vector<16xf32>,
    tpu.vector_store %arg15[%swap3A_951], %broadcast_in_dim3A_5 {strides = array<i32>} : memref<10112xf32, #tpu.memory_space<vmem>>, vector<16xf32>,
    %swap3A_953 = arith.constant 7584 : index
    %swap3A_954 = tpu.vector_load %arg15[%swap3A_953] {strides = array<i32>} : memref<10112xf32, #tpu.memory_space<vmem>>, vector<16xf32>,
    tpu.vector_store %arg15[%swap3A_953], %broadcast_in_dim3A_5 {strides = array<i32>} : memref<10112xf32, #tpu.memory_space<vmem>>, vector<16xf32>,
    %swap3A_955 = arith.constant 7600 : index
    %swap3A_956 = tpu.vector_load %arg15[%swap3A_955] {strides = array<i32>} : memref<10112xf32, #tpu.memory_space<vmem>>, vector<16xf32>,
    tpu.vector_store %arg15[%swap3A_955], %broadcast_in_dim3A_5 {strides = array<i32>} : memref<10112xf32, #tpu.memory_space<vmem>>, vector<16xf32>,
    %swap3A_957 = arith.constant 7616 : index
    %swap3A_958 = tpu.vector_load %arg15[%swap3A_957] {strides = array<i32>} : memref<10112xf32, #tpu.memory_space<vmem>>, vector<16xf32>,
    tpu.vector_store %arg15[%swap3A_957], %broadcast_in_dim3A_5 {strides = array<i32>} : memref<10112xf32, #tpu.memory_space<vmem>>, vector<16xf32>,
    %swap3A_959 = arith.constant 7632 : index
    %swap3A_960 = tpu.vector_load %arg15[%swap3A_959] {strides = array<i32>} : memref<10112xf32, #tpu.memory_space<vmem>>, vector<16xf32>,
    tpu.vector_store %arg15[%swap3A_959], %broadcast_in_dim3A_5 {strides = array<i32>} : memref<10112xf32, #tpu.memory_space<vmem>>, vector<16xf32>,
    %swap3A_961 = arith.constant 7648 : index
    %swap3A_962 = tpu.vector_load %arg15[%swap3A_961] {strides = array<i32>} : memref<10112xf32, #tpu.memory_space<vmem>>, vector<16xf32>,
    tpu.vector_store %arg15[%swap3A_961], %broadcast_in_dim3A_5 {strides = array<i32>} : memref<10112xf32, #tpu.memory_space<vmem>>, vector<16xf32>,
    %swap3A_963 = arith.constant 7664 : index
    %swap3A_964 = tpu.vector_load %arg15[%swap3A_963] {strides = array<i32>} : memref<10112xf32, #tpu.memory_space<vmem>>, vector<16xf32>,
    tpu.vector_store %arg15[%swap3A_963], %broadcast_in_dim3A_5 {strides = array<i32>} : memref<10112xf32, #tpu.memory_space<vmem>>, vector<16xf32>,
    %swap3A_965 = arith.constant 7680 : index
    %swap3A_966 = tpu.vector_load %arg15[%swap3A_965] {strides = array<i32>} : memref<10112xf32, #tpu.memory_space<vmem>>, vector<16xf32>,
    tpu.vector_store %arg15[%swap3A_965], %broadcast_in_dim3A_5 {strides = array<i32>} : memref<10112xf32, #tpu.memory_space<vmem>>, vector<16xf32>,
    %swap3A_967 = arith.constant 7696 : index
    %swap3A_968 = tpu.vector_load %arg15[%swap3A_967] {strides = array<i32>} : memref<10112xf32, #tpu.memory_space<vmem>>, vector<16xf32>,
    tpu.vector_store %arg15[%swap3A_967], %broadcast_in_dim3A_5 {strides = array<i32>} : memref<10112xf32, #tpu.memory_space<vmem>>, vector<16xf32>,
    %swap3A_969 = arith.constant 7712 : index
    %swap3A_970 = tpu.vector_load %arg15[%swap3A_969] {strides = array<i32>} : memref<10112xf32, #tpu.memory_space<vmem>>, vector<16xf32>,
    tpu.vector_store %arg15[%swap3A_969], %broadcast_in_dim3A_5 {strides = array<i32>} : memref<10112xf32, #tpu.memory_space<vmem>>, vector<16xf32>,
    %swap3A_971 = arith.constant 7728 : index
    %swap3A_972 = tpu.vector_load %arg15[%swap3A_971] {strides = array<i32>} : memref<10112xf32, #tpu.memory_space<vmem>>, vector<16xf32>,
    tpu.vector_store %arg15[%swap3A_971], %broadcast_in_dim3A_5 {strides = array<i32>} : memref<10112xf32, #tpu.memory_space<vmem>>, vector<16xf32>,
    %swap3A_973 = arith.constant 7744 : index
    %swap3A_974 = tpu.vector_load %arg15[%swap3A_973] {strides = array<i32>} : memref<10112xf32, #tpu.memory_space<vmem>>, vector<16xf32>,
    tpu.vector_store %arg15[%swap3A_973], %broadcast_in_dim3A_5 {strides = array<i32>} : memref<10112xf32, #tpu.memory_space<vmem>>, vector<16xf32>,
    %swap3A_975 = arith.constant 7760 : index
    %swap3A_976 = tpu.vector_load %arg15[%swap3A_975] {strides = array<i32>} : memref<10112xf32, #tpu.memory_space<vmem>>, vector<16xf32>,
    tpu.vector_store %arg15[%swap3A_975], %broadcast_in_dim3A_5 {strides = array<i32>} : memref<10112xf32, #tpu.memory_space<vmem>>, vector<16xf32>,
    %swap3A_977 = arith.constant 7776 : index
    %swap3A_978 = tpu.vector_load %arg15[%swap3A_977] {strides = array<i32>} : memref<10112xf32, #tpu.memory_space<vmem>>, vector<16xf32>,
    tpu.vector_store %arg15[%swap3A_977], %broadcast_in_dim3A_5 {strides = array<i32>} : memref<10112xf32, #tpu.memory_space<vmem>>, vector<16xf32>,
    %swap3A_979 = arith.constant 7792 : index
    %swap3A_980 = tpu.vector_load %arg15[%swap3A_979] {strides = array<i32>} : memref<10112xf32, #tpu.memory_space<vmem>>, vector<16xf32>,
    tpu.vector_store %arg15[%swap3A_979], %broadcast_in_dim3A_5 {strides = array<i32>} : memref<10112xf32, #tpu.memory_space<vmem>>, vector<16xf32>,
    %swap3A_981 = arith.constant 7808 : index
    %swap3A_982 = tpu.vector_load %arg15[%swap3A_981] {strides = array<i32>} : memref<10112xf32, #tpu.memory_space<vmem>>, vector<16xf32>,
    tpu.vector_store %arg15[%swap3A_981], %broadcast_in_dim3A_5 {strides = array<i32>} : memref<10112xf32, #tpu.memory_space<vmem>>, vector<16xf32>,
    %swap3A_983 = arith.constant 7824 : index
    %swap3A_984 = tpu.vector_load %arg15[%swap3A_983] {strides = array<i32>} : memref<10112xf32, #tpu.memory_space<vmem>>, vector<16xf32>,
    tpu.vector_store %arg15[%swap3A_983], %broadcast_in_dim3A_5 {strides = array<i32>} : memref<10112xf32, #tpu.memory_space<vmem>>, vector<16xf32>,
    %swap3A_985 = arith.constant 7840 : index
    %swap3A_986 = tpu.vector_load %arg15[%swap3A_985] {strides = array<i32>} : memref<10112xf32, #tpu.memory_space<vmem>>, vector<16xf32>,
    tpu.vector_store %arg15[%swap3A_985], %broadcast_in_dim3A_5 {strides = array<i32>} : memref<10112xf32, #tpu.memory_space<vmem>>, vector<16xf32>,
    %swap3A_987 = arith.constant 7856 : index
    %swap3A_988 = tpu.vector_load %arg15[%swap3A_987] {strides = array<i32>} : memref<10112xf32, #tpu.memory_space<vmem>>, vector<16xf32>,
    tpu.vector_store %arg15[%swap3A_987], %broadcast_in_dim3A_5 {strides = array<i32>} : memref<10112xf32, #tpu.memory_space<vmem>>, vector<16xf32>,
    %swap3A_989 = arith.constant 7872 : index
    %swap3A_990 = tpu.vector_load %arg15[%swap3A_989] {strides = array<i32>} : memref<10112xf32, #tpu.memory_space<vmem>>, vector<16xf32>,
    tpu.vector_store %arg15[%swap3A_989], %broadcast_in_dim3A_5 {strides = array<i32>} : memref<10112xf32, #tpu.memory_space<vmem>>, vector<16xf32>,
    %swap3A_991 = arith.constant 7888 : index
    %swap3A_992 = tpu.vector_load %arg15[%swap3A_991] {strides = array<i32>} : memref<10112xf32, #tpu.memory_space<vmem>>, vector<16xf32>,
    tpu.vector_store %arg15[%swap3A_991], %broadcast_in_dim3A_5 {strides = array<i32>} : memref<10112xf32, #tpu.memory_space<vmem>>, vector<16xf32>,
    %swap3A_993 = arith.constant 7904 : index
    %swap3A_994 = tpu.vector_load %arg15[%swap3A_993] {strides = array<i32>} : memref<10112xf32, #tpu.memory_space<vmem>>, vector<16xf32>,
    tpu.vector_store %arg15[%swap3A_993], %broadcast_in_dim3A_5 {strides = array<i32>} : memref<10112xf32, #tpu.memory_space<vmem>>, vector<16xf32>,
    %swap3A_995 = arith.constant 7920 : index
    %swap3A_996 = tpu.vector_load %arg15[%swap3A_995] {strides = array<i32>} : memref<10112xf32, #tpu.memory_space<vmem>>, vector<16xf32>,
    tpu.vector_store %arg15[%swap3A_995], %broadcast_in_dim3A_5 {strides = array<i32>} : memref<10112xf32, #tpu.memory_space<vmem>>, vector<16xf32>,
    %swap3A_997 = arith.constant 7936 : index
    %swap3A_998 = tpu.vector_load %arg15[%swap3A_997] {strides = array<i32>} : memref<10112xf32, #tpu.memory_space<vmem>>, vector<16xf32>,
    tpu.vector_store %arg15[%swap3A_997], %broadcast_in_dim3A_5 {strides = array<i32>} : memref<10112xf32, #tpu.memory_space<vmem>>, vector<16xf32>,
    %swap3A_999 = arith.constant 7952 : index
    %swap3A_1000 = tpu.vector_load %arg15[%swap3A_999] {strides = array<i32>} : memref<10112xf32, #tpu.memory_space<vmem>>, vector<16xf32>,
    tpu.vector_store %arg15[%swap3A_999], %broadcast_in_dim3A_5 {strides = array<i32>} : memref<10112xf32, #tpu.memory_space<vmem>>, vector<16xf32>,
    %swap3A_1001 = arith.constant 7968 : index
    %swap3A_1002 = tpu.vector_load %arg15[%swap3A_1001] {strides = array<i32>} : memref<10112xf32, #tpu.memory_space<vmem>>, vector<16xf32>,
    tpu.vector_store %arg15[%swap3A_1001], %broadcast_in_dim3A_5 {strides = array<i32>} : memref<10112xf32, #tpu.memory_space<vmem>>, vector<16xf32>,
    %swap3A_1003 = arith.constant 7984 : index
    %swap3A_1004 = tpu.vector_load %arg15[%swap3A_1003] {strides = array<i32>} : memref<10112xf32, #tpu.memory_space<vmem>>, vector<16xf32>,
    tpu.vector_store %arg15[%swap3A_1003], %broadcast_in_dim3A_5 {strides = array<i32>} : memref<10112xf32, #tpu.memory_space<vmem>>, vector<16xf32>,
    %swap3A_1005 = arith.constant 8000 : index
    %swap3A_1006 = tpu.vector_load %arg15[%swap3A_1005] {strides = array<i32>} : memref<10112xf32, #tpu.memory_space<vmem>>, vector<16xf32>,
    tpu.vector_store %arg15[%swap3A_1005], %broadcast_in_dim3A_5 {strides = array<i32>} : memref<10112xf32, #tpu.memory_space<vmem>>, vector<16xf32>,
    %swap3A_1007 = arith.constant 8016 : index
    %swap3A_1008 = tpu.vector_load %arg15[%swap3A_1007] {strides = array<i32>} : memref<10112xf32, #tpu.memory_space<vmem>>, vector<16xf32>,
    tpu.vector_store %arg15[%swap3A_1007], %broadcast_in_dim3A_5 {strides = array<i32>} : memref<10112xf32, #tpu.memory_space<vmem>>, vector<16xf32>,
    %swap3A_1009 = arith.constant 8032 : index
    %swap3A_1010 = tpu.vector_load %arg15[%swap3A_1009] {strides = array<i32>} : memref<10112xf32, #tpu.memory_space<vmem>>, vector<16xf32>,
    tpu.vector_store %arg15[%swap3A_1009], %broadcast_in_dim3A_5 {strides = array<i32>} : memref<10112xf32, #tpu.memory_space<vmem>>, vector<16xf32>,
    %swap3A_1011 = arith.constant 8048 : index
    %swap3A_1012 = tpu.vector_load %arg15[%swap3A_1011] {strides = array<i32>} : memref<10112xf32, #tpu.memory_space<vmem>>, vector<16xf32>,
    tpu.vector_store %arg15[%swap3A_1011], %broadcast_in_dim3A_5 {strides = array<i32>} : memref<10112xf32, #tpu.memory_space<vmem>>, vector<16xf32>,
    %swap3A_1013 = arith.constant 8064 : index
    %swap3A_1014 = tpu.vector_load %arg15[%swap3A_1013] {strides = array<i32>} : memref<10112xf32, #tpu.memory_space<vmem>>, vector<16xf32>,
    tpu.vector_store %arg15[%swap3A_1013], %broadcast_in_dim3A_5 {strides = array<i32>} : memref<10112xf32, #tpu.memory_space<vmem>>, vector<16xf32>,
    %swap3A_1015 = arith.constant 8080 : index
    %swap3A_1016 = tpu.vector_load %arg15[%swap3A_1015] {strides = array<i32>} : memref<10112xf32, #tpu.memory_space<vmem>>, vector<16xf32>,
    tpu.vector_store %arg15[%swap3A_1015], %broadcast_in_dim3A_5 {strides = array<i32>} : memref<10112xf32, #tpu.memory_space<vmem>>, vector<16xf32>,
    %swap3A_1017 = arith.constant 8096 : index
    %swap3A_1018 = tpu.vector_load %arg15[%swap3A_1017] {strides = array<i32>} : memref<10112xf32, #tpu.memory_space<vmem>>, vector<16xf32>,
    tpu.vector_store %arg15[%swap3A_1017], %broadcast_in_dim3A_5 {strides = array<i32>} : memref<10112xf32, #tpu.memory_space<vmem>>, vector<16xf32>,
    %swap3A_1019 = arith.constant 8112 : index
    %swap3A_1020 = tpu.vector_load %arg15[%swap3A_1019] {strides = array<i32>} : memref<10112xf32, #tpu.memory_space<vmem>>, vector<16xf32>,
    tpu.vector_store %arg15[%swap3A_1019], %broadcast_in_dim3A_5 {strides = array<i32>} : memref<10112xf32, #tpu.memory_space<vmem>>, vector<16xf32>,
    %swap3A_1021 = arith.constant 8128 : index
    %swap3A_1022 = tpu.vector_load %arg15[%swap3A_1021] {strides = array<i32>} : memref<10112xf32, #tpu.memory_space<vmem>>, vector<16xf32>,
    tpu.vector_store %arg15[%swap3A_1021], %broadcast_in_dim3A_5 {strides = array<i32>} : memref<10112xf32, #tpu.memory_space<vmem>>, vector<16xf32>,
    %swap3A_1023 = arith.constant 8144 : index
    %swap3A_1024 = tpu.vector_load %arg15[%swap3A_1023] {strides = array<i32>} : memref<10112xf32, #tpu.memory_space<vmem>>, vector<16xf32>,
    tpu.vector_store %arg15[%swap3A_1023], %broadcast_in_dim3A_5 {strides = array<i32>} : memref<10112xf32, #tpu.memory_space<vmem>>, vector<16xf32>,
    %swap3A_1025 = arith.constant 8160 : index
    %swap3A_1026 = tpu.vector_load %arg15[%swap3A_1025] {strides = array<i32>} : memref<10112xf32, #tpu.memory_space<vmem>>, vector<16xf32>,
    tpu.vector_store %arg15[%swap3A_1025], %broadcast_in_dim3A_5 {strides = array<i32>} : memref<10112xf32, #tpu.memory_space<vmem>>, vector<16xf32>,
    %swap3A_1027 = arith.constant 8176 : index
    %swap3A_1028 = tpu.vector_load %arg15[%swap3A_1027] {strides = array<i32>} : memref<10112xf32, #tpu.memory_space<vmem>>, vector<16xf32>,
    tpu.vector_store %arg15[%swap3A_1027], %broadcast_in_dim3A_5 {strides = array<i32>} : memref<10112xf32, #tpu.memory_space<vmem>>, vector<16xf32>,
    %swap3A_1029 = arith.constant 8192 : index
    %swap3A_1030 = tpu.vector_load %arg15[%swap3A_1029] {strides = array<i32>} : memref<10112xf32, #tpu.memory_space<vmem>>, vector<16xf32>,
    tpu.vector_store %arg15[%swap3A_1029], %broadcast_in_dim3A_5 {strides = array<i32>} : memref<10112xf32, #tpu.memory_space<vmem>>, vector<16xf32>,
    %swap3A_1031 = arith.constant 8208 : index
    %swap3A_1032 = tpu.vector_load %arg15[%swap3A_1031] {strides = array<i32>} : memref<10112xf32, #tpu.memory_space<vmem>>, vector<16xf32>,
    tpu.vector_store %arg15[%swap3A_1031], %broadcast_in_dim3A_5 {strides = array<i32>} : memref<10112xf32, #tpu.memory_space<vmem>>, vector<16xf32>,
    %swap3A_1033 = arith.constant 8224 : index
    %swap3A_1034 = tpu.vector_load %arg15[%swap3A_1033] {strides = array<i32>} : memref<10112xf32, #tpu.memory_space<vmem>>, vector<16xf32>,
    tpu.vector_store %arg15[%swap3A_1033], %broadcast_in_dim3A_5 {strides = array<i32>} : memref<10112xf32, #tpu.memory_space<vmem>>, vector<16xf32>,
    %swap3A_1035 = arith.constant 8240 : index
    %swap3A_1036 = tpu.vector_load %arg15[%swap3A_1035] {strides = array<i32>} : memref<10112xf32, #tpu.memory_space<vmem>>, vector<16xf32>,
    tpu.vector_store %arg15[%swap3A_1035], %broadcast_in_dim3A_5 {strides = array<i32>} : memref<10112xf32, #tpu.memory_space<vmem>>, vector<16xf32>,
    %swap3A_1037 = arith.constant 8256 : index
    %swap3A_1038 = tpu.vector_load %arg15[%swap3A_1037] {strides = array<i32>} : memref<10112xf32, #tpu.memory_space<vmem>>, vector<16xf32>,
    tpu.vector_store %arg15[%swap3A_1037], %broadcast_in_dim3A_5 {strides = array<i32>} : memref<10112xf32, #tpu.memory_space<vmem>>, vector<16xf32>,
    %swap3A_1039 = arith.constant 8272 : index
    %swap3A_1040 = tpu.vector_load %arg15[%swap3A_1039] {strides = array<i32>} : memref<10112xf32, #tpu.memory_space<vmem>>, vector<16xf32>,
    tpu.vector_store %arg15[%swap3A_1039], %broadcast_in_dim3A_5 {strides = array<i32>} : memref<10112xf32, #tpu.memory_space<vmem>>, vector<16xf32>,
    %swap3A_1041 = arith.constant 8288 : index
    %swap3A_1042 = tpu.vector_load %arg15[%swap3A_1041] {strides = array<i32>} : memref<10112xf32, #tpu.memory_space<vmem>>, vector<16xf32>,
    tpu.vector_store %arg15[%swap3A_1041], %broadcast_in_dim3A_5 {strides = array<i32>} : memref<10112xf32, #tpu.memory_space<vmem>>, vector<16xf32>,
    %swap3A_1043 = arith.constant 8304 : index
    %swap3A_1044 = tpu.vector_load %arg15[%swap3A_1043] {strides = array<i32>} : memref<10112xf32, #tpu.memory_space<vmem>>, vector<16xf32>,
    tpu.vector_store %arg15[%swap3A_1043], %broadcast_in_dim3A_5 {strides = array<i32>} : memref<10112xf32, #tpu.memory_space<vmem>>, vector<16xf32>,
    %swap3A_1045 = arith.constant 8320 : index
    %swap3A_1046 = tpu.vector_load %arg15[%swap3A_1045] {strides = array<i32>} : memref<10112xf32, #tpu.memory_space<vmem>>, vector<16xf32>,
    tpu.vector_store %arg15[%swap3A_1045], %broadcast_in_dim3A_5 {strides = array<i32>} : memref<10112xf32, #tpu.memory_space<vmem>>, vector<16xf32>,
    %swap3A_1047 = arith.constant 8336 : index
    %swap3A_1048 = tpu.vector_load %arg15[%swap3A_1047] {strides = array<i32>} : memref<10112xf32, #tpu.memory_space<vmem>>, vector<16xf32>,
    tpu.vector_store %arg15[%swap3A_1047], %broadcast_in_dim3A_5 {strides = array<i32>} : memref<10112xf32, #tpu.memory_space<vmem>>, vector<16xf32>,
    %swap3A_1049 = arith.constant 8352 : index
    %swap3A_1050 = tpu.vector_load %arg15[%swap3A_1049] {strides = array<i32>} : memref<10112xf32, #tpu.memory_space<vmem>>, vector<16xf32>,
    tpu.vector_store %arg15[%swap3A_1049], %broadcast_in_dim3A_5 {strides = array<i32>} : memref<10112xf32, #tpu.memory_space<vmem>>, vector<16xf32>,
    %swap3A_1051 = arith.constant 8368 : index
    %swap3A_1052 = tpu.vector_load %arg15[%swap3A_1051] {strides = array<i32>} : memref<10112xf32, #tpu.memory_space<vmem>>, vector<16xf32>,
    tpu.vector_store %arg15[%swap3A_1051], %broadcast_in_dim3A_5 {strides = array<i32>} : memref<10112xf32, #tpu.memory_space<vmem>>, vector<16xf32>,
    %swap3A_1053 = arith.constant 8384 : index
    %swap3A_1054 = tpu.vector_load %arg15[%swap3A_1053] {strides = array<i32>} : memref<10112xf32, #tpu.memory_space<vmem>>, vector<16xf32>,
    tpu.vector_store %arg15[%swap3A_1053], %broadcast_in_dim3A_5 {strides = array<i32>} : memref<10112xf32, #tpu.memory_space<vmem>>, vector<16xf32>,
    %swap3A_1055 = arith.constant 8400 : index
    %swap3A_1056 = tpu.vector_load %arg15[%swap3A_1055] {strides = array<i32>} : memref<10112xf32, #tpu.memory_space<vmem>>, vector<16xf32>,
    tpu.vector_store %arg15[%swap3A_1055], %broadcast_in_dim3A_5 {strides = array<i32>} : memref<10112xf32, #tpu.memory_space<vmem>>, vector<16xf32>,
    %swap3A_1057 = arith.constant 8416 : index
    %swap3A_1058 = tpu.vector_load %arg15[%swap3A_1057] {strides = array<i32>} : memref<10112xf32, #tpu.memory_space<vmem>>, vector<16xf32>,
    tpu.vector_store %arg15[%swap3A_1057], %broadcast_in_dim3A_5 {strides = array<i32>} : memref<10112xf32, #tpu.memory_space<vmem>>, vector<16xf32>,
    %swap3A_1059 = arith.constant 8432 : index
    %swap3A_1060 = tpu.vector_load %arg15[%swap3A_1059] {strides = array<i32>} : memref<10112xf32, #tpu.memory_space<vmem>>, vector<16xf32>,
    tpu.vector_store %arg15[%swap3A_1059], %broadcast_in_dim3A_5 {strides = array<i32>} : memref<10112xf32, #tpu.memory_space<vmem>>, vector<16xf32>,
    %swap3A_1061 = arith.constant 8448 : index
    %swap3A_1062 = tpu.vector_load %arg15[%swap3A_1061] {strides = array<i32>} : memref<10112xf32, #tpu.memory_space<vmem>>, vector<16xf32>,
    tpu.vector_store %arg15[%swap3A_1061], %broadcast_in_dim3A_5 {strides = array<i32>} : memref<10112xf32, #tpu.memory_space<vmem>>, vector<16xf32>,
    %swap3A_1063 = arith.constant 8464 : index
    %swap3A_1064 = tpu.vector_load %arg15[%swap3A_1063] {strides = array<i32>} : memref<10112xf32, #tpu.memory_space<vmem>>, vector<16xf32>,
    tpu.vector_store %arg15[%swap3A_1063], %broadcast_in_dim3A_5 {strides = array<i32>} : memref<10112xf32, #tpu.memory_space<vmem>>, vector<16xf32>,
    %swap3A_1065 = arith.constant 8480 : index
    %swap3A_1066 = tpu.vector_load %arg15[%swap3A_1065] {strides = array<i32>} : memref<10112xf32, #tpu.memory_space<vmem>>, vector<16xf32>,
    tpu.vector_store %arg15[%swap3A_1065], %broadcast_in_dim3A_5 {strides = array<i32>} : memref<10112xf32, #tpu.memory_space<vmem>>, vector<16xf32>,
    %swap3A_1067 = arith.constant 8496 : index
    %swap3A_1068 = tpu.vector_load %arg15[%swap3A_1067] {strides = array<i32>} : memref<10112xf32, #tpu.memory_space<vmem>>, vector<16xf32>,
    tpu.vector_store %arg15[%swap3A_1067], %broadcast_in_dim3A_5 {strides = array<i32>} : memref<10112xf32, #tpu.memory_space<vmem>>, vector<16xf32>,
    %swap3A_1069 = arith.constant 8512 : index
    %swap3A_1070 = tpu.vector_load %arg15[%swap3A_1069] {strides = array<i32>} : memref<10112xf32, #tpu.memory_space<vmem>>, vector<16xf32>,
    tpu.vector_store %arg15[%swap3A_1069], %broadcast_in_dim3A_5 {strides = array<i32>} : memref<10112xf32, #tpu.memory_space<vmem>>, vector<16xf32>,
    %swap3A_1071 = arith.constant 8528 : index
    %swap3A_1072 = tpu.vector_load %arg15[%swap3A_1071] {strides = array<i32>} : memref<10112xf32, #tpu.memory_space<vmem>>, vector<16xf32>,
    tpu.vector_store %arg15[%swap3A_1071], %broadcast_in_dim3A_5 {strides = array<i32>} : memref<10112xf32, #tpu.memory_space<vmem>>, vector<16xf32>,
    %swap3A_1073 = arith.constant 8544 : index
    %swap3A_1074 = tpu.vector_load %arg15[%swap3A_1073] {strides = array<i32>} : memref<10112xf32, #tpu.memory_space<vmem>>, vector<16xf32>,
    tpu.vector_store %arg15[%swap3A_1073], %broadcast_in_dim3A_5 {strides = array<i32>} : memref<10112xf32, #tpu.memory_space<vmem>>, vector<16xf32>,
    %swap3A_1075 = arith.constant 8560 : index
    %swap3A_1076 = tpu.vector_load %arg15[%swap3A_1075] {strides = array<i32>} : memref<10112xf32, #tpu.memory_space<vmem>>, vector<16xf32>,
    tpu.vector_store %arg15[%swap3A_1075], %broadcast_in_dim3A_5 {strides = array<i32>} : memref<10112xf32, #tpu.memory_space<vmem>>, vector<16xf32>,
    %swap3A_1077 = arith.constant 8576 : index
    %swap3A_1078 = tpu.vector_load %arg15[%swap3A_1077] {strides = array<i32>} : memref<10112xf32, #tpu.memory_space<vmem>>, vector<16xf32>,
    tpu.vector_store %arg15[%swap3A_1077], %broadcast_in_dim3A_5 {strides = array<i32>} : memref<10112xf32, #tpu.memory_space<vmem>>, vector<16xf32>,
    %swap3A_1079 = arith.constant 8592 : index
    %swap3A_1080 = tpu.vector_load %arg15[%swap3A_1079] {strides = array<i32>} : memref<10112xf32, #tpu.memory_space<vmem>>, vector<16xf32>,
    tpu.vector_store %arg15[%swap3A_1079], %broadcast_in_dim3A_5 {strides = array<i32>} : memref<10112xf32, #tpu.memory_space<vmem>>, vector<16xf32>,
    %swap3A_1081 = arith.constant 8608 : index
    %swap3A_1082 = tpu.vector_load %arg15[%swap3A_1081] {strides = array<i32>} : memref<10112xf32, #tpu.memory_space<vmem>>, vector<16xf32>,
    tpu.vector_store %arg15[%swap3A_1081], %broadcast_in_dim3A_5 {strides = array<i32>} : memref<10112xf32, #tpu.memory_space<vmem>>, vector<16xf32>,
    %swap3A_1083 = arith.constant 8624 : index
    %swap3A_1084 = tpu.vector_load %arg15[%swap3A_1083] {strides = array<i32>} : memref<10112xf32, #tpu.memory_space<vmem>>, vector<16xf32>,
    tpu.vector_store %arg15[%swap3A_1083], %broadcast_in_dim3A_5 {strides = array<i32>} : memref<10112xf32, #tpu.memory_space<vmem>>, vector<16xf32>,
    %swap3A_1085 = arith.constant 8640 : index
    %swap3A_1086 = tpu.vector_load %arg15[%swap3A_1085] {strides = array<i32>} : memref<10112xf32, #tpu.memory_space<vmem>>, vector<16xf32>,
    tpu.vector_store %arg15[%swap3A_1085], %broadcast_in_dim3A_5 {strides = array<i32>} : memref<10112xf32, #tpu.memory_space<vmem>>, vector<16xf32>,
    %swap3A_1087 = arith.constant 8656 : index
    %swap3A_1088 = tpu.vector_load %arg15[%swap3A_1087] {strides = array<i32>} : memref<10112xf32, #tpu.memory_space<vmem>>, vector<16xf32>,
    tpu.vector_store %arg15[%swap3A_1087], %broadcast_in_dim3A_5 {strides = array<i32>} : memref<10112xf32, #tpu.memory_space<vmem>>, vector<16xf32>,
    %swap3A_1089 = arith.constant 8672 : index
    %swap3A_1090 = tpu.vector_load %arg15[%swap3A_1089] {strides = array<i32>} : memref<10112xf32, #tpu.memory_space<vmem>>, vector<16xf32>,
    tpu.vector_store %arg15[%swap3A_1089], %broadcast_in_dim3A_5 {strides = array<i32>} : memref<10112xf32, #tpu.memory_space<vmem>>, vector<16xf32>,
    %swap3A_1091 = arith.constant 8688 : index
    %swap3A_1092 = tpu.vector_load %arg15[%swap3A_1091] {strides = array<i32>} : memref<10112xf32, #tpu.memory_space<vmem>>, vector<16xf32>,
    tpu.vector_store %arg15[%swap3A_1091], %broadcast_in_dim3A_5 {strides = array<i32>} : memref<10112xf32, #tpu.memory_space<vmem>>, vector<16xf32>,
    %swap3A_1093 = arith.constant 8704 : index
    %swap3A_1094 = tpu.vector_load %arg15[%swap3A_1093] {strides = array<i32>} : memref<10112xf32, #tpu.memory_space<vmem>>, vector<16xf32>,
    tpu.vector_store %arg15[%swap3A_1093], %broadcast_in_dim3A_5 {strides = array<i32>} : memref<10112xf32, #tpu.memory_space<vmem>>, vector<16xf32>,
    %swap3A_1095 = arith.constant 8720 : index
    %swap3A_1096 = tpu.vector_load %arg15[%swap3A_1095] {strides = array<i32>} : memref<10112xf32, #tpu.memory_space<vmem>>, vector<16xf32>,
    tpu.vector_store %arg15[%swap3A_1095], %broadcast_in_dim3A_5 {strides = array<i32>} : memref<10112xf32, #tpu.memory_space<vmem>>, vector<16xf32>,
    %swap3A_1097 = arith.constant 8736 : index
    %swap3A_1098 = tpu.vector_load %arg15[%swap3A_1097] {strides = array<i32>} : memref<10112xf32, #tpu.memory_space<vmem>>, vector<16xf32>,
    tpu.vector_store %arg15[%swap3A_1097], %broadcast_in_dim3A_5 {strides = array<i32>} : memref<10112xf32, #tpu.memory_space<vmem>>, vector<16xf32>,
    %swap3A_1099 = arith.constant 8752 : index
    %swap3A_1100 = tpu.vector_load %arg15[%swap3A_1099] {strides = array<i32>} : memref<10112xf32, #tpu.memory_space<vmem>>, vector<16xf32>,
    tpu.vector_store %arg15[%swap3A_1099], %broadcast_in_dim3A_5 {strides = array<i32>} : memref<10112xf32, #tpu.memory_space<vmem>>, vector<16xf32>,
    %swap3A_1101 = arith.constant 8768 : index
    %swap3A_1102 = tpu.vector_load %arg15[%swap3A_1101] {strides = array<i32>} : memref<10112xf32, #tpu.memory_space<vmem>>, vector<16xf32>,
    tpu.vector_store %arg15[%swap3A_1101], %broadcast_in_dim3A_5 {strides = array<i32>} : memref<10112xf32, #tpu.memory_space<vmem>>, vector<16xf32>,
    %swap3A_1103 = arith.constant 8784 : index
    %swap3A_1104 = tpu.vector_load %arg15[%swap3A_1103] {strides = array<i32>} : memref<10112xf32, #tpu.memory_space<vmem>>, vector<16xf32>,
    tpu.vector_store %arg15[%swap3A_1103], %broadcast_in_dim3A_5 {strides = array<i32>} : memref<10112xf32, #tpu.memory_space<vmem>>, vector<16xf32>,
    %swap3A_1105 = arith.constant 8800 : index
    %swap3A_1106 = tpu.vector_load %arg15[%swap3A_1105] {strides = array<i32>} : memref<10112xf32, #tpu.memory_space<vmem>>, vector<16xf32>,
    tpu.vector_store %arg15[%swap3A_1105], %broadcast_in_dim3A_5 {strides = array<i32>} : memref<10112xf32, #tpu.memory_space<vmem>>, vector<16xf32>,
    %swap3A_1107 = arith.constant 8816 : index
    %swap3A_1108 = tpu.vector_load %arg15[%swap3A_1107] {strides = array<i32>} : memref<10112xf32, #tpu.memory_space<vmem>>, vector<16xf32>,
    tpu.vector_store %arg15[%swap3A_1107], %broadcast_in_dim3A_5 {strides = array<i32>} : memref<10112xf32, #tpu.memory_space<vmem>>, vector<16xf32>,
    %swap3A_1109 = arith.constant 8832 : index
    %swap3A_1110 = tpu.vector_load %arg15[%swap3A_1109] {strides = array<i32>} : memref<10112xf32, #tpu.memory_space<vmem>>, vector<16xf32>,
    tpu.vector_store %arg15[%swap3A_1109], %broadcast_in_dim3A_5 {strides = array<i32>} : memref<10112xf32, #tpu.memory_space<vmem>>, vector<16xf32>,
    %swap3A_1111 = arith.constant 8848 : index
    %swap3A_1112 = tpu.vector_load %arg15[%swap3A_1111] {strides = array<i32>} : memref<10112xf32, #tpu.memory_space<vmem>>, vector<16xf32>,
    tpu.vector_store %arg15[%swap3A_1111], %broadcast_in_dim3A_5 {strides = array<i32>} : memref<10112xf32, #tpu.memory_space<vmem>>, vector<16xf32>,
    %swap3A_1113 = arith.constant 8864 : index
    %swap3A_1114 = tpu.vector_load %arg15[%swap3A_1113] {strides = array<i32>} : memref<10112xf32, #tpu.memory_space<vmem>>, vector<16xf32>,
    tpu.vector_store %arg15[%swap3A_1113], %broadcast_in_dim3A_5 {strides = array<i32>} : memref<10112xf32, #tpu.memory_space<vmem>>, vector<16xf32>,
    %swap3A_1115 = arith.constant 8880 : index
    %swap3A_1116 = tpu.vector_load %arg15[%swap3A_1115] {strides = array<i32>} : memref<10112xf32, #tpu.memory_space<vmem>>, vector<16xf32>,
    tpu.vector_store %arg15[%swap3A_1115], %broadcast_in_dim3A_5 {strides = array<i32>} : memref<10112xf32, #tpu.memory_space<vmem>>, vector<16xf32>,
    %swap3A_1117 = arith.constant 8896 : index
    %swap3A_1118 = tpu.vector_load %arg15[%swap3A_1117] {strides = array<i32>} : memref<10112xf32, #tpu.memory_space<vmem>>, vector<16xf32>,
    tpu.vector_store %arg15[%swap3A_1117], %broadcast_in_dim3A_5 {strides = array<i32>} : memref<10112xf32, #tpu.memory_space<vmem>>, vector<16xf32>,
    %swap3A_1119 = arith.constant 8912 : index
    %swap3A_1120 = tpu.vector_load %arg15[%swap3A_1119] {strides = array<i32>} : memref<10112xf32, #tpu.memory_space<vmem>>, vector<16xf32>,
    tpu.vector_store %arg15[%swap3A_1119], %broadcast_in_dim3A_5 {strides = array<i32>} : memref<10112xf32, #tpu.memory_space<vmem>>, vector<16xf32>,
    %swap3A_1121 = arith.constant 8928 : index
    %swap3A_1122 = tpu.vector_load %arg15[%swap3A_1121] {strides = array<i32>} : memref<10112xf32, #tpu.memory_space<vmem>>, vector<16xf32>,
    tpu.vector_store %arg15[%swap3A_1121], %broadcast_in_dim3A_5 {strides = array<i32>} : memref<10112xf32, #tpu.memory_space<vmem>>, vector<16xf32>,
    %swap3A_1123 = arith.constant 8944 : index
    %swap3A_1124 = tpu.vector_load %arg15[%swap3A_1123] {strides = array<i32>} : memref<10112xf32, #tpu.memory_space<vmem>>, vector<16xf32>,
    tpu.vector_store %arg15[%swap3A_1123], %broadcast_in_dim3A_5 {strides = array<i32>} : memref<10112xf32, #tpu.memory_space<vmem>>, vector<16xf32>,
    %swap3A_1125 = arith.constant 8960 : index
    %swap3A_1126 = tpu.vector_load %arg15[%swap3A_1125] {strides = array<i32>} : memref<10112xf32, #tpu.memory_space<vmem>>, vector<16xf32>,
    tpu.vector_store %arg15[%swap3A_1125], %broadcast_in_dim3A_5 {strides = array<i32>} : memref<10112xf32, #tpu.memory_space<vmem>>, vector<16xf32>,
    %swap3A_1127 = arith.constant 8976 : index
    %swap3A_1128 = tpu.vector_load %arg15[%swap3A_1127] {strides = array<i32>} : memref<10112xf32, #tpu.memory_space<vmem>>, vector<16xf32>,
    tpu.vector_store %arg15[%swap3A_1127], %broadcast_in_dim3A_5 {strides = array<i32>} : memref<10112xf32, #tpu.memory_space<vmem>>, vector<16xf32>,
    %swap3A_1129 = arith.constant 8992 : index
    %swap3A_1130 = tpu.vector_load %arg15[%swap3A_1129] {strides = array<i32>} : memref<10112xf32, #tpu.memory_space<vmem>>, vector<16xf32>,
    tpu.vector_store %arg15[%swap3A_1129], %broadcast_in_dim3A_5 {strides = array<i32>} : memref<10112xf32, #tpu.memory_space<vmem>>, vector<16xf32>,
    %swap3A_1131 = arith.constant 9008 : index
    %swap3A_1132 = tpu.vector_load %arg15[%swap3A_1131] {strides = array<i32>} : memref<10112xf32, #tpu.memory_space<vmem>>, vector<16xf32>,
    tpu.vector_store %arg15[%swap3A_1131], %broadcast_in_dim3A_5 {strides = array<i32>} : memref<10112xf32, #tpu.memory_space<vmem>>, vector<16xf32>,
    %swap3A_1133 = arith.constant 9024 : index
    %swap3A_1134 = tpu.vector_load %arg15[%swap3A_1133] {strides = array<i32>} : memref<10112xf32, #tpu.memory_space<vmem>>, vector<16xf32>,
    tpu.vector_store %arg15[%swap3A_1133], %broadcast_in_dim3A_5 {strides = array<i32>} : memref<10112xf32, #tpu.memory_space<vmem>>, vector<16xf32>,
    %swap3A_1135 = arith.constant 9040 : index
    %swap3A_1136 = tpu.vector_load %arg15[%swap3A_1135] {strides = array<i32>} : memref<10112xf32, #tpu.memory_space<vmem>>, vector<16xf32>,
    tpu.vector_store %arg15[%swap3A_1135], %broadcast_in_dim3A_5 {strides = array<i32>} : memref<10112xf32, #tpu.memory_space<vmem>>, vector<16xf32>,
    %swap3A_1137 = arith.constant 9056 : index
    %swap3A_1138 = tpu.vector_load %arg15[%swap3A_1137] {strides = array<i32>} : memref<10112xf32, #tpu.memory_space<vmem>>, vector<16xf32>,
    tpu.vector_store %arg15[%swap3A_1137], %broadcast_in_dim3A_5 {strides = array<i32>} : memref<10112xf32, #tpu.memory_space<vmem>>, vector<16xf32>,
    %swap3A_1139 = arith.constant 9072 : index
    %swap3A_1140 = tpu.vector_load %arg15[%swap3A_1139] {strides = array<i32>} : memref<10112xf32, #tpu.memory_space<vmem>>, vector<16xf32>,
    tpu.vector_store %arg15[%swap3A_1139], %broadcast_in_dim3A_5 {strides = array<i32>} : memref<10112xf32, #tpu.memory_space<vmem>>, vector<16xf32>,
    %swap3A_1141 = arith.constant 9088 : index
    %swap3A_1142 = tpu.vector_load %arg15[%swap3A_1141] {strides = array<i32>} : memref<10112xf32, #tpu.memory_space<vmem>>, vector<16xf32>,
    tpu.vector_store %arg15[%swap3A_1141], %broadcast_in_dim3A_5 {strides = array<i32>} : memref<10112xf32, #tpu.memory_space<vmem>>, vector<16xf32>,
    %swap3A_1143 = arith.constant 9104 : index
    %swap3A_1144 = tpu.vector_load %arg15[%swap3A_1143] {strides = array<i32>} : memref<10112xf32, #tpu.memory_space<vmem>>, vector<16xf32>,
    tpu.vector_store %arg15[%swap3A_1143], %broadcast_in_dim3A_5 {strides = array<i32>} : memref<10112xf32, #tpu.memory_space<vmem>>, vector<16xf32>,
    %swap3A_1145 = arith.constant 9120 : index
    %swap3A_1146 = tpu.vector_load %arg15[%swap3A_1145] {strides = array<i32>} : memref<10112xf32, #tpu.memory_space<vmem>>, vector<16xf32>,
    tpu.vector_store %arg15[%swap3A_1145], %broadcast_in_dim3A_5 {strides = array<i32>} : memref<10112xf32, #tpu.memory_space<vmem>>, vector<16xf32>,
    %swap3A_1147 = arith.constant 9136 : index
    %swap3A_1148 = tpu.vector_load %arg15[%swap3A_1147] {strides = array<i32>} : memref<10112xf32, #tpu.memory_space<vmem>>, vector<16xf32>,
    tpu.vector_store %arg15[%swap3A_1147], %broadcast_in_dim3A_5 {strides = array<i32>} : memref<10112xf32, #tpu.memory_space<vmem>>, vector<16xf32>,
    %swap3A_1149 = arith.constant 9152 : index
    %swap3A_1150 = tpu.vector_load %arg15[%swap3A_1149] {strides = array<i32>} : memref<10112xf32, #tpu.memory_space<vmem>>, vector<16xf32>,
    tpu.vector_store %arg15[%swap3A_1149], %broadcast_in_dim3A_5 {strides = array<i32>} : memref<10112xf32, #tpu.memory_space<vmem>>, vector<16xf32>,
    %swap3A_1151 = arith.constant 9168 : index
    %swap3A_1152 = tpu.vector_load %arg15[%swap3A_1151] {strides = array<i32>} : memref<10112xf32, #tpu.memory_space<vmem>>, vector<16xf32>,
    tpu.vector_store %arg15[%swap3A_1151], %broadcast_in_dim3A_5 {strides = array<i32>} : memref<10112xf32, #tpu.memory_space<vmem>>, vector<16xf32>,
    %swap3A_1153 = arith.constant 9184 : index
    %swap3A_1154 = tpu.vector_load %arg15[%swap3A_1153] {strides = array<i32>} : memref<10112xf32, #tpu.memory_space<vmem>>, vector<16xf32>,
    tpu.vector_store %arg15[%swap3A_1153], %broadcast_in_dim3A_5 {strides = array<i32>} : memref<10112xf32, #tpu.memory_space<vmem>>, vector<16xf32>,
    %swap3A_1155 = arith.constant 9200 : index
    %swap3A_1156 = tpu.vector_load %arg15[%swap3A_1155] {strides = array<i32>} : memref<10112xf32, #tpu.memory_space<vmem>>, vector<16xf32>,
    tpu.vector_store %arg15[%swap3A_1155], %broadcast_in_dim3A_5 {strides = array<i32>} : memref<10112xf32, #tpu.memory_space<vmem>>, vector<16xf32>,
    %swap3A_1157 = arith.constant 9216 : index
    %swap3A_1158 = tpu.vector_load %arg15[%swap3A_1157] {strides = array<i32>} : memref<10112xf32, #tpu.memory_space<vmem>>, vector<16xf32>,
    tpu.vector_store %arg15[%swap3A_1157], %broadcast_in_dim3A_5 {strides = array<i32>} : memref<10112xf32, #tpu.memory_space<vmem>>, vector<16xf32>,
    %swap3A_1159 = arith.constant 9232 : index
    %swap3A_1160 = tpu.vector_load %arg15[%swap3A_1159] {strides = array<i32>} : memref<10112xf32, #tpu.memory_space<vmem>>, vector<16xf32>,
    tpu.vector_store %arg15[%swap3A_1159], %broadcast_in_dim3A_5 {strides = array<i32>} : memref<10112xf32, #tpu.memory_space<vmem>>, vector<16xf32>,
    %swap3A_1161 = arith.constant 9248 : index
    %swap3A_1162 = tpu.vector_load %arg15[%swap3A_1161] {strides = array<i32>} : memref<10112xf32, #tpu.memory_space<vmem>>, vector<16xf32>,
    tpu.vector_store %arg15[%swap3A_1161], %broadcast_in_dim3A_5 {strides = array<i32>} : memref<10112xf32, #tpu.memory_space<vmem>>, vector<16xf32>,
    %swap3A_1163 = arith.constant 9264 : index
    %swap3A_1164 = tpu.vector_load %arg15[%swap3A_1163] {strides = array<i32>} : memref<10112xf32, #tpu.memory_space<vmem>>, vector<16xf32>,
    tpu.vector_store %arg15[%swap3A_1163], %broadcast_in_dim3A_5 {strides = array<i32>} : memref<10112xf32, #tpu.memory_space<vmem>>, vector<16xf32>,
    %swap3A_1165 = arith.constant 9280 : index
    %swap3A_1166 = tpu.vector_load %arg15[%swap3A_1165] {strides = array<i32>} : memref<10112xf32, #tpu.memory_space<vmem>>, vector<16xf32>,
    tpu.vector_store %arg15[%swap3A_1165], %broadcast_in_dim3A_5 {strides = array<i32>} : memref<10112xf32, #tpu.memory_space<vmem>>, vector<16xf32>,
    %swap3A_1167 = arith.constant 9296 : index
    %swap3A_1168 = tpu.vector_load %arg15[%swap3A_1167] {strides = array<i32>} : memref<10112xf32, #tpu.memory_space<vmem>>, vector<16xf32>,
    tpu.vector_store %arg15[%swap3A_1167], %broadcast_in_dim3A_5 {strides = array<i32>} : memref<10112xf32, #tpu.memory_space<vmem>>, vector<16xf32>,
    %swap3A_1169 = arith.constant 9312 : index
    %swap3A_1170 = tpu.vector_load %arg15[%swap3A_1169] {strides = array<i32>} : memref<10112xf32, #tpu.memory_space<vmem>>, vector<16xf32>,
    tpu.vector_store %arg15[%swap3A_1169], %broadcast_in_dim3A_5 {strides = array<i32>} : memref<10112xf32, #tpu.memory_space<vmem>>, vector<16xf32>,
    %swap3A_1171 = arith.constant 9328 : index
    %swap3A_1172 = tpu.vector_load %arg15[%swap3A_1171] {strides = array<i32>} : memref<10112xf32, #tpu.memory_space<vmem>>, vector<16xf32>,
    tpu.vector_store %arg15[%swap3A_1171], %broadcast_in_dim3A_5 {strides = array<i32>} : memref<10112xf32, #tpu.memory_space<vmem>>, vector<16xf32>,
    %swap3A_1173 = arith.constant 9344 : index
    %swap3A_1174 = tpu.vector_load %arg15[%swap3A_1173] {strides = array<i32>} : memref<10112xf32, #tpu.memory_space<vmem>>, vector<16xf32>,
    tpu.vector_store %arg15[%swap3A_1173], %broadcast_in_dim3A_5 {strides = array<i32>} : memref<10112xf32, #tpu.memory_space<vmem>>, vector<16xf32>,
    %swap3A_1175 = arith.constant 9360 : index
    %swap3A_1176 = tpu.vector_load %arg15[%swap3A_1175] {strides = array<i32>} : memref<10112xf32, #tpu.memory_space<vmem>>, vector<16xf32>,
    tpu.vector_store %arg15[%swap3A_1175], %broadcast_in_dim3A_5 {strides = array<i32>} : memref<10112xf32, #tpu.memory_space<vmem>>, vector<16xf32>,
    %swap3A_1177 = arith.constant 9376 : index
    %swap3A_1178 = tpu.vector_load %arg15[%swap3A_1177] {strides = array<i32>} : memref<10112xf32, #tpu.memory_space<vmem>>, vector<16xf32>,
    tpu.vector_store %arg15[%swap3A_1177], %broadcast_in_dim3A_5 {strides = array<i32>} : memref<10112xf32, #tpu.memory_space<vmem>>, vector<16xf32>,
    %swap3A_1179 = arith.constant 9392 : index
    %swap3A_1180 = tpu.vector_load %arg15[%swap3A_1179] {strides = array<i32>} : memref<10112xf32, #tpu.memory_space<vmem>>, vector<16xf32>,
    tpu.vector_store %arg15[%swap3A_1179], %broadcast_in_dim3A_5 {strides = array<i32>} : memref<10112xf32, #tpu.memory_space<vmem>>, vector<16xf32>,
    %swap3A_1181 = arith.constant 9408 : index
    %swap3A_1182 = tpu.vector_load %arg15[%swap3A_1181] {strides = array<i32>} : memref<10112xf32, #tpu.memory_space<vmem>>, vector<16xf32>,
    tpu.vector_store %arg15[%swap3A_1181], %broadcast_in_dim3A_5 {strides = array<i32>} : memref<10112xf32, #tpu.memory_space<vmem>>, vector<16xf32>,
    %swap3A_1183 = arith.constant 9424 : index
    %swap3A_1184 = tpu.vector_load %arg15[%swap3A_1183] {strides = array<i32>} : memref<10112xf32, #tpu.memory_space<vmem>>, vector<16xf32>,
    tpu.vector_store %arg15[%swap3A_1183], %broadcast_in_dim3A_5 {strides = array<i32>} : memref<10112xf32, #tpu.memory_space<vmem>>, vector<16xf32>,
    %swap3A_1185 = arith.constant 9440 : index
    %swap3A_1186 = tpu.vector_load %arg15[%swap3A_1185] {strides = array<i32>} : memref<10112xf32, #tpu.memory_space<vmem>>, vector<16xf32>,
    tpu.vector_store %arg15[%swap3A_1185], %broadcast_in_dim3A_5 {strides = array<i32>} : memref<10112xf32, #tpu.memory_space<vmem>>, vector<16xf32>,
    %swap3A_1187 = arith.constant 9456 : index
    %swap3A_1188 = tpu.vector_load %arg15[%swap3A_1187] {strides = array<i32>} : memref<10112xf32, #tpu.memory_space<vmem>>, vector<16xf32>,
    tpu.vector_store %arg15[%swap3A_1187], %broadcast_in_dim3A_5 {strides = array<i32>} : memref<10112xf32, #tpu.memory_space<vmem>>, vector<16xf32>,
    %swap3A_1189 = arith.constant 9472 : index
    %swap3A_1190 = tpu.vector_load %arg15[%swap3A_1189] {strides = array<i32>} : memref<10112xf32, #tpu.memory_space<vmem>>, vector<16xf32>,
    tpu.vector_store %arg15[%swap3A_1189], %broadcast_in_dim3A_5 {strides = array<i32>} : memref<10112xf32, #tpu.memory_space<vmem>>, vector<16xf32>,
    %swap3A_1191 = arith.constant 9488 : index
    %swap3A_1192 = tpu.vector_load %arg15[%swap3A_1191] {strides = array<i32>} : memref<10112xf32, #tpu.memory_space<vmem>>, vector<16xf32>,
    tpu.vector_store %arg15[%swap3A_1191], %broadcast_in_dim3A_5 {strides = array<i32>} : memref<10112xf32, #tpu.memory_space<vmem>>, vector<16xf32>,
    %swap3A_1193 = arith.constant 9504 : index
    %swap3A_1194 = tpu.vector_load %arg15[%swap3A_1193] {strides = array<i32>} : memref<10112xf32, #tpu.memory_space<vmem>>, vector<16xf32>,
    tpu.vector_store %arg15[%swap3A_1193], %broadcast_in_dim3A_5 {strides = array<i32>} : memref<10112xf32, #tpu.memory_space<vmem>>, vector<16xf32>,
    %swap3A_1195 = arith.constant 9520 : index
    %swap3A_1196 = tpu.vector_load %arg15[%swap3A_1195] {strides = array<i32>} : memref<10112xf32, #tpu.memory_space<vmem>>, vector<16xf32>,
    tpu.vector_store %arg15[%swap3A_1195], %broadcast_in_dim3A_5 {strides = array<i32>} : memref<10112xf32, #tpu.memory_space<vmem>>, vector<16xf32>,
    %swap3A_1197 = arith.constant 9536 : index
    %swap3A_1198 = tpu.vector_load %arg15[%swap3A_1197] {strides = array<i32>} : memref<10112xf32, #tpu.memory_space<vmem>>, vector<16xf32>,
    tpu.vector_store %arg15[%swap3A_1197], %broadcast_in_dim3A_5 {strides = array<i32>} : memref<10112xf32, #tpu.memory_space<vmem>>, vector<16xf32>,
    %swap3A_1199 = arith.constant 9552 : index
    %swap3A_1200 = tpu.vector_load %arg15[%swap3A_1199] {strides = array<i32>} : memref<10112xf32, #tpu.memory_space<vmem>>, vector<16xf32>,
    tpu.vector_store %arg15[%swap3A_1199], %broadcast_in_dim3A_5 {strides = array<i32>} : memref<10112xf32, #tpu.memory_space<vmem>>, vector<16xf32>,
    %swap3A_1201 = arith.constant 9568 : index
    %swap3A_1202 = tpu.vector_load %arg15[%swap3A_1201] {strides = array<i32>} : memref<10112xf32, #tpu.memory_space<vmem>>, vector<16xf32>,
    tpu.vector_store %arg15[%swap3A_1201], %broadcast_in_dim3A_5 {strides = array<i32>} : memref<10112xf32, #tpu.memory_space<vmem>>, vector<16xf32>,
    %swap3A_1203 = arith.constant 9584 : index
    %swap3A_1204 = tpu.vector_load %arg15[%swap3A_1203] {strides = array<i32>} : memref<10112xf32, #tpu.memory_space<vmem>>, vector<16xf32>,
    tpu.vector_store %arg15[%swap3A_1203], %broadcast_in_dim3A_5 {strides = array<i32>} : memref<10112xf32, #tpu.memory_space<vmem>>, vector<16xf32>,
    %swap3A_1205 = arith.constant 9600 : index
    %swap3A_1206 = tpu.vector_load %arg15[%swap3A_1205] {strides = array<i32>} : memref<10112xf32, #tpu.memory_space<vmem>>, vector<16xf32>,
    tpu.vector_store %arg15[%swap3A_1205], %broadcast_in_dim3A_5 {strides = array<i32>} : memref<10112xf32, #tpu.memory_space<vmem>>, vector<16xf32>,
    %swap3A_1207 = arith.constant 9616 : index
    %swap3A_1208 = tpu.vector_load %arg15[%swap3A_1207] {strides = array<i32>} : memref<10112xf32, #tpu.memory_space<vmem>>, vector<16xf32>,
    tpu.vector_store %arg15[%swap3A_1207], %broadcast_in_dim3A_5 {strides = array<i32>} : memref<10112xf32, #tpu.memory_space<vmem>>, vector<16xf32>,
    %swap3A_1209 = arith.constant 9632 : index
    %swap3A_1210 = tpu.vector_load %arg15[%swap3A_1209] {strides = array<i32>} : memref<10112xf32, #tpu.memory_space<vmem>>, vector<16xf32>,
    tpu.vector_store %arg15[%swap3A_1209], %broadcast_in_dim3A_5 {strides = array<i32>} : memref<10112xf32, #tpu.memory_space<vmem>>, vector<16xf32>,
    %swap3A_1211 = arith.constant 9648 : index
    %swap3A_1212 = tpu.vector_load %arg15[%swap3A_1211] {strides = array<i32>} : memref<10112xf32, #tpu.memory_space<vmem>>, vector<16xf32>,
    tpu.vector_store %arg15[%swap3A_1211], %broadcast_in_dim3A_5 {strides = array<i32>} : memref<10112xf32, #tpu.memory_space<vmem>>, vector<16xf32>,
    %swap3A_1213 = arith.constant 9664 : index
    %swap3A_1214 = tpu.vector_load %arg15[%swap3A_1213] {strides = array<i32>} : memref<10112xf32, #tpu.memory_space<vmem>>, vector<16xf32>,
    tpu.vector_store %arg15[%swap3A_1213], %broadcast_in_dim3A_5 {strides = array<i32>} : memref<10112xf32, #tpu.memory_space<vmem>>, vector<16xf32>,
    %swap3A_1215 = arith.constant 9680 : index
    %swap3A_1216 = tpu.vector_load %arg15[%swap3A_1215] {strides = array<i32>} : memref<10112xf32, #tpu.memory_space<vmem>>, vector<16xf32>,
    tpu.vector_store %arg15[%swap3A_1215], %broadcast_in_dim3A_5 {strides = array<i32>} : memref<10112xf32, #tpu.memory_space<vmem>>, vector<16xf32>,
    %swap3A_1217 = arith.constant 9696 : index
    %swap3A_1218 = tpu.vector_load %arg15[%swap3A_1217] {strides = array<i32>} : memref<10112xf32, #tpu.memory_space<vmem>>, vector<16xf32>,
    tpu.vector_store %arg15[%swap3A_1217], %broadcast_in_dim3A_5 {strides = array<i32>} : memref<10112xf32, #tpu.memory_space<vmem>>, vector<16xf32>,
    %swap3A_1219 = arith.constant 9712 : index
    %swap3A_1220 = tpu.vector_load %arg15[%swap3A_1219] {strides = array<i32>} : memref<10112xf32, #tpu.memory_space<vmem>>, vector<16xf32>,
    tpu.vector_store %arg15[%swap3A_1219], %broadcast_in_dim3A_5 {strides = array<i32>} : memref<10112xf32, #tpu.memory_space<vmem>>, vector<16xf32>,
    %swap3A_1221 = arith.constant 9728 : index
    %swap3A_1222 = tpu.vector_load %arg15[%swap3A_1221] {strides = array<i32>} : memref<10112xf32, #tpu.memory_space<vmem>>, vector<16xf32>,
    tpu.vector_store %arg15[%swap3A_1221], %broadcast_in_dim3A_5 {strides = array<i32>} : memref<10112xf32, #tpu.memory_space<vmem>>, vector<16xf32>,
    %swap3A_1223 = arith.constant 9744 : index
    %swap3A_1224 = tpu.vector_load %arg15[%swap3A_1223] {strides = array<i32>} : memref<10112xf32, #tpu.memory_space<vmem>>, vector<16xf32>,
    tpu.vector_store %arg15[%swap3A_1223], %broadcast_in_dim3A_5 {strides = array<i32>} : memref<10112xf32, #tpu.memory_space<vmem>>, vector<16xf32>,
    %swap3A_1225 = arith.constant 9760 : index
    %swap3A_1226 = tpu.vector_load %arg15[%swap3A_1225] {strides = array<i32>} : memref<10112xf32, #tpu.memory_space<vmem>>, vector<16xf32>,
    tpu.vector_store %arg15[%swap3A_1225], %broadcast_in_dim3A_5 {strides = array<i32>} : memref<10112xf32, #tpu.memory_space<vmem>>, vector<16xf32>,
    %swap3A_1227 = arith.constant 9776 : index
    %swap3A_1228 = tpu.vector_load %arg15[%swap3A_1227] {strides = array<i32>} : memref<10112xf32, #tpu.memory_space<vmem>>, vector<16xf32>,
    tpu.vector_store %arg15[%swap3A_1227], %broadcast_in_dim3A_5 {strides = array<i32>} : memref<10112xf32, #tpu.memory_space<vmem>>, vector<16xf32>,
    %swap3A_1229 = arith.constant 9792 : index
    %swap3A_1230 = tpu.vector_load %arg15[%swap3A_1229] {strides = array<i32>} : memref<10112xf32, #tpu.memory_space<vmem>>, vector<16xf32>,
    tpu.vector_store %arg15[%swap3A_1229], %broadcast_in_dim3A_5 {strides = array<i32>} : memref<10112xf32, #tpu.memory_space<vmem>>, vector<16xf32>,
    %swap3A_1231 = arith.constant 9808 : index
    %swap3A_1232 = tpu.vector_load %arg15[%swap3A_1231] {strides = array<i32>} : memref<10112xf32, #tpu.memory_space<vmem>>, vector<16xf32>,
    tpu.vector_store %arg15[%swap3A_1231], %broadcast_in_dim3A_5 {strides = array<i32>} : memref<10112xf32, #tpu.memory_space<vmem>>, vector<16xf32>,
    %swap3A_1233 = arith.constant 9824 : index
    %swap3A_1234 = tpu.vector_load %arg15[%swap3A_1233] {strides = array<i32>} : memref<10112xf32, #tpu.memory_space<vmem>>, vector<16xf32>,
    tpu.vector_store %arg15[%swap3A_1233], %broadcast_in_dim3A_5 {strides = array<i32>} : memref<10112xf32, #tpu.memory_space<vmem>>, vector<16xf32>,
    %swap3A_1235 = arith.constant 9840 : index
    %swap3A_1236 = tpu.vector_load %arg15[%swap3A_1235] {strides = array<i32>} : memref<10112xf32, #tpu.memory_space<vmem>>, vector<16xf32>,
    tpu.vector_store %arg15[%swap3A_1235], %broadcast_in_dim3A_5 {strides = array<i32>} : memref<10112xf32, #tpu.memory_space<vmem>>, vector<16xf32>,
    %swap3A_1237 = arith.constant 9856 : index
    %swap3A_1238 = tpu.vector_load %arg15[%swap3A_1237] {strides = array<i32>} : memref<10112xf32, #tpu.memory_space<vmem>>, vector<16xf32>,
    tpu.vector_store %arg15[%swap3A_1237], %broadcast_in_dim3A_5 {strides = array<i32>} : memref<10112xf32, #tpu.memory_space<vmem>>, vector<16xf32>,
    %swap3A_1239 = arith.constant 9872 : index
    %swap3A_1240 = tpu.vector_load %arg15[%swap3A_1239] {strides = array<i32>} : memref<10112xf32, #tpu.memory_space<vmem>>, vector<16xf32>,
    tpu.vector_store %arg15[%swap3A_1239], %broadcast_in_dim3A_5 {strides = array<i32>} : memref<10112xf32, #tpu.memory_space<vmem>>, vector<16xf32>,
    %swap3A_1241 = arith.constant 9888 : index
    %swap3A_1242 = tpu.vector_load %arg15[%swap3A_1241] {strides = array<i32>} : memref<10112xf32, #tpu.memory_space<vmem>>, vector<16xf32>,
    tpu.vector_store %arg15[%swap3A_1241], %broadcast_in_dim3A_5 {strides = array<i32>} : memref<10112xf32, #tpu.memory_space<vmem>>, vector<16xf32>,
    %swap3A_1243 = arith.constant 9904 : index
    %swap3A_1244 = tpu.vector_load %arg15[%swap3A_1243] {strides = array<i32>} : memref<10112xf32, #tpu.memory_space<vmem>>, vector<16xf32>,
    tpu.vector_store %arg15[%swap3A_1243], %broadcast_in_dim3A_5 {strides = array<i32>} : memref<10112xf32, #tpu.memory_space<vmem>>, vector<16xf32>,
    %swap3A_1245 = arith.constant 9920 : index
    %swap3A_1246 = tpu.vector_load %arg15[%swap3A_1245] {strides = array<i32>} : memref<10112xf32, #tpu.memory_space<vmem>>, vector<16xf32>,
    tpu.vector_store %arg15[%swap3A_1245], %broadcast_in_dim3A_5 {strides = array<i32>} : memref<10112xf32, #tpu.memory_space<vmem>>, vector<16xf32>,
    %swap3A_1247 = arith.constant 9936 : index
    %swap3A_1248 = tpu.vector_load %arg15[%swap3A_1247] {strides = array<i32>} : memref<10112xf32, #tpu.memory_space<vmem>>, vector<16xf32>,
    tpu.vector_store %arg15[%swap3A_1247], %broadcast_in_dim3A_5 {strides = array<i32>} : memref<10112xf32, #tpu.memory_space<vmem>>, vector<16xf32>,
    %swap3A_1249 = arith.constant 9952 : index
    %swap3A_1250 = tpu.vector_load %arg15[%swap3A_1249] {strides = array<i32>} : memref<10112xf32, #tpu.memory_space<vmem>>, vector<16xf32>,
    tpu.vector_store %arg15[%swap3A_1249], %broadcast_in_dim3A_5 {strides = array<i32>} : memref<10112xf32, #tpu.memory_space<vmem>>, vector<16xf32>,
    %swap3A_1251 = arith.constant 9968 : index
    %swap3A_1252 = tpu.vector_load %arg15[%swap3A_1251] {strides = array<i32>} : memref<10112xf32, #tpu.memory_space<vmem>>, vector<16xf32>,
    tpu.vector_store %arg15[%swap3A_1251], %broadcast_in_dim3A_5 {strides = array<i32>} : memref<10112xf32, #tpu.memory_space<vmem>>, vector<16xf32>,
    %swap3A_1253 = arith.constant 9984 : index
    %swap3A_1254 = tpu.vector_load %arg15[%swap3A_1253] {strides = array<i32>} : memref<10112xf32, #tpu.memory_space<vmem>>, vector<16xf32>,
    tpu.vector_store %arg15[%swap3A_1253], %broadcast_in_dim3A_5 {strides = array<i32>} : memref<10112xf32, #tpu.memory_space<vmem>>, vector<16xf32>,
    %swap3A_1255 = arith.constant 10000 : index
    %swap3A_1256 = tpu.vector_load %arg15[%swap3A_1255] {strides = array<i32>} : memref<10112xf32, #tpu.memory_space<vmem>>, vector<16xf32>,
    tpu.vector_store %arg15[%swap3A_1255], %broadcast_in_dim3A_5 {strides = array<i32>} : memref<10112xf32, #tpu.memory_space<vmem>>, vector<16xf32>,
    %swap3A_1257 = arith.constant 10016 : index
    %swap3A_1258 = tpu.vector_load %arg15[%swap3A_1257] {strides = array<i32>} : memref<10112xf32, #tpu.memory_space<vmem>>, vector<16xf32>,
    tpu.vector_store %arg15[%swap3A_1257], %broadcast_in_dim3A_5 {strides = array<i32>} : memref<10112xf32, #tpu.memory_space<vmem>>, vector<16xf32>,
    %swap3A_1259 = arith.constant 10032 : index
    %swap3A_1260 = tpu.vector_load %arg15[%swap3A_1259] {strides = array<i32>} : memref<10112xf32, #tpu.memory_space<vmem>>, vector<16xf32>,
    tpu.vector_store %arg15[%swap3A_1259], %broadcast_in_dim3A_5 {strides = array<i32>} : memref<10112xf32, #tpu.memory_space<vmem>>, vector<16xf32>,
    %swap3A_1261 = arith.constant 10048 : index
    %swap3A_1262 = tpu.vector_load %arg15[%swap3A_1261] {strides = array<i32>} : memref<10112xf32, #tpu.memory_space<vmem>>, vector<16xf32>,
    tpu.vector_store %arg15[%swap3A_1261], %broadcast_in_dim3A_5 {strides = array<i32>} : memref<10112xf32, #tpu.memory_space<vmem>>, vector<16xf32>,
    %swap3A_1263 = arith.constant 10064 : index
    %swap3A_1264 = tpu.vector_load %arg15[%swap3A_1263] {strides = array<i32>} : memref<10112xf32, #tpu.memory_space<vmem>>, vector<16xf32>,
    tpu.vector_store %arg15[%swap3A_1263], %broadcast_in_dim3A_5 {strides = array<i32>} : memref<10112xf32, #tpu.memory_space<vmem>>, vector<16xf32>,
    %swap3A_1265 = arith.constant 10080 : index
    %swap3A_1266 = tpu.vector_load %arg15[%swap3A_1265] {strides = array<i32>} : memref<10112xf32, #tpu.memory_space<vmem>>, vector<16xf32>,
    tpu.vector_store %arg15[%swap3A_1265], %broadcast_in_dim3A_5 {strides = array<i32>} : memref<10112xf32, #tpu.memory_space<vmem>>, vector<16xf32>,
    %swap3A_1267 = arith.constant 10096 : index
    %swap3A_1268 = tpu.vector_load %arg15[%swap3A_1267] {strides = array<i32>} : memref<10112xf32, #tpu.memory_space<vmem>>, vector<16xf32>,
    tpu.vector_store %arg15[%swap3A_1267], %broadcast_in_dim3A_5 {strides = array<i32>} : memref<10112xf32, #tpu.memory_space<vmem>>, vector<16xf32>,
    %barrier3A = arith.constant 0 : index
    tpu.barrier barrier_id(%barrier3A)
    %broadcast_in_dim3A_1269 = arith.constant 1.000000e+00 : f32
    %broadcast_in_dim3A_1270 = vector.broadcast %broadcast_in_dim3A_1269 : f32 to vector<16xf32>
    %scan3A = arith.constant 0 : i32
    %scan3A_1271 = arith.constant 0 : i32
    %scan3A_1272 = arith.constant 10 : i32
    %scan3A_1273 = arith.addi %scan3A_1271, %scan3A_1272 : i32
    %scan3A_1274 = arith.constant 1 : i32
    scf.for %scan3A_1280 = %scan3A_1271 to %scan3A_1273 step %scan3A_1274  : i32 {
      %mul3A_1281 = arith.constant 8 : i32
      %mul3A_1282 = arith.muli %scan3A_1280, %mul3A_1281 : i32
      %add3A_1283 = arith.addi %add3A, %mul3A_1282 : i32
      %multiple_of3A = tpu.assume_multiple %add3A_1283, 8 : i32
      "tpu.region"() ({
        %run_scoped3A_1656 = tpu.sem_alloc : memref<!tpu.dma_semaphore, #tpu.memory_space<semaphore_mem>>
        %dma_start3A_1657 = arith.constant 0 : i32
        %dma_start3A_1658 = tpu.memref_slice %arg3[%multiple_of3A, %dma_start3A_1657] : memref<2560x128xi32, #tpu.memory_space<hbm>> -> memref<8x128xi32, #tpu.memory_space<hbm>>
        %dma_start3A_1659 = arith.constant 0 : i32
        %dma_start3A_1660 = tpu.memref_slice %arg3[%multiple_of3A, %dma_start3A_1659] : memref<2560x128xi32, #tpu.memory_space<hbm>> -> memref<8x128xi32, #tpu.memory_space<hbm>>
        tpu.enqueue_dma source(%dma_start3A_1660 : memref<8x128xi32, #tpu.memory_space<hbm>>) target(%arg8 : memref<8x128xi32, #tpu.memory_space<vmem>>) target_semaphore(%run_scoped3A_1656 : memref<!tpu.dma_semaphore, #tpu.memory_space<semaphore_mem>>)
        %dma_wait3A_1661 = arith.constant 0 : i32
        %dma_wait3A_1662 = tpu.memref_slice %arg3[%multiple_of3A, %dma_wait3A_1661] : memref<2560x128xi32, #tpu.memory_space<hbm>> -> memref<8x128xi32, #tpu.memory_space<hbm>>
        %dma_wait3A_1663 = arith.constant 0 : i32
        %dma_wait3A_1664 = tpu.memref_slice %arg3[%multiple_of3A, %dma_wait3A_1663] : memref<2560x128xi32, #tpu.memory_space<hbm>> -> memref<8x128xi32, #tpu.memory_space<hbm>>
        tpu.wait_dma2 semaphore(%run_scoped3A_1656 : memref<!tpu.dma_semaphore, #tpu.memory_space<semaphore_mem>>) src(%dma_wait3A_1664 : memref<8x128xi32, #tpu.memory_space<hbm>>) dst(%arg8 : memref<8x128xi32, #tpu.memory_space<vmem>>)
        tpu.yield
      }) : () -> ()
      "tpu.region"() ({
        %run_scoped3A_1656 = tpu.sem_alloc : memref<!tpu.dma_semaphore, #tpu.memory_space<semaphore_mem>>
        %dma_start3A_1657 = arith.constant 0 : i32
        %dma_start3A_1658 = tpu.memref_slice %arg4[%multiple_of3A, %dma_start3A_1657] : memref<2560x128xi32, #tpu.memory_space<hbm>> -> memref<8x128xi32, #tpu.memory_space<hbm>>
        %dma_start3A_1659 = arith.constant 0 : i32
        %dma_start3A_1660 = tpu.memref_slice %arg4[%multiple_of3A, %dma_start3A_1659] : memref<2560x128xi32, #tpu.memory_space<hbm>> -> memref<8x128xi32, #tpu.memory_space<hbm>>
        tpu.enqueue_dma source(%dma_start3A_1660 : memref<8x128xi32, #tpu.memory_space<hbm>>) target(%arg9 : memref<8x128xi32, #tpu.memory_space<vmem>>) target_semaphore(%run_scoped3A_1656 : memref<!tpu.dma_semaphore, #tpu.memory_space<semaphore_mem>>)
        %dma_wait3A_1661 = arith.constant 0 : i32
        %dma_wait3A_1662 = tpu.memref_slice %arg4[%multiple_of3A, %dma_wait3A_1661] : memref<2560x128xi32, #tpu.memory_space<hbm>> -> memref<8x128xi32, #tpu.memory_space<hbm>>
        %dma_wait3A_1663 = arith.constant 0 : i32
        %dma_wait3A_1664 = tpu.memref_slice %arg4[%multiple_of3A, %dma_wait3A_1663] : memref<2560x128xi32, #tpu.memory_space<hbm>> -> memref<8x128xi32, #tpu.memory_space<hbm>>
        tpu.wait_dma2 semaphore(%run_scoped3A_1656 : memref<!tpu.dma_semaphore, #tpu.memory_space<semaphore_mem>>) src(%dma_wait3A_1664 : memref<8x128xi32, #tpu.memory_space<hbm>>) dst(%arg9 : memref<8x128xi32, #tpu.memory_space<vmem>>)
        tpu.yield
      }) : () -> ()
      %dma_start3A = arith.constant 0 : i32
      %dma_start3A_1284 = arith.constant 0 : i32
      %dma_start3A_1285 = tpu.memref_slice %arg8[%dma_start3A, %dma_start3A_1284] : memref<8x128xi32, #tpu.memory_space<vmem>> -> memref<1x128xi32, #tpu.memory_space<vmem>>
      %dma_start3A_1286 = tpu.memref_squeeze %dma_start3A_1285 : memref<1x128xi32, #tpu.memory_space<vmem>> -> memref<128xi32, #tpu.memory_space<vmem>>
      %dma_start3A_1287 = arith.constant 0 : i32
      %dma_start3A_1288 = arith.constant 0 : i32
      %dma_start3A_1289 = tpu.memref_slice %arg2[%dma_start3A_1287, %dma_start3A_1288] : memref<10000x128xf32, #tpu.memory_space<hbm>> -> memref<10000x128xf32, #tpu.memory_space<hbm>>
      tpu.enqueue_indirect_dma source(%dma_start3A_1289 : memref<10000x128xf32, #tpu.memory_space<hbm>>) target(%arg10 : memref<128x128xf32, #tpu.memory_space<vmem>>) offsets(%dma_start3A_1286 : memref<128xi32, #tpu.memory_space<vmem>>) semaphore(%arg13 : memref<!tpu.dma_semaphore, #tpu.memory_space<semaphore_mem>>)
      %dma_start3A_1290 = arith.constant 1 : i32
      %dma_start3A_1291 = arith.constant 0 : i32
      %dma_start3A_1292 = tpu.memref_slice %arg8[%dma_start3A_1290, %dma_start3A_1291] : memref<8x128xi32, #tpu.memory_space<vmem>> -> memref<1x128xi32, #tpu.memory_space<vmem>>
      %dma_start3A_1293 = tpu.memref_squeeze %dma_start3A_1292 : memref<1x128xi32, #tpu.memory_space<vmem>> -> memref<128xi32, #tpu.memory_space<vmem>>
      %dma_start3A_1294 = arith.constant 0 : i32
      %dma_start3A_1295 = arith.constant 0 : i32
      %dma_start3A_1296 = tpu.memref_slice %arg2[%dma_start3A_1294, %dma_start3A_1295] : memref<10000x128xf32, #tpu.memory_space<hbm>> -> memref<10000x128xf32, #tpu.memory_space<hbm>>
      tpu.enqueue_indirect_dma source(%dma_start3A_1296 : memref<10000x128xf32, #tpu.memory_space<hbm>>) target(%arg11 : memref<128x128xf32, #tpu.memory_space<vmem>>) offsets(%dma_start3A_1293 : memref<128xi32, #tpu.memory_space<vmem>>) semaphore(%arg14 : memref<!tpu.dma_semaphore, #tpu.memory_space<semaphore_mem>>)
      %get3A = arith.constant 0 : i32
      %get3A_1297 = arith.index_cast %get3A : i32 to index
      %get3A_1298 = arith.constant 0 : index
      %get3A_1299 = tpu.vector_load %arg9[%get3A_1297, %get3A_1298] {strides = array<i32>} : memref<8x128xi32, #tpu.memory_space<vmem>>, vector<16xi32>,
      tpu.vector_store_idx %arg15[%get3A_1299], %broadcast_in_dim3A_1270 {add = true} : memref<10112xf32, #tpu.memory_space<vmem>>[vector<16xi32>], vector<16xf32>,
      %get3A_1300 = arith.constant 0 : i32
      %get3A_1301 = arith.index_cast %get3A_1300 : i32 to index
      %get3A_1302 = arith.constant 16 : index
      %get3A_1303 = tpu.vector_load %arg9[%get3A_1301, %get3A_1302] {strides = array<i32>} : memref<8x128xi32, #tpu.memory_space<vmem>>, vector<16xi32>,
      tpu.vector_store_idx %arg15[%get3A_1303], %broadcast_in_dim3A_1270 {add = true} : memref<10112xf32, #tpu.memory_space<vmem>>[vector<16xi32>], vector<16xf32>,
      %get3A_1304 = arith.constant 0 : i32
      %get3A_1305 = arith.index_cast %get3A_1304 : i32 to index
      %get3A_1306 = arith.constant 32 : index
      %get3A_1307 = tpu.vector_load %arg9[%get3A_1305, %get3A_1306] {strides = array<i32>} : memref<8x128xi32, #tpu.memory_space<vmem>>, vector<16xi32>,
      tpu.vector_store_idx %arg15[%get3A_1307], %broadcast_in_dim3A_1270 {add = true} : memref<10112xf32, #tpu.memory_space<vmem>>[vector<16xi32>], vector<16xf32>,
      %get3A_1308 = arith.constant 0 : i32
      %get3A_1309 = arith.index_cast %get3A_1308 : i32 to index
      %get3A_1310 = arith.constant 48 : index
      %get3A_1311 = tpu.vector_load %arg9[%get3A_1309, %get3A_1310] {strides = array<i32>} : memref<8x128xi32, #tpu.memory_space<vmem>>, vector<16xi32>,
      tpu.vector_store_idx %arg15[%get3A_1311], %broadcast_in_dim3A_1270 {add = true} : memref<10112xf32, #tpu.memory_space<vmem>>[vector<16xi32>], vector<16xf32>,
      %get3A_1312 = arith.constant 0 : i32
      %get3A_1313 = arith.index_cast %get3A_1312 : i32 to index
      %get3A_1314 = arith.constant 64 : index
      %get3A_1315 = tpu.vector_load %arg9[%get3A_1313, %get3A_1314] {strides = array<i32>} : memref<8x128xi32, #tpu.memory_space<vmem>>, vector<16xi32>,
      tpu.vector_store_idx %arg15[%get3A_1315], %broadcast_in_dim3A_1270 {add = true} : memref<10112xf32, #tpu.memory_space<vmem>>[vector<16xi32>], vector<16xf32>,
      %get3A_1316 = arith.constant 0 : i32
      %get3A_1317 = arith.index_cast %get3A_1316 : i32 to index
      %get3A_1318 = arith.constant 80 : index
      %get3A_1319 = tpu.vector_load %arg9[%get3A_1317, %get3A_1318] {strides = array<i32>} : memref<8x128xi32, #tpu.memory_space<vmem>>, vector<16xi32>,
      tpu.vector_store_idx %arg15[%get3A_1319], %broadcast_in_dim3A_1270 {add = true} : memref<10112xf32, #tpu.memory_space<vmem>>[vector<16xi32>], vector<16xf32>,
      %get3A_1320 = arith.constant 0 : i32
      %get3A_1321 = arith.index_cast %get3A_1320 : i32 to index
      %get3A_1322 = arith.constant 96 : index
      %get3A_1323 = tpu.vector_load %arg9[%get3A_1321, %get3A_1322] {strides = array<i32>} : memref<8x128xi32, #tpu.memory_space<vmem>>, vector<16xi32>,
      tpu.vector_store_idx %arg15[%get3A_1323], %broadcast_in_dim3A_1270 {add = true} : memref<10112xf32, #tpu.memory_space<vmem>>[vector<16xi32>], vector<16xf32>,
      %get3A_1324 = arith.constant 0 : i32
      %get3A_1325 = arith.index_cast %get3A_1324 : i32 to index
      %get3A_1326 = arith.constant 112 : index
      %get3A_1327 = tpu.vector_load %arg9[%get3A_1325, %get3A_1326] {strides = array<i32>} : memref<8x128xi32, #tpu.memory_space<vmem>>, vector<16xi32>,
      tpu.vector_store_idx %arg15[%get3A_1327], %broadcast_in_dim3A_1270 {add = true} : memref<10112xf32, #tpu.memory_space<vmem>>[vector<16xi32>], vector<16xf32>,
      %dma_wait3A = arith.constant 0 : i32
      %dma_wait3A_1328 = arith.constant 0 : i32
      %dma_wait3A_1329 = tpu.memref_slice %arg8[%dma_wait3A, %dma_wait3A_1328] : memref<8x128xi32, #tpu.memory_space<vmem>> -> memref<1x128xi32, #tpu.memory_space<vmem>>
      %dma_wait3A_1330 = tpu.memref_squeeze %dma_wait3A_1329 : memref<1x128xi32, #tpu.memory_space<vmem>> -> memref<128xi32, #tpu.memory_space<vmem>>
      %dma_wait3A_1331 = arith.constant 0 : i32
      %dma_wait3A_1332 = arith.constant 0 : i32
      %dma_wait3A_1333 = tpu.memref_slice %arg2[%dma_wait3A_1331, %dma_wait3A_1332] : memref<10000x128xf32, #tpu.memory_space<hbm>> -> memref<10000x128xf32, #tpu.memory_space<hbm>>
      tpu.wait_indirect_dma semaphore(%arg13 : memref<!tpu.dma_semaphore, #tpu.memory_space<semaphore_mem>>) src(%dma_wait3A_1333 : memref<10000x128xf32, #tpu.memory_space<hbm>>) dst(%arg10 : memref<128x128xf32, #tpu.memory_space<vmem>>)
      %run_scoped3A = arith.constant 0 : i32
      "tpu.region"() ({
        %run_scoped3A_1656 = tpu.sem_alloc : memref<!tpu.dma_semaphore, #tpu.memory_space<semaphore_mem>>
        %dma_start3A_1657 = arith.constant 0 : i32
        %dma_start3A_1658 = tpu.memref_slice %arg9[%run_scoped3A, %dma_start3A_1657] : memref<8x128xi32, #tpu.memory_space<vmem>> -> memref<1x128xi32, #tpu.memory_space<vmem>>
        %dma_start3A_1659 = tpu.memref_squeeze %dma_start3A_1658 : memref<1x128xi32, #tpu.memory_space<vmem>> -> memref<128xi32, #tpu.memory_space<vmem>>
        %dma_start3A_1660 = arith.constant 0 : i32
        %dma_start3A_1661 = arith.constant 0 : i32
        %dma_start3A_1662 = tpu.memref_slice %arg12[%dma_start3A_1660, %dma_start3A_1661] : memref<10112x128xf32, #tpu.memory_space<vmem_shared>> -> memref<10112x128xf32, #tpu.memory_space<vmem_shared>>
        tpu.enqueue_indirect_dma source(%arg10 : memref<128x128xf32, #tpu.memory_space<vmem>>) target(%dma_start3A_1662 : memref<10112x128xf32, #tpu.memory_space<vmem_shared>>) offsets(%dma_start3A_1659 : memref<128xi32, #tpu.memory_space<vmem>>) semaphore(%run_scoped3A_1656 : memref<!tpu.dma_semaphore, #tpu.memory_space<semaphore_mem>>) {add = true}
        %dma_wait3A_1663 = arith.constant 0 : i32
        %dma_wait3A_1664 = tpu.memref_slice %arg9[%run_scoped3A, %dma_wait3A_1663] : memref<8x128xi32, #tpu.memory_space<vmem>> -> memref<1x128xi32, #tpu.memory_space<vmem>>
        %dma_wait3A_1665 = tpu.memref_squeeze %dma_wait3A_1664 : memref<1x128xi32, #tpu.memory_space<vmem>> -> memref<128xi32, #tpu.memory_space<vmem>>
        %dma_wait3A_1666 = arith.constant 0 : i32
        %dma_wait3A_1667 = arith.constant 0 : i32
        %dma_wait3A_1668 = tpu.memref_slice %arg12[%dma_wait3A_1666, %dma_wait3A_1667] : memref<10112x128xf32, #tpu.memory_space<vmem_shared>> -> memref<10112x128xf32, #tpu.memory_space<vmem_shared>>
        tpu.wait_indirect_dma semaphore(%run_scoped3A_1656 : memref<!tpu.dma_semaphore, #tpu.memory_space<semaphore_mem>>) src(%arg10 : memref<128x128xf32, #tpu.memory_space<vmem>>) dst(%dma_wait3A_1668 : memref<10112x128xf32, #tpu.memory_space<vmem_shared>>)
        tpu.yield
      }) : () -> ()
      %dma_start3A_1334 = arith.constant 2 : i32
      %dma_start3A_1335 = arith.constant 0 : i32
      %dma_start3A_1336 = tpu.memref_slice %arg8[%dma_start3A_1334, %dma_start3A_1335] : memref<8x128xi32, #tpu.memory_space<vmem>> -> memref<1x128xi32, #tpu.memory_space<vmem>>
      %dma_start3A_1337 = tpu.memref_squeeze %dma_start3A_1336 : memref<1x128xi32, #tpu.memory_space<vmem>> -> memref<128xi32, #tpu.memory_space<vmem>>
      %dma_start3A_1338 = arith.constant 0 : i32
      %dma_start3A_1339 = arith.constant 0 : i32
      %dma_start3A_1340 = tpu.memref_slice %arg2[%dma_start3A_1338, %dma_start3A_1339] : memref<10000x128xf32, #tpu.memory_space<hbm>> -> memref<10000x128xf32, #tpu.memory_space<hbm>>
      tpu.enqueue_indirect_dma source(%dma_start3A_1340 : memref<10000x128xf32, #tpu.memory_space<hbm>>) target(%arg10 : memref<128x128xf32, #tpu.memory_space<vmem>>) offsets(%dma_start3A_1337 : memref<128xi32, #tpu.memory_space<vmem>>) semaphore(%arg13 : memref<!tpu.dma_semaphore, #tpu.memory_space<semaphore_mem>>)
      %get3A_1341 = arith.constant 1 : i32
      %get3A_1342 = arith.index_cast %get3A_1341 : i32 to index
      %get3A_1343 = arith.constant 0 : index
      %get3A_1344 = tpu.vector_load %arg9[%get3A_1342, %get3A_1343] {strides = array<i32>} : memref<8x128xi32, #tpu.memory_space<vmem>>, vector<16xi32>,
      tpu.vector_store_idx %arg15[%get3A_1344], %broadcast_in_dim3A_1270 {add = true} : memref<10112xf32, #tpu.memory_space<vmem>>[vector<16xi32>], vector<16xf32>,
      %get3A_1345 = arith.constant 1 : i32
      %get3A_1346 = arith.index_cast %get3A_1345 : i32 to index
      %get3A_1347 = arith.constant 16 : index
      %get3A_1348 = tpu.vector_load %arg9[%get3A_1346, %get3A_1347] {strides = array<i32>} : memref<8x128xi32, #tpu.memory_space<vmem>>, vector<16xi32>,
      tpu.vector_store_idx %arg15[%get3A_1348], %broadcast_in_dim3A_1270 {add = true} : memref<10112xf32, #tpu.memory_space<vmem>>[vector<16xi32>], vector<16xf32>,
      %get3A_1349 = arith.constant 1 : i32
      %get3A_1350 = arith.index_cast %get3A_1349 : i32 to index
      %get3A_1351 = arith.constant 32 : index
      %get3A_1352 = tpu.vector_load %arg9[%get3A_1350, %get3A_1351] {strides = array<i32>} : memref<8x128xi32, #tpu.memory_space<vmem>>, vector<16xi32>,
      tpu.vector_store_idx %arg15[%get3A_1352], %broadcast_in_dim3A_1270 {add = true} : memref<10112xf32, #tpu.memory_space<vmem>>[vector<16xi32>], vector<16xf32>,
      %get3A_1353 = arith.constant 1 : i32
      %get3A_1354 = arith.index_cast %get3A_1353 : i32 to index
      %get3A_1355 = arith.constant 48 : index
      %get3A_1356 = tpu.vector_load %arg9[%get3A_1354, %get3A_1355] {strides = array<i32>} : memref<8x128xi32, #tpu.memory_space<vmem>>, vector<16xi32>,
      tpu.vector_store_idx %arg15[%get3A_1356], %broadcast_in_dim3A_1270 {add = true} : memref<10112xf32, #tpu.memory_space<vmem>>[vector<16xi32>], vector<16xf32>,
      %get3A_1357 = arith.constant 1 : i32
      %get3A_1358 = arith.index_cast %get3A_1357 : i32 to index
      %get3A_1359 = arith.constant 64 : index
      %get3A_1360 = tpu.vector_load %arg9[%get3A_1358, %get3A_1359] {strides = array<i32>} : memref<8x128xi32, #tpu.memory_space<vmem>>, vector<16xi32>,
      tpu.vector_store_idx %arg15[%get3A_1360], %broadcast_in_dim3A_1270 {add = true} : memref<10112xf32, #tpu.memory_space<vmem>>[vector<16xi32>], vector<16xf32>,
      %get3A_1361 = arith.constant 1 : i32
      %get3A_1362 = arith.index_cast %get3A_1361 : i32 to index
      %get3A_1363 = arith.constant 80 : index
      %get3A_1364 = tpu.vector_load %arg9[%get3A_1362, %get3A_1363] {strides = array<i32>} : memref<8x128xi32, #tpu.memory_space<vmem>>, vector<16xi32>,
      tpu.vector_store_idx %arg15[%get3A_1364], %broadcast_in_dim3A_1270 {add = true} : memref<10112xf32, #tpu.memory_space<vmem>>[vector<16xi32>], vector<16xf32>,
      %get3A_1365 = arith.constant 1 : i32
      %get3A_1366 = arith.index_cast %get3A_1365 : i32 to index
      %get3A_1367 = arith.constant 96 : index
      %get3A_1368 = tpu.vector_load %arg9[%get3A_1366, %get3A_1367] {strides = array<i32>} : memref<8x128xi32, #tpu.memory_space<vmem>>, vector<16xi32>,
      tpu.vector_store_idx %arg15[%get3A_1368], %broadcast_in_dim3A_1270 {add = true} : memref<10112xf32, #tpu.memory_space<vmem>>[vector<16xi32>], vector<16xf32>,
      %get3A_1369 = arith.constant 1 : i32
      %get3A_1370 = arith.index_cast %get3A_1369 : i32 to index
      %get3A_1371 = arith.constant 112 : index
      %get3A_1372 = tpu.vector_load %arg9[%get3A_1370, %get3A_1371] {strides = array<i32>} : memref<8x128xi32, #tpu.memory_space<vmem>>, vector<16xi32>,
      tpu.vector_store_idx %arg15[%get3A_1372], %broadcast_in_dim3A_1270 {add = true} : memref<10112xf32, #tpu.memory_space<vmem>>[vector<16xi32>], vector<16xf32>,
      %dma_wait3A_1373 = arith.constant 1 : i32
      %dma_wait3A_1374 = arith.constant 0 : i32
      %dma_wait3A_1375 = tpu.memref_slice %arg8[%dma_wait3A_1373, %dma_wait3A_1374] : memref<8x128xi32, #tpu.memory_space<vmem>> -> memref<1x128xi32, #tpu.memory_space<vmem>>
      %dma_wait3A_1376 = tpu.memref_squeeze %dma_wait3A_1375 : memref<1x128xi32, #tpu.memory_space<vmem>> -> memref<128xi32, #tpu.memory_space<vmem>>
      %dma_wait3A_1377 = arith.constant 0 : i32
      %dma_wait3A_1378 = arith.constant 0 : i32
      %dma_wait3A_1379 = tpu.memref_slice %arg2[%dma_wait3A_1377, %dma_wait3A_1378] : memref<10000x128xf32, #tpu.memory_space<hbm>> -> memref<10000x128xf32, #tpu.memory_space<hbm>>
      tpu.wait_indirect_dma semaphore(%arg14 : memref<!tpu.dma_semaphore, #tpu.memory_space<semaphore_mem>>) src(%dma_wait3A_1379 : memref<10000x128xf32, #tpu.memory_space<hbm>>) dst(%arg11 : memref<128x128xf32, #tpu.memory_space<vmem>>)
      %run_scoped3A_1380 = arith.constant 1 : i32
      "tpu.region"() ({
        %run_scoped3A_1656 = tpu.sem_alloc : memref<!tpu.dma_semaphore, #tpu.memory_space<semaphore_mem>>
        %dma_start3A_1657 = arith.constant 0 : i32
        %dma_start3A_1658 = tpu.memref_slice %arg9[%run_scoped3A_1380, %dma_start3A_1657] : memref<8x128xi32, #tpu.memory_space<vmem>> -> memref<1x128xi32, #tpu.memory_space<vmem>>
        %dma_start3A_1659 = tpu.memref_squeeze %dma_start3A_1658 : memref<1x128xi32, #tpu.memory_space<vmem>> -> memref<128xi32, #tpu.memory_space<vmem>>
        %dma_start3A_1660 = arith.constant 0 : i32
        %dma_start3A_1661 = arith.constant 0 : i32
        %dma_start3A_1662 = tpu.memref_slice %arg12[%dma_start3A_1660, %dma_start3A_1661] : memref<10112x128xf32, #tpu.memory_space<vmem_shared>> -> memref<10112x128xf32, #tpu.memory_space<vmem_shared>>
        tpu.enqueue_indirect_dma source(%arg11 : memref<128x128xf32, #tpu.memory_space<vmem>>) target(%dma_start3A_1662 : memref<10112x128xf32, #tpu.memory_space<vmem_shared>>) offsets(%dma_start3A_1659 : memref<128xi32, #tpu.memory_space<vmem>>) semaphore(%run_scoped3A_1656 : memref<!tpu.dma_semaphore, #tpu.memory_space<semaphore_mem>>) {add = true}
        %dma_wait3A_1663 = arith.constant 0 : i32
        %dma_wait3A_1664 = tpu.memref_slice %arg9[%run_scoped3A_1380, %dma_wait3A_1663] : memref<8x128xi32, #tpu.memory_space<vmem>> -> memref<1x128xi32, #tpu.memory_space<vmem>>
        %dma_wait3A_1665 = tpu.memref_squeeze %dma_wait3A_1664 : memref<1x128xi32, #tpu.memory_space<vmem>> -> memref<128xi32, #tpu.memory_space<vmem>>
        %dma_wait3A_1666 = arith.constant 0 : i32
        %dma_wait3A_1667 = arith.constant 0 : i32
        %dma_wait3A_1668 = tpu.memref_slice %arg12[%dma_wait3A_1666, %dma_wait3A_1667] : memref<10112x128xf32, #tpu.memory_space<vmem_shared>> -> memref<10112x128xf32, #tpu.memory_space<vmem_shared>>
        tpu.wait_indirect_dma semaphore(%run_scoped3A_1656 : memref<!tpu.dma_semaphore, #tpu.memory_space<semaphore_mem>>) src(%arg11 : memref<128x128xf32, #tpu.memory_space<vmem>>) dst(%dma_wait3A_1668 : memref<10112x128xf32, #tpu.memory_space<vmem_shared>>)
        tpu.yield
      }) : () -> ()
      %dma_start3A_1381 = arith.constant 3 : i32
      %dma_start3A_1382 = arith.constant 0 : i32
      %dma_start3A_1383 = tpu.memref_slice %arg8[%dma_start3A_1381, %dma_start3A_1382] : memref<8x128xi32, #tpu.memory_space<vmem>> -> memref<1x128xi32, #tpu.memory_space<vmem>>
      %dma_start3A_1384 = tpu.memref_squeeze %dma_start3A_1383 : memref<1x128xi32, #tpu.memory_space<vmem>> -> memref<128xi32, #tpu.memory_space<vmem>>
      %dma_start3A_1385 = arith.constant 0 : i32
      %dma_start3A_1386 = arith.constant 0 : i32
      %dma_start3A_1387 = tpu.memref_slice %arg2[%dma_start3A_1385, %dma_start3A_1386] : memref<10000x128xf32, #tpu.memory_space<hbm>> -> memref<10000x128xf32, #tpu.memory_space<hbm>>
      tpu.enqueue_indirect_dma source(%dma_start3A_1387 : memref<10000x128xf32, #tpu.memory_space<hbm>>) target(%arg11 : memref<128x128xf32, #tpu.memory_space<vmem>>) offsets(%dma_start3A_1384 : memref<128xi32, #tpu.memory_space<vmem>>) semaphore(%arg14 : memref<!tpu.dma_semaphore, #tpu.memory_space<semaphore_mem>>)
      %get3A_1388 = arith.constant 2 : i32
      %get3A_1389 = arith.index_cast %get3A_1388 : i32 to index
      %get3A_1390 = arith.constant 0 : index
      %get3A_1391 = tpu.vector_load %arg9[%get3A_1389, %get3A_1390] {strides = array<i32>} : memref<8x128xi32, #tpu.memory_space<vmem>>, vector<16xi32>,
      tpu.vector_store_idx %arg15[%get3A_1391], %broadcast_in_dim3A_1270 {add = true} : memref<10112xf32, #tpu.memory_space<vmem>>[vector<16xi32>], vector<16xf32>,
      %get3A_1392 = arith.constant 2 : i32
      %get3A_1393 = arith.index_cast %get3A_1392 : i32 to index
      %get3A_1394 = arith.constant 16 : index
      %get3A_1395 = tpu.vector_load %arg9[%get3A_1393, %get3A_1394] {strides = array<i32>} : memref<8x128xi32, #tpu.memory_space<vmem>>, vector<16xi32>,
      tpu.vector_store_idx %arg15[%get3A_1395], %broadcast_in_dim3A_1270 {add = true} : memref<10112xf32, #tpu.memory_space<vmem>>[vector<16xi32>], vector<16xf32>,
      %get3A_1396 = arith.constant 2 : i32
      %get3A_1397 = arith.index_cast %get3A_1396 : i32 to index
      %get3A_1398 = arith.constant 32 : index
      %get3A_1399 = tpu.vector_load %arg9[%get3A_1397, %get3A_1398] {strides = array<i32>} : memref<8x128xi32, #tpu.memory_space<vmem>>, vector<16xi32>,
      tpu.vector_store_idx %arg15[%get3A_1399], %broadcast_in_dim3A_1270 {add = true} : memref<10112xf32, #tpu.memory_space<vmem>>[vector<16xi32>], vector<16xf32>,
      %get3A_1400 = arith.constant 2 : i32
      %get3A_1401 = arith.index_cast %get3A_1400 : i32 to index
      %get3A_1402 = arith.constant 48 : index
      %get3A_1403 = tpu.vector_load %arg9[%get3A_1401, %get3A_1402] {strides = array<i32>} : memref<8x128xi32, #tpu.memory_space<vmem>>, vector<16xi32>,
      tpu.vector_store_idx %arg15[%get3A_1403], %broadcast_in_dim3A_1270 {add = true} : memref<10112xf32, #tpu.memory_space<vmem>>[vector<16xi32>], vector<16xf32>,
      %get3A_1404 = arith.constant 2 : i32
      %get3A_1405 = arith.index_cast %get3A_1404 : i32 to index
      %get3A_1406 = arith.constant 64 : index
      %get3A_1407 = tpu.vector_load %arg9[%get3A_1405, %get3A_1406] {strides = array<i32>} : memref<8x128xi32, #tpu.memory_space<vmem>>, vector<16xi32>,
      tpu.vector_store_idx %arg15[%get3A_1407], %broadcast_in_dim3A_1270 {add = true} : memref<10112xf32, #tpu.memory_space<vmem>>[vector<16xi32>], vector<16xf32>,
      %get3A_1408 = arith.constant 2 : i32
      %get3A_1409 = arith.index_cast %get3A_1408 : i32 to index
      %get3A_1410 = arith.constant 80 : index
      %get3A_1411 = tpu.vector_load %arg9[%get3A_1409, %get3A_1410] {strides = array<i32>} : memref<8x128xi32, #tpu.memory_space<vmem>>, vector<16xi32>,
      tpu.vector_store_idx %arg15[%get3A_1411], %broadcast_in_dim3A_1270 {add = true} : memref<10112xf32, #tpu.memory_space<vmem>>[vector<16xi32>], vector<16xf32>,
      %get3A_1412 = arith.constant 2 : i32
      %get3A_1413 = arith.index_cast %get3A_1412 : i32 to index
      %get3A_1414 = arith.constant 96 : index
      %get3A_1415 = tpu.vector_load %arg9[%get3A_1413, %get3A_1414] {strides = array<i32>} : memref<8x128xi32, #tpu.memory_space<vmem>>, vector<16xi32>,
      tpu.vector_store_idx %arg15[%get3A_1415], %broadcast_in_dim3A_1270 {add = true} : memref<10112xf32, #tpu.memory_space<vmem>>[vector<16xi32>], vector<16xf32>,
      %get3A_1416 = arith.constant 2 : i32
      %get3A_1417 = arith.index_cast %get3A_1416 : i32 to index
      %get3A_1418 = arith.constant 112 : index
      %get3A_1419 = tpu.vector_load %arg9[%get3A_1417, %get3A_1418] {strides = array<i32>} : memref<8x128xi32, #tpu.memory_space<vmem>>, vector<16xi32>,
      tpu.vector_store_idx %arg15[%get3A_1419], %broadcast_in_dim3A_1270 {add = true} : memref<10112xf32, #tpu.memory_space<vmem>>[vector<16xi32>], vector<16xf32>,
      %dma_wait3A_1420 = arith.constant 2 : i32
      %dma_wait3A_1421 = arith.constant 0 : i32
      %dma_wait3A_1422 = tpu.memref_slice %arg8[%dma_wait3A_1420, %dma_wait3A_1421] : memref<8x128xi32, #tpu.memory_space<vmem>> -> memref<1x128xi32, #tpu.memory_space<vmem>>
      %dma_wait3A_1423 = tpu.memref_squeeze %dma_wait3A_1422 : memref<1x128xi32, #tpu.memory_space<vmem>> -> memref<128xi32, #tpu.memory_space<vmem>>
      %dma_wait3A_1424 = arith.constant 0 : i32
      %dma_wait3A_1425 = arith.constant 0 : i32
      %dma_wait3A_1426 = tpu.memref_slice %arg2[%dma_wait3A_1424, %dma_wait3A_1425] : memref<10000x128xf32, #tpu.memory_space<hbm>> -> memref<10000x128xf32, #tpu.memory_space<hbm>>
      tpu.wait_indirect_dma semaphore(%arg13 : memref<!tpu.dma_semaphore, #tpu.memory_space<semaphore_mem>>) src(%dma_wait3A_1426 : memref<10000x128xf32, #tpu.memory_space<hbm>>) dst(%arg10 : memref<128x128xf32, #tpu.memory_space<vmem>>)
      %run_scoped3A_1427 = arith.constant 2 : i32
      "tpu.region"() ({
        %run_scoped3A_1656 = tpu.sem_alloc : memref<!tpu.dma_semaphore, #tpu.memory_space<semaphore_mem>>
        %dma_start3A_1657 = arith.constant 0 : i32
        %dma_start3A_1658 = tpu.memref_slice %arg9[%run_scoped3A_1427, %dma_start3A_1657] : memref<8x128xi32, #tpu.memory_space<vmem>> -> memref<1x128xi32, #tpu.memory_space<vmem>>
        %dma_start3A_1659 = tpu.memref_squeeze %dma_start3A_1658 : memref<1x128xi32, #tpu.memory_space<vmem>> -> memref<128xi32, #tpu.memory_space<vmem>>
        %dma_start3A_1660 = arith.constant 0 : i32
        %dma_start3A_1661 = arith.constant 0 : i32
        %dma_start3A_1662 = tpu.memref_slice %arg12[%dma_start3A_1660, %dma_start3A_1661] : memref<10112x128xf32, #tpu.memory_space<vmem_shared>> -> memref<10112x128xf32, #tpu.memory_space<vmem_shared>>
        tpu.enqueue_indirect_dma source(%arg10 : memref<128x128xf32, #tpu.memory_space<vmem>>) target(%dma_start3A_1662 : memref<10112x128xf32, #tpu.memory_space<vmem_shared>>) offsets(%dma_start3A_1659 : memref<128xi32, #tpu.memory_space<vmem>>) semaphore(%run_scoped3A_1656 : memref<!tpu.dma_semaphore, #tpu.memory_space<semaphore_mem>>) {add = true}
        %dma_wait3A_1663 = arith.constant 0 : i32
        %dma_wait3A_1664 = tpu.memref_slice %arg9[%run_scoped3A_1427, %dma_wait3A_1663] : memref<8x128xi32, #tpu.memory_space<vmem>> -> memref<1x128xi32, #tpu.memory_space<vmem>>
        %dma_wait3A_1665 = tpu.memref_squeeze %dma_wait3A_1664 : memref<1x128xi32, #tpu.memory_space<vmem>> -> memref<128xi32, #tpu.memory_space<vmem>>
        %dma_wait3A_1666 = arith.constant 0 : i32
        %dma_wait3A_1667 = arith.constant 0 : i32
        %dma_wait3A_1668 = tpu.memref_slice %arg12[%dma_wait3A_1666, %dma_wait3A_1667] : memref<10112x128xf32, #tpu.memory_space<vmem_shared>> -> memref<10112x128xf32, #tpu.memory_space<vmem_shared>>
        tpu.wait_indirect_dma semaphore(%run_scoped3A_1656 : memref<!tpu.dma_semaphore, #tpu.memory_space<semaphore_mem>>) src(%arg10 : memref<128x128xf32, #tpu.memory_space<vmem>>) dst(%dma_wait3A_1668 : memref<10112x128xf32, #tpu.memory_space<vmem_shared>>)
        tpu.yield
      }) : () -> ()
      %dma_start3A_1428 = arith.constant 4 : i32
      %dma_start3A_1429 = arith.constant 0 : i32
      %dma_start3A_1430 = tpu.memref_slice %arg8[%dma_start3A_1428, %dma_start3A_1429] : memref<8x128xi32, #tpu.memory_space<vmem>> -> memref<1x128xi32, #tpu.memory_space<vmem>>
      %dma_start3A_1431 = tpu.memref_squeeze %dma_start3A_1430 : memref<1x128xi32, #tpu.memory_space<vmem>> -> memref<128xi32, #tpu.memory_space<vmem>>
      %dma_start3A_1432 = arith.constant 0 : i32
      %dma_start3A_1433 = arith.constant 0 : i32
      %dma_start3A_1434 = tpu.memref_slice %arg2[%dma_start3A_1432, %dma_start3A_1433] : memref<10000x128xf32, #tpu.memory_space<hbm>> -> memref<10000x128xf32, #tpu.memory_space<hbm>>
      tpu.enqueue_indirect_dma source(%dma_start3A_1434 : memref<10000x128xf32, #tpu.memory_space<hbm>>) target(%arg10 : memref<128x128xf32, #tpu.memory_space<vmem>>) offsets(%dma_start3A_1431 : memref<128xi32, #tpu.memory_space<vmem>>) semaphore(%arg13 : memref<!tpu.dma_semaphore, #tpu.memory_space<semaphore_mem>>)
      %get3A_1435 = arith.constant 3 : i32
      %get3A_1436 = arith.index_cast %get3A_1435 : i32 to index
      %get3A_1437 = arith.constant 0 : index
      %get3A_1438 = tpu.vector_load %arg9[%get3A_1436, %get3A_1437] {strides = array<i32>} : memref<8x128xi32, #tpu.memory_space<vmem>>, vector<16xi32>,
      tpu.vector_store_idx %arg15[%get3A_1438], %broadcast_in_dim3A_1270 {add = true} : memref<10112xf32, #tpu.memory_space<vmem>>[vector<16xi32>], vector<16xf32>,
      %get3A_1439 = arith.constant 3 : i32
      %get3A_1440 = arith.index_cast %get3A_1439 : i32 to index
      %get3A_1441 = arith.constant 16 : index
      %get3A_1442 = tpu.vector_load %arg9[%get3A_1440, %get3A_1441] {strides = array<i32>} : memref<8x128xi32, #tpu.memory_space<vmem>>, vector<16xi32>,
      tpu.vector_store_idx %arg15[%get3A_1442], %broadcast_in_dim3A_1270 {add = true} : memref<10112xf32, #tpu.memory_space<vmem>>[vector<16xi32>], vector<16xf32>,
      %get3A_1443 = arith.constant 3 : i32
      %get3A_1444 = arith.index_cast %get3A_1443 : i32 to index
      %get3A_1445 = arith.constant 32 : index
      %get3A_1446 = tpu.vector_load %arg9[%get3A_1444, %get3A_1445] {strides = array<i32>} : memref<8x128xi32, #tpu.memory_space<vmem>>, vector<16xi32>,
      tpu.vector_store_idx %arg15[%get3A_1446], %broadcast_in_dim3A_1270 {add = true} : memref<10112xf32, #tpu.memory_space<vmem>>[vector<16xi32>], vector<16xf32>,
      %get3A_1447 = arith.constant 3 : i32
      %get3A_1448 = arith.index_cast %get3A_1447 : i32 to index
      %get3A_1449 = arith.constant 48 : index
      %get3A_1450 = tpu.vector_load %arg9[%get3A_1448, %get3A_1449] {strides = array<i32>} : memref<8x128xi32, #tpu.memory_space<vmem>>, vector<16xi32>,
      tpu.vector_store_idx %arg15[%get3A_1450], %broadcast_in_dim3A_1270 {add = true} : memref<10112xf32, #tpu.memory_space<vmem>>[vector<16xi32>], vector<16xf32>,
      %get3A_1451 = arith.constant 3 : i32
      %get3A_1452 = arith.index_cast %get3A_1451 : i32 to index
      %get3A_1453 = arith.constant 64 : index
      %get3A_1454 = tpu.vector_load %arg9[%get3A_1452, %get3A_1453] {strides = array<i32>} : memref<8x128xi32, #tpu.memory_space<vmem>>, vector<16xi32>,
      tpu.vector_store_idx %arg15[%get3A_1454], %broadcast_in_dim3A_1270 {add = true} : memref<10112xf32, #tpu.memory_space<vmem>>[vector<16xi32>], vector<16xf32>,
      %get3A_1455 = arith.constant 3 : i32
      %get3A_1456 = arith.index_cast %get3A_1455 : i32 to index
      %get3A_1457 = arith.constant 80 : index
      %get3A_1458 = tpu.vector_load %arg9[%get3A_1456, %get3A_1457] {strides = array<i32>} : memref<8x128xi32, #tpu.memory_space<vmem>>, vector<16xi32>,
      tpu.vector_store_idx %arg15[%get3A_1458], %broadcast_in_dim3A_1270 {add = true} : memref<10112xf32, #tpu.memory_space<vmem>>[vector<16xi32>], vector<16xf32>,
      %get3A_1459 = arith.constant 3 : i32
      %get3A_1460 = arith.index_cast %get3A_1459 : i32 to index
      %get3A_1461 = arith.constant 96 : index
      %get3A_1462 = tpu.vector_load %arg9[%get3A_1460, %get3A_1461] {strides = array<i32>} : memref<8x128xi32, #tpu.memory_space<vmem>>, vector<16xi32>,
      tpu.vector_store_idx %arg15[%get3A_1462], %broadcast_in_dim3A_1270 {add = true} : memref<10112xf32, #tpu.memory_space<vmem>>[vector<16xi32>], vector<16xf32>,
      %get3A_1463 = arith.constant 3 : i32
      %get3A_1464 = arith.index_cast %get3A_1463 : i32 to index
      %get3A_1465 = arith.constant 112 : index
      %get3A_1466 = tpu.vector_load %arg9[%get3A_1464, %get3A_1465] {strides = array<i32>} : memref<8x128xi32, #tpu.memory_space<vmem>>, vector<16xi32>,
      tpu.vector_store_idx %arg15[%get3A_1466], %broadcast_in_dim3A_1270 {add = true} : memref<10112xf32, #tpu.memory_space<vmem>>[vector<16xi32>], vector<16xf32>,
      %dma_wait3A_1467 = arith.constant 3 : i32
      %dma_wait3A_1468 = arith.constant 0 : i32
      %dma_wait3A_1469 = tpu.memref_slice %arg8[%dma_wait3A_1467, %dma_wait3A_1468] : memref<8x128xi32, #tpu.memory_space<vmem>> -> memref<1x128xi32, #tpu.memory_space<vmem>>
      %dma_wait3A_1470 = tpu.memref_squeeze %dma_wait3A_1469 : memref<1x128xi32, #tpu.memory_space<vmem>> -> memref<128xi32, #tpu.memory_space<vmem>>
      %dma_wait3A_1471 = arith.constant 0 : i32
      %dma_wait3A_1472 = arith.constant 0 : i32
      %dma_wait3A_1473 = tpu.memref_slice %arg2[%dma_wait3A_1471, %dma_wait3A_1472] : memref<10000x128xf32, #tpu.memory_space<hbm>> -> memref<10000x128xf32, #tpu.memory_space<hbm>>
      tpu.wait_indirect_dma semaphore(%arg14 : memref<!tpu.dma_semaphore, #tpu.memory_space<semaphore_mem>>) src(%dma_wait3A_1473 : memref<10000x128xf32, #tpu.memory_space<hbm>>) dst(%arg11 : memref<128x128xf32, #tpu.memory_space<vmem>>)
      %run_scoped3A_1474 = arith.constant 3 : i32
      "tpu.region"() ({
        %run_scoped3A_1656 = tpu.sem_alloc : memref<!tpu.dma_semaphore, #tpu.memory_space<semaphore_mem>>
        %dma_start3A_1657 = arith.constant 0 : i32
        %dma_start3A_1658 = tpu.memref_slice %arg9[%run_scoped3A_1474, %dma_start3A_1657] : memref<8x128xi32, #tpu.memory_space<vmem>> -> memref<1x128xi32, #tpu.memory_space<vmem>>
        %dma_start3A_1659 = tpu.memref_squeeze %dma_start3A_1658 : memref<1x128xi32, #tpu.memory_space<vmem>> -> memref<128xi32, #tpu.memory_space<vmem>>
        %dma_start3A_1660 = arith.constant 0 : i32
        %dma_start3A_1661 = arith.constant 0 : i32
        %dma_start3A_1662 = tpu.memref_slice %arg12[%dma_start3A_1660, %dma_start3A_1661] : memref<10112x128xf32, #tpu.memory_space<vmem_shared>> -> memref<10112x128xf32, #tpu.memory_space<vmem_shared>>
        tpu.enqueue_indirect_dma source(%arg11 : memref<128x128xf32, #tpu.memory_space<vmem>>) target(%dma_start3A_1662 : memref<10112x128xf32, #tpu.memory_space<vmem_shared>>) offsets(%dma_start3A_1659 : memref<128xi32, #tpu.memory_space<vmem>>) semaphore(%run_scoped3A_1656 : memref<!tpu.dma_semaphore, #tpu.memory_space<semaphore_mem>>) {add = true}
        %dma_wait3A_1663 = arith.constant 0 : i32
        %dma_wait3A_1664 = tpu.memref_slice %arg9[%run_scoped3A_1474, %dma_wait3A_1663] : memref<8x128xi32, #tpu.memory_space<vmem>> -> memref<1x128xi32, #tpu.memory_space<vmem>>
        %dma_wait3A_1665 = tpu.memref_squeeze %dma_wait3A_1664 : memref<1x128xi32, #tpu.memory_space<vmem>> -> memref<128xi32, #tpu.memory_space<vmem>>
        %dma_wait3A_1666 = arith.constant 0 : i32
        %dma_wait3A_1667 = arith.constant 0 : i32
        %dma_wait3A_1668 = tpu.memref_slice %arg12[%dma_wait3A_1666, %dma_wait3A_1667] : memref<10112x128xf32, #tpu.memory_space<vmem_shared>> -> memref<10112x128xf32, #tpu.memory_space<vmem_shared>>
        tpu.wait_indirect_dma semaphore(%run_scoped3A_1656 : memref<!tpu.dma_semaphore, #tpu.memory_space<semaphore_mem>>) src(%arg11 : memref<128x128xf32, #tpu.memory_space<vmem>>) dst(%dma_wait3A_1668 : memref<10112x128xf32, #tpu.memory_space<vmem_shared>>)
        tpu.yield
      }) : () -> ()
      %dma_start3A_1475 = arith.constant 5 : i32
      %dma_start3A_1476 = arith.constant 0 : i32
      %dma_start3A_1477 = tpu.memref_slice %arg8[%dma_start3A_1475, %dma_start3A_1476] : memref<8x128xi32, #tpu.memory_space<vmem>> -> memref<1x128xi32, #tpu.memory_space<vmem>>
      %dma_start3A_1478 = tpu.memref_squeeze %dma_start3A_1477 : memref<1x128xi32, #tpu.memory_space<vmem>> -> memref<128xi32, #tpu.memory_space<vmem>>
      %dma_start3A_1479 = arith.constant 0 : i32
      %dma_start3A_1480 = arith.constant 0 : i32
      %dma_start3A_1481 = tpu.memref_slice %arg2[%dma_start3A_1479, %dma_start3A_1480] : memref<10000x128xf32, #tpu.memory_space<hbm>> -> memref<10000x128xf32, #tpu.memory_space<hbm>>
      tpu.enqueue_indirect_dma source(%dma_start3A_1481 : memref<10000x128xf32, #tpu.memory_space<hbm>>) target(%arg11 : memref<128x128xf32, #tpu.memory_space<vmem>>) offsets(%dma_start3A_1478 : memref<128xi32, #tpu.memory_space<vmem>>) semaphore(%arg14 : memref<!tpu.dma_semaphore, #tpu.memory_space<semaphore_mem>>)
      %get3A_1482 = arith.constant 4 : i32
      %get3A_1483 = arith.index_cast %get3A_1482 : i32 to index
      %get3A_1484 = arith.constant 0 : index
      %get3A_1485 = tpu.vector_load %arg9[%get3A_1483, %get3A_1484] {strides = array<i32>} : memref<8x128xi32, #tpu.memory_space<vmem>>, vector<16xi32>,
      tpu.vector_store_idx %arg15[%get3A_1485], %broadcast_in_dim3A_1270 {add = true} : memref<10112xf32, #tpu.memory_space<vmem>>[vector<16xi32>], vector<16xf32>,
      %get3A_1486 = arith.constant 4 : i32
      %get3A_1487 = arith.index_cast %get3A_1486 : i32 to index
      %get3A_1488 = arith.constant 16 : index
      %get3A_1489 = tpu.vector_load %arg9[%get3A_1487, %get3A_1488] {strides = array<i32>} : memref<8x128xi32, #tpu.memory_space<vmem>>, vector<16xi32>,
      tpu.vector_store_idx %arg15[%get3A_1489], %broadcast_in_dim3A_1270 {add = true} : memref<10112xf32, #tpu.memory_space<vmem>>[vector<16xi32>], vector<16xf32>,
      %get3A_1490 = arith.constant 4 : i32
      %get3A_1491 = arith.index_cast %get3A_1490 : i32 to index
      %get3A_1492 = arith.constant 32 : index
      %get3A_1493 = tpu.vector_load %arg9[%get3A_1491, %get3A_1492] {strides = array<i32>} : memref<8x128xi32, #tpu.memory_space<vmem>>, vector<16xi32>,
      tpu.vector_store_idx %arg15[%get3A_1493], %broadcast_in_dim3A_1270 {add = true} : memref<10112xf32, #tpu.memory_space<vmem>>[vector<16xi32>], vector<16xf32>,
      %get3A_1494 = arith.constant 4 : i32
      %get3A_1495 = arith.index_cast %get3A_1494 : i32 to index
      %get3A_1496 = arith.constant 48 : index
      %get3A_1497 = tpu.vector_load %arg9[%get3A_1495, %get3A_1496] {strides = array<i32>} : memref<8x128xi32, #tpu.memory_space<vmem>>, vector<16xi32>,
      tpu.vector_store_idx %arg15[%get3A_1497], %broadcast_in_dim3A_1270 {add = true} : memref<10112xf32, #tpu.memory_space<vmem>>[vector<16xi32>], vector<16xf32>,
      %get3A_1498 = arith.constant 4 : i32
      %get3A_1499 = arith.index_cast %get3A_1498 : i32 to index
      %get3A_1500 = arith.constant 64 : index
      %get3A_1501 = tpu.vector_load %arg9[%get3A_1499, %get3A_1500] {strides = array<i32>} : memref<8x128xi32, #tpu.memory_space<vmem>>, vector<16xi32>,
      tpu.vector_store_idx %arg15[%get3A_1501], %broadcast_in_dim3A_1270 {add = true} : memref<10112xf32, #tpu.memory_space<vmem>>[vector<16xi32>], vector<16xf32>,
      %get3A_1502 = arith.constant 4 : i32
      %get3A_1503 = arith.index_cast %get3A_1502 : i32 to index
      %get3A_1504 = arith.constant 80 : index
      %get3A_1505 = tpu.vector_load %arg9[%get3A_1503, %get3A_1504] {strides = array<i32>} : memref<8x128xi32, #tpu.memory_space<vmem>>, vector<16xi32>,
      tpu.vector_store_idx %arg15[%get3A_1505], %broadcast_in_dim3A_1270 {add = true} : memref<10112xf32, #tpu.memory_space<vmem>>[vector<16xi32>], vector<16xf32>,
      %get3A_1506 = arith.constant 4 : i32
      %get3A_1507 = arith.index_cast %get3A_1506 : i32 to index
      %get3A_1508 = arith.constant 96 : index
      %get3A_1509 = tpu.vector_load %arg9[%get3A_1507, %get3A_1508] {strides = array<i32>} : memref<8x128xi32, #tpu.memory_space<vmem>>, vector<16xi32>,
      tpu.vector_store_idx %arg15[%get3A_1509], %broadcast_in_dim3A_1270 {add = true} : memref<10112xf32, #tpu.memory_space<vmem>>[vector<16xi32>], vector<16xf32>,
      %get3A_1510 = arith.constant 4 : i32
      %get3A_1511 = arith.index_cast %get3A_1510 : i32 to index
      %get3A_1512 = arith.constant 112 : index
      %get3A_1513 = tpu.vector_load %arg9[%get3A_1511, %get3A_1512] {strides = array<i32>} : memref<8x128xi32, #tpu.memory_space<vmem>>, vector<16xi32>,
      tpu.vector_store_idx %arg15[%get3A_1513], %broadcast_in_dim3A_1270 {add = true} : memref<10112xf32, #tpu.memory_space<vmem>>[vector<16xi32>], vector<16xf32>,
      %dma_wait3A_1514 = arith.constant 4 : i32
      %dma_wait3A_1515 = arith.constant 0 : i32
      %dma_wait3A_1516 = tpu.memref_slice %arg8[%dma_wait3A_1514, %dma_wait3A_1515] : memref<8x128xi32, #tpu.memory_space<vmem>> -> memref<1x128xi32, #tpu.memory_space<vmem>>
      %dma_wait3A_1517 = tpu.memref_squeeze %dma_wait3A_1516 : memref<1x128xi32, #tpu.memory_space<vmem>> -> memref<128xi32, #tpu.memory_space<vmem>>
      %dma_wait3A_1518 = arith.constant 0 : i32
      %dma_wait3A_1519 = arith.constant 0 : i32
      %dma_wait3A_1520 = tpu.memref_slice %arg2[%dma_wait3A_1518, %dma_wait3A_1519] : memref<10000x128xf32, #tpu.memory_space<hbm>> -> memref<10000x128xf32, #tpu.memory_space<hbm>>
      tpu.wait_indirect_dma semaphore(%arg13 : memref<!tpu.dma_semaphore, #tpu.memory_space<semaphore_mem>>) src(%dma_wait3A_1520 : memref<10000x128xf32, #tpu.memory_space<hbm>>) dst(%arg10 : memref<128x128xf32, #tpu.memory_space<vmem>>)
      %run_scoped3A_1521 = arith.constant 4 : i32
      "tpu.region"() ({
        %run_scoped3A_1656 = tpu.sem_alloc : memref<!tpu.dma_semaphore, #tpu.memory_space<semaphore_mem>>
        %dma_start3A_1657 = arith.constant 0 : i32
        %dma_start3A_1658 = tpu.memref_slice %arg9[%run_scoped3A_1521, %dma_start3A_1657] : memref<8x128xi32, #tpu.memory_space<vmem>> -> memref<1x128xi32, #tpu.memory_space<vmem>>
        %dma_start3A_1659 = tpu.memref_squeeze %dma_start3A_1658 : memref<1x128xi32, #tpu.memory_space<vmem>> -> memref<128xi32, #tpu.memory_space<vmem>>
        %dma_start3A_1660 = arith.constant 0 : i32
        %dma_start3A_1661 = arith.constant 0 : i32
        %dma_start3A_1662 = tpu.memref_slice %arg12[%dma_start3A_1660, %dma_start3A_1661] : memref<10112x128xf32, #tpu.memory_space<vmem_shared>> -> memref<10112x128xf32, #tpu.memory_space<vmem_shared>>
        tpu.enqueue_indirect_dma source(%arg10 : memref<128x128xf32, #tpu.memory_space<vmem>>) target(%dma_start3A_1662 : memref<10112x128xf32, #tpu.memory_space<vmem_shared>>) offsets(%dma_start3A_1659 : memref<128xi32, #tpu.memory_space<vmem>>) semaphore(%run_scoped3A_1656 : memref<!tpu.dma_semaphore, #tpu.memory_space<semaphore_mem>>) {add = true}
        %dma_wait3A_1663 = arith.constant 0 : i32
        %dma_wait3A_1664 = tpu.memref_slice %arg9[%run_scoped3A_1521, %dma_wait3A_1663] : memref<8x128xi32, #tpu.memory_space<vmem>> -> memref<1x128xi32, #tpu.memory_space<vmem>>
        %dma_wait3A_1665 = tpu.memref_squeeze %dma_wait3A_1664 : memref<1x128xi32, #tpu.memory_space<vmem>> -> memref<128xi32, #tpu.memory_space<vmem>>
        %dma_wait3A_1666 = arith.constant 0 : i32
        %dma_wait3A_1667 = arith.constant 0 : i32
        %dma_wait3A_1668 = tpu.memref_slice %arg12[%dma_wait3A_1666, %dma_wait3A_1667] : memref<10112x128xf32, #tpu.memory_space<vmem_shared>> -> memref<10112x128xf32, #tpu.memory_space<vmem_shared>>
        tpu.wait_indirect_dma semaphore(%run_scoped3A_1656 : memref<!tpu.dma_semaphore, #tpu.memory_space<semaphore_mem>>) src(%arg10 : memref<128x128xf32, #tpu.memory_space<vmem>>) dst(%dma_wait3A_1668 : memref<10112x128xf32, #tpu.memory_space<vmem_shared>>)
        tpu.yield
      }) : () -> ()
      %dma_start3A_1522 = arith.constant 6 : i32
      %dma_start3A_1523 = arith.constant 0 : i32
      %dma_start3A_1524 = tpu.memref_slice %arg8[%dma_start3A_1522, %dma_start3A_1523] : memref<8x128xi32, #tpu.memory_space<vmem>> -> memref<1x128xi32, #tpu.memory_space<vmem>>
      %dma_start3A_1525 = tpu.memref_squeeze %dma_start3A_1524 : memref<1x128xi32, #tpu.memory_space<vmem>> -> memref<128xi32, #tpu.memory_space<vmem>>
      %dma_start3A_1526 = arith.constant 0 : i32
      %dma_start3A_1527 = arith.constant 0 : i32
      %dma_start3A_1528 = tpu.memref_slice %arg2[%dma_start3A_1526, %dma_start3A_1527] : memref<10000x128xf32, #tpu.memory_space<hbm>> -> memref<10000x128xf32, #tpu.memory_space<hbm>>
      tpu.enqueue_indirect_dma source(%dma_start3A_1528 : memref<10000x128xf32, #tpu.memory_space<hbm>>) target(%arg10 : memref<128x128xf32, #tpu.memory_space<vmem>>) offsets(%dma_start3A_1525 : memref<128xi32, #tpu.memory_space<vmem>>) semaphore(%arg13 : memref<!tpu.dma_semaphore, #tpu.memory_space<semaphore_mem>>)
      %get3A_1529 = arith.constant 5 : i32
      %get3A_1530 = arith.index_cast %get3A_1529 : i32 to index
      %get3A_1531 = arith.constant 0 : index
      %get3A_1532 = tpu.vector_load %arg9[%get3A_1530, %get3A_1531] {strides = array<i32>} : memref<8x128xi32, #tpu.memory_space<vmem>>, vector<16xi32>,
      tpu.vector_store_idx %arg15[%get3A_1532], %broadcast_in_dim3A_1270 {add = true} : memref<10112xf32, #tpu.memory_space<vmem>>[vector<16xi32>], vector<16xf32>,
      %get3A_1533 = arith.constant 5 : i32
      %get3A_1534 = arith.index_cast %get3A_1533 : i32 to index
      %get3A_1535 = arith.constant 16 : index
      %get3A_1536 = tpu.vector_load %arg9[%get3A_1534, %get3A_1535] {strides = array<i32>} : memref<8x128xi32, #tpu.memory_space<vmem>>, vector<16xi32>,
      tpu.vector_store_idx %arg15[%get3A_1536], %broadcast_in_dim3A_1270 {add = true} : memref<10112xf32, #tpu.memory_space<vmem>>[vector<16xi32>], vector<16xf32>,
      %get3A_1537 = arith.constant 5 : i32
      %get3A_1538 = arith.index_cast %get3A_1537 : i32 to index
      %get3A_1539 = arith.constant 32 : index
      %get3A_1540 = tpu.vector_load %arg9[%get3A_1538, %get3A_1539] {strides = array<i32>} : memref<8x128xi32, #tpu.memory_space<vmem>>, vector<16xi32>,
      tpu.vector_store_idx %arg15[%get3A_1540], %broadcast_in_dim3A_1270 {add = true} : memref<10112xf32, #tpu.memory_space<vmem>>[vector<16xi32>], vector<16xf32>,
      %get3A_1541 = arith.constant 5 : i32
      %get3A_1542 = arith.index_cast %get3A_1541 : i32 to index
      %get3A_1543 = arith.constant 48 : index
      %get3A_1544 = tpu.vector_load %arg9[%get3A_1542, %get3A_1543] {strides = array<i32>} : memref<8x128xi32, #tpu.memory_space<vmem>>, vector<16xi32>,
      tpu.vector_store_idx %arg15[%get3A_1544], %broadcast_in_dim3A_1270 {add = true} : memref<10112xf32, #tpu.memory_space<vmem>>[vector<16xi32>], vector<16xf32>,
      %get3A_1545 = arith.constant 5 : i32
      %get3A_1546 = arith.index_cast %get3A_1545 : i32 to index
      %get3A_1547 = arith.constant 64 : index
      %get3A_1548 = tpu.vector_load %arg9[%get3A_1546, %get3A_1547] {strides = array<i32>} : memref<8x128xi32, #tpu.memory_space<vmem>>, vector<16xi32>,
      tpu.vector_store_idx %arg15[%get3A_1548], %broadcast_in_dim3A_1270 {add = true} : memref<10112xf32, #tpu.memory_space<vmem>>[vector<16xi32>], vector<16xf32>,
      %get3A_1549 = arith.constant 5 : i32
      %get3A_1550 = arith.index_cast %get3A_1549 : i32 to index
      %get3A_1551 = arith.constant 80 : index
      %get3A_1552 = tpu.vector_load %arg9[%get3A_1550, %get3A_1551] {strides = array<i32>} : memref<8x128xi32, #tpu.memory_space<vmem>>, vector<16xi32>,
      tpu.vector_store_idx %arg15[%get3A_1552], %broadcast_in_dim3A_1270 {add = true} : memref<10112xf32, #tpu.memory_space<vmem>>[vector<16xi32>], vector<16xf32>,
      %get3A_1553 = arith.constant 5 : i32
      %get3A_1554 = arith.index_cast %get3A_1553 : i32 to index
      %get3A_1555 = arith.constant 96 : index
      %get3A_1556 = tpu.vector_load %arg9[%get3A_1554, %get3A_1555] {strides = array<i32>} : memref<8x128xi32, #tpu.memory_space<vmem>>, vector<16xi32>,
      tpu.vector_store_idx %arg15[%get3A_1556], %broadcast_in_dim3A_1270 {add = true} : memref<10112xf32, #tpu.memory_space<vmem>>[vector<16xi32>], vector<16xf32>,
      %get3A_1557 = arith.constant 5 : i32
      %get3A_1558 = arith.index_cast %get3A_1557 : i32 to index
      %get3A_1559 = arith.constant 112 : index
      %get3A_1560 = tpu.vector_load %arg9[%get3A_1558, %get3A_1559] {strides = array<i32>} : memref<8x128xi32, #tpu.memory_space<vmem>>, vector<16xi32>,
      tpu.vector_store_idx %arg15[%get3A_1560], %broadcast_in_dim3A_1270 {add = true} : memref<10112xf32, #tpu.memory_space<vmem>>[vector<16xi32>], vector<16xf32>,
      %dma_wait3A_1561 = arith.constant 5 : i32
      %dma_wait3A_1562 = arith.constant 0 : i32
      %dma_wait3A_1563 = tpu.memref_slice %arg8[%dma_wait3A_1561, %dma_wait3A_1562] : memref<8x128xi32, #tpu.memory_space<vmem>> -> memref<1x128xi32, #tpu.memory_space<vmem>>
      %dma_wait3A_1564 = tpu.memref_squeeze %dma_wait3A_1563 : memref<1x128xi32, #tpu.memory_space<vmem>> -> memref<128xi32, #tpu.memory_space<vmem>>
      %dma_wait3A_1565 = arith.constant 0 : i32
      %dma_wait3A_1566 = arith.constant 0 : i32
      %dma_wait3A_1567 = tpu.memref_slice %arg2[%dma_wait3A_1565, %dma_wait3A_1566] : memref<10000x128xf32, #tpu.memory_space<hbm>> -> memref<10000x128xf32, #tpu.memory_space<hbm>>
      tpu.wait_indirect_dma semaphore(%arg14 : memref<!tpu.dma_semaphore, #tpu.memory_space<semaphore_mem>>) src(%dma_wait3A_1567 : memref<10000x128xf32, #tpu.memory_space<hbm>>) dst(%arg11 : memref<128x128xf32, #tpu.memory_space<vmem>>)
      %run_scoped3A_1568 = arith.constant 5 : i32
      "tpu.region"() ({
        %run_scoped3A_1656 = tpu.sem_alloc : memref<!tpu.dma_semaphore, #tpu.memory_space<semaphore_mem>>
        %dma_start3A_1657 = arith.constant 0 : i32
        %dma_start3A_1658 = tpu.memref_slice %arg9[%run_scoped3A_1568, %dma_start3A_1657] : memref<8x128xi32, #tpu.memory_space<vmem>> -> memref<1x128xi32, #tpu.memory_space<vmem>>
        %dma_start3A_1659 = tpu.memref_squeeze %dma_start3A_1658 : memref<1x128xi32, #tpu.memory_space<vmem>> -> memref<128xi32, #tpu.memory_space<vmem>>
        %dma_start3A_1660 = arith.constant 0 : i32
        %dma_start3A_1661 = arith.constant 0 : i32
        %dma_start3A_1662 = tpu.memref_slice %arg12[%dma_start3A_1660, %dma_start3A_1661] : memref<10112x128xf32, #tpu.memory_space<vmem_shared>> -> memref<10112x128xf32, #tpu.memory_space<vmem_shared>>
        tpu.enqueue_indirect_dma source(%arg11 : memref<128x128xf32, #tpu.memory_space<vmem>>) target(%dma_start3A_1662 : memref<10112x128xf32, #tpu.memory_space<vmem_shared>>) offsets(%dma_start3A_1659 : memref<128xi32, #tpu.memory_space<vmem>>) semaphore(%run_scoped3A_1656 : memref<!tpu.dma_semaphore, #tpu.memory_space<semaphore_mem>>) {add = true}
        %dma_wait3A_1663 = arith.constant 0 : i32
        %dma_wait3A_1664 = tpu.memref_slice %arg9[%run_scoped3A_1568, %dma_wait3A_1663] : memref<8x128xi32, #tpu.memory_space<vmem>> -> memref<1x128xi32, #tpu.memory_space<vmem>>
        %dma_wait3A_1665 = tpu.memref_squeeze %dma_wait3A_1664 : memref<1x128xi32, #tpu.memory_space<vmem>> -> memref<128xi32, #tpu.memory_space<vmem>>
        %dma_wait3A_1666 = arith.constant 0 : i32
        %dma_wait3A_1667 = arith.constant 0 : i32
        %dma_wait3A_1668 = tpu.memref_slice %arg12[%dma_wait3A_1666, %dma_wait3A_1667] : memref<10112x128xf32, #tpu.memory_space<vmem_shared>> -> memref<10112x128xf32, #tpu.memory_space<vmem_shared>>
        tpu.wait_indirect_dma semaphore(%run_scoped3A_1656 : memref<!tpu.dma_semaphore, #tpu.memory_space<semaphore_mem>>) src(%arg11 : memref<128x128xf32, #tpu.memory_space<vmem>>) dst(%dma_wait3A_1668 : memref<10112x128xf32, #tpu.memory_space<vmem_shared>>)
        tpu.yield
      }) : () -> ()
      %dma_start3A_1569 = arith.constant 7 : i32
      %dma_start3A_1570 = arith.constant 0 : i32
      %dma_start3A_1571 = tpu.memref_slice %arg8[%dma_start3A_1569, %dma_start3A_1570] : memref<8x128xi32, #tpu.memory_space<vmem>> -> memref<1x128xi32, #tpu.memory_space<vmem>>
      %dma_start3A_1572 = tpu.memref_squeeze %dma_start3A_1571 : memref<1x128xi32, #tpu.memory_space<vmem>> -> memref<128xi32, #tpu.memory_space<vmem>>
      %dma_start3A_1573 = arith.constant 0 : i32
      %dma_start3A_1574 = arith.constant 0 : i32
      %dma_start3A_1575 = tpu.memref_slice %arg2[%dma_start3A_1573, %dma_start3A_1574] : memref<10000x128xf32, #tpu.memory_space<hbm>> -> memref<10000x128xf32, #tpu.memory_space<hbm>>
      tpu.enqueue_indirect_dma source(%dma_start3A_1575 : memref<10000x128xf32, #tpu.memory_space<hbm>>) target(%arg11 : memref<128x128xf32, #tpu.memory_space<vmem>>) offsets(%dma_start3A_1572 : memref<128xi32, #tpu.memory_space<vmem>>) semaphore(%arg14 : memref<!tpu.dma_semaphore, #tpu.memory_space<semaphore_mem>>)
      %get3A_1576 = arith.constant 6 : i32
      %get3A_1577 = arith.index_cast %get3A_1576 : i32 to index
      %get3A_1578 = arith.constant 0 : index
      %get3A_1579 = tpu.vector_load %arg9[%get3A_1577, %get3A_1578] {strides = array<i32>} : memref<8x128xi32, #tpu.memory_space<vmem>>, vector<16xi32>,
      tpu.vector_store_idx %arg15[%get3A_1579], %broadcast_in_dim3A_1270 {add = true} : memref<10112xf32, #tpu.memory_space<vmem>>[vector<16xi32>], vector<16xf32>,
      %get3A_1580 = arith.constant 6 : i32
      %get3A_1581 = arith.index_cast %get3A_1580 : i32 to index
      %get3A_1582 = arith.constant 16 : index
      %get3A_1583 = tpu.vector_load %arg9[%get3A_1581, %get3A_1582] {strides = array<i32>} : memref<8x128xi32, #tpu.memory_space<vmem>>, vector<16xi32>,
      tpu.vector_store_idx %arg15[%get3A_1583], %broadcast_in_dim3A_1270 {add = true} : memref<10112xf32, #tpu.memory_space<vmem>>[vector<16xi32>], vector<16xf32>,
      %get3A_1584 = arith.constant 6 : i32
      %get3A_1585 = arith.index_cast %get3A_1584 : i32 to index
      %get3A_1586 = arith.constant 32 : index
      %get3A_1587 = tpu.vector_load %arg9[%get3A_1585, %get3A_1586] {strides = array<i32>} : memref<8x128xi32, #tpu.memory_space<vmem>>, vector<16xi32>,
      tpu.vector_store_idx %arg15[%get3A_1587], %broadcast_in_dim3A_1270 {add = true} : memref<10112xf32, #tpu.memory_space<vmem>>[vector<16xi32>], vector<16xf32>,
      %get3A_1588 = arith.constant 6 : i32
      %get3A_1589 = arith.index_cast %get3A_1588 : i32 to index
      %get3A_1590 = arith.constant 48 : index
      %get3A_1591 = tpu.vector_load %arg9[%get3A_1589, %get3A_1590] {strides = array<i32>} : memref<8x128xi32, #tpu.memory_space<vmem>>, vector<16xi32>,
      tpu.vector_store_idx %arg15[%get3A_1591], %broadcast_in_dim3A_1270 {add = true} : memref<10112xf32, #tpu.memory_space<vmem>>[vector<16xi32>], vector<16xf32>,
      %get3A_1592 = arith.constant 6 : i32
      %get3A_1593 = arith.index_cast %get3A_1592 : i32 to index
      %get3A_1594 = arith.constant 64 : index
      %get3A_1595 = tpu.vector_load %arg9[%get3A_1593, %get3A_1594] {strides = array<i32>} : memref<8x128xi32, #tpu.memory_space<vmem>>, vector<16xi32>,
      tpu.vector_store_idx %arg15[%get3A_1595], %broadcast_in_dim3A_1270 {add = true} : memref<10112xf32, #tpu.memory_space<vmem>>[vector<16xi32>], vector<16xf32>,
      %get3A_1596 = arith.constant 6 : i32
      %get3A_1597 = arith.index_cast %get3A_1596 : i32 to index
      %get3A_1598 = arith.constant 80 : index
      %get3A_1599 = tpu.vector_load %arg9[%get3A_1597, %get3A_1598] {strides = array<i32>} : memref<8x128xi32, #tpu.memory_space<vmem>>, vector<16xi32>,
      tpu.vector_store_idx %arg15[%get3A_1599], %broadcast_in_dim3A_1270 {add = true} : memref<10112xf32, #tpu.memory_space<vmem>>[vector<16xi32>], vector<16xf32>,
      %get3A_1600 = arith.constant 6 : i32
      %get3A_1601 = arith.index_cast %get3A_1600 : i32 to index
      %get3A_1602 = arith.constant 96 : index
      %get3A_1603 = tpu.vector_load %arg9[%get3A_1601, %get3A_1602] {strides = array<i32>} : memref<8x128xi32, #tpu.memory_space<vmem>>, vector<16xi32>,
      tpu.vector_store_idx %arg15[%get3A_1603], %broadcast_in_dim3A_1270 {add = true} : memref<10112xf32, #tpu.memory_space<vmem>>[vector<16xi32>], vector<16xf32>,
      %get3A_1604 = arith.constant 6 : i32
      %get3A_1605 = arith.index_cast %get3A_1604 : i32 to index
      %get3A_1606 = arith.constant 112 : index
      %get3A_1607 = tpu.vector_load %arg9[%get3A_1605, %get3A_1606] {strides = array<i32>} : memref<8x128xi32, #tpu.memory_space<vmem>>, vector<16xi32>,
      tpu.vector_store_idx %arg15[%get3A_1607], %broadcast_in_dim3A_1270 {add = true} : memref<10112xf32, #tpu.memory_space<vmem>>[vector<16xi32>], vector<16xf32>,
      %dma_wait3A_1608 = arith.constant 6 : i32
      %dma_wait3A_1609 = arith.constant 0 : i32
      %dma_wait3A_1610 = tpu.memref_slice %arg8[%dma_wait3A_1608, %dma_wait3A_1609] : memref<8x128xi32, #tpu.memory_space<vmem>> -> memref<1x128xi32, #tpu.memory_space<vmem>>
      %dma_wait3A_1611 = tpu.memref_squeeze %dma_wait3A_1610 : memref<1x128xi32, #tpu.memory_space<vmem>> -> memref<128xi32, #tpu.memory_space<vmem>>
      %dma_wait3A_1612 = arith.constant 0 : i32
      %dma_wait3A_1613 = arith.constant 0 : i32
      %dma_wait3A_1614 = tpu.memref_slice %arg2[%dma_wait3A_1612, %dma_wait3A_1613] : memref<10000x128xf32, #tpu.memory_space<hbm>> -> memref<10000x128xf32, #tpu.memory_space<hbm>>
      tpu.wait_indirect_dma semaphore(%arg13 : memref<!tpu.dma_semaphore, #tpu.memory_space<semaphore_mem>>) src(%dma_wait3A_1614 : memref<10000x128xf32, #tpu.memory_space<hbm>>) dst(%arg10 : memref<128x128xf32, #tpu.memory_space<vmem>>)
      %run_scoped3A_1615 = arith.constant 6 : i32
      "tpu.region"() ({
        %run_scoped3A_1656 = tpu.sem_alloc : memref<!tpu.dma_semaphore, #tpu.memory_space<semaphore_mem>>
        %dma_start3A_1657 = arith.constant 0 : i32
        %dma_start3A_1658 = tpu.memref_slice %arg9[%run_scoped3A_1615, %dma_start3A_1657] : memref<8x128xi32, #tpu.memory_space<vmem>> -> memref<1x128xi32, #tpu.memory_space<vmem>>
        %dma_start3A_1659 = tpu.memref_squeeze %dma_start3A_1658 : memref<1x128xi32, #tpu.memory_space<vmem>> -> memref<128xi32, #tpu.memory_space<vmem>>
        %dma_start3A_1660 = arith.constant 0 : i32
        %dma_start3A_1661 = arith.constant 0 : i32
        %dma_start3A_1662 = tpu.memref_slice %arg12[%dma_start3A_1660, %dma_start3A_1661] : memref<10112x128xf32, #tpu.memory_space<vmem_shared>> -> memref<10112x128xf32, #tpu.memory_space<vmem_shared>>
        tpu.enqueue_indirect_dma source(%arg10 : memref<128x128xf32, #tpu.memory_space<vmem>>) target(%dma_start3A_1662 : memref<10112x128xf32, #tpu.memory_space<vmem_shared>>) offsets(%dma_start3A_1659 : memref<128xi32, #tpu.memory_space<vmem>>) semaphore(%run_scoped3A_1656 : memref<!tpu.dma_semaphore, #tpu.memory_space<semaphore_mem>>) {add = true}
        %dma_wait3A_1663 = arith.constant 0 : i32
        %dma_wait3A_1664 = tpu.memref_slice %arg9[%run_scoped3A_1615, %dma_wait3A_1663] : memref<8x128xi32, #tpu.memory_space<vmem>> -> memref<1x128xi32, #tpu.memory_space<vmem>>
        %dma_wait3A_1665 = tpu.memref_squeeze %dma_wait3A_1664 : memref<1x128xi32, #tpu.memory_space<vmem>> -> memref<128xi32, #tpu.memory_space<vmem>>
        %dma_wait3A_1666 = arith.constant 0 : i32
        %dma_wait3A_1667 = arith.constant 0 : i32
        %dma_wait3A_1668 = tpu.memref_slice %arg12[%dma_wait3A_1666, %dma_wait3A_1667] : memref<10112x128xf32, #tpu.memory_space<vmem_shared>> -> memref<10112x128xf32, #tpu.memory_space<vmem_shared>>
        tpu.wait_indirect_dma semaphore(%run_scoped3A_1656 : memref<!tpu.dma_semaphore, #tpu.memory_space<semaphore_mem>>) src(%arg10 : memref<128x128xf32, #tpu.memory_space<vmem>>) dst(%dma_wait3A_1668 : memref<10112x128xf32, #tpu.memory_space<vmem_shared>>)
        tpu.yield
      }) : () -> ()
      %get3A_1616 = arith.constant 7 : i32
      %get3A_1617 = arith.index_cast %get3A_1616 : i32 to index
      %get3A_1618 = arith.constant 0 : index
      %get3A_1619 = tpu.vector_load %arg9[%get3A_1617, %get3A_1618] {strides = array<i32>} : memref<8x128xi32, #tpu.memory_space<vmem>>, vector<16xi32>,
      tpu.vector_store_idx %arg15[%get3A_1619], %broadcast_in_dim3A_1270 {add = true} : memref<10112xf32, #tpu.memory_space<vmem>>[vector<16xi32>], vector<16xf32>,
      %get3A_1620 = arith.constant 7 : i32
      %get3A_1621 = arith.index_cast %get3A_1620 : i32 to index
      %get3A_1622 = arith.constant 16 : index
      %get3A_1623 = tpu.vector_load %arg9[%get3A_1621, %get3A_1622] {strides = array<i32>} : memref<8x128xi32, #tpu.memory_space<vmem>>, vector<16xi32>,
      tpu.vector_store_idx %arg15[%get3A_1623], %broadcast_in_dim3A_1270 {add = true} : memref<10112xf32, #tpu.memory_space<vmem>>[vector<16xi32>], vector<16xf32>,
      %get3A_1624 = arith.constant 7 : i32
      %get3A_1625 = arith.index_cast %get3A_1624 : i32 to index
      %get3A_1626 = arith.constant 32 : index
      %get3A_1627 = tpu.vector_load %arg9[%get3A_1625, %get3A_1626] {strides = array<i32>} : memref<8x128xi32, #tpu.memory_space<vmem>>, vector<16xi32>,
      tpu.vector_store_idx %arg15[%get3A_1627], %broadcast_in_dim3A_1270 {add = true} : memref<10112xf32, #tpu.memory_space<vmem>>[vector<16xi32>], vector<16xf32>,
      %get3A_1628 = arith.constant 7 : i32
      %get3A_1629 = arith.index_cast %get3A_1628 : i32 to index
      %get3A_1630 = arith.constant 48 : index
      %get3A_1631 = tpu.vector_load %arg9[%get3A_1629, %get3A_1630] {strides = array<i32>} : memref<8x128xi32, #tpu.memory_space<vmem>>, vector<16xi32>,
      tpu.vector_store_idx %arg15[%get3A_1631], %broadcast_in_dim3A_1270 {add = true} : memref<10112xf32, #tpu.memory_space<vmem>>[vector<16xi32>], vector<16xf32>,
      %get3A_1632 = arith.constant 7 : i32
      %get3A_1633 = arith.index_cast %get3A_1632 : i32 to index
      %get3A_1634 = arith.constant 64 : index
      %get3A_1635 = tpu.vector_load %arg9[%get3A_1633, %get3A_1634] {strides = array<i32>} : memref<8x128xi32, #tpu.memory_space<vmem>>, vector<16xi32>,
      tpu.vector_store_idx %arg15[%get3A_1635], %broadcast_in_dim3A_1270 {add = true} : memref<10112xf32, #tpu.memory_space<vmem>>[vector<16xi32>], vector<16xf32>,
      %get3A_1636 = arith.constant 7 : i32
      %get3A_1637 = arith.index_cast %get3A_1636 : i32 to index
      %get3A_1638 = arith.constant 80 : index
      %get3A_1639 = tpu.vector_load %arg9[%get3A_1637, %get3A_1638] {strides = array<i32>} : memref<8x128xi32, #tpu.memory_space<vmem>>, vector<16xi32>,
      tpu.vector_store_idx %arg15[%get3A_1639], %broadcast_in_dim3A_1270 {add = true} : memref<10112xf32, #tpu.memory_space<vmem>>[vector<16xi32>], vector<16xf32>,
      %get3A_1640 = arith.constant 7 : i32
      %get3A_1641 = arith.index_cast %get3A_1640 : i32 to index
      %get3A_1642 = arith.constant 96 : index
      %get3A_1643 = tpu.vector_load %arg9[%get3A_1641, %get3A_1642] {strides = array<i32>} : memref<8x128xi32, #tpu.memory_space<vmem>>, vector<16xi32>,
      tpu.vector_store_idx %arg15[%get3A_1643], %broadcast_in_dim3A_1270 {add = true} : memref<10112xf32, #tpu.memory_space<vmem>>[vector<16xi32>], vector<16xf32>,
      %get3A_1644 = arith.constant 7 : i32
      %get3A_1645 = arith.index_cast %get3A_1644 : i32 to index
      %get3A_1646 = arith.constant 112 : index
      %get3A_1647 = tpu.vector_load %arg9[%get3A_1645, %get3A_1646] {strides = array<i32>} : memref<8x128xi32, #tpu.memory_space<vmem>>, vector<16xi32>,
      tpu.vector_store_idx %arg15[%get3A_1647], %broadcast_in_dim3A_1270 {add = true} : memref<10112xf32, #tpu.memory_space<vmem>>[vector<16xi32>], vector<16xf32>,
      %dma_wait3A_1648 = arith.constant 7 : i32
      %dma_wait3A_1649 = arith.constant 0 : i32
      %dma_wait3A_1650 = tpu.memref_slice %arg8[%dma_wait3A_1648, %dma_wait3A_1649] : memref<8x128xi32, #tpu.memory_space<vmem>> -> memref<1x128xi32, #tpu.memory_space<vmem>>
      %dma_wait3A_1651 = tpu.memref_squeeze %dma_wait3A_1650 : memref<1x128xi32, #tpu.memory_space<vmem>> -> memref<128xi32, #tpu.memory_space<vmem>>
      %dma_wait3A_1652 = arith.constant 0 : i32
      %dma_wait3A_1653 = arith.constant 0 : i32
      %dma_wait3A_1654 = tpu.memref_slice %arg2[%dma_wait3A_1652, %dma_wait3A_1653] : memref<10000x128xf32, #tpu.memory_space<hbm>> -> memref<10000x128xf32, #tpu.memory_space<hbm>>
      tpu.wait_indirect_dma semaphore(%arg14 : memref<!tpu.dma_semaphore, #tpu.memory_space<semaphore_mem>>) src(%dma_wait3A_1654 : memref<10000x128xf32, #tpu.memory_space<hbm>>) dst(%arg11 : memref<128x128xf32, #tpu.memory_space<vmem>>)
      %run_scoped3A_1655 = arith.constant 7 : i32
      "tpu.region"() ({
        %run_scoped3A_1656 = tpu.sem_alloc : memref<!tpu.dma_semaphore, #tpu.memory_space<semaphore_mem>>
        %dma_start3A_1657 = arith.constant 0 : i32
        %dma_start3A_1658 = tpu.memref_slice %arg9[%run_scoped3A_1655, %dma_start3A_1657] : memref<8x128xi32, #tpu.memory_space<vmem>> -> memref<1x128xi32, #tpu.memory_space<vmem>>
        %dma_start3A_1659 = tpu.memref_squeeze %dma_start3A_1658 : memref<1x128xi32, #tpu.memory_space<vmem>> -> memref<128xi32, #tpu.memory_space<vmem>>
        %dma_start3A_1660 = arith.constant 0 : i32
        %dma_start3A_1661 = arith.constant 0 : i32
        %dma_start3A_1662 = tpu.memref_slice %arg12[%dma_start3A_1660, %dma_start3A_1661] : memref<10112x128xf32, #tpu.memory_space<vmem_shared>> -> memref<10112x128xf32, #tpu.memory_space<vmem_shared>>
        tpu.enqueue_indirect_dma source(%arg11 : memref<128x128xf32, #tpu.memory_space<vmem>>) target(%dma_start3A_1662 : memref<10112x128xf32, #tpu.memory_space<vmem_shared>>) offsets(%dma_start3A_1659 : memref<128xi32, #tpu.memory_space<vmem>>) semaphore(%run_scoped3A_1656 : memref<!tpu.dma_semaphore, #tpu.memory_space<semaphore_mem>>) {add = true}
        %dma_wait3A_1663 = arith.constant 0 : i32
        %dma_wait3A_1664 = tpu.memref_slice %arg9[%run_scoped3A_1655, %dma_wait3A_1663] : memref<8x128xi32, #tpu.memory_space<vmem>> -> memref<1x128xi32, #tpu.memory_space<vmem>>
        %dma_wait3A_1665 = tpu.memref_squeeze %dma_wait3A_1664 : memref<1x128xi32, #tpu.memory_space<vmem>> -> memref<128xi32, #tpu.memory_space<vmem>>
        %dma_wait3A_1666 = arith.constant 0 : i32
        %dma_wait3A_1667 = arith.constant 0 : i32
        %dma_wait3A_1668 = tpu.memref_slice %arg12[%dma_wait3A_1666, %dma_wait3A_1667] : memref<10112x128xf32, #tpu.memory_space<vmem_shared>> -> memref<10112x128xf32, #tpu.memory_space<vmem_shared>>
        tpu.wait_indirect_dma semaphore(%run_scoped3A_1656 : memref<!tpu.dma_semaphore, #tpu.memory_space<semaphore_mem>>) src(%arg11 : memref<128x128xf32, #tpu.memory_space<vmem>>) dst(%dma_wait3A_1668 : memref<10112x128xf32, #tpu.memory_space<vmem_shared>>)
        tpu.yield
      }) : () -> ()
    }
    %scan3A_1275 = arith.constant 10 : i32
    %barrier3A_1276 = arith.constant 0 : index
    tpu.barrier barrier_id(%barrier3A_1276)
    "tpu.region"() ({
      %run_scoped3A = tpu.sem_alloc : memref<!tpu.dma_semaphore, #tpu.memory_space<semaphore_mem>>
      %dma_start3A = arith.constant 0 : i32
      %dma_start3A_1280 = tpu.memref_slice %arg6[%arg0, %mul3A_0, %dma_start3A] : memref<2x10112x128xf32, #tpu.memory_space<hbm>> -> memref<1x632x128xf32, #tpu.memory_space<hbm>>
      %dma_start3A_1281 = tpu.memref_squeeze %dma_start3A_1280 : memref<1x632x128xf32, #tpu.memory_space<hbm>> -> memref<632x128xf32, #tpu.memory_space<hbm>>
      %dma_start3A_1282 = arith.constant 0 : i32
      %dma_start3A_1283 = tpu.memref_slice %arg12[%mul3A_0, %dma_start3A_1282] : memref<10112x128xf32, #tpu.memory_space<vmem_shared>> -> memref<632x128xf32, #tpu.memory_space<vmem_shared>>
      tpu.enqueue_dma source(%dma_start3A_1283 : memref<632x128xf32, #tpu.memory_space<vmem_shared>>) target(%dma_start3A_1281 : memref<632x128xf32, #tpu.memory_space<hbm>>) target_semaphore(%run_scoped3A : memref<!tpu.dma_semaphore, #tpu.memory_space<semaphore_mem>>)
      %dma_wait3A = arith.constant 0 : i32
      %dma_wait3A_1284 = tpu.memref_slice %arg6[%arg0, %mul3A_0, %dma_wait3A] : memref<2x10112x128xf32, #tpu.memory_space<hbm>> -> memref<1x632x128xf32, #tpu.memory_space<hbm>>
      %dma_wait3A_1285 = tpu.memref_squeeze %dma_wait3A_1284 : memref<1x632x128xf32, #tpu.memory_space<hbm>> -> memref<632x128xf32, #tpu.memory_space<hbm>>
      %dma_wait3A_1286 = arith.constant 0 : i32
      %dma_wait3A_1287 = tpu.memref_slice %arg12[%mul3A_0, %dma_wait3A_1286] : memref<10112x128xf32, #tpu.memory_space<vmem_shared>> -> memref<632x128xf32, #tpu.memory_space<vmem_shared>>
      tpu.wait_dma2 semaphore(%run_scoped3A : memref<!tpu.dma_semaphore, #tpu.memory_space<semaphore_mem>>) src(%dma_wait3A_1287 : memref<632x128xf32, #tpu.memory_space<vmem_shared>>) dst(%dma_wait3A_1285 : memref<632x128xf32, #tpu.memory_space<hbm>>)
      tpu.yield
    }) : () -> ()
    %mul3A_1277 = arith.constant 2 : i32
    %mul3A_1278 = arith.muli %arg1, %mul3A_1277 : i32
    %add3A_1279 = arith.addi %mul3A_1278, %arg0 : i32
    "tpu.region"() ({
      %run_scoped3A = tpu.sem_alloc : memref<!tpu.dma_semaphore, #tpu.memory_space<semaphore_mem>>
      %dma_start3A = arith.constant 0 : i32
      %dma_start3A_1280 = tpu.memref_slice %arg7[%add3A_1279, %dma_start3A] : memref<32x10112xf32, #tpu.memory_space<hbm>> -> memref<1x10112xf32, #tpu.memory_space<hbm>>
      %dma_start3A_1281 = tpu.memref_squeeze %dma_start3A_1280 : memref<1x10112xf32, #tpu.memory_space<hbm>> -> memref<10112xf32, #tpu.memory_space<hbm>>
      %dma_start3A_1282 = arith.constant 0 : i32
      %dma_start3A_1283 = tpu.memref_slice %arg7[%add3A_1279, %dma_start3A_1282] : memref<32x10112xf32, #tpu.memory_space<hbm>> -> memref<1x10112xf32, #tpu.memory_space<hbm>>
      %dma_start3A_1284 = tpu.memref_squeeze %dma_start3A_1283 : memref<1x10112xf32, #tpu.memory_space<hbm>> -> memref<10112xf32, #tpu.memory_space<hbm>>
      tpu.enqueue_dma source(%arg15 : memref<10112xf32, #tpu.memory_space<vmem>>) target(%dma_start3A_1284 : memref<10112xf32, #tpu.memory_space<hbm>>) target_semaphore(%run_scoped3A : memref<!tpu.dma_semaphore, #tpu.memory_space<semaphore_mem>>)
      %dma_wait3A = arith.constant 0 : i32
      %dma_wait3A_1285 = tpu.memref_slice %arg7[%add3A_1279, %dma_wait3A] : memref<32x10112xf32, #tpu.memory_space<hbm>> -> memref<1x10112xf32, #tpu.memory_space<hbm>>
      %dma_wait3A_1286 = tpu.memref_squeeze %dma_wait3A_1285 : memref<1x10112xf32, #tpu.memory_space<hbm>> -> memref<10112xf32, #tpu.memory_space<hbm>>
      %dma_wait3A_1287 = arith.constant 0 : i32
      %dma_wait3A_1288 = tpu.memref_slice %arg7[%add3A_1279, %dma_wait3A_1287] : memref<32x10112xf32, #tpu.memory_space<hbm>> -> memref<1x10112xf32, #tpu.memory_space<hbm>>
      %dma_wait3A_1289 = tpu.memref_squeeze %dma_wait3A_1288 : memref<1x10112xf32, #tpu.memory_space<hbm>> -> memref<10112xf32, #tpu.memory_space<hbm>>
      tpu.wait_dma2 semaphore(%run_scoped3A : memref<!tpu.dma_semaphore, #tpu.memory_space<semaphore_mem>>) src(%arg15 : memref<10112xf32, #tpu.memory_space<vmem>>) dst(%dma_wait3A_1289 : memref<10112xf32, #tpu.memory_space<hbm>>)
      tpu.yield
    }) : () -> ()
    return
  }
}

#map = affine_map<(d0, d1) -> (0, 0)>
#map1 = affine_map<(d0, d1) -> (0, 0, 0)>
module attributes {stable_mosaic.version = 14 : i64} {
  func.func @body(%arg0: i32, %arg1: i32, %arg2: memref<10000x128xf32, #tpu.memory_space<hbm>>, %arg3: memref<2560x128xi32, #tpu.memory_space<hbm>>, %arg4: memref<2560x128xi32, #tpu.memory_space<hbm>>, %arg5: memref<10112x128xf32, #tpu.memory_space<hbm>>, %arg6: memref<2x10112x128xf32, #tpu.memory_space<hbm>>, %arg7: memref<8x128xi32, #tpu.memory_space<vmem>>, %arg8: memref<8x128xi32, #tpu.memory_space<vmem>>, %arg9: memref<128x128xf32, #tpu.memory_space<vmem>>, %arg10: memref<128x128xf32, #tpu.memory_space<vmem>>, %arg11: memref<10112x128xf32, #tpu.memory_space<vmem_shared>>, %arg12: memref<!tpu.dma_semaphore, #tpu.memory_space<semaphore_mem>>, %arg13: memref<!tpu.dma_semaphore, #tpu.memory_space<semaphore_mem>>) attributes {dimension_semantics = [#tpu.dimension_semantics<core_parallel>, #tpu.dimension_semantics<subcore_parallel>], iteration_bounds = array<i64: 2, 16>, scalar_prefetch = 0 : i64, scratch_operands = 7 : i64, tpu.core_type = #tpu.core_type<sc_vector_subcore>, window_params = [{transform_indices = #map}, {transform_indices = #map}, {transform_indices = #map}, {transform_indices = #map}, {transform_indices = #map1}]} {
    %mul3A = arith.constant 632 : i32
    %mul3A_0 = arith.muli %arg1, %mul3A : i32
    %mul3A_1 = arith.constant 1280 : i32
    %mul3A_2 = arith.muli %arg0, %mul3A_1 : i32
    %mul3A_3 = arith.constant 80 : i32
    %mul3A_4 = arith.muli %arg1, %mul3A_3 : i32
    %add3A = arith.addi %mul3A_2, %mul3A_4 : i32
    "tpu.region"() ({
      %run_scoped3A = tpu.sem_alloc : memref<!tpu.dma_semaphore, #tpu.memory_space<semaphore_mem>>
      %dma_start3A = arith.constant 0 : i32
      %dma_start3A_12 = tpu.memref_slice %arg11[%mul3A_0, %dma_start3A] : memref<10112x128xf32, #tpu.memory_space<vmem_shared>> -> memref<632x128xf32, #tpu.memory_space<vmem_shared>>
      %dma_start3A_13 = arith.constant 0 : i32
      %dma_start3A_14 = tpu.memref_slice %arg5[%mul3A_0, %dma_start3A_13] : memref<10112x128xf32, #tpu.memory_space<hbm>> -> memref<632x128xf32, #tpu.memory_space<hbm>>
      tpu.enqueue_dma source(%dma_start3A_14 : memref<632x128xf32, #tpu.memory_space<hbm>>) target(%dma_start3A_12 : memref<632x128xf32, #tpu.memory_space<vmem_shared>>) target_semaphore(%run_scoped3A : memref<!tpu.dma_semaphore, #tpu.memory_space<semaphore_mem>>)
      %dma_wait3A = arith.constant 0 : i32
      %dma_wait3A_15 = tpu.memref_slice %arg11[%mul3A_0, %dma_wait3A] : memref<10112x128xf32, #tpu.memory_space<vmem_shared>> -> memref<632x128xf32, #tpu.memory_space<vmem_shared>>
      %dma_wait3A_16 = arith.constant 0 : i32
      %dma_wait3A_17 = tpu.memref_slice %arg5[%mul3A_0, %dma_wait3A_16] : memref<10112x128xf32, #tpu.memory_space<hbm>> -> memref<632x128xf32, #tpu.memory_space<hbm>>
      tpu.wait_dma2 semaphore(%run_scoped3A : memref<!tpu.dma_semaphore, #tpu.memory_space<semaphore_mem>>) src(%dma_wait3A_17 : memref<632x128xf32, #tpu.memory_space<hbm>>) dst(%dma_wait3A_15 : memref<632x128xf32, #tpu.memory_space<vmem_shared>>)
      tpu.yield
    }) : () -> ()
    %barrier3A = arith.constant 0 : index
    tpu.barrier barrier_id(%barrier3A)
    %broadcast_in_dim3A = arith.constant 1.000000e+00 : f32
    %broadcast_in_dim3A_5 = vector.broadcast %broadcast_in_dim3A : f32 to vector<16xf32>
    %scan3A = arith.constant 0 : i32
    %scan3A_6 = arith.constant 0 : i32
    %scan3A_7 = arith.constant 10 : i32
    %scan3A_8 = arith.addi %scan3A_6, %scan3A_7 : i32
    %scan3A_9 = arith.constant 1 : i32
    scf.for %scan3A_12 = %scan3A_6 to %scan3A_8 step %scan3A_9  : i32 {
      %mul3A_13 = arith.constant 8 : i32
      %mul3A_14 = arith.muli %scan3A_12, %mul3A_13 : i32
      %add3A_15 = arith.addi %add3A, %mul3A_14 : i32
      %multiple_of3A = tpu.assume_multiple %add3A_15, 8 : i32
      "tpu.region"() ({
        %run_scoped3A_133 = tpu.sem_alloc : memref<!tpu.dma_semaphore, #tpu.memory_space<semaphore_mem>>
        %dma_start3A_134 = arith.constant 0 : i32
        %dma_start3A_135 = tpu.memref_slice %arg3[%multiple_of3A, %dma_start3A_134] : memref<2560x128xi32, #tpu.memory_space<hbm>> -> memref<8x128xi32, #tpu.memory_space<hbm>>
        %dma_start3A_136 = arith.constant 0 : i32
        %dma_start3A_137 = tpu.memref_slice %arg3[%multiple_of3A, %dma_start3A_136] : memref<2560x128xi32, #tpu.memory_space<hbm>> -> memref<8x128xi32, #tpu.memory_space<hbm>>
        tpu.enqueue_dma source(%dma_start3A_137 : memref<8x128xi32, #tpu.memory_space<hbm>>) target(%arg7 : memref<8x128xi32, #tpu.memory_space<vmem>>) target_semaphore(%run_scoped3A_133 : memref<!tpu.dma_semaphore, #tpu.memory_space<semaphore_mem>>)
        %dma_wait3A_138 = arith.constant 0 : i32
        %dma_wait3A_139 = tpu.memref_slice %arg3[%multiple_of3A, %dma_wait3A_138] : memref<2560x128xi32, #tpu.memory_space<hbm>> -> memref<8x128xi32, #tpu.memory_space<hbm>>
        %dma_wait3A_140 = arith.constant 0 : i32
        %dma_wait3A_141 = tpu.memref_slice %arg3[%multiple_of3A, %dma_wait3A_140] : memref<2560x128xi32, #tpu.memory_space<hbm>> -> memref<8x128xi32, #tpu.memory_space<hbm>>
        tpu.wait_dma2 semaphore(%run_scoped3A_133 : memref<!tpu.dma_semaphore, #tpu.memory_space<semaphore_mem>>) src(%dma_wait3A_141 : memref<8x128xi32, #tpu.memory_space<hbm>>) dst(%arg7 : memref<8x128xi32, #tpu.memory_space<vmem>>)
        tpu.yield
      }) : () -> ()
      "tpu.region"() ({
        %run_scoped3A_133 = tpu.sem_alloc : memref<!tpu.dma_semaphore, #tpu.memory_space<semaphore_mem>>
        %dma_start3A_134 = arith.constant 0 : i32
        %dma_start3A_135 = tpu.memref_slice %arg4[%multiple_of3A, %dma_start3A_134] : memref<2560x128xi32, #tpu.memory_space<hbm>> -> memref<8x128xi32, #tpu.memory_space<hbm>>
        %dma_start3A_136 = arith.constant 0 : i32
        %dma_start3A_137 = tpu.memref_slice %arg4[%multiple_of3A, %dma_start3A_136] : memref<2560x128xi32, #tpu.memory_space<hbm>> -> memref<8x128xi32, #tpu.memory_space<hbm>>
        tpu.enqueue_dma source(%dma_start3A_137 : memref<8x128xi32, #tpu.memory_space<hbm>>) target(%arg8 : memref<8x128xi32, #tpu.memory_space<vmem>>) target_semaphore(%run_scoped3A_133 : memref<!tpu.dma_semaphore, #tpu.memory_space<semaphore_mem>>)
        %dma_wait3A_138 = arith.constant 0 : i32
        %dma_wait3A_139 = tpu.memref_slice %arg4[%multiple_of3A, %dma_wait3A_138] : memref<2560x128xi32, #tpu.memory_space<hbm>> -> memref<8x128xi32, #tpu.memory_space<hbm>>
        %dma_wait3A_140 = arith.constant 0 : i32
        %dma_wait3A_141 = tpu.memref_slice %arg4[%multiple_of3A, %dma_wait3A_140] : memref<2560x128xi32, #tpu.memory_space<hbm>> -> memref<8x128xi32, #tpu.memory_space<hbm>>
        tpu.wait_dma2 semaphore(%run_scoped3A_133 : memref<!tpu.dma_semaphore, #tpu.memory_space<semaphore_mem>>) src(%dma_wait3A_141 : memref<8x128xi32, #tpu.memory_space<hbm>>) dst(%arg8 : memref<8x128xi32, #tpu.memory_space<vmem>>)
        tpu.yield
      }) : () -> ()
      %dma_start3A = arith.constant 0 : i32
      %dma_start3A_16 = arith.constant 0 : i32
      %dma_start3A_17 = tpu.memref_slice %arg7[%dma_start3A, %dma_start3A_16] : memref<8x128xi32, #tpu.memory_space<vmem>> -> memref<1x128xi32, #tpu.memory_space<vmem>>
      %dma_start3A_18 = tpu.memref_squeeze %dma_start3A_17 : memref<1x128xi32, #tpu.memory_space<vmem>> -> memref<128xi32, #tpu.memory_space<vmem>>
      %dma_start3A_19 = arith.constant 0 : i32
      %dma_start3A_20 = arith.constant 0 : i32
      %dma_start3A_21 = tpu.memref_slice %arg2[%dma_start3A_19, %dma_start3A_20] : memref<10000x128xf32, #tpu.memory_space<hbm>> -> memref<10000x128xf32, #tpu.memory_space<hbm>>
      tpu.enqueue_indirect_dma source(%dma_start3A_21 : memref<10000x128xf32, #tpu.memory_space<hbm>>) target(%arg9 : memref<128x128xf32, #tpu.memory_space<vmem>>) offsets(%dma_start3A_18 : memref<128xi32, #tpu.memory_space<vmem>>) semaphore(%arg12 : memref<!tpu.dma_semaphore, #tpu.memory_space<semaphore_mem>>)
      %dma_start3A_22 = arith.constant 1 : i32
      %dma_start3A_23 = arith.constant 0 : i32
      %dma_start3A_24 = tpu.memref_slice %arg7[%dma_start3A_22, %dma_start3A_23] : memref<8x128xi32, #tpu.memory_space<vmem>> -> memref<1x128xi32, #tpu.memory_space<vmem>>
      %dma_start3A_25 = tpu.memref_squeeze %dma_start3A_24 : memref<1x128xi32, #tpu.memory_space<vmem>> -> memref<128xi32, #tpu.memory_space<vmem>>
      %dma_start3A_26 = arith.constant 0 : i32
      %dma_start3A_27 = arith.constant 0 : i32
      %dma_start3A_28 = tpu.memref_slice %arg2[%dma_start3A_26, %dma_start3A_27] : memref<10000x128xf32, #tpu.memory_space<hbm>> -> memref<10000x128xf32, #tpu.memory_space<hbm>>
      tpu.enqueue_indirect_dma source(%dma_start3A_28 : memref<10000x128xf32, #tpu.memory_space<hbm>>) target(%arg10 : memref<128x128xf32, #tpu.memory_space<vmem>>) offsets(%dma_start3A_25 : memref<128xi32, #tpu.memory_space<vmem>>) semaphore(%arg13 : memref<!tpu.dma_semaphore, #tpu.memory_space<semaphore_mem>>)
      %dma_wait3A = arith.constant 0 : i32
      %dma_wait3A_29 = arith.constant 0 : i32
      %dma_wait3A_30 = tpu.memref_slice %arg7[%dma_wait3A, %dma_wait3A_29] : memref<8x128xi32, #tpu.memory_space<vmem>> -> memref<1x128xi32, #tpu.memory_space<vmem>>
      %dma_wait3A_31 = tpu.memref_squeeze %dma_wait3A_30 : memref<1x128xi32, #tpu.memory_space<vmem>> -> memref<128xi32, #tpu.memory_space<vmem>>
      %dma_wait3A_32 = arith.constant 0 : i32
      %dma_wait3A_33 = arith.constant 0 : i32
      %dma_wait3A_34 = tpu.memref_slice %arg2[%dma_wait3A_32, %dma_wait3A_33] : memref<10000x128xf32, #tpu.memory_space<hbm>> -> memref<10000x128xf32, #tpu.memory_space<hbm>>
      tpu.wait_indirect_dma semaphore(%arg12 : memref<!tpu.dma_semaphore, #tpu.memory_space<semaphore_mem>>) src(%dma_wait3A_34 : memref<10000x128xf32, #tpu.memory_space<hbm>>) dst(%arg9 : memref<128x128xf32, #tpu.memory_space<vmem>>)
      %run_scoped3A = arith.constant 0 : i32
      "tpu.region"() ({
        %run_scoped3A_133 = tpu.sem_alloc : memref<!tpu.dma_semaphore, #tpu.memory_space<semaphore_mem>>
        %dma_start3A_134 = arith.constant 0 : i32
        %dma_start3A_135 = tpu.memref_slice %arg8[%run_scoped3A, %dma_start3A_134] : memref<8x128xi32, #tpu.memory_space<vmem>> -> memref<1x128xi32, #tpu.memory_space<vmem>>
        %dma_start3A_136 = tpu.memref_squeeze %dma_start3A_135 : memref<1x128xi32, #tpu.memory_space<vmem>> -> memref<128xi32, #tpu.memory_space<vmem>>
        %dma_start3A_137 = arith.constant 0 : i32
        %dma_start3A_138 = arith.constant 0 : i32
        %dma_start3A_139 = tpu.memref_slice %arg11[%dma_start3A_137, %dma_start3A_138] : memref<10112x128xf32, #tpu.memory_space<vmem_shared>> -> memref<10112x128xf32, #tpu.memory_space<vmem_shared>>
        tpu.enqueue_indirect_dma source(%arg9 : memref<128x128xf32, #tpu.memory_space<vmem>>) target(%dma_start3A_139 : memref<10112x128xf32, #tpu.memory_space<vmem_shared>>) offsets(%dma_start3A_136 : memref<128xi32, #tpu.memory_space<vmem>>) semaphore(%run_scoped3A_133 : memref<!tpu.dma_semaphore, #tpu.memory_space<semaphore_mem>>) {add = true}
        %dma_wait3A_140 = arith.constant 0 : i32
        %dma_wait3A_141 = tpu.memref_slice %arg8[%run_scoped3A, %dma_wait3A_140] : memref<8x128xi32, #tpu.memory_space<vmem>> -> memref<1x128xi32, #tpu.memory_space<vmem>>
        %dma_wait3A_142 = tpu.memref_squeeze %dma_wait3A_141 : memref<1x128xi32, #tpu.memory_space<vmem>> -> memref<128xi32, #tpu.memory_space<vmem>>
        %dma_wait3A_143 = arith.constant 0 : i32
        %dma_wait3A_144 = arith.constant 0 : i32
        %dma_wait3A_145 = tpu.memref_slice %arg11[%dma_wait3A_143, %dma_wait3A_144] : memref<10112x128xf32, #tpu.memory_space<vmem_shared>> -> memref<10112x128xf32, #tpu.memory_space<vmem_shared>>
        tpu.wait_indirect_dma semaphore(%run_scoped3A_133 : memref<!tpu.dma_semaphore, #tpu.memory_space<semaphore_mem>>) src(%arg9 : memref<128x128xf32, #tpu.memory_space<vmem>>) dst(%dma_wait3A_145 : memref<10112x128xf32, #tpu.memory_space<vmem_shared>>)
        tpu.yield
      }) : () -> ()
      %dma_start3A_35 = arith.constant 2 : i32
      %dma_start3A_36 = arith.constant 0 : i32
      %dma_start3A_37 = tpu.memref_slice %arg7[%dma_start3A_35, %dma_start3A_36] : memref<8x128xi32, #tpu.memory_space<vmem>> -> memref<1x128xi32, #tpu.memory_space<vmem>>
      %dma_start3A_38 = tpu.memref_squeeze %dma_start3A_37 : memref<1x128xi32, #tpu.memory_space<vmem>> -> memref<128xi32, #tpu.memory_space<vmem>>
      %dma_start3A_39 = arith.constant 0 : i32
      %dma_start3A_40 = arith.constant 0 : i32
      %dma_start3A_41 = tpu.memref_slice %arg2[%dma_start3A_39, %dma_start3A_40] : memref<10000x128xf32, #tpu.memory_space<hbm>> -> memref<10000x128xf32, #tpu.memory_space<hbm>>
      tpu.enqueue_indirect_dma source(%dma_start3A_41 : memref<10000x128xf32, #tpu.memory_space<hbm>>) target(%arg9 : memref<128x128xf32, #tpu.memory_space<vmem>>) offsets(%dma_start3A_38 : memref<128xi32, #tpu.memory_space<vmem>>) semaphore(%arg12 : memref<!tpu.dma_semaphore, #tpu.memory_space<semaphore_mem>>)
      %dma_wait3A_42 = arith.constant 1 : i32
      %dma_wait3A_43 = arith.constant 0 : i32
      %dma_wait3A_44 = tpu.memref_slice %arg7[%dma_wait3A_42, %dma_wait3A_43] : memref<8x128xi32, #tpu.memory_space<vmem>> -> memref<1x128xi32, #tpu.memory_space<vmem>>
      %dma_wait3A_45 = tpu.memref_squeeze %dma_wait3A_44 : memref<1x128xi32, #tpu.memory_space<vmem>> -> memref<128xi32, #tpu.memory_space<vmem>>
      %dma_wait3A_46 = arith.constant 0 : i32
      %dma_wait3A_47 = arith.constant 0 : i32
      %dma_wait3A_48 = tpu.memref_slice %arg2[%dma_wait3A_46, %dma_wait3A_47] : memref<10000x128xf32, #tpu.memory_space<hbm>> -> memref<10000x128xf32, #tpu.memory_space<hbm>>
      tpu.wait_indirect_dma semaphore(%arg13 : memref<!tpu.dma_semaphore, #tpu.memory_space<semaphore_mem>>) src(%dma_wait3A_48 : memref<10000x128xf32, #tpu.memory_space<hbm>>) dst(%arg10 : memref<128x128xf32, #tpu.memory_space<vmem>>)
      %run_scoped3A_49 = arith.constant 1 : i32
      "tpu.region"() ({
        %run_scoped3A_133 = tpu.sem_alloc : memref<!tpu.dma_semaphore, #tpu.memory_space<semaphore_mem>>
        %dma_start3A_134 = arith.constant 0 : i32
        %dma_start3A_135 = tpu.memref_slice %arg8[%run_scoped3A_49, %dma_start3A_134] : memref<8x128xi32, #tpu.memory_space<vmem>> -> memref<1x128xi32, #tpu.memory_space<vmem>>
        %dma_start3A_136 = tpu.memref_squeeze %dma_start3A_135 : memref<1x128xi32, #tpu.memory_space<vmem>> -> memref<128xi32, #tpu.memory_space<vmem>>
        %dma_start3A_137 = arith.constant 0 : i32
        %dma_start3A_138 = arith.constant 0 : i32
        %dma_start3A_139 = tpu.memref_slice %arg11[%dma_start3A_137, %dma_start3A_138] : memref<10112x128xf32, #tpu.memory_space<vmem_shared>> -> memref<10112x128xf32, #tpu.memory_space<vmem_shared>>
        tpu.enqueue_indirect_dma source(%arg10 : memref<128x128xf32, #tpu.memory_space<vmem>>) target(%dma_start3A_139 : memref<10112x128xf32, #tpu.memory_space<vmem_shared>>) offsets(%dma_start3A_136 : memref<128xi32, #tpu.memory_space<vmem>>) semaphore(%run_scoped3A_133 : memref<!tpu.dma_semaphore, #tpu.memory_space<semaphore_mem>>) {add = true}
        %dma_wait3A_140 = arith.constant 0 : i32
        %dma_wait3A_141 = tpu.memref_slice %arg8[%run_scoped3A_49, %dma_wait3A_140] : memref<8x128xi32, #tpu.memory_space<vmem>> -> memref<1x128xi32, #tpu.memory_space<vmem>>
        %dma_wait3A_142 = tpu.memref_squeeze %dma_wait3A_141 : memref<1x128xi32, #tpu.memory_space<vmem>> -> memref<128xi32, #tpu.memory_space<vmem>>
        %dma_wait3A_143 = arith.constant 0 : i32
        %dma_wait3A_144 = arith.constant 0 : i32
        %dma_wait3A_145 = tpu.memref_slice %arg11[%dma_wait3A_143, %dma_wait3A_144] : memref<10112x128xf32, #tpu.memory_space<vmem_shared>> -> memref<10112x128xf32, #tpu.memory_space<vmem_shared>>
        tpu.wait_indirect_dma semaphore(%run_scoped3A_133 : memref<!tpu.dma_semaphore, #tpu.memory_space<semaphore_mem>>) src(%arg10 : memref<128x128xf32, #tpu.memory_space<vmem>>) dst(%dma_wait3A_145 : memref<10112x128xf32, #tpu.memory_space<vmem_shared>>)
        tpu.yield
      }) : () -> ()
      %dma_start3A_50 = arith.constant 3 : i32
      %dma_start3A_51 = arith.constant 0 : i32
      %dma_start3A_52 = tpu.memref_slice %arg7[%dma_start3A_50, %dma_start3A_51] : memref<8x128xi32, #tpu.memory_space<vmem>> -> memref<1x128xi32, #tpu.memory_space<vmem>>
      %dma_start3A_53 = tpu.memref_squeeze %dma_start3A_52 : memref<1x128xi32, #tpu.memory_space<vmem>> -> memref<128xi32, #tpu.memory_space<vmem>>
      %dma_start3A_54 = arith.constant 0 : i32
      %dma_start3A_55 = arith.constant 0 : i32
      %dma_start3A_56 = tpu.memref_slice %arg2[%dma_start3A_54, %dma_start3A_55] : memref<10000x128xf32, #tpu.memory_space<hbm>> -> memref<10000x128xf32, #tpu.memory_space<hbm>>
      tpu.enqueue_indirect_dma source(%dma_start3A_56 : memref<10000x128xf32, #tpu.memory_space<hbm>>) target(%arg10 : memref<128x128xf32, #tpu.memory_space<vmem>>) offsets(%dma_start3A_53 : memref<128xi32, #tpu.memory_space<vmem>>) semaphore(%arg13 : memref<!tpu.dma_semaphore, #tpu.memory_space<semaphore_mem>>)
      %dma_wait3A_57 = arith.constant 2 : i32
      %dma_wait3A_58 = arith.constant 0 : i32
      %dma_wait3A_59 = tpu.memref_slice %arg7[%dma_wait3A_57, %dma_wait3A_58] : memref<8x128xi32, #tpu.memory_space<vmem>> -> memref<1x128xi32, #tpu.memory_space<vmem>>
      %dma_wait3A_60 = tpu.memref_squeeze %dma_wait3A_59 : memref<1x128xi32, #tpu.memory_space<vmem>> -> memref<128xi32, #tpu.memory_space<vmem>>
      %dma_wait3A_61 = arith.constant 0 : i32
      %dma_wait3A_62 = arith.constant 0 : i32
      %dma_wait3A_63 = tpu.memref_slice %arg2[%dma_wait3A_61, %dma_wait3A_62] : memref<10000x128xf32, #tpu.memory_space<hbm>> -> memref<10000x128xf32, #tpu.memory_space<hbm>>
      tpu.wait_indirect_dma semaphore(%arg12 : memref<!tpu.dma_semaphore, #tpu.memory_space<semaphore_mem>>) src(%dma_wait3A_63 : memref<10000x128xf32, #tpu.memory_space<hbm>>) dst(%arg9 : memref<128x128xf32, #tpu.memory_space<vmem>>)
      %run_scoped3A_64 = arith.constant 2 : i32
      "tpu.region"() ({
        %run_scoped3A_133 = tpu.sem_alloc : memref<!tpu.dma_semaphore, #tpu.memory_space<semaphore_mem>>
        %dma_start3A_134 = arith.constant 0 : i32
        %dma_start3A_135 = tpu.memref_slice %arg8[%run_scoped3A_64, %dma_start3A_134] : memref<8x128xi32, #tpu.memory_space<vmem>> -> memref<1x128xi32, #tpu.memory_space<vmem>>
        %dma_start3A_136 = tpu.memref_squeeze %dma_start3A_135 : memref<1x128xi32, #tpu.memory_space<vmem>> -> memref<128xi32, #tpu.memory_space<vmem>>
        %dma_start3A_137 = arith.constant 0 : i32
        %dma_start3A_138 = arith.constant 0 : i32
        %dma_start3A_139 = tpu.memref_slice %arg11[%dma_start3A_137, %dma_start3A_138] : memref<10112x128xf32, #tpu.memory_space<vmem_shared>> -> memref<10112x128xf32, #tpu.memory_space<vmem_shared>>
        tpu.enqueue_indirect_dma source(%arg9 : memref<128x128xf32, #tpu.memory_space<vmem>>) target(%dma_start3A_139 : memref<10112x128xf32, #tpu.memory_space<vmem_shared>>) offsets(%dma_start3A_136 : memref<128xi32, #tpu.memory_space<vmem>>) semaphore(%run_scoped3A_133 : memref<!tpu.dma_semaphore, #tpu.memory_space<semaphore_mem>>) {add = true}
        %dma_wait3A_140 = arith.constant 0 : i32
        %dma_wait3A_141 = tpu.memref_slice %arg8[%run_scoped3A_64, %dma_wait3A_140] : memref<8x128xi32, #tpu.memory_space<vmem>> -> memref<1x128xi32, #tpu.memory_space<vmem>>
        %dma_wait3A_142 = tpu.memref_squeeze %dma_wait3A_141 : memref<1x128xi32, #tpu.memory_space<vmem>> -> memref<128xi32, #tpu.memory_space<vmem>>
        %dma_wait3A_143 = arith.constant 0 : i32
        %dma_wait3A_144 = arith.constant 0 : i32
        %dma_wait3A_145 = tpu.memref_slice %arg11[%dma_wait3A_143, %dma_wait3A_144] : memref<10112x128xf32, #tpu.memory_space<vmem_shared>> -> memref<10112x128xf32, #tpu.memory_space<vmem_shared>>
        tpu.wait_indirect_dma semaphore(%run_scoped3A_133 : memref<!tpu.dma_semaphore, #tpu.memory_space<semaphore_mem>>) src(%arg9 : memref<128x128xf32, #tpu.memory_space<vmem>>) dst(%dma_wait3A_145 : memref<10112x128xf32, #tpu.memory_space<vmem_shared>>)
        tpu.yield
      }) : () -> ()
      %dma_start3A_65 = arith.constant 4 : i32
      %dma_start3A_66 = arith.constant 0 : i32
      %dma_start3A_67 = tpu.memref_slice %arg7[%dma_start3A_65, %dma_start3A_66] : memref<8x128xi32, #tpu.memory_space<vmem>> -> memref<1x128xi32, #tpu.memory_space<vmem>>
      %dma_start3A_68 = tpu.memref_squeeze %dma_start3A_67 : memref<1x128xi32, #tpu.memory_space<vmem>> -> memref<128xi32, #tpu.memory_space<vmem>>
      %dma_start3A_69 = arith.constant 0 : i32
      %dma_start3A_70 = arith.constant 0 : i32
      %dma_start3A_71 = tpu.memref_slice %arg2[%dma_start3A_69, %dma_start3A_70] : memref<10000x128xf32, #tpu.memory_space<hbm>> -> memref<10000x128xf32, #tpu.memory_space<hbm>>
      tpu.enqueue_indirect_dma source(%dma_start3A_71 : memref<10000x128xf32, #tpu.memory_space<hbm>>) target(%arg9 : memref<128x128xf32, #tpu.memory_space<vmem>>) offsets(%dma_start3A_68 : memref<128xi32, #tpu.memory_space<vmem>>) semaphore(%arg12 : memref<!tpu.dma_semaphore, #tpu.memory_space<semaphore_mem>>)
      %dma_wait3A_72 = arith.constant 3 : i32
      %dma_wait3A_73 = arith.constant 0 : i32
      %dma_wait3A_74 = tpu.memref_slice %arg7[%dma_wait3A_72, %dma_wait3A_73] : memref<8x128xi32, #tpu.memory_space<vmem>> -> memref<1x128xi32, #tpu.memory_space<vmem>>
      %dma_wait3A_75 = tpu.memref_squeeze %dma_wait3A_74 : memref<1x128xi32, #tpu.memory_space<vmem>> -> memref<128xi32, #tpu.memory_space<vmem>>
      %dma_wait3A_76 = arith.constant 0 : i32
      %dma_wait3A_77 = arith.constant 0 : i32
      %dma_wait3A_78 = tpu.memref_slice %arg2[%dma_wait3A_76, %dma_wait3A_77] : memref<10000x128xf32, #tpu.memory_space<hbm>> -> memref<10000x128xf32, #tpu.memory_space<hbm>>
      tpu.wait_indirect_dma semaphore(%arg13 : memref<!tpu.dma_semaphore, #tpu.memory_space<semaphore_mem>>) src(%dma_wait3A_78 : memref<10000x128xf32, #tpu.memory_space<hbm>>) dst(%arg10 : memref<128x128xf32, #tpu.memory_space<vmem>>)
      %run_scoped3A_79 = arith.constant 3 : i32
      "tpu.region"() ({
        %run_scoped3A_133 = tpu.sem_alloc : memref<!tpu.dma_semaphore, #tpu.memory_space<semaphore_mem>>
        %dma_start3A_134 = arith.constant 0 : i32
        %dma_start3A_135 = tpu.memref_slice %arg8[%run_scoped3A_79, %dma_start3A_134] : memref<8x128xi32, #tpu.memory_space<vmem>> -> memref<1x128xi32, #tpu.memory_space<vmem>>
        %dma_start3A_136 = tpu.memref_squeeze %dma_start3A_135 : memref<1x128xi32, #tpu.memory_space<vmem>> -> memref<128xi32, #tpu.memory_space<vmem>>
        %dma_start3A_137 = arith.constant 0 : i32
        %dma_start3A_138 = arith.constant 0 : i32
        %dma_start3A_139 = tpu.memref_slice %arg11[%dma_start3A_137, %dma_start3A_138] : memref<10112x128xf32, #tpu.memory_space<vmem_shared>> -> memref<10112x128xf32, #tpu.memory_space<vmem_shared>>
        tpu.enqueue_indirect_dma source(%arg10 : memref<128x128xf32, #tpu.memory_space<vmem>>) target(%dma_start3A_139 : memref<10112x128xf32, #tpu.memory_space<vmem_shared>>) offsets(%dma_start3A_136 : memref<128xi32, #tpu.memory_space<vmem>>) semaphore(%run_scoped3A_133 : memref<!tpu.dma_semaphore, #tpu.memory_space<semaphore_mem>>) {add = true}
        %dma_wait3A_140 = arith.constant 0 : i32
        %dma_wait3A_141 = tpu.memref_slice %arg8[%run_scoped3A_79, %dma_wait3A_140] : memref<8x128xi32, #tpu.memory_space<vmem>> -> memref<1x128xi32, #tpu.memory_space<vmem>>
        %dma_wait3A_142 = tpu.memref_squeeze %dma_wait3A_141 : memref<1x128xi32, #tpu.memory_space<vmem>> -> memref<128xi32, #tpu.memory_space<vmem>>
        %dma_wait3A_143 = arith.constant 0 : i32
        %dma_wait3A_144 = arith.constant 0 : i32
        %dma_wait3A_145 = tpu.memref_slice %arg11[%dma_wait3A_143, %dma_wait3A_144] : memref<10112x128xf32, #tpu.memory_space<vmem_shared>> -> memref<10112x128xf32, #tpu.memory_space<vmem_shared>>
        tpu.wait_indirect_dma semaphore(%run_scoped3A_133 : memref<!tpu.dma_semaphore, #tpu.memory_space<semaphore_mem>>) src(%arg10 : memref<128x128xf32, #tpu.memory_space<vmem>>) dst(%dma_wait3A_145 : memref<10112x128xf32, #tpu.memory_space<vmem_shared>>)
        tpu.yield
      }) : () -> ()
      %dma_start3A_80 = arith.constant 5 : i32
      %dma_start3A_81 = arith.constant 0 : i32
      %dma_start3A_82 = tpu.memref_slice %arg7[%dma_start3A_80, %dma_start3A_81] : memref<8x128xi32, #tpu.memory_space<vmem>> -> memref<1x128xi32, #tpu.memory_space<vmem>>
      %dma_start3A_83 = tpu.memref_squeeze %dma_start3A_82 : memref<1x128xi32, #tpu.memory_space<vmem>> -> memref<128xi32, #tpu.memory_space<vmem>>
      %dma_start3A_84 = arith.constant 0 : i32
      %dma_start3A_85 = arith.constant 0 : i32
      %dma_start3A_86 = tpu.memref_slice %arg2[%dma_start3A_84, %dma_start3A_85] : memref<10000x128xf32, #tpu.memory_space<hbm>> -> memref<10000x128xf32, #tpu.memory_space<hbm>>
      tpu.enqueue_indirect_dma source(%dma_start3A_86 : memref<10000x128xf32, #tpu.memory_space<hbm>>) target(%arg10 : memref<128x128xf32, #tpu.memory_space<vmem>>) offsets(%dma_start3A_83 : memref<128xi32, #tpu.memory_space<vmem>>) semaphore(%arg13 : memref<!tpu.dma_semaphore, #tpu.memory_space<semaphore_mem>>)
      %dma_wait3A_87 = arith.constant 4 : i32
      %dma_wait3A_88 = arith.constant 0 : i32
      %dma_wait3A_89 = tpu.memref_slice %arg7[%dma_wait3A_87, %dma_wait3A_88] : memref<8x128xi32, #tpu.memory_space<vmem>> -> memref<1x128xi32, #tpu.memory_space<vmem>>
      %dma_wait3A_90 = tpu.memref_squeeze %dma_wait3A_89 : memref<1x128xi32, #tpu.memory_space<vmem>> -> memref<128xi32, #tpu.memory_space<vmem>>
      %dma_wait3A_91 = arith.constant 0 : i32
      %dma_wait3A_92 = arith.constant 0 : i32
      %dma_wait3A_93 = tpu.memref_slice %arg2[%dma_wait3A_91, %dma_wait3A_92] : memref<10000x128xf32, #tpu.memory_space<hbm>> -> memref<10000x128xf32, #tpu.memory_space<hbm>>
      tpu.wait_indirect_dma semaphore(%arg12 : memref<!tpu.dma_semaphore, #tpu.memory_space<semaphore_mem>>) src(%dma_wait3A_93 : memref<10000x128xf32, #tpu.memory_space<hbm>>) dst(%arg9 : memref<128x128xf32, #tpu.memory_space<vmem>>)
      %run_scoped3A_94 = arith.constant 4 : i32
      "tpu.region"() ({
        %run_scoped3A_133 = tpu.sem_alloc : memref<!tpu.dma_semaphore, #tpu.memory_space<semaphore_mem>>
        %dma_start3A_134 = arith.constant 0 : i32
        %dma_start3A_135 = tpu.memref_slice %arg8[%run_scoped3A_94, %dma_start3A_134] : memref<8x128xi32, #tpu.memory_space<vmem>> -> memref<1x128xi32, #tpu.memory_space<vmem>>
        %dma_start3A_136 = tpu.memref_squeeze %dma_start3A_135 : memref<1x128xi32, #tpu.memory_space<vmem>> -> memref<128xi32, #tpu.memory_space<vmem>>
        %dma_start3A_137 = arith.constant 0 : i32
        %dma_start3A_138 = arith.constant 0 : i32
        %dma_start3A_139 = tpu.memref_slice %arg11[%dma_start3A_137, %dma_start3A_138] : memref<10112x128xf32, #tpu.memory_space<vmem_shared>> -> memref<10112x128xf32, #tpu.memory_space<vmem_shared>>
        tpu.enqueue_indirect_dma source(%arg9 : memref<128x128xf32, #tpu.memory_space<vmem>>) target(%dma_start3A_139 : memref<10112x128xf32, #tpu.memory_space<vmem_shared>>) offsets(%dma_start3A_136 : memref<128xi32, #tpu.memory_space<vmem>>) semaphore(%run_scoped3A_133 : memref<!tpu.dma_semaphore, #tpu.memory_space<semaphore_mem>>) {add = true}
        %dma_wait3A_140 = arith.constant 0 : i32
        %dma_wait3A_141 = tpu.memref_slice %arg8[%run_scoped3A_94, %dma_wait3A_140] : memref<8x128xi32, #tpu.memory_space<vmem>> -> memref<1x128xi32, #tpu.memory_space<vmem>>
        %dma_wait3A_142 = tpu.memref_squeeze %dma_wait3A_141 : memref<1x128xi32, #tpu.memory_space<vmem>> -> memref<128xi32, #tpu.memory_space<vmem>>
        %dma_wait3A_143 = arith.constant 0 : i32
        %dma_wait3A_144 = arith.constant 0 : i32
        %dma_wait3A_145 = tpu.memref_slice %arg11[%dma_wait3A_143, %dma_wait3A_144] : memref<10112x128xf32, #tpu.memory_space<vmem_shared>> -> memref<10112x128xf32, #tpu.memory_space<vmem_shared>>
        tpu.wait_indirect_dma semaphore(%run_scoped3A_133 : memref<!tpu.dma_semaphore, #tpu.memory_space<semaphore_mem>>) src(%arg9 : memref<128x128xf32, #tpu.memory_space<vmem>>) dst(%dma_wait3A_145 : memref<10112x128xf32, #tpu.memory_space<vmem_shared>>)
        tpu.yield
      }) : () -> ()
      %dma_start3A_95 = arith.constant 6 : i32
      %dma_start3A_96 = arith.constant 0 : i32
      %dma_start3A_97 = tpu.memref_slice %arg7[%dma_start3A_95, %dma_start3A_96] : memref<8x128xi32, #tpu.memory_space<vmem>> -> memref<1x128xi32, #tpu.memory_space<vmem>>
      %dma_start3A_98 = tpu.memref_squeeze %dma_start3A_97 : memref<1x128xi32, #tpu.memory_space<vmem>> -> memref<128xi32, #tpu.memory_space<vmem>>
      %dma_start3A_99 = arith.constant 0 : i32
      %dma_start3A_100 = arith.constant 0 : i32
      %dma_start3A_101 = tpu.memref_slice %arg2[%dma_start3A_99, %dma_start3A_100] : memref<10000x128xf32, #tpu.memory_space<hbm>> -> memref<10000x128xf32, #tpu.memory_space<hbm>>
      tpu.enqueue_indirect_dma source(%dma_start3A_101 : memref<10000x128xf32, #tpu.memory_space<hbm>>) target(%arg9 : memref<128x128xf32, #tpu.memory_space<vmem>>) offsets(%dma_start3A_98 : memref<128xi32, #tpu.memory_space<vmem>>) semaphore(%arg12 : memref<!tpu.dma_semaphore, #tpu.memory_space<semaphore_mem>>)
      %dma_wait3A_102 = arith.constant 5 : i32
      %dma_wait3A_103 = arith.constant 0 : i32
      %dma_wait3A_104 = tpu.memref_slice %arg7[%dma_wait3A_102, %dma_wait3A_103] : memref<8x128xi32, #tpu.memory_space<vmem>> -> memref<1x128xi32, #tpu.memory_space<vmem>>
      %dma_wait3A_105 = tpu.memref_squeeze %dma_wait3A_104 : memref<1x128xi32, #tpu.memory_space<vmem>> -> memref<128xi32, #tpu.memory_space<vmem>>
      %dma_wait3A_106 = arith.constant 0 : i32
      %dma_wait3A_107 = arith.constant 0 : i32
      %dma_wait3A_108 = tpu.memref_slice %arg2[%dma_wait3A_106, %dma_wait3A_107] : memref<10000x128xf32, #tpu.memory_space<hbm>> -> memref<10000x128xf32, #tpu.memory_space<hbm>>
      tpu.wait_indirect_dma semaphore(%arg13 : memref<!tpu.dma_semaphore, #tpu.memory_space<semaphore_mem>>) src(%dma_wait3A_108 : memref<10000x128xf32, #tpu.memory_space<hbm>>) dst(%arg10 : memref<128x128xf32, #tpu.memory_space<vmem>>)
      %run_scoped3A_109 = arith.constant 5 : i32
      "tpu.region"() ({
        %run_scoped3A_133 = tpu.sem_alloc : memref<!tpu.dma_semaphore, #tpu.memory_space<semaphore_mem>>
        %dma_start3A_134 = arith.constant 0 : i32
        %dma_start3A_135 = tpu.memref_slice %arg8[%run_scoped3A_109, %dma_start3A_134] : memref<8x128xi32, #tpu.memory_space<vmem>> -> memref<1x128xi32, #tpu.memory_space<vmem>>
        %dma_start3A_136 = tpu.memref_squeeze %dma_start3A_135 : memref<1x128xi32, #tpu.memory_space<vmem>> -> memref<128xi32, #tpu.memory_space<vmem>>
        %dma_start3A_137 = arith.constant 0 : i32
        %dma_start3A_138 = arith.constant 0 : i32
        %dma_start3A_139 = tpu.memref_slice %arg11[%dma_start3A_137, %dma_start3A_138] : memref<10112x128xf32, #tpu.memory_space<vmem_shared>> -> memref<10112x128xf32, #tpu.memory_space<vmem_shared>>
        tpu.enqueue_indirect_dma source(%arg10 : memref<128x128xf32, #tpu.memory_space<vmem>>) target(%dma_start3A_139 : memref<10112x128xf32, #tpu.memory_space<vmem_shared>>) offsets(%dma_start3A_136 : memref<128xi32, #tpu.memory_space<vmem>>) semaphore(%run_scoped3A_133 : memref<!tpu.dma_semaphore, #tpu.memory_space<semaphore_mem>>) {add = true}
        %dma_wait3A_140 = arith.constant 0 : i32
        %dma_wait3A_141 = tpu.memref_slice %arg8[%run_scoped3A_109, %dma_wait3A_140] : memref<8x128xi32, #tpu.memory_space<vmem>> -> memref<1x128xi32, #tpu.memory_space<vmem>>
        %dma_wait3A_142 = tpu.memref_squeeze %dma_wait3A_141 : memref<1x128xi32, #tpu.memory_space<vmem>> -> memref<128xi32, #tpu.memory_space<vmem>>
        %dma_wait3A_143 = arith.constant 0 : i32
        %dma_wait3A_144 = arith.constant 0 : i32
        %dma_wait3A_145 = tpu.memref_slice %arg11[%dma_wait3A_143, %dma_wait3A_144] : memref<10112x128xf32, #tpu.memory_space<vmem_shared>> -> memref<10112x128xf32, #tpu.memory_space<vmem_shared>>
        tpu.wait_indirect_dma semaphore(%run_scoped3A_133 : memref<!tpu.dma_semaphore, #tpu.memory_space<semaphore_mem>>) src(%arg10 : memref<128x128xf32, #tpu.memory_space<vmem>>) dst(%dma_wait3A_145 : memref<10112x128xf32, #tpu.memory_space<vmem_shared>>)
        tpu.yield
      }) : () -> ()
      %dma_start3A_110 = arith.constant 7 : i32
      %dma_start3A_111 = arith.constant 0 : i32
      %dma_start3A_112 = tpu.memref_slice %arg7[%dma_start3A_110, %dma_start3A_111] : memref<8x128xi32, #tpu.memory_space<vmem>> -> memref<1x128xi32, #tpu.memory_space<vmem>>
      %dma_start3A_113 = tpu.memref_squeeze %dma_start3A_112 : memref<1x128xi32, #tpu.memory_space<vmem>> -> memref<128xi32, #tpu.memory_space<vmem>>
      %dma_start3A_114 = arith.constant 0 : i32
      %dma_start3A_115 = arith.constant 0 : i32
      %dma_start3A_116 = tpu.memref_slice %arg2[%dma_start3A_114, %dma_start3A_115] : memref<10000x128xf32, #tpu.memory_space<hbm>> -> memref<10000x128xf32, #tpu.memory_space<hbm>>
      tpu.enqueue_indirect_dma source(%dma_start3A_116 : memref<10000x128xf32, #tpu.memory_space<hbm>>) target(%arg10 : memref<128x128xf32, #tpu.memory_space<vmem>>) offsets(%dma_start3A_113 : memref<128xi32, #tpu.memory_space<vmem>>) semaphore(%arg13 : memref<!tpu.dma_semaphore, #tpu.memory_space<semaphore_mem>>)
      %dma_wait3A_117 = arith.constant 6 : i32
      %dma_wait3A_118 = arith.constant 0 : i32
      %dma_wait3A_119 = tpu.memref_slice %arg7[%dma_wait3A_117, %dma_wait3A_118] : memref<8x128xi32, #tpu.memory_space<vmem>> -> memref<1x128xi32, #tpu.memory_space<vmem>>
      %dma_wait3A_120 = tpu.memref_squeeze %dma_wait3A_119 : memref<1x128xi32, #tpu.memory_space<vmem>> -> memref<128xi32, #tpu.memory_space<vmem>>
      %dma_wait3A_121 = arith.constant 0 : i32
      %dma_wait3A_122 = arith.constant 0 : i32
      %dma_wait3A_123 = tpu.memref_slice %arg2[%dma_wait3A_121, %dma_wait3A_122] : memref<10000x128xf32, #tpu.memory_space<hbm>> -> memref<10000x128xf32, #tpu.memory_space<hbm>>
      tpu.wait_indirect_dma semaphore(%arg12 : memref<!tpu.dma_semaphore, #tpu.memory_space<semaphore_mem>>) src(%dma_wait3A_123 : memref<10000x128xf32, #tpu.memory_space<hbm>>) dst(%arg9 : memref<128x128xf32, #tpu.memory_space<vmem>>)
      %run_scoped3A_124 = arith.constant 6 : i32
      "tpu.region"() ({
        %run_scoped3A_133 = tpu.sem_alloc : memref<!tpu.dma_semaphore, #tpu.memory_space<semaphore_mem>>
        %dma_start3A_134 = arith.constant 0 : i32
        %dma_start3A_135 = tpu.memref_slice %arg8[%run_scoped3A_124, %dma_start3A_134] : memref<8x128xi32, #tpu.memory_space<vmem>> -> memref<1x128xi32, #tpu.memory_space<vmem>>
        %dma_start3A_136 = tpu.memref_squeeze %dma_start3A_135 : memref<1x128xi32, #tpu.memory_space<vmem>> -> memref<128xi32, #tpu.memory_space<vmem>>
        %dma_start3A_137 = arith.constant 0 : i32
        %dma_start3A_138 = arith.constant 0 : i32
        %dma_start3A_139 = tpu.memref_slice %arg11[%dma_start3A_137, %dma_start3A_138] : memref<10112x128xf32, #tpu.memory_space<vmem_shared>> -> memref<10112x128xf32, #tpu.memory_space<vmem_shared>>
        tpu.enqueue_indirect_dma source(%arg9 : memref<128x128xf32, #tpu.memory_space<vmem>>) target(%dma_start3A_139 : memref<10112x128xf32, #tpu.memory_space<vmem_shared>>) offsets(%dma_start3A_136 : memref<128xi32, #tpu.memory_space<vmem>>) semaphore(%run_scoped3A_133 : memref<!tpu.dma_semaphore, #tpu.memory_space<semaphore_mem>>) {add = true}
        %dma_wait3A_140 = arith.constant 0 : i32
        %dma_wait3A_141 = tpu.memref_slice %arg8[%run_scoped3A_124, %dma_wait3A_140] : memref<8x128xi32, #tpu.memory_space<vmem>> -> memref<1x128xi32, #tpu.memory_space<vmem>>
        %dma_wait3A_142 = tpu.memref_squeeze %dma_wait3A_141 : memref<1x128xi32, #tpu.memory_space<vmem>> -> memref<128xi32, #tpu.memory_space<vmem>>
        %dma_wait3A_143 = arith.constant 0 : i32
        %dma_wait3A_144 = arith.constant 0 : i32
        %dma_wait3A_145 = tpu.memref_slice %arg11[%dma_wait3A_143, %dma_wait3A_144] : memref<10112x128xf32, #tpu.memory_space<vmem_shared>> -> memref<10112x128xf32, #tpu.memory_space<vmem_shared>>
        tpu.wait_indirect_dma semaphore(%run_scoped3A_133 : memref<!tpu.dma_semaphore, #tpu.memory_space<semaphore_mem>>) src(%arg9 : memref<128x128xf32, #tpu.memory_space<vmem>>) dst(%dma_wait3A_145 : memref<10112x128xf32, #tpu.memory_space<vmem_shared>>)
        tpu.yield
      }) : () -> ()
      %dma_wait3A_125 = arith.constant 7 : i32
      %dma_wait3A_126 = arith.constant 0 : i32
      %dma_wait3A_127 = tpu.memref_slice %arg7[%dma_wait3A_125, %dma_wait3A_126] : memref<8x128xi32, #tpu.memory_space<vmem>> -> memref<1x128xi32, #tpu.memory_space<vmem>>
      %dma_wait3A_128 = tpu.memref_squeeze %dma_wait3A_127 : memref<1x128xi32, #tpu.memory_space<vmem>> -> memref<128xi32, #tpu.memory_space<vmem>>
      %dma_wait3A_129 = arith.constant 0 : i32
      %dma_wait3A_130 = arith.constant 0 : i32
      %dma_wait3A_131 = tpu.memref_slice %arg2[%dma_wait3A_129, %dma_wait3A_130] : memref<10000x128xf32, #tpu.memory_space<hbm>> -> memref<10000x128xf32, #tpu.memory_space<hbm>>
      tpu.wait_indirect_dma semaphore(%arg13 : memref<!tpu.dma_semaphore, #tpu.memory_space<semaphore_mem>>) src(%dma_wait3A_131 : memref<10000x128xf32, #tpu.memory_space<hbm>>) dst(%arg10 : memref<128x128xf32, #tpu.memory_space<vmem>>)
      %run_scoped3A_132 = arith.constant 7 : i32
      "tpu.region"() ({
        %run_scoped3A_133 = tpu.sem_alloc : memref<!tpu.dma_semaphore, #tpu.memory_space<semaphore_mem>>
        %dma_start3A_134 = arith.constant 0 : i32
        %dma_start3A_135 = tpu.memref_slice %arg8[%run_scoped3A_132, %dma_start3A_134] : memref<8x128xi32, #tpu.memory_space<vmem>> -> memref<1x128xi32, #tpu.memory_space<vmem>>
        %dma_start3A_136 = tpu.memref_squeeze %dma_start3A_135 : memref<1x128xi32, #tpu.memory_space<vmem>> -> memref<128xi32, #tpu.memory_space<vmem>>
        %dma_start3A_137 = arith.constant 0 : i32
        %dma_start3A_138 = arith.constant 0 : i32
        %dma_start3A_139 = tpu.memref_slice %arg11[%dma_start3A_137, %dma_start3A_138] : memref<10112x128xf32, #tpu.memory_space<vmem_shared>> -> memref<10112x128xf32, #tpu.memory_space<vmem_shared>>
        tpu.enqueue_indirect_dma source(%arg10 : memref<128x128xf32, #tpu.memory_space<vmem>>) target(%dma_start3A_139 : memref<10112x128xf32, #tpu.memory_space<vmem_shared>>) offsets(%dma_start3A_136 : memref<128xi32, #tpu.memory_space<vmem>>) semaphore(%run_scoped3A_133 : memref<!tpu.dma_semaphore, #tpu.memory_space<semaphore_mem>>) {add = true}
        %dma_wait3A_140 = arith.constant 0 : i32
        %dma_wait3A_141 = tpu.memref_slice %arg8[%run_scoped3A_132, %dma_wait3A_140] : memref<8x128xi32, #tpu.memory_space<vmem>> -> memref<1x128xi32, #tpu.memory_space<vmem>>
        %dma_wait3A_142 = tpu.memref_squeeze %dma_wait3A_141 : memref<1x128xi32, #tpu.memory_space<vmem>> -> memref<128xi32, #tpu.memory_space<vmem>>
        %dma_wait3A_143 = arith.constant 0 : i32
        %dma_wait3A_144 = arith.constant 0 : i32
        %dma_wait3A_145 = tpu.memref_slice %arg11[%dma_wait3A_143, %dma_wait3A_144] : memref<10112x128xf32, #tpu.memory_space<vmem_shared>> -> memref<10112x128xf32, #tpu.memory_space<vmem_shared>>
        tpu.wait_indirect_dma semaphore(%run_scoped3A_133 : memref<!tpu.dma_semaphore, #tpu.memory_space<semaphore_mem>>) src(%arg10 : memref<128x128xf32, #tpu.memory_space<vmem>>) dst(%dma_wait3A_145 : memref<10112x128xf32, #tpu.memory_space<vmem_shared>>)
        tpu.yield
      }) : () -> ()
    }
    %scan3A_10 = arith.constant 10 : i32
    %barrier3A_11 = arith.constant 0 : index
    tpu.barrier barrier_id(%barrier3A_11)
    "tpu.region"() ({
      %run_scoped3A = tpu.sem_alloc : memref<!tpu.dma_semaphore, #tpu.memory_space<semaphore_mem>>
      %dma_start3A = arith.constant 0 : i32
      %dma_start3A_12 = tpu.memref_slice %arg6[%arg0, %mul3A_0, %dma_start3A] : memref<2x10112x128xf32, #tpu.memory_space<hbm>> -> memref<1x632x128xf32, #tpu.memory_space<hbm>>
      %dma_start3A_13 = tpu.memref_squeeze %dma_start3A_12 : memref<1x632x128xf32, #tpu.memory_space<hbm>> -> memref<632x128xf32, #tpu.memory_space<hbm>>
      %dma_start3A_14 = arith.constant 0 : i32
      %dma_start3A_15 = tpu.memref_slice %arg11[%mul3A_0, %dma_start3A_14] : memref<10112x128xf32, #tpu.memory_space<vmem_shared>> -> memref<632x128xf32, #tpu.memory_space<vmem_shared>>
      tpu.enqueue_dma source(%dma_start3A_15 : memref<632x128xf32, #tpu.memory_space<vmem_shared>>) target(%dma_start3A_13 : memref<632x128xf32, #tpu.memory_space<hbm>>) target_semaphore(%run_scoped3A : memref<!tpu.dma_semaphore, #tpu.memory_space<semaphore_mem>>)
      %dma_wait3A = arith.constant 0 : i32
      %dma_wait3A_16 = tpu.memref_slice %arg6[%arg0, %mul3A_0, %dma_wait3A] : memref<2x10112x128xf32, #tpu.memory_space<hbm>> -> memref<1x632x128xf32, #tpu.memory_space<hbm>>
      %dma_wait3A_17 = tpu.memref_squeeze %dma_wait3A_16 : memref<1x632x128xf32, #tpu.memory_space<hbm>> -> memref<632x128xf32, #tpu.memory_space<hbm>>
      %dma_wait3A_18 = arith.constant 0 : i32
      %dma_wait3A_19 = tpu.memref_slice %arg11[%mul3A_0, %dma_wait3A_18] : memref<10112x128xf32, #tpu.memory_space<vmem_shared>> -> memref<632x128xf32, #tpu.memory_space<vmem_shared>>
      tpu.wait_dma2 semaphore(%run_scoped3A : memref<!tpu.dma_semaphore, #tpu.memory_space<semaphore_mem>>) src(%dma_wait3A_19 : memref<632x128xf32, #tpu.memory_space<vmem_shared>>) dst(%dma_wait3A_17 : memref<632x128xf32, #tpu.memory_space<hbm>>)
      tpu.yield
    }) : () -> ()
    return
  }
}

module attributes {stable_mosaic.version = 14 : i64} {
  func.func @_tc_a(%arg0: i32, %arg1: memref<2x1000x128xf32, #tpu.memory_space<vmem>>, %arg2: memref<1000x32xf32, #tpu.memory_space<vmem>>, %arg3: memref<1000x128xf32, #tpu.memory_space<vmem>>, %arg4: memref<128x256xf32, #tpu.memory_space<vmem>>, %arg5: memref<1x256xf32, #tpu.memory_space<vmem>>, %arg6: memref<128x256xf32, #tpu.memory_space<vmem>>, %arg7: memref<256x128xf32, #tpu.memory_space<vmem>>, %arg8: memref<1000x256xf32, #tpu.memory_space<vmem>>, %arg9: memref<1000x128xf32, #tpu.memory_space<vmem>>) attributes {dimension_semantics = [#tpu.dimension_semantics<arbitrary>], iteration_bounds = array<i64: 10>, scalar_prefetch = 0 : i64, scratch_operands = 0 : i64, tpu.core_type = #tpu.core_type<tc>, window_params = [{transform_indices = @transform_0, window_bounds = array<i64: 2, 1000, 128>}, {transform_indices = @transform_1, window_bounds = array<i64: 1000, 32>}, {transform_indices = @transform_2, window_bounds = array<i64: 1000, 128>}, {pipeline_mode = #tpu.pipeline_mode<synchronous>, transform_indices = @transform_3, window_bounds = array<i64: 128, 256>}, {pipeline_mode = #tpu.pipeline_mode<synchronous>, transform_indices = @transform_4, window_bounds = array<i64: 1, 256>}, {pipeline_mode = #tpu.pipeline_mode<synchronous>, transform_indices = @transform_5, window_bounds = array<i64: 128, 256>}, {pipeline_mode = #tpu.pipeline_mode<synchronous>, transform_indices = @transform_6, window_bounds = array<i64: 256, 128>}, {transform_indices = @transform_7, window_bounds = array<i64: 1000, 256>}, {transform_indices = @transform_8, window_bounds = array<i64: 1000, 128>}]} {
    %get3A = arith.constant 0 : index
    %get3A_0 = arith.constant 0 : index
    %get3A_1 = arith.constant 0 : index
    %get3A_2 = vector.load %arg1[%get3A, %get3A_0, %get3A_1] : memref<2x1000x128xf32, #tpu.memory_space<vmem>>, vector<1x1000x128xf32>
    %get3A_3 = vector.shape_cast %get3A_2 : vector<1x1000x128xf32> to vector<1000x128xf32>
    %get3A_4 = arith.constant 1 : index
    %get3A_5 = arith.constant 0 : index
    %get3A_6 = arith.constant 0 : index
    %get3A_7 = vector.load %arg1[%get3A_4, %get3A_5, %get3A_6] : memref<2x1000x128xf32, #tpu.memory_space<vmem>>, vector<1x1000x128xf32>
    %get3A_8 = vector.shape_cast %get3A_7 : vector<1x1000x128xf32> to vector<1000x128xf32>
    %add3A = arith.addf %get3A_3, %get3A_8 : vector<1000x128xf32>
    %get3A_9 = arith.constant 0 : index
    %get3A_10 = arith.constant 0 : index
    %get3A_11 = vector.load %arg2[%get3A_9, %get3A_10] : memref<1000x32xf32, #tpu.memory_space<vmem>>, vector<1000x32xf32>
    %reduce_sum3A = arith.constant dense<0.000000e+00> : vector<1000xf32>
    %reduce_sum3A_12 = vector.multi_reduction <add>, %get3A_11, %reduce_sum3A [1] : vector<1000x32xf32> to vector<1000xf32>
    %broadcast_in_dim3A = vector.shape_cast %reduce_sum3A_12 : vector<1000xf32> to vector<1000x1xf32>
    %max3A = arith.constant 1.000000e+00 : f32
    %max3A_13 = vector.broadcast %max3A : f32 to vector<1000x1xf32>
    %max3A_14 = arith.maximumf %broadcast_in_dim3A, %max3A_13 : vector<1000x1xf32>
    %div3A = arith.constant 1.000000e+00 : f32
    %div3A_15 = vector.broadcast %div3A : f32 to vector<1000x1xf32>
    %div3A_16 = arith.divf %div3A_15, %max3A_14 : vector<1000x1xf32>
    %mul3A = vector.broadcast %div3A_16 : vector<1000x1xf32> to vector<1000x128xf32>
    %mul3A_17 = arith.mulf %add3A, %mul3A : vector<1000x128xf32>
    %get3A_18 = arith.constant 0 : index
    %get3A_19 = arith.constant 0 : index
    %get3A_20 = vector.load %arg4[%get3A_18, %get3A_19] : memref<128x256xf32, #tpu.memory_space<vmem>>, vector<128x256xf32>
    %dot_general3A = arith.constant dense<0.000000e+00> : vector<1000x256xf32>
    %dot_general3A_21 = tpu.matmul %mul3A_17, %get3A_20, %dot_general3A {dimension_numbers = #tpu.dot_dimension_numbers<[1], [0], [0], [1], [0, 0, 1, 1], [], []>, transpose_lhs_hint = false} : vector<1000x128xf32>, vector<128x256xf32>, vector<1000x256xf32> -> vector<1000x256xf32>
    %get3A_22 = arith.constant 0 : index
    %get3A_23 = arith.constant 0 : index
    %get3A_24 = vector.load %arg5[%get3A_22, %get3A_23] : memref<1x256xf32, #tpu.memory_space<vmem>>, vector<1x256xf32>
    %add3A_25 = vector.broadcast %get3A_24 : vector<1x256xf32> to vector<1000x256xf32>
    %add3A_26 = arith.addf %dot_general3A_21, %add3A_25 : vector<1000x256xf32>
    %get3A_27 = arith.constant 0 : index
    %get3A_28 = arith.constant 0 : index
    %get3A_29 = vector.load %arg3[%get3A_27, %get3A_28] : memref<1000x128xf32, #tpu.memory_space<vmem>>, vector<1000x128xf32>
    %get3A_30 = arith.constant 0 : index
    %get3A_31 = arith.constant 0 : index
    %get3A_32 = vector.load %arg6[%get3A_30, %get3A_31] : memref<128x256xf32, #tpu.memory_space<vmem>>, vector<128x256xf32>
    %dot_general3A_33 = arith.constant dense<0.000000e+00> : vector<1000x256xf32>
    %dot_general3A_34 = tpu.matmul %get3A_29, %get3A_32, %dot_general3A_33 {dimension_numbers = #tpu.dot_dimension_numbers<[1], [0], [0], [1], [0, 0, 1, 1], [], []>, transpose_lhs_hint = false} : vector<1000x128xf32>, vector<128x256xf32>, vector<1000x256xf32> -> vector<1000x256xf32>
    %add3A_35 = arith.addf %add3A_26, %dot_general3A_34 : vector<1000x256xf32>
    %max3A_36 = arith.constant 0.000000e+00 : f32
    %max3A_37 = vector.broadcast %max3A_36 : f32 to vector<1000x256xf32>
    %max3A_38 = arith.maximumf %add3A_35, %max3A_37 : vector<1000x256xf32>
    %swap3A = arith.constant 0 : index
    %swap3A_39 = arith.constant 0 : index
    %swap3A_40 = vector.load %arg8[%swap3A, %swap3A_39] : memref<1000x256xf32, #tpu.memory_space<vmem>>, vector<1000x256xf32>
    tpu.vector_store %arg8[%swap3A, %swap3A_39], %max3A_38 {strides = array<i32>} : memref<1000x256xf32, #tpu.memory_space<vmem>>, vector<1000x256xf32>,
    %get3A_41 = arith.constant 0 : index
    %get3A_42 = arith.constant 0 : index
    %get3A_43 = vector.load %arg7[%get3A_41, %get3A_42] : memref<256x128xf32, #tpu.memory_space<vmem>>, vector<256x128xf32>
    %dot_general3A_44 = arith.constant dense<0.000000e+00> : vector<1000x128xf32>
    %dot_general3A_45 = tpu.matmul %max3A_38, %get3A_43, %dot_general3A_44 {dimension_numbers = #tpu.dot_dimension_numbers<[1], [0], [0], [1], [0, 0, 1, 1], [], []>, transpose_lhs_hint = false} : vector<1000x256xf32>, vector<256x128xf32>, vector<1000x128xf32> -> vector<1000x128xf32>
    %swap3A_46 = arith.constant 0 : index
    %swap3A_47 = arith.constant 0 : index
    %swap3A_48 = vector.load %arg9[%swap3A_46, %swap3A_47] : memref<1000x128xf32, #tpu.memory_space<vmem>>, vector<1000x128xf32>
    tpu.vector_store %arg9[%swap3A_46, %swap3A_47], %dot_general3A_45 {strides = array<i32>} : memref<1000x128xf32, #tpu.memory_space<vmem>>, vector<1000x128xf32>,
    return
  }
  func.func @transform_0(%arg0: i32) -> (i32, i32, i32) {
    %c0_i32 = arith.constant 0 : i32
    %c0_i32_0 = arith.constant 0 : i32
    %c0_i32_1 = arith.constant 0 : i32
    return %c0_i32, %arg0, %c0_i32_0 : i32, i32, i32
  }
  func.func @transform_1(%arg0: i32) -> (i32, i32) {
    %c0_i32 = arith.constant 0 : i32
    %c0_i32_0 = arith.constant 0 : i32
    return %arg0, %c0_i32 : i32, i32
  }
  func.func @transform_2(%arg0: i32) -> (i32, i32) {
    %c0_i32 = arith.constant 0 : i32
    %c0_i32_0 = arith.constant 0 : i32
    return %arg0, %c0_i32 : i32, i32
  }
  func.func @transform_3(%arg0: i32) -> (i32, i32) {
    %c0_i32 = arith.constant 0 : i32
    %c0_i32_0 = arith.constant 0 : i32
    %c0_i32_1 = arith.constant 0 : i32
    return %c0_i32, %c0_i32_0 : i32, i32
  }
  func.func @transform_4(%arg0: i32) -> (i32, i32) {
    %c0_i32 = arith.constant 0 : i32
    %c0_i32_0 = arith.constant 0 : i32
    %c0_i32_1 = arith.constant 0 : i32
    return %c0_i32, %c0_i32_0 : i32, i32
  }
  func.func @transform_5(%arg0: i32) -> (i32, i32) {
    %c0_i32 = arith.constant 0 : i32
    %c0_i32_0 = arith.constant 0 : i32
    %c0_i32_1 = arith.constant 0 : i32
    return %c0_i32, %c0_i32_0 : i32, i32
  }
  func.func @transform_6(%arg0: i32) -> (i32, i32) {
    %c0_i32 = arith.constant 0 : i32
    %c0_i32_0 = arith.constant 0 : i32
    %c0_i32_1 = arith.constant 0 : i32
    return %c0_i32, %c0_i32_0 : i32, i32
  }
  func.func @transform_7(%arg0: i32) -> (i32, i32) {
    %c0_i32 = arith.constant 0 : i32
    %c0_i32_0 = arith.constant 0 : i32
    return %arg0, %c0_i32 : i32, i32
  }
  func.func @transform_8(%arg0: i32) -> (i32, i32) {
    %c0_i32 = arith.constant 0 : i32
    %c0_i32_0 = arith.constant 0 : i32
    return %arg0, %c0_i32 : i32, i32
  }
}

module attributes {stable_mosaic.version = 14 : i64} {
  func.func @_tc_b(%arg0: i32, %arg1: memref<2x1000x128xf32, #tpu.memory_space<vmem>>, %arg2: memref<1000x32xf32, #tpu.memory_space<vmem>>, %arg3: memref<1000x256xf32, #tpu.memory_space<vmem>>, %arg4: memref<256x128xf32, #tpu.memory_space<vmem>>, %arg5: memref<1x128xf32, #tpu.memory_space<vmem>>, %arg6: memref<128x128xf32, #tpu.memory_space<vmem>>, %arg7: memref<1x128xf32, #tpu.memory_space<vmem>>, %arg8: memref<1000x128xf32, #tpu.memory_space<vmem>>) attributes {dimension_semantics = [#tpu.dimension_semantics<arbitrary>], iteration_bounds = array<i64: 10>, scalar_prefetch = 0 : i64, scratch_operands = 0 : i64, tpu.core_type = #tpu.core_type<tc>, window_params = [{transform_indices = @transform_0, window_bounds = array<i64: 2, 1000, 128>}, {transform_indices = @transform_1, window_bounds = array<i64: 1000, 32>}, {transform_indices = @transform_2, window_bounds = array<i64: 1000, 256>}, {pipeline_mode = #tpu.pipeline_mode<synchronous>, transform_indices = @transform_3, window_bounds = array<i64: 256, 128>}, {pipeline_mode = #tpu.pipeline_mode<synchronous>, transform_indices = @transform_4, window_bounds = array<i64: 1, 128>}, {pipeline_mode = #tpu.pipeline_mode<synchronous>, transform_indices = @transform_5, window_bounds = array<i64: 128, 128>}, {pipeline_mode = #tpu.pipeline_mode<synchronous>, transform_indices = @transform_6, window_bounds = array<i64: 1, 128>}, {transform_indices = @transform_7, window_bounds = array<i64: 1000, 128>}]} {
    %get3A = arith.constant 0 : index
    %get3A_0 = arith.constant 0 : index
    %get3A_1 = arith.constant 0 : index
    %get3A_2 = vector.load %arg1[%get3A, %get3A_0, %get3A_1] : memref<2x1000x128xf32, #tpu.memory_space<vmem>>, vector<1x1000x128xf32>
    %get3A_3 = vector.shape_cast %get3A_2 : vector<1x1000x128xf32> to vector<1000x128xf32>
    %get3A_4 = arith.constant 1 : index
    %get3A_5 = arith.constant 0 : index
    %get3A_6 = arith.constant 0 : index
    %get3A_7 = vector.load %arg1[%get3A_4, %get3A_5, %get3A_6] : memref<2x1000x128xf32, #tpu.memory_space<vmem>>, vector<1x1000x128xf32>
    %get3A_8 = vector.shape_cast %get3A_7 : vector<1x1000x128xf32> to vector<1000x128xf32>
    %add3A = arith.addf %get3A_3, %get3A_8 : vector<1000x128xf32>
    %get3A_9 = arith.constant 0 : index
    %get3A_10 = arith.constant 0 : index
    %get3A_11 = vector.load %arg2[%get3A_9, %get3A_10] : memref<1000x32xf32, #tpu.memory_space<vmem>>, vector<1000x32xf32>
    %reduce_sum3A = arith.constant dense<0.000000e+00> : vector<1000xf32>
    %reduce_sum3A_12 = vector.multi_reduction <add>, %get3A_11, %reduce_sum3A [1] : vector<1000x32xf32> to vector<1000xf32>
    %broadcast_in_dim3A = vector.shape_cast %reduce_sum3A_12 : vector<1000xf32> to vector<1000x1xf32>
    %max3A = arith.constant 1.000000e+00 : f32
    %max3A_13 = vector.broadcast %max3A : f32 to vector<1000x1xf32>
    %max3A_14 = arith.maximumf %broadcast_in_dim3A, %max3A_13 : vector<1000x1xf32>
    %div3A = arith.constant 1.000000e+00 : f32
    %div3A_15 = vector.broadcast %div3A : f32 to vector<1000x1xf32>
    %div3A_16 = arith.divf %div3A_15, %max3A_14 : vector<1000x1xf32>
    %mul3A = vector.broadcast %div3A_16 : vector<1000x1xf32> to vector<1000x128xf32>
    %mul3A_17 = arith.mulf %add3A, %mul3A : vector<1000x128xf32>
    %get3A_18 = arith.constant 0 : index
    %get3A_19 = arith.constant 0 : index
    %get3A_20 = vector.load %arg5[%get3A_18, %get3A_19] : memref<1x128xf32, #tpu.memory_space<vmem>>, vector<1x128xf32>
    %add3A_21 = vector.broadcast %get3A_20 : vector<1x128xf32> to vector<1000x128xf32>
    %add3A_22 = arith.addf %mul3A_17, %add3A_21 : vector<1000x128xf32>
    %get3A_23 = arith.constant 0 : index
    %get3A_24 = arith.constant 0 : index
    %get3A_25 = vector.load %arg3[%get3A_23, %get3A_24] : memref<1000x256xf32, #tpu.memory_space<vmem>>, vector<1000x256xf32>
    %get3A_26 = arith.constant 0 : index
    %get3A_27 = arith.constant 0 : index
    %get3A_28 = vector.load %arg4[%get3A_26, %get3A_27] : memref<256x128xf32, #tpu.memory_space<vmem>>, vector<256x128xf32>
    %dot_general3A = arith.constant dense<0.000000e+00> : vector<1000x128xf32>
    %dot_general3A_29 = tpu.matmul %get3A_25, %get3A_28, %dot_general3A {dimension_numbers = #tpu.dot_dimension_numbers<[1], [0], [0], [1], [0, 0, 1, 1], [], []>, transpose_lhs_hint = false} : vector<1000x256xf32>, vector<256x128xf32>, vector<1000x128xf32> -> vector<1000x128xf32>
    %add3A_30 = arith.addf %add3A_22, %dot_general3A_29 : vector<1000x128xf32>
    %max3A_31 = arith.constant 0.000000e+00 : f32
    %max3A_32 = vector.broadcast %max3A_31 : f32 to vector<1000x128xf32>
    %max3A_33 = arith.maximumf %add3A_30, %max3A_32 : vector<1000x128xf32>
    %get3A_34 = arith.constant 0 : index
    %get3A_35 = arith.constant 0 : index
    %get3A_36 = vector.load %arg6[%get3A_34, %get3A_35] : memref<128x128xf32, #tpu.memory_space<vmem>>, vector<128x128xf32>
    %dot_general3A_37 = arith.constant dense<0.000000e+00> : vector<1000x128xf32>
    %dot_general3A_38 = tpu.matmul %max3A_33, %get3A_36, %dot_general3A_37 {dimension_numbers = #tpu.dot_dimension_numbers<[1], [0], [0], [1], [0, 0, 1, 1], [], []>, transpose_lhs_hint = false} : vector<1000x128xf32>, vector<128x128xf32>, vector<1000x128xf32> -> vector<1000x128xf32>
    %get3A_39 = arith.constant 0 : index
    %get3A_40 = arith.constant 0 : index
    %get3A_41 = vector.load %arg7[%get3A_39, %get3A_40] : memref<1x128xf32, #tpu.memory_space<vmem>>, vector<1x128xf32>
    %add3A_42 = vector.broadcast %get3A_41 : vector<1x128xf32> to vector<1000x128xf32>
    %add3A_43 = arith.addf %dot_general3A_38, %add3A_42 : vector<1000x128xf32>
    %swap3A = arith.constant 0 : index
    %swap3A_44 = arith.constant 0 : index
    %swap3A_45 = vector.load %arg8[%swap3A, %swap3A_44] : memref<1000x128xf32, #tpu.memory_space<vmem>>, vector<1000x128xf32>
    tpu.vector_store %arg8[%swap3A, %swap3A_44], %add3A_43 {strides = array<i32>} : memref<1000x128xf32, #tpu.memory_space<vmem>>, vector<1000x128xf32>,
    return
  }
  func.func @transform_0(%arg0: i32) -> (i32, i32, i32) {
    %c0_i32 = arith.constant 0 : i32
    %c0_i32_0 = arith.constant 0 : i32
    %c0_i32_1 = arith.constant 0 : i32
    return %c0_i32, %arg0, %c0_i32_0 : i32, i32, i32
  }
  func.func @transform_1(%arg0: i32) -> (i32, i32) {
    %c0_i32 = arith.constant 0 : i32
    %c0_i32_0 = arith.constant 0 : i32
    return %arg0, %c0_i32 : i32, i32
  }
  func.func @transform_2(%arg0: i32) -> (i32, i32) {
    %c0_i32 = arith.constant 0 : i32
    %c0_i32_0 = arith.constant 0 : i32
    return %arg0, %c0_i32 : i32, i32
  }
  func.func @transform_3(%arg0: i32) -> (i32, i32) {
    %c0_i32 = arith.constant 0 : i32
    %c0_i32_0 = arith.constant 0 : i32
    %c0_i32_1 = arith.constant 0 : i32
    return %c0_i32, %c0_i32_0 : i32, i32
  }
  func.func @transform_4(%arg0: i32) -> (i32, i32) {
    %c0_i32 = arith.constant 0 : i32
    %c0_i32_0 = arith.constant 0 : i32
    %c0_i32_1 = arith.constant 0 : i32
    return %c0_i32, %c0_i32_0 : i32, i32
  }
  func.func @transform_5(%arg0: i32) -> (i32, i32) {
    %c0_i32 = arith.constant 0 : i32
    %c0_i32_0 = arith.constant 0 : i32
    %c0_i32_1 = arith.constant 0 : i32
    return %c0_i32, %c0_i32_0 : i32, i32
  }
  func.func @transform_6(%arg0: i32) -> (i32, i32) {
    %c0_i32 = arith.constant 0 : i32
    %c0_i32_0 = arith.constant 0 : i32
    %c0_i32_1 = arith.constant 0 : i32
    return %c0_i32, %c0_i32_0 : i32, i32
  }
  func.func @transform_7(%arg0: i32) -> (i32, i32) {
    %c0_i32 = arith.constant 0 : i32
    %c0_i32_0 = arith.constant 0 : i32
    return %arg0, %c0_i32 : i32, i32
  }
}

module attributes {stable_mosaic.version = 14 : i64} {
  func.func @_tc_c(%arg0: i32, %arg1: memref<2x1000x128xf32, #tpu.memory_space<vmem>>, %arg2: memref<1000x32xf32, #tpu.memory_space<vmem>>, %arg3: memref<1000x128xf32, #tpu.memory_space<vmem>>, %arg4: memref<128x64xf32, #tpu.memory_space<vmem>>, %arg5: memref<1x64xf32, #tpu.memory_space<vmem>>, %arg6: memref<128x64xf32, #tpu.memory_space<vmem>>, %arg7: memref<1000x64xf32, #tpu.memory_space<vmem>>) attributes {dimension_semantics = [#tpu.dimension_semantics<arbitrary>], iteration_bounds = array<i64: 10>, scalar_prefetch = 0 : i64, scratch_operands = 0 : i64, tpu.core_type = #tpu.core_type<tc>, window_params = [{transform_indices = @transform_0, window_bounds = array<i64: 2, 1000, 128>}, {transform_indices = @transform_1, window_bounds = array<i64: 1000, 32>}, {transform_indices = @transform_2, window_bounds = array<i64: 1000, 128>}, {pipeline_mode = #tpu.pipeline_mode<synchronous>, transform_indices = @transform_3, window_bounds = array<i64: 128, 64>}, {pipeline_mode = #tpu.pipeline_mode<synchronous>, transform_indices = @transform_4, window_bounds = array<i64: 1, 64>}, {pipeline_mode = #tpu.pipeline_mode<synchronous>, transform_indices = @transform_5, window_bounds = array<i64: 128, 64>}, {transform_indices = @transform_6, window_bounds = array<i64: 1000, 64>}]} {
    %get3A = arith.constant 0 : index
    %get3A_0 = arith.constant 0 : index
    %get3A_1 = arith.constant 0 : index
    %get3A_2 = vector.load %arg1[%get3A, %get3A_0, %get3A_1] : memref<2x1000x128xf32, #tpu.memory_space<vmem>>, vector<1x1000x128xf32>
    %get3A_3 = vector.shape_cast %get3A_2 : vector<1x1000x128xf32> to vector<1000x128xf32>
    %get3A_4 = arith.constant 1 : index
    %get3A_5 = arith.constant 0 : index
    %get3A_6 = arith.constant 0 : index
    %get3A_7 = vector.load %arg1[%get3A_4, %get3A_5, %get3A_6] : memref<2x1000x128xf32, #tpu.memory_space<vmem>>, vector<1x1000x128xf32>
    %get3A_8 = vector.shape_cast %get3A_7 : vector<1x1000x128xf32> to vector<1000x128xf32>
    %add3A = arith.addf %get3A_3, %get3A_8 : vector<1000x128xf32>
    %get3A_9 = arith.constant 0 : index
    %get3A_10 = arith.constant 0 : index
    %get3A_11 = vector.load %arg2[%get3A_9, %get3A_10] : memref<1000x32xf32, #tpu.memory_space<vmem>>, vector<1000x32xf32>
    %reduce_sum3A = arith.constant dense<0.000000e+00> : vector<1000xf32>
    %reduce_sum3A_12 = vector.multi_reduction <add>, %get3A_11, %reduce_sum3A [1] : vector<1000x32xf32> to vector<1000xf32>
    %broadcast_in_dim3A = vector.shape_cast %reduce_sum3A_12 : vector<1000xf32> to vector<1000x1xf32>
    %max3A = arith.constant 1.000000e+00 : f32
    %max3A_13 = vector.broadcast %max3A : f32 to vector<1000x1xf32>
    %max3A_14 = arith.maximumf %broadcast_in_dim3A, %max3A_13 : vector<1000x1xf32>
    %div3A = arith.constant 1.000000e+00 : f32
    %div3A_15 = vector.broadcast %div3A : f32 to vector<1000x1xf32>
    %div3A_16 = arith.divf %div3A_15, %max3A_14 : vector<1000x1xf32>
    %mul3A = vector.broadcast %div3A_16 : vector<1000x1xf32> to vector<1000x128xf32>
    %mul3A_17 = arith.mulf %add3A, %mul3A : vector<1000x128xf32>
    %get3A_18 = arith.constant 0 : index
    %get3A_19 = arith.constant 0 : index
    %get3A_20 = vector.load %arg4[%get3A_18, %get3A_19] : memref<128x64xf32, #tpu.memory_space<vmem>>, vector<128x64xf32>
    %dot_general3A = arith.constant dense<0.000000e+00> : vector<1000x64xf32>
    %dot_general3A_21 = tpu.matmul %mul3A_17, %get3A_20, %dot_general3A {dimension_numbers = #tpu.dot_dimension_numbers<[1], [0], [0], [1], [0, 0, 1, 1], [], []>, transpose_lhs_hint = false} : vector<1000x128xf32>, vector<128x64xf32>, vector<1000x64xf32> -> vector<1000x64xf32>
    %get3A_22 = arith.constant 0 : index
    %get3A_23 = arith.constant 0 : index
    %get3A_24 = vector.load %arg5[%get3A_22, %get3A_23] : memref<1x64xf32, #tpu.memory_space<vmem>>, vector<1x64xf32>
    %add3A_25 = vector.broadcast %get3A_24 : vector<1x64xf32> to vector<1000x64xf32>
    %add3A_26 = arith.addf %dot_general3A_21, %add3A_25 : vector<1000x64xf32>
    %get3A_27 = arith.constant 0 : index
    %get3A_28 = arith.constant 0 : index
    %get3A_29 = vector.load %arg3[%get3A_27, %get3A_28] : memref<1000x128xf32, #tpu.memory_space<vmem>>, vector<1000x128xf32>
    %get3A_30 = arith.constant 0 : index
    %get3A_31 = arith.constant 0 : index
    %get3A_32 = vector.load %arg6[%get3A_30, %get3A_31] : memref<128x64xf32, #tpu.memory_space<vmem>>, vector<128x64xf32>
    %dot_general3A_33 = arith.constant dense<0.000000e+00> : vector<1000x64xf32>
    %dot_general3A_34 = tpu.matmul %get3A_29, %get3A_32, %dot_general3A_33 {dimension_numbers = #tpu.dot_dimension_numbers<[1], [0], [0], [1], [0, 0, 1, 1], [], []>, transpose_lhs_hint = false} : vector<1000x128xf32>, vector<128x64xf32>, vector<1000x64xf32> -> vector<1000x64xf32>
    %add3A_35 = arith.addf %add3A_26, %dot_general3A_34 : vector<1000x64xf32>
    %swap3A = arith.constant 0 : index
    %swap3A_36 = arith.constant 0 : index
    %swap3A_37 = vector.load %arg7[%swap3A, %swap3A_36] : memref<1000x64xf32, #tpu.memory_space<vmem>>, vector<1000x64xf32>
    tpu.vector_store %arg7[%swap3A, %swap3A_36], %add3A_35 {strides = array<i32>} : memref<1000x64xf32, #tpu.memory_space<vmem>>, vector<1000x64xf32>,
    return
  }
  func.func @transform_0(%arg0: i32) -> (i32, i32, i32) {
    %c0_i32 = arith.constant 0 : i32
    %c0_i32_0 = arith.constant 0 : i32
    %c0_i32_1 = arith.constant 0 : i32
    return %c0_i32, %arg0, %c0_i32_0 : i32, i32, i32
  }
  func.func @transform_1(%arg0: i32) -> (i32, i32) {
    %c0_i32 = arith.constant 0 : i32
    %c0_i32_0 = arith.constant 0 : i32
    return %arg0, %c0_i32 : i32, i32
  }
  func.func @transform_2(%arg0: i32) -> (i32, i32) {
    %c0_i32 = arith.constant 0 : i32
    %c0_i32_0 = arith.constant 0 : i32
    return %arg0, %c0_i32 : i32, i32
  }
  func.func @transform_3(%arg0: i32) -> (i32, i32) {
    %c0_i32 = arith.constant 0 : i32
    %c0_i32_0 = arith.constant 0 : i32
    %c0_i32_1 = arith.constant 0 : i32
    return %c0_i32, %c0_i32_0 : i32, i32
  }
  func.func @transform_4(%arg0: i32) -> (i32, i32) {
    %c0_i32 = arith.constant 0 : i32
    %c0_i32_0 = arith.constant 0 : i32
    %c0_i32_1 = arith.constant 0 : i32
    return %c0_i32, %c0_i32_0 : i32, i32
  }
  func.func @transform_5(%arg0: i32) -> (i32, i32) {
    %c0_i32 = arith.constant 0 : i32
    %c0_i32_0 = arith.constant 0 : i32
    %c0_i32_1 = arith.constant 0 : i32
    return %c0_i32, %c0_i32_0 : i32, i32
  }
  func.func @transform_6(%arg0: i32) -> (i32, i32) {
    %c0_i32 = arith.constant 0 : i32
    %c0_i32_0 = arith.constant 0 : i32
    return %arg0, %c0_i32 : i32, i32
  }
}

</mosaic_0001>

<sc_bundles>
// kernel: kernel.11.cloned.1.call-start
scs
__scs_entry_jumppad:
0x0: {  	(pc) =	sbr.rel $0x88, $3  }
0x1: {  	(tag) =	ssettag $0x0;
	lr =	simm.s32 $0x1  }
0x2: {  	[smem:$0x3F94] =	sst lr;
	_ =	strace $0xD0000000  }
0x3: {  	_ = 	snop  }
0x4: {  	_ = 	snop  }
0x5: {  	_ = 	snop  }
0x6: {  	_ = 	snop  }
0x7: {  	_ = 	snop  }
__scs_overlays_trampoline_lowered:
0x8: {  	[smem:$0x3FA3] =	sst s0  }
0x9: {  	[smem:$0x3FA4] =	sst s1  }
0xa: {  	[smem:$0x3FA5] =	sst s2  }
0xb: {  	[smem:$0x3FA6] =	sst s3  }
0xc: {  	[smem:$0x3FA7] =	sst s4  }
0xd: {  	[smem:$0x3FA8] =	sst s5  }
0xe: {  	[smem:$0x3FA9] =	sst s6  }
0xf: {  	[smem:$0x3FAA] =	sst s7  }
0x10: {  	[smem:$0x3FAB] =	sst s8  }
0x11: {  	[smem:$0x3FAC] =	sst s9;
	s0 =	simm.s32 @!p0 $0x0  }
0x12: {  	s1 =	sld [smem:$0x3F92];
	s0 =	simm.s32 @p0 $0x1  }
0x13: {  	[smem:$0x3FAD] =	sst s0;
	s0 =	simm.s32 @!p1 $0x0  }
0x14: {  	s2 =	sld [smem:$0x3F91];
	s0 =	simm.s32 @p1 $0x1  }
0x15: {  	[smem:$0x3FAE] =	sst s0;
	s0 =	simm.s32 @!p2 $0x0  }
0x16: {  	s3 =	sld [smem:$0x3FDB];
	s0 =	simm.s32 @p2 $0x1  }
0x17: {  	s4 =	simm.s32 $0x1BF5;
	[smem:$0x3FB0] =	sst s0  }
0x18: {  	s0 =	sld [smem:$0x3F93];
	_ =	swait.ge [sflag:s4], $0x0  }
0x19: {  	s7 =	sld [smem:$0x3F94]  }
0x1a: {  	s8 =	sadd.s32 $0xFFFFE003, lr  }
0x1b: {  	s9 =	sadd.s32 $0xFFFFFEF7, lr;
	s5 =	simm.s32 $0xFFFFFFFF;
	p2 =	slt.u32 s8, $0xFFFFF086  }
0x1c: {  	p1 =	slt.u32 s9, $0xF7A;
	s5 =	simm.s32 @!p2 $0x0  }
0x1d: {  	s5 =	simm.s32 @p1 $0x1;
	p0 =	seq.s32 s7, s2  }
0x1e: {  	s7 =	smul.u32 @!p0 $0xF7A, s2;
	p2 =	seq.s32 @!p0 s5, $0x0  }
0x1f: {  	s9 =	smul.u32 $0xF7A, s1;
	s8 =	simm.s32 @!p0 $0x1BF5;
	p2 =	por !p2, p0  }
0x20: {  	[sflag:s8] =	ssyncset.s32 @!p0 $0xFFFFF086;
	s6 =	sadd.s32 @!p0 s3, s7;
	s7 =	simm.s32 @!p0 $0x108  }
0x21: {  	s3 =	sadd.s32 s3, s9;
	s6 =	sadd.s32 @!p0 $0x88, s6;
	s7 =	simm.s32 @p2 $0x1082  }
0x22: {  	[simem:s7], [sflag:s8] =	dma.local @!p0 [hbm:s6], $0xF7A  }
0x23: {  	s9 =	sor.u32 $0xD0000000, s2;
	s6 =	simm.s32 $0x108;
	_ =	swait.ge @!p0 [sflag:s8], $0x0  }
0x24: {  	s3 =	sadd.s32 $0x88, s3;
	s6 =	simm.s32 @!p1 $0x1082;
	[sflag:s4] =	ssyncset.s32 $0xFFFFF086  }
0x25: {  	[simem:s6], [sflag:s4] =	dma.local [hbm:s3], $0xF7A  }
0x26: {  	[smem:$0x3F94] =	sst s1;
	(tag) =	ssettag s2;
	_ =	strace s9  }
0x27: {  	s1 =	sld [smem:$0x3FA4]  }
0x28: {  	s2 =	sld [smem:$0x3FA5]  }
0x29: {  	s4 =	sld [smem:$0x3FA7]  }
0x2a: {  	p0 =	seq.s32 s5, $0x0;
	s5 =	sld [smem:$0x3FA8]  }
0x2b: {  	s6 =	sld [smem:$0x3FA9]  }
0x2c: {  	s7 =	sld [smem:$0x3FAA]  }
0x2d: {  	s3 =	simm.s32 $0x108;
	s8 =	sld [smem:$0x3FAB]  }
0x2e: {  	s3 =	simm.s32 @!p0 $0x1082;
	s9 =	sld [smem:$0x3FAC]  }
0x2f: {  	lr =	sadd.s32 s0, s3;
	s0 =	sld [smem:$0x3FA3]  }
0x30: {  	s3 =	sld [smem:$0x3FA6]  }
0x31: {  	[smem:$0x3FAF] =	sst s10  }
0x32: {  	s10 =	sld [smem:$0x3FAD];
	_ =	sdelay $0x3  }
0x33: {  	p0 =	seq.s32 s10, $0x1;
	s10 =	sld [smem:$0x3FAF];
	_ =	sdelay $0x3  }
0x34: {  	[smem:$0x3FAF] =	sst s10  }
0x35: {  	s10 =	sld [smem:$0x3FAE];
	_ =	sdelay $0x3  }
0x36: {  	p1 =	seq.s32 s10, $0x1;
	s10 =	sld [smem:$0x3FAF];
	_ =	sdelay $0x3  }
0x37: {  	[smem:$0x3FAF] =	sst s10  }
0x38: {  	s10 =	sld [smem:$0x3FB0]  }
0x39: {  	_ = 	snop;
	(pc) =	sbr.ind lr, $3  }
0x3a: {  	_ = 	snop  }
0x3b: {  	_ = 	snop  }
0x3c: {  	p2 =	seq.s32 s10, $0x1;
	s10 =	sld [smem:$0x3FAF]  }
0x3d: {  	_ =	shalt  }
0x3e: {  	_ =	shalt  }
0x3f: {  	_ =	shalt  }
0x40: {  	_ =	shalt  }
0x41: {  	_ =	shalt  }
0x42: {  	_ =	shalt  }
0x43: {  	_ =	shalt  }
0x44: {  	_ =	shalt  }
0x45: {  	_ =	shalt  }
0x46: {  	_ =	shalt  }
0x47: {  	_ =	shalt  }
0x48: {  	_ =	shalt  }
0x49: {  	_ =	shalt  }
0x4a: {  	_ =	shalt  }
0x4b: {  	_ =	shalt  }
0x4c: {  	_ =	shalt  }
0x4d: {  	_ =	shalt  }
0x4e: {  	_ =	shalt  }
0x4f: {  	_ =	shalt  }
0x50: {  	_ =	shalt  }
0x51: {  	_ =	shalt  }
0x52: {  	_ =	shalt  }
0x53: {  	_ =	shalt  }
0x54: {  	_ =	shalt  }
0x55: {  	_ =	shalt  }
0x56: {  	_ =	shalt  }
0x57: {  	_ =	shalt  }
0x58: {  	_ =	shalt  }
0x59: {  	_ =	shalt  }
0x5a: {  	_ =	shalt  }
0x5b: {  	_ =	shalt  }
0x5c: {  	_ =	shalt  }
0x5d: {  	_ =	shalt  }
0x5e: {  	_ =	shalt  }
0x5f: {  	_ =	shalt  }
0x60: {  	_ =	shalt  }
0x61: {  	_ =	shalt  }
0x62: {  	_ =	shalt  }
0x63: {  	_ =	shalt  }
0x64: {  	_ =	shalt  }
0x65: {  	_ =	shalt  }
0x66: {  	_ =	shalt  }
0x67: {  	_ =	shalt  }
0x68: {  	_ =	shalt  }
0x69: {  	_ =	shalt  }
0x6a: {  	_ =	shalt  }
0x6b: {  	_ =	shalt  }
0x6c: {  	_ =	shalt  }
0x6d: {  	_ =	shalt  }
0x6e: {  	_ =	shalt  }
0x6f: {  	_ =	shalt  }
0x70: {  	_ =	shalt  }
0x71: {  	_ =	shalt  }
0x72: {  	_ =	shalt  }
0x73: {  	_ =	shalt  }
0x74: {  	_ =	shalt  }
0x75: {  	_ =	shalt  }
0x76: {  	_ =	shalt  }
0x77: {  	_ =	shalt  }
0x78: {  	_ =	shalt  }
0x79: {  	_ =	shalt  }
0x7a: {  	_ =	shalt  }
0x7b: {  	_ =	shalt  }
0x7c: {  	_ =	shalt  }
0x7d: {  	_ =	shalt  }
0x7e: {  	_ =	shalt  }
0x7f: {  	_ =	shalt  }
0x80: {  	_ =	shalt  }
0x81: {  	_ =	shalt  }
0x82: {  	_ =	shalt  }
0x83: {  	_ =	shalt  }
0x84: {  	_ =	shalt  }
0x85: {  	_ =	shalt  }
0x86: {  	_ =	shalt  }
0x87: {  	_ =	shalt  }
.Lfunc_end0:
.L_simem_size_0:
called_computation.1_lowered:
.L_overlay_start_0:
0x88: {  	s2 =	sld [smem:$0x3FD9]  }
0x89: {  	s3 =	sld [smem:$0x3FFE];
	_ =	sdelay $0x1  }
0x8a: {  	s1 =	srdreg.scid  }
0x8b: {  	s0 =	sand.u32 $0x1, s1  }
0x8c: {  	s17 =	sshll.u32 s0, $0xA;
	s2 =	sadd.s32 s3, s2  }
0x8d: {  	s2 =	sadd.s32 s2, s17  }
0x8e: {  	[smem:$0x3FBB] =	sst s2  }
0x8f: {  	_ = 	snop  }
0x90: {  	s2 =	sld [smem:$0x3FD0];
	(tm) =	ssettm $0x1  }
0x91: {  	s18 =	sld [smem:$0x3FFB];
	_ =	sdelay $0x3  }
0x92: {  	_ =	strace s18  }
0x93: {  	s3 =	sld [smem:$0x3FFC];
	_ =	sdelay $0x3  }
0x94: {  	_ =	strace s3  }
0x95: {  	s3 =	sld [smem:$0x3FFD];
	_ =	sdelay $0x3  }
0x96: {  	_ =	strace s3  }
0x97: {  	_ =	strace $0x8FFFFFFF  }
0x98: {  	s19 =	sld [smem:$0x3FDB];
	_ =	sdelay $0x1  }
0x99: {  	s4 =	simm.s32 $_scs_section_size  }
0x9a: {  	s5 =	simm.s32 $_size__tile_overlayer_lowered;
	s6 =	simm.s32 $_tile_overlayer_lowered  }
0x9b: {  	s22 =	simm.s32 $0x1BFF;
	s21 =	sshll.u32 s6, $0x1;
	s3 =	sadd.s32 s4, s19  }
0x9c: {  	s7 =	simm.s32 $0x0;
	s20 =	sshll.u32 s5, $0x1;
	s5 =	sadd.s32 s21, s3  }
0x9d: {  	[timem:s7], [sflag:s22] =	dma.local [hbm:s5], s20  }
0x9e: {  	_ =	swait.ge [sflag:s22], s20  }
0x9f: {  	s4 =	ssub.s32 $0x0, s20;
	[sflag:s22] =	ssyncset.done $0x0  }
0xa0: {  	[sflag:s22] =	ssyncadd.s32 s4;
	_ =	sdelay $0x1  }
0xa1: {  	s23 =	simm.s32 $0x1B8B  }
0xa2: {  	_ =	swait.ge [sflag:s23], $0x1  }
0xa3: {  	[sflag:s23] =	ssyncset.done $0x0  }
0xa4: {  	s25 =	simm.s32 $0x1B8E;
	s24 =	sld [smem:$0x3FFE];
	[sflag:s23] =	ssyncadd.s32 $0xFFFFFFFF  }
0xa5: {  	s26 =	simm.s32 $execute0_lowered;
	[smem:$0x3FD2] =	sst s25  }
0xa6: {  	s5 =	sshll.u32 s26, $0x1;
	_ =	strace $0x80000049;
	[dreg:$0x1] =	wrdreg $0xFFFFFFFF  }
0xa7: {  	s28 =	simm.s32 $_size_execute0_lowered;
	s3 =	sadd.s32 s3, s5;
	[dreg:$0x0] =	wrdreg $0x0  }
0xa8: {  	s5 =	sshll.u32 s28, $0x1;
	[dreg:$0x2] =	wrdreg s3  }
0xa9: {  	[dreg:$0x3] =	wrdreg s5  }
0xaa: {  	[dreg:$0x4] =	wrdreg $0xC0  }
0xab: {  	_ =	task [dreg:s7], $0x5FFFF  }
0xac: {  	[dreg:$0x1] =	wrdreg $0xFFFFFFFF  }
0xad: {  	[dreg:$0x0] =	wrdreg $0x60  }
0xae: {  	[dreg:$0x2] =	wrdreg s24  }
0xaf: {  	[dreg:$0x3] =	wrdreg s2  }
0xb0: {  	[dreg:$0x4] =	wrdreg $0x88000  }
0xb1: {  	[dreg:$0x5] =	wrdreg $0x9  }
0xb2: {  	_ =	task.clear_ibuf [dreg:s7], $0x6FFFF;
	_ =	strace $0x90000049  }
0xb3: {  	s29 =	simm.s32 $0x9;
	_ =	strace $0x8000004B  }
0xb4: {  	_ =	swait.ge [sflag:s29], $0x1  }
0xb5: {  	[sflag:s29] =	ssyncadd.s32 $0xFFFFFFFF  }
0xb6: {  	_ =	strace $0x9000004B  }
0xb7: {  	_ =	sfence  }
0xb8: {  	s30 =	sld [smem:$0x0];
	_ =	sdelay $0x2  }
0xb9: {  	s31 =	sshll.u32 s1, $0xD;
	s1 =	sshrl.u32 s1, $0x2  }
0xba: {  	s3 =	sand.u32 $0x4000, s31;
	s1 =	sadd.s32 s1, s30  }
0xbb: {  	s0 =	sor.u32 s3, s0;
	s1 =	sshll.u32 s1, $0x11  }
0xbc: {  	s0 =	sor.u32 s1, s0  }
0xbd: {  	s0 =	sadd.s32 $0x8F2B, s0  }
0xbe: {  	[sflag:s0] =	ssyncadd.remote.s32 $0x1  }
0xbf: {  	_ =	sfence.sel $0xFFFF  }
0xc0: {  	[dreg:$0x0] =	wrdreg $0xFFFFFFFF;
	(pc) =	sbr.abs _section_cstart, $3  }
0xc1: {  	[dreg:$0x1] =	wrdreg $0xFFFFFFFF  }
0xc2: {  	_ =	task.clear_ibuf [dreg:s7], $0x2FFFF;
	_ =	strace $0x9FFFFFFF  }
0xc3: {  	(tm) =	ssettm $0x7FFFFFFF  }
tec
execute0_lowered:
.L_overlay_start_1:
0x0: {  	(tag) =	ssettag $0x1  }
0x1: {  	s0 =	rddreg [dreg:$0x0]  }
0x2: {  	s1 =	srdreg.scid;
	s5 =	rddreg [dreg:$0x1]  }
0x3: {  	s12 =	stileid.u32;
	s2 =	rddreg [dreg:$0x2]  }
0x4: {  	s3 =	simm.s32 $0x0;
	s13 =	simm.s32 $0x400;
	s14 =	simm.s32 $0x80  }
0x5: {  	s15 =	simm.s32 $0x800;
	s16 =	simm.s32 $0x4800;
	s17 =	simm.s32 $0x1  }
0x6: {  	s18 =	simm.s32 $0x100;
	s19 =	simm.s32 $0x2;
	s20 =	simm.s32 $0x480  }
0x7: {  	s28 =	simm.s32 $0x300;
	s29 =	simm.s32 $0x680;
	s6 =	smul.u32 $0x50, s12  }
0x8: {  	s30 =	simm.s32 $0x380;
	s31 =	simm.s32 $0x700;
	s21 =	smul.u32 $0x13C00, s12  }
0x9: {  	s1 =	sand.u32 $0x1, s1;
	[smem:$0x7FF] =	sst s3;
	s22 =	smul.u32 $0x4F000, s12  }
0xa: {  	s25 =	sshll.u32 s12, $0x6;
	s12 =	simm.s32 $0x3;
	s4 =	smul.u32 $0x500, s1  }
0xb: {  	_ =	strace $0x8000004A;
	s8 =	smul.u32 $0x13C000, s1;
	s1 =	ssub.s32 $0x2, s1  }
0xc: {  	s10 =	sshrl.u32 s21, $0x3;
	s11 =	sshrl.u32 s1, $0x1;
	s23 =	sshrl.u32 s22, $0x2  }
0xd: {  	s22 =	simm.s32 $0x500;
	s4 =	sadd.s32 s6, s4;
	s6 =	sadd.s32 s21, s8  }
0xe: {  	s10 =	sadd.s32 s10, s0;
	s1 =	ssub.s32 s1, s11;
	s8 =	sadd.s32 s23, s2  }
0xf: {  	s21 =	simm.s32 $0x180;
	s23 =	simm.s32 $0x200;
	s7 =	sshll.u32 s4, $0x4  }
0x10: {  	s4 =	sadd.s32 $0x35400, s0;
	s6 =	sshrl.u32 s6, $0x3;
	s24 =	sadd.s32 $0xDC00, s10  }
0x11: {  	s26 =	smax.u32 s1, $0x1;
	s1 =	simm.s32 $0x780;
	s9 =	sadd.s32 s7, s0  }
0x12: {  	s0 =	sadd.s32 s6, s0;
	[dreg:$0x4] =	wrdreg s24;
	s6 =	sor.u32 $0x1C03, s25  }
0x13: {  	[dreg:$0x7] =	wrdreg s26;
	s10 =	sadd.s32 s7, s5;
	s7 =	sshrl.u32 s8, $0x3  }
0x14: {  	s24 =	simm.s32 $0x580;
	s25 =	simm.s32 $0x280;
	[dreg:$0x5] =	wrdreg s6  }
0x15: {  	s26 =	simm.s32 $0x600;
	s0 =	sadd.s32 $0xDC400, s0;
	[dreg:$0x8] =	wrdreg s7  }
0x16: {  	s9 =	sadd.s32 $0x3C00, s9;
	[dreg:$0x6] =	wrdreg s0;
	s0 =	simm.s32 $0x0  }
.LBB2_1:
0x17: {  	s5 =	rddreg [dreg:$0x4]  }
0x18: {  	[spmem:s7], [sflag:s6] =	dma.local [hbm:s5], $0x2780  }
0x19: {  	_ =	swait.ge [sflag:s12], $0x2780  }
0x1a: {  	[sflag:s12] =	ssyncset.done $0x0  }
0x1b: {  	[sflag:s12] =	ssyncadd.s32 $0xFFFFD880  }
0x1c: {  	s8 =	sadd.s32 $0x0, s10;
	[bflag:$0x0] =	sbarrier.arrive $0xFFFF  }
0x1d: {  	[tilespmem:s3], [sflag:$0x3] =	stream.linear.gather [hbm4b:s8+s3], $0x400, $0x38;
	[tilespmem:$0x1C400] =	vst v63  }
0x1e: {  	_ =	swait.ge [sflag:s12], $0x400  }
0x1f: {  	[sflag:s12] =	ssyncset.done $0x0  }
0x20: {  	s11 =	sadd.s32 $0x0, s9;
	[sflag:s12] =	ssyncadd.s32 $0xFFFFFC00  }
0x21: {  	[tilespmem:s13], [sflag:$0x3] =	stream.linear.gather [hbm4b:s11+s3], $0x400, $0x38;
	[tilespmem:$0x1C400] =	vst v63  }
0x22: {  	_ =	swait.ge [sflag:s12], $0x400  }
0x23: {  	[sflag:s12] =	ssyncset.done $0x0  }
0x24: {  	[sflag:s12] =	ssyncadd.s32 $0xFFFFFC00  }
0x25: {  	[tilespmem:s15], [sflag:$0x1] =	stream.indirect.gather [hbm4b:s4+s14], $0x80, s3, s14, $0xb8;
	[tilespmem:$0x1C400] =	vst v63  }
0x26: {  	_ = 	snop  }
0x27: {  	[tilespmem:s16], [sflag:$0x2] =	stream.indirect.gather [hbm4b:s4+s14], $0x80, s14, s14, $0xb8;
	[tilespmem:$0x1C400] =	vst v63  }
0x28: {  	_ =	swait.ge [sflag:s17], $0x4000  }
0x29: {  	[sflag:s17] =	ssyncset.done $0x0  }
0x2a: {  	[sflag:s17] =	ssyncadd.s32 $0xFFFFC000  }
0x2b: {  	[spmem:s2] =	stream.indirect.scatter.add.f32 [tilespmem:s15], [sflag:$0x3], $0x80, s13, s14, $0xb8;
	[tilespmem:$0x1C400] =	vst v63  }
0x2c: {  	_ =	swait.ge [sflag:s12], $0x4000  }
0x2d: {  	[sflag:s12] =	ssyncset.done $0x0  }
0x2e: {  	[sflag:s12] =	ssyncadd.s32 $0xFFFFC000  }
0x2f: {  	[tilespmem:s15], [sflag:$0x1] =	stream.indirect.gather [hbm4b:s4+s14], $0x80, s18, s14, $0xb8;
	[tilespmem:$0x1C400] =	vst v63  }
0x30: {  	_ =	swait.ge [sflag:s19], $0x4000  }
0x31: {  	[sflag:s19] =	ssyncset.done $0x0  }
0x32: {  	[sflag:s19] =	ssyncadd.s32 $0xFFFFC000  }
0x33: {  	[spmem:s2] =	stream.indirect.scatter.add.f32 [tilespmem:s16], [sflag:$0x3], $0x80, s20, s14, $0xb8;
	[tilespmem:$0x1C400] =	vst v63  }
0x34: {  	_ =	swait.ge [sflag:s12], $0x4000  }
0x35: {  	[sflag:s12] =	ssyncset.done $0x0  }
0x36: {  	[sflag:s12] =	ssyncadd.s32 $0xFFFFC000  }
0x37: {  	[tilespmem:s16], [sflag:$0x2] =	stream.indirect.gather [hbm4b:s4+s14], $0x80, s21, s14, $0xb8;
	[tilespmem:$0x1C400] =	vst v63  }
0x38: {  	_ =	swait.ge [sflag:s17], $0x4000  }
0x39: {  	[sflag:s17] =	ssyncset.done $0x0  }
0x3a: {  	[sflag:s17] =	ssyncadd.s32 $0xFFFFC000  }
0x3b: {  	[spmem:s2] =	stream.indirect.scatter.add.f32 [tilespmem:s15], [sflag:$0x3], $0x80, s22, s14, $0xb8;
	[tilespmem:$0x1C400] =	vst v63  }
0x3c: {  	_ =	swait.ge [sflag:s12], $0x4000  }
0x3d: {  	[sflag:s12] =	ssyncset.done $0x0  }
0x3e: {  	[sflag:s12] =	ssyncadd.s32 $0xFFFFC000  }
0x3f: {  	[tilespmem:s15], [sflag:$0x1] =	stream.indirect.gather [hbm4b:s4+s14], $0x80, s23, s14, $0xb8;
	[tilespmem:$0x1C400] =	vst v63  }
0x40: {  	_ =	swait.ge [sflag:s19], $0x4000  }
0x41: {  	[sflag:s19] =	ssyncset.done $0x0  }
0x42: {  	[sflag:s19] =	ssyncadd.s32 $0xFFFFC000  }
0x43: {  	[spmem:s2] =	stream.indirect.scatter.add.f32 [tilespmem:s16], [sflag:$0x3], $0x80, s24, s14, $0xb8;
	[tilespmem:$0x1C400] =	vst v63  }
0x44: {  	_ =	swait.ge [sflag:s12], $0x4000  }
0x45: {  	[sflag:s12] =	ssyncset.done $0x0  }
0x46: {  	[sflag:s12] =	ssyncadd.s32 $0xFFFFC000  }
0x47: {  	[tilespmem:s16], [sflag:$0x2] =	stream.indirect.gather [hbm4b:s4+s14], $0x80, s25, s14, $0xb8;
	[tilespmem:$0x1C400] =	vst v63  }
0x48: {  	_ =	swait.ge [sflag:s17], $0x4000  }
0x49: {  	[sflag:s17] =	ssyncset.done $0x0  }
0x4a: {  	[sflag:s17] =	ssyncadd.s32 $0xFFFFC000  }
0x4b: {  	[spmem:s2] =	stream.indirect.scatter.add.f32 [tilespmem:s15], [sflag:$0x3], $0x80, s26, s14, $0xb8;
	[tilespmem:$0x1C400] =	vst v63  }
0x4c: {  	_ =	swait.ge [sflag:s12], $0x4000  }
0x4d: {  	[sflag:s12] =	ssyncset.done $0x0  }
0x4e: {  	[sflag:s12] =	ssyncadd.s32 $0xFFFFC000  }
0x4f: {  	[tilespmem:s15], [sflag:$0x1] =	stream.indirect.gather [hbm4b:s4+s14], $0x80, s28, s14, $0xb8;
	[tilespmem:$0x1C400] =	vst v63  }
0x50: {  	_ =	swait.ge [sflag:s19], $0x4000  }
0x51: {  	[sflag:s19] =	ssyncset.done $0x0  }
0x52: {  	[sflag:s19] =	ssyncadd.s32 $0xFFFFC000  }
0x53: {  	[spmem:s2] =	stream.indirect.scatter.add.f32 [tilespmem:s16], [sflag:$0x3], $0x80, s29, s14, $0xb8;
	[tilespmem:$0x1C400] =	vst v63  }
0x54: {  	_ =	swait.ge [sflag:s12], $0x4000  }
0x55: {  	[sflag:s12] =	ssyncset.done $0x0  }
0x56: {  	[sflag:s12] =	ssyncadd.s32 $0xFFFFC000  }
0x57: {  	[tilespmem:s16], [sflag:$0x2] =	stream.indirect.gather [hbm4b:s4+s14], $0x80, s30, s14, $0xb8;
	[tilespmem:$0x1C400] =	vst v63  }
0x58: {  	_ =	swait.ge [sflag:s17], $0x4000  }
0x59: {  	[sflag:s17] =	ssyncset.done $0x0  }
0x5a: {  	[sflag:s17] =	ssyncadd.s32 $0xFFFFC000  }
0x5b: {  	[spmem:s2] =	stream.indirect.scatter.add.f32 [tilespmem:s15], [sflag:$0x3], $0x80, s31, s14, $0xb8;
	[tilespmem:$0x1C400] =	vst v63  }
0x5c: {  	_ =	swait.ge [sflag:s12], $0x4000  }
0x5d: {  	[sflag:s12] =	ssyncset.done $0x0  }
0x5e: {  	[sflag:s12] =	ssyncadd.s32 $0xFFFFC000  }
0x5f: {  	_ =	swait.ge [sflag:s19], $0x4000  }
0x60: {  	[sflag:s19] =	ssyncset.done $0x0  }
0x61: {  	[sflag:s19] =	ssyncadd.s32 $0xFFFFC000  }
0x62: {  	[spmem:s2] =	stream.indirect.scatter.add.f32 [tilespmem:s16], [sflag:$0x3], $0x80, s1, s14, $0xb8;
	[tilespmem:$0x1C400] =	vst v63  }
0x63: {  	_ =	swait.ge [sflag:s12], $0x4000  }
0x64: {  	s5 =	simm.s32 $0x80;
	s7 =	simm.s32 $0x100;
	[sflag:s12] =	ssyncset.done $0x0  }
.LBB2_2:
0x65: {  	s6 =	sadd.s32 s5, s10  }
0x66: {  	[sflag:s12] =	ssyncadd.s32 $0xFFFFC000;
	s11 =	smov.u32 s7;
	s8 =	sadd.s32 $0x80, s7  }
0x67: {  	[tilespmem:s3], [sflag:$0x3] =	stream.linear.gather [hbm4b:s6+s3], $0x400, $0x38;
	[tilespmem:$0x1C400] =	vst v63  }
0x68: {  	p0 =	sne.s32 s7, $0x480;
	_ =	swait.ge [sflag:s12], $0x400  }
0x69: {  	[sflag:s12] =	ssyncset.done $0x0  }
0x6a: {  	s6 =	sadd.s32 s5, s9;
	s5 =	smov.u32 s11;
	[sflag:s12] =	ssyncadd.s32 $0xFFFFFC00  }
0x6b: {  	[tilespmem:s13], [sflag:$0x3] =	stream.linear.gather [hbm4b:s6+s3], $0x400, $0x38;
	[tilespmem:$0x1C400] =	vst v63  }
0x6c: {  	_ =	swait.ge [sflag:s12], $0x400  }
0x6d: {  	[sflag:s12] =	ssyncset.done $0x0  }
0x6e: {  	[sflag:s12] =	ssyncadd.s32 $0xFFFFFC00  }
0x6f: {  	[tilespmem:s15], [sflag:$0x1] =	stream.indirect.gather [hbm4b:s4+s14], $0x80, s3, s14, $0xb8;
	[tilespmem:$0x1C400] =	vst v63  }
0x70: {  	_ = 	snop  }
0x71: {  	[tilespmem:s16], [sflag:$0x2] =	stream.indirect.gather [hbm4b:s4+s14], $0x80, s14, s14, $0xb8;
	[tilespmem:$0x1C400] =	vst v63  }
0x72: {  	_ =	swait.ge [sflag:s17], $0x4000  }
0x73: {  	[sflag:s17] =	ssyncset.done $0x0  }
0x74: {  	[sflag:s17] =	ssyncadd.s32 $0xFFFFC000  }
0x75: {  	[spmem:s2] =	stream.indirect.scatter.add.f32 [tilespmem:s15], [sflag:$0x3], $0x80, s13, s14, $0xb8;
	[tilespmem:$0x1C400] =	vst v63  }
0x76: {  	_ =	swait.ge [sflag:s12], $0x4000  }
0x77: {  	[sflag:s12] =	ssyncset.done $0x0  }
0x78: {  	[sflag:s12] =	ssyncadd.s32 $0xFFFFC000  }
0x79: {  	[tilespmem:s15], [sflag:$0x1] =	stream.indirect.gather [hbm4b:s4+s14], $0x80, s18, s14, $0xb8;
	[tilespmem:$0x1C400] =	vst v63  }
0x7a: {  	_ =	swait.ge [sflag:s19], $0x4000  }
0x7b: {  	[sflag:s19] =	ssyncset.done $0x0  }
0x7c: {  	[sflag:s19] =	ssyncadd.s32 $0xFFFFC000  }
0x7d: {  	[spmem:s2] =	stream.indirect.scatter.add.f32 [tilespmem:s16], [sflag:$0x3], $0x80, s20, s14, $0xb8;
	[tilespmem:$0x1C400] =	vst v63  }
0x7e: {  	_ =	swait.ge [sflag:s12], $0x4000  }
0x7f: {  	[sflag:s12] =	ssyncset.done $0x0  }
0x80: {  	[sflag:s12] =	ssyncadd.s32 $0xFFFFC000  }
0x81: {  	[tilespmem:s16], [sflag:$0x2] =	stream.indirect.gather [hbm4b:s4+s14], $0x80, s21, s14, $0xb8;
	[tilespmem:$0x1C400] =	vst v63  }
0x82: {  	_ =	swait.ge [sflag:s17], $0x4000  }
0x83: {  	[sflag:s17] =	ssyncset.done $0x0  }
0x84: {  	[sflag:s17] =	ssyncadd.s32 $0xFFFFC000  }
0x85: {  	[spmem:s2] =	stream.indirect.scatter.add.f32 [tilespmem:s15], [sflag:$0x3], $0x80, s22, s14, $0xb8;
	[tilespmem:$0x1C400] =	vst v63  }
0x86: {  	_ =	swait.ge [sflag:s12], $0x4000  }
0x87: {  	[sflag:s12] =	ssyncset.done $0x0  }
0x88: {  	[sflag:s12] =	ssyncadd.s32 $0xFFFFC000  }
0x89: {  	[tilespmem:s15], [sflag:$0x1] =	stream.indirect.gather [hbm4b:s4+s14], $0x80, s23, s14, $0xb8;
	[tilespmem:$0x1C400] =	vst v63  }
0x8a: {  	_ =	swait.ge [sflag:s19], $0x4000  }
0x8b: {  	[sflag:s19] =	ssyncset.done $0x0  }
0x8c: {  	[sflag:s19] =	ssyncadd.s32 $0xFFFFC000  }
0x8d: {  	[spmem:s2] =	stream.indirect.scatter.add.f32 [tilespmem:s16], [sflag:$0x3], $0x80, s24, s14, $0xb8;
	[tilespmem:$0x1C400] =	vst v63  }
0x8e: {  	_ =	swait.ge [sflag:s12], $0x4000  }
0x8f: {  	[sflag:s12] =	ssyncset.done $0x0  }
0x90: {  	[sflag:s12] =	ssyncadd.s32 $0xFFFFC000  }
0x91: {  	[tilespmem:s16], [sflag:$0x2] =	stream.indirect.gather [hbm4b:s4+s14], $0x80, s25, s14, $0xb8;
	[tilespmem:$0x1C400] =	vst v63  }
0x92: {  	_ =	swait.ge [sflag:s17], $0x4000  }
0x93: {  	[sflag:s17] =	ssyncset.done $0x0  }
0x94: {  	[sflag:s17] =	ssyncadd.s32 $0xFFFFC000  }
0x95: {  	[spmem:s2] =	stream.indirect.scatter.add.f32 [tilespmem:s15], [sflag:$0x3], $0x80, s26, s14, $0xb8;
	[tilespmem:$0x1C400] =	vst v63  }
0x96: {  	_ =	swait.ge [sflag:s12], $0x4000  }
0x97: {  	[sflag:s12] =	ssyncset.done $0x0  }
0x98: {  	[sflag:s12] =	ssyncadd.s32 $0xFFFFC000  }
0x99: {  	[tilespmem:s15], [sflag:$0x1] =	stream.indirect.gather [hbm4b:s4+s14], $0x80, s28, s14, $0xb8;
	[tilespmem:$0x1C400] =	vst v63  }
0x9a: {  	_ =	swait.ge [sflag:s19], $0x4000  }
0x9b: {  	[sflag:s19] =	ssyncset.done $0x0  }
0x9c: {  	[sflag:s19] =	ssyncadd.s32 $0xFFFFC000  }
0x9d: {  	[spmem:s2] =	stream.indirect.scatter.add.f32 [tilespmem:s16], [sflag:$0x3], $0x80, s29, s14, $0xb8;
	[tilespmem:$0x1C400] =	vst v63  }
0x9e: {  	_ =	swait.ge [sflag:s12], $0x4000  }
0x9f: {  	[sflag:s12] =	ssyncset.done $0x0  }
0xa0: {  	[sflag:s12] =	ssyncadd.s32 $0xFFFFC000  }
0xa1: {  	[tilespmem:s16], [sflag:$0x2] =	stream.indirect.gather [hbm4b:s4+s14], $0x80, s30, s14, $0xb8;
	[tilespmem:$0x1C400] =	vst v63  }
0xa2: {  	_ =	swait.ge [sflag:s17], $0x4000  }
0xa3: {  	[sflag:s17] =	ssyncset.done $0x0  }
0xa4: {  	[sflag:s17] =	ssyncadd.s32 $0xFFFFC000  }
0xa5: {  	[spmem:s2] =	stream.indirect.scatter.add.f32 [tilespmem:s15], [sflag:$0x3], $0x80, s31, s14, $0xb8;
	[tilespmem:$0x1C400] =	vst v63  }
0xa6: {  	_ =	swait.ge [sflag:s12], $0x4000  }
0xa7: {  	[sflag:s12] =	ssyncset.done $0x0  }
0xa8: {  	[sflag:s12] =	ssyncadd.s32 $0xFFFFC000  }
0xa9: {  	_ =	swait.ge [sflag:s19], $0x4000  }
.Ltmp0:
0xaa: {  	[sflag:s19] =	ssyncset.done $0x0;
	(pc) =	sbr.rel @p0 .LBB2_2-.Ltmp0, $4  }
0xab: {  	[sflag:s19] =	ssyncadd.s32 $0xFFFFC000  }
0xac: {  	[spmem:s2] =	stream.indirect.scatter.add.f32 [tilespmem:s16], [sflag:$0x3], $0x80, s1, s14, $0xb8;
	[tilespmem:$0x1C400] =	vst v63  }
0xad: {  	_ =	swait.ge [sflag:s12], $0x4000  }
0xae: {  	s7 =	smov.u32 s8;
	[sflag:s12] =	ssyncset.done $0x0  }
0xaf: {  	s6 =	sadd.s32 s5, s10;
	[sflag:s12] =	ssyncadd.s32 $0xFFFFC000  }
0xb0: {  	[tilespmem:s3], [sflag:$0x3] =	stream.linear.gather [hbm4b:s6+s3], $0x400, $0x38;
	[tilespmem:$0x1C400] =	vst v63  }
0xb1: {  	_ =	swait.ge [sflag:s12], $0x400  }
0xb2: {  	[sflag:s12] =	ssyncset.done $0x0  }
0xb3: {  	s7 =	sadd.s32 s5, s9;
	[sflag:s12] =	ssyncadd.s32 $0xFFFFFC00  }
0xb4: {  	[tilespmem:s13], [sflag:$0x3] =	stream.linear.gather [hbm4b:s7+s3], $0x400, $0x38;
	[tilespmem:$0x1C400] =	vst v63  }
0xb5: {  	_ =	swait.ge [sflag:s12], $0x400  }
0xb6: {  	[sflag:s12] =	ssyncset.done $0x0  }
0xb7: {  	[sflag:s12] =	ssyncadd.s32 $0xFFFFFC00  }
0xb8: {  	[tilespmem:s15], [sflag:$0x1] =	stream.indirect.gather [hbm4b:s4+s14], $0x80, s3, s14, $0xb8;
	[tilespmem:$0x1C400] =	vst v63  }
0xb9: {  	_ = 	snop  }
0xba: {  	[tilespmem:s16], [sflag:$0x2] =	stream.indirect.gather [hbm4b:s4+s14], $0x80, s14, s14, $0xb8;
	[tilespmem:$0x1C400] =	vst v63  }
0xbb: {  	_ =	swait.ge [sflag:s17], $0x4000  }
0xbc: {  	[sflag:s17] =	ssyncset.done $0x0  }
0xbd: {  	[sflag:s17] =	ssyncadd.s32 $0xFFFFC000  }
0xbe: {  	[spmem:s2] =	stream.indirect.scatter.add.f32 [tilespmem:s15], [sflag:$0x3], $0x80, s13, s14, $0xb8;
	[tilespmem:$0x1C400] =	vst v63  }
0xbf: {  	_ =	swait.ge [sflag:s12], $0x4000  }
0xc0: {  	[sflag:s12] =	ssyncset.done $0x0  }
0xc1: {  	[sflag:s12] =	ssyncadd.s32 $0xFFFFC000  }
0xc2: {  	[tilespmem:s15], [sflag:$0x1] =	stream.indirect.gather [hbm4b:s4+s14], $0x80, s18, s14, $0xb8;
	[tilespmem:$0x1C400] =	vst v63  }
0xc3: {  	_ =	swait.ge [sflag:s19], $0x4000  }
0xc4: {  	[sflag:s19] =	ssyncset.done $0x0  }
0xc5: {  	[sflag:s19] =	ssyncadd.s32 $0xFFFFC000  }
0xc6: {  	[spmem:s2] =	stream.indirect.scatter.add.f32 [tilespmem:s16], [sflag:$0x3], $0x80, s20, s14, $0xb8;
	[tilespmem:$0x1C400] =	vst v63  }
0xc7: {  	_ =	swait.ge [sflag:s12], $0x4000  }
0xc8: {  	[sflag:s12] =	ssyncset.done $0x0  }
0xc9: {  	[sflag:s12] =	ssyncadd.s32 $0xFFFFC000  }
0xca: {  	[tilespmem:s16], [sflag:$0x2] =	stream.indirect.gather [hbm4b:s4+s14], $0x80, s21, s14, $0xb8;
	[tilespmem:$0x1C400] =	vst v63  }
0xcb: {  	_ =	swait.ge [sflag:s17], $0x4000  }
0xcc: {  	[sflag:s17] =	ssyncset.done $0x0  }
0xcd: {  	[sflag:s17] =	ssyncadd.s32 $0xFFFFC000  }
0xce: {  	[spmem:s2] =	stream.indirect.scatter.add.f32 [tilespmem:s15], [sflag:$0x3], $0x80, s22, s14, $0xb8;
	[tilespmem:$0x1C400] =	vst v63  }
0xcf: {  	_ =	swait.ge [sflag:s12], $0x4000  }
0xd0: {  	[sflag:s12] =	ssyncset.done $0x0  }
0xd1: {  	[sflag:s12] =	ssyncadd.s32 $0xFFFFC000  }
0xd2: {  	[tilespmem:s15], [sflag:$0x1] =	stream.indirect.gather [hbm4b:s4+s14], $0x80, s23, s14, $0xb8;
	[tilespmem:$0x1C400] =	vst v63  }
0xd3: {  	_ =	swait.ge [sflag:s19], $0x4000  }
0xd4: {  	[sflag:s19] =	ssyncset.done $0x0  }
0xd5: {  	[sflag:s19] =	ssyncadd.s32 $0xFFFFC000  }
0xd6: {  	[spmem:s2] =	stream.indirect.scatter.add.f32 [tilespmem:s16], [sflag:$0x3], $0x80, s24, s14, $0xb8;
	[tilespmem:$0x1C400] =	vst v63  }
0xd7: {  	_ =	swait.ge [sflag:s12], $0x4000  }
0xd8: {  	[sflag:s12] =	ssyncset.done $0x0  }
0xd9: {  	[sflag:s12] =	ssyncadd.s32 $0xFFFFC000  }
0xda: {  	[tilespmem:s16], [sflag:$0x2] =	stream.indirect.gather [hbm4b:s4+s14], $0x80, s25, s14, $0xb8;
	[tilespmem:$0x1C400] =	vst v63  }
0xdb: {  	_ =	swait.ge [sflag:s17], $0x4000  }
0xdc: {  	[sflag:s17] =	ssyncset.done $0x0  }
0xdd: {  	[sflag:s17] =	ssyncadd.s32 $0xFFFFC000  }
0xde: {  	[spmem:s2] =	stream.indirect.scatter.add.f32 [tilespmem:s15], [sflag:$0x3], $0x80, s26, s14, $0xb8;
	[tilespmem:$0x1C400] =	vst v63  }
0xdf: {  	_ =	swait.ge [sflag:s12], $0x4000  }
0xe0: {  	[sflag:s12] =	ssyncset.done $0x0  }
0xe1: {  	[sflag:s12] =	ssyncadd.s32 $0xFFFFC000  }
0xe2: {  	[tilespmem:s15], [sflag:$0x1] =	stream.indirect.gather [hbm4b:s4+s14], $0x80, s28, s14, $0xb8;
	[tilespmem:$0x1C400] =	vst v63  }
0xe3: {  	_ =	swait.ge [sflag:s19], $0x4000  }
0xe4: {  	[sflag:s19] =	ssyncset.done $0x0  }
0xe5: {  	[sflag:s19] =	ssyncadd.s32 $0xFFFFC000  }
0xe6: {  	[spmem:s2] =	stream.indirect.scatter.add.f32 [tilespmem:s16], [sflag:$0x3], $0x80, s29, s14, $0xb8;
	[tilespmem:$0x1C400] =	vst v63  }
0xe7: {  	_ =	swait.ge [sflag:s12], $0x4000  }
0xe8: {  	[sflag:s12] =	ssyncset.done $0x0  }
0xe9: {  	[sflag:s12] =	ssyncadd.s32 $0xFFFFC000  }
0xea: {  	[tilespmem:s16], [sflag:$0x2] =	stream.indirect.gather [hbm4b:s4+s14], $0x80, s30, s14, $0xb8;
	[tilespmem:$0x1C400] =	vst v63  }
0xeb: {  	_ =	swait.ge [sflag:s17], $0x4000  }
0xec: {  	[sflag:s17] =	ssyncset.done $0x0  }
0xed: {  	[sflag:s17] =	ssyncadd.s32 $0xFFFFC000  }
0xee: {  	[spmem:s2] =	stream.indirect.scatter.add.f32 [tilespmem:s15], [sflag:$0x3], $0x80, s31, s14, $0xb8;
	[tilespmem:$0x1C400] =	vst v63  }
0xef: {  	_ =	swait.ge [sflag:s12], $0x4000  }
0xf0: {  	[sflag:s12] =	ssyncset.done $0x0  }
0xf1: {  	[sflag:s12] =	ssyncadd.s32 $0xFFFFC000  }
0xf2: {  	_ =	swait.ge [sflag:s19], $0x4000  }
0xf3: {  	[sflag:s19] =	ssyncset.done $0x0  }
0xf4: {  	[sflag:s19] =	ssyncadd.s32 $0xFFFFC000  }
0xf5: {  	[spmem:s2] =	stream.indirect.scatter.add.f32 [tilespmem:s16], [sflag:$0x3], $0x80, s1, s14, $0xb8;
	[tilespmem:$0x1C400] =	vst v63  }
0xf6: {  	_ =	swait.ge [sflag:s12], $0x4000  }
0xf7: {  	[sflag:s12] =	ssyncset.done $0x0  }
0xf8: {  	[sflag:s12] =	ssyncadd.s32 $0xFFFFC000  }
0xf9: {  	[bflag:$0x0] =	sbarrier.arrive $0xFFFF  }
0xfa: {  	s6 =	rddreg [dreg:$0x5]  }
0xfb: {  	s8 =	rddreg [dreg:$0x6]  }
0xfc: {  	s7 =	rddreg [dreg:$0x8]  }
0xfd: {  	[hbm:s8], [sflag:s6] =	dma.local [spmem:s7], $0x2780  }
0xfe: {  	_ =	swait.ge [sflag:s12], $0x2780  }
0xff: {  	s0 =	sadd.s32 $0x1, s0;
	s11 =	rddreg [dreg:$0x7]  }
0x100: {  	p0 =	sne.s32 s0, s11  }
.Ltmp1:
0x101: {  	_ = 	snop;
	(pc) =	sbr.rel @p0 .LBB2_1-.Ltmp1, $3  }
0x102: {  	_ =	sdelay $0x1  }
0x103: {  	[sflag:s12] =	ssyncset.done $0x0  }
0x104: {  	[sflag:s12] =	ssyncadd.s32 $0xFFFFD880  }
0x105: {  	_ =	sfence.sel $0x180000  }
0x106: {  	[bflag:$0x0] =	sbarrier.arrive $0xFFFF  }
0x107: {  	_ =	strace $0x9000004A  }
0x108: {  	s0 =	stileid.u32;
	[bflag:$0x2] =	sbarrier.arrive $0xFFFF  }
0x109: {  	p0 =	sne.s32 s0, $0x0;
	s0 =	rddreg [dreg:$0x3]  }
0x10a: {  	s0 =	sadd.s32 @!p0 $0x100000, s0  }
0x10b: {  	[sflag:s0] =	ssyncadd.tile.s32 @!p0 $0x1;
	_ =	shalt  }
.Lfunc_end2:
_tile_overlayer_lowered:
.L_overlay_start_2:
0x10c: {  	(tag) =	ssettag $0x2  }
0x10d: {  	s0 =	rddreg [dreg:$0x0];
	s2 =	stileid.u32  }
0x10e: {  	s1 =	rddreg [dreg:$0x1];
	p0 =	sne.s32 s2, $0x0  }
0x10f: {  	s3 =	rddreg [dreg:$0x2];
	[bflag:$0x3] =	sbarrier.arrive $0xFFFF;
	s2 =	simm.s32 @!p0 $0x1C03  }
0x110: {  	[timem:s3], [sflag:s2] =	dma.local @!p0 [hbm:s0], s1  }
0x111: {  	s0 =	simm.s32 @!p0 $0x3  }
0x112: {  	_ =	swait.ge @!p0 [sflag:s0], s1  }
0x113: {  	s1 =	ssub.s32 @!p0 $0x0, s1;
	[sflag:s0] =	ssyncset.done @!p0 $0x0  }
0x114: {  	[sflag:s0] =	ssyncadd.s32 @!p0 s1  }
0x115: {  	[bflag:$0x3] =	sbarrier.arrive $0xFFFF  }
0x116: {  	_ =	shalt  }

// kernel: kernel.14.cloned.1.call-start
scs
__scs_entry_jumppad:
0x0: {  	(pc) =	sbr.rel $0x88, $3  }
0x1: {  	(tag) =	ssettag $0x0;
	lr =	simm.s32 $0x1  }
0x2: {  	[smem:$0x3F94] =	sst lr;
	_ =	strace $0xD0000000  }
0x3: {  	_ = 	snop  }
0x4: {  	_ = 	snop  }
0x5: {  	_ = 	snop  }
0x6: {  	_ = 	snop  }
0x7: {  	_ = 	snop  }
__scs_overlays_trampoline_lowered:
0x8: {  	[smem:$0x3FA3] =	sst s0  }
0x9: {  	[smem:$0x3FA4] =	sst s1  }
0xa: {  	[smem:$0x3FA5] =	sst s2  }
0xb: {  	[smem:$0x3FA6] =	sst s3  }
0xc: {  	[smem:$0x3FA7] =	sst s4  }
0xd: {  	[smem:$0x3FA8] =	sst s5  }
0xe: {  	[smem:$0x3FA9] =	sst s6  }
0xf: {  	[smem:$0x3FAA] =	sst s7  }
0x10: {  	[smem:$0x3FAB] =	sst s8  }
0x11: {  	[smem:$0x3FAC] =	sst s9;
	s0 =	simm.s32 @!p0 $0x0  }
0x12: {  	s1 =	sld [smem:$0x3F92];
	s0 =	simm.s32 @p0 $0x1  }
0x13: {  	[smem:$0x3FAD] =	sst s0;
	s0 =	simm.s32 @!p1 $0x0  }
0x14: {  	s2 =	sld [smem:$0x3F91];
	s0 =	simm.s32 @p1 $0x1  }
0x15: {  	[smem:$0x3FAE] =	sst s0;
	s0 =	simm.s32 @!p2 $0x0  }
0x16: {  	s3 =	sld [smem:$0x3FDB];
	s0 =	simm.s32 @p2 $0x1  }
0x17: {  	s4 =	simm.s32 $0x1BF5;
	[smem:$0x3FB0] =	sst s0  }
0x18: {  	s0 =	sld [smem:$0x3F93];
	_ =	swait.ge [sflag:s4], $0x0  }
0x19: {  	s7 =	sld [smem:$0x3F94]  }
0x1a: {  	s8 =	sadd.s32 $0xFFFFE003, lr  }
0x1b: {  	s9 =	sadd.s32 $0xFFFFFEF7, lr;
	s5 =	simm.s32 $0xFFFFFFFF;
	p2 =	slt.u32 s8, $0xFFFFF086  }
0x1c: {  	p1 =	slt.u32 s9, $0xF7A;
	s5 =	simm.s32 @!p2 $0x0  }
0x1d: {  	s5 =	simm.s32 @p1 $0x1;
	p0 =	seq.s32 s7, s2  }
0x1e: {  	s7 =	smul.u32 @!p0 $0xF7A, s2;
	p2 =	seq.s32 @!p0 s5, $0x0  }
0x1f: {  	s9 =	smul.u32 $0xF7A, s1;
	s8 =	simm.s32 @!p0 $0x1BF5;
	p2 =	por !p2, p0  }
0x20: {  	[sflag:s8] =	ssyncset.s32 @!p0 $0xFFFFF086;
	s6 =	sadd.s32 @!p0 s3, s7;
	s7 =	simm.s32 @!p0 $0x108  }
0x21: {  	s3 =	sadd.s32 s3, s9;
	s6 =	sadd.s32 @!p0 $0x88, s6;
	s7 =	simm.s32 @p2 $0x1082  }
0x22: {  	[simem:s7], [sflag:s8] =	dma.local @!p0 [hbm:s6], $0xF7A  }
0x23: {  	s9 =	sor.u32 $0xD0000000, s2;
	s6 =	simm.s32 $0x108;
	_ =	swait.ge @!p0 [sflag:s8], $0x0  }
0x24: {  	s3 =	sadd.s32 $0x88, s3;
	s6 =	simm.s32 @!p1 $0x1082;
	[sflag:s4] =	ssyncset.s32 $0xFFFFF086  }
0x25: {  	[simem:s6], [sflag:s4] =	dma.local [hbm:s3], $0xF7A  }
0x26: {  	[smem:$0x3F94] =	sst s1;
	(tag) =	ssettag s2;
	_ =	strace s9  }
0x27: {  	s1 =	sld [smem:$0x3FA4]  }
0x28: {  	s2 =	sld [smem:$0x3FA5]  }
0x29: {  	s4 =	sld [smem:$0x3FA7]  }
0x2a: {  	p0 =	seq.s32 s5, $0x0;
	s5 =	sld [smem:$0x3FA8]  }
0x2b: {  	s6 =	sld [smem:$0x3FA9]  }
0x2c: {  	s7 =	sld [smem:$0x3FAA]  }
0x2d: {  	s3 =	simm.s32 $0x108;
	s8 =	sld [smem:$0x3FAB]  }
0x2e: {  	s3 =	simm.s32 @!p0 $0x1082;
	s9 =	sld [smem:$0x3FAC]  }
0x2f: {  	lr =	sadd.s32 s0, s3;
	s0 =	sld [smem:$0x3FA3]  }
0x30: {  	s3 =	sld [smem:$0x3FA6]  }
0x31: {  	[smem:$0x3FAF] =	sst s10  }
0x32: {  	s10 =	sld [smem:$0x3FAD];
	_ =	sdelay $0x3  }
0x33: {  	p0 =	seq.s32 s10, $0x1;
	s10 =	sld [smem:$0x3FAF];
	_ =	sdelay $0x3  }
0x34: {  	[smem:$0x3FAF] =	sst s10  }
0x35: {  	s10 =	sld [smem:$0x3FAE];
	_ =	sdelay $0x3  }
0x36: {  	p1 =	seq.s32 s10, $0x1;
	s10 =	sld [smem:$0x3FAF];
	_ =	sdelay $0x3  }
0x37: {  	[smem:$0x3FAF] =	sst s10  }
0x38: {  	s10 =	sld [smem:$0x3FB0]  }
0x39: {  	_ = 	snop;
	(pc) =	sbr.ind lr, $3  }
0x3a: {  	_ = 	snop  }
0x3b: {  	_ = 	snop  }
0x3c: {  	p2 =	seq.s32 s10, $0x1;
	s10 =	sld [smem:$0x3FAF]  }
0x3d: {  	_ =	shalt  }
0x3e: {  	_ =	shalt  }
0x3f: {  	_ =	shalt  }
0x40: {  	_ =	shalt  }
0x41: {  	_ =	shalt  }
0x42: {  	_ =	shalt  }
0x43: {  	_ =	shalt  }
0x44: {  	_ =	shalt  }
0x45: {  	_ =	shalt  }
0x46: {  	_ =	shalt  }
0x47: {  	_ =	shalt  }
0x48: {  	_ =	shalt  }
0x49: {  	_ =	shalt  }
0x4a: {  	_ =	shalt  }
0x4b: {  	_ =	shalt  }
0x4c: {  	_ =	shalt  }
0x4d: {  	_ =	shalt  }
0x4e: {  	_ =	shalt  }
0x4f: {  	_ =	shalt  }
0x50: {  	_ =	shalt  }
0x51: {  	_ =	shalt  }
0x52: {  	_ =	shalt  }
0x53: {  	_ =	shalt  }
0x54: {  	_ =	shalt  }
0x55: {  	_ =	shalt  }
0x56: {  	_ =	shalt  }
0x57: {  	_ =	shalt  }
0x58: {  	_ =	shalt  }
0x59: {  	_ =	shalt  }
0x5a: {  	_ =	shalt  }
0x5b: {  	_ =	shalt  }
0x5c: {  	_ =	shalt  }
0x5d: {  	_ =	shalt  }
0x5e: {  	_ =	shalt  }
0x5f: {  	_ =	shalt  }
0x60: {  	_ =	shalt  }
0x61: {  	_ =	shalt  }
0x62: {  	_ =	shalt  }
0x63: {  	_ =	shalt  }
0x64: {  	_ =	shalt  }
0x65: {  	_ =	shalt  }
0x66: {  	_ =	shalt  }
0x67: {  	_ =	shalt  }
0x68: {  	_ =	shalt  }
0x69: {  	_ =	shalt  }
0x6a: {  	_ =	shalt  }
0x6b: {  	_ =	shalt  }
0x6c: {  	_ =	shalt  }
0x6d: {  	_ =	shalt  }
0x6e: {  	_ =	shalt  }
0x6f: {  	_ =	shalt  }
0x70: {  	_ =	shalt  }
0x71: {  	_ =	shalt  }
0x72: {  	_ =	shalt  }
0x73: {  	_ =	shalt  }
0x74: {  	_ =	shalt  }
0x75: {  	_ =	shalt  }
0x76: {  	_ =	shalt  }
0x77: {  	_ =	shalt  }
0x78: {  	_ =	shalt  }
0x79: {  	_ =	shalt  }
0x7a: {  	_ =	shalt  }
0x7b: {  	_ =	shalt  }
0x7c: {  	_ =	shalt  }
0x7d: {  	_ =	shalt  }
0x7e: {  	_ =	shalt  }
0x7f: {  	_ =	shalt  }
0x80: {  	_ =	shalt  }
0x81: {  	_ =	shalt  }
0x82: {  	_ =	shalt  }
0x83: {  	_ =	shalt  }
0x84: {  	_ =	shalt  }
0x85: {  	_ =	shalt  }
0x86: {  	_ =	shalt  }
0x87: {  	_ =	shalt  }
.Lfunc_end0:
.L_simem_size_0:
called_computation.2_lowered:
.L_overlay_start_0:
0x88: {  	s2 =	sld [smem:$0x3FD9]  }
0x89: {  	s3 =	sld [smem:$0x3FFE];
	_ =	sdelay $0x1  }
0x8a: {  	s1 =	srdreg.scid  }
0x8b: {  	s0 =	sand.u32 $0x1, s1  }
0x8c: {  	s17 =	sshll.u32 s0, $0xA;
	s2 =	sadd.s32 s3, s2  }
0x8d: {  	s2 =	sadd.s32 s2, s17  }
0x8e: {  	[smem:$0x3FBB] =	sst s2  }
0x8f: {  	_ = 	snop  }
0x90: {  	s2 =	sld [smem:$0x3FD0];
	(tm) =	ssettm $0x1  }
0x91: {  	s18 =	sld [smem:$0x3FFB];
	_ =	sdelay $0x3  }
0x92: {  	_ =	strace s18  }
0x93: {  	s3 =	sld [smem:$0x3FFC];
	_ =	sdelay $0x3  }
0x94: {  	_ =	strace s3  }
0x95: {  	s3 =	sld [smem:$0x3FFD];
	_ =	sdelay $0x3  }
0x96: {  	_ =	strace s3  }
0x97: {  	_ =	strace $0x8FFFFFFF  }
0x98: {  	s19 =	sld [smem:$0x3FDB];
	_ =	sdelay $0x1  }
0x99: {  	s4 =	simm.s32 $_scs_section_size  }
0x9a: {  	s5 =	simm.s32 $_size__tile_overlayer_lowered;
	s6 =	simm.s32 $_tile_overlayer_lowered  }
0x9b: {  	s22 =	simm.s32 $0x1BFF;
	s21 =	sshll.u32 s6, $0x1;
	s3 =	sadd.s32 s4, s19  }
0x9c: {  	s7 =	simm.s32 $0x0;
	s20 =	sshll.u32 s5, $0x1;
	s5 =	sadd.s32 s21, s3  }
0x9d: {  	[timem:s7], [sflag:s22] =	dma.local [hbm:s5], s20  }
0x9e: {  	_ =	swait.ge [sflag:s22], s20  }
0x9f: {  	s4 =	ssub.s32 $0x0, s20;
	[sflag:s22] =	ssyncset.done $0x0  }
0xa0: {  	[sflag:s22] =	ssyncadd.s32 s4;
	_ =	sdelay $0x1  }
0xa1: {  	s23 =	simm.s32 $0x1B8B  }
0xa2: {  	_ =	swait.ge [sflag:s23], $0x1  }
0xa3: {  	[sflag:s23] =	ssyncset.done $0x0  }
0xa4: {  	s25 =	simm.s32 $0x1B8E;
	s24 =	sld [smem:$0x3FFE];
	[sflag:s23] =	ssyncadd.s32 $0xFFFFFFFF  }
0xa5: {  	s26 =	simm.s32 $execute0_lowered;
	[smem:$0x3FD2] =	sst s25  }
0xa6: {  	s5 =	sshll.u32 s26, $0x1;
	_ =	strace $0x8000004C;
	[dreg:$0x1] =	wrdreg $0xFFFFFFFF  }
0xa7: {  	s28 =	simm.s32 $_size_execute0_lowered;
	s3 =	sadd.s32 s3, s5;
	[dreg:$0x0] =	wrdreg $0x0  }
0xa8: {  	s5 =	sshll.u32 s28, $0x1;
	[dreg:$0x2] =	wrdreg s3  }
0xa9: {  	[dreg:$0x3] =	wrdreg s5  }
0xaa: {  	[dreg:$0x4] =	wrdreg $0xC0  }
0xab: {  	_ =	task [dreg:s7], $0x5FFFF  }
0xac: {  	[dreg:$0x1] =	wrdreg $0xFFFFFFFF  }
0xad: {  	[dreg:$0x0] =	wrdreg $0x60  }
0xae: {  	[dreg:$0x2] =	wrdreg s24  }
0xaf: {  	[dreg:$0x3] =	wrdreg s2  }
0xb0: {  	[dreg:$0x4] =	wrdreg $0x88000  }
0xb1: {  	[dreg:$0x5] =	wrdreg $0x9  }
0xb2: {  	_ =	task.clear_ibuf [dreg:s7], $0x6FFFF;
	_ =	strace $0x9000004C  }
0xb3: {  	s29 =	simm.s32 $0x9;
	_ =	strace $0x8000004E  }
0xb4: {  	_ =	swait.ge [sflag:s29], $0x1  }
0xb5: {  	[sflag:s29] =	ssyncadd.s32 $0xFFFFFFFF  }
0xb6: {  	_ =	strace $0x9000004E  }
0xb7: {  	_ =	sfence  }
0xb8: {  	s30 =	sld [smem:$0x0];
	_ =	sdelay $0x2  }
0xb9: {  	s31 =	sshll.u32 s1, $0xD;
	s1 =	sshrl.u32 s1, $0x2  }
0xba: {  	s3 =	sand.u32 $0x4000, s31;
	s1 =	sadd.s32 s1, s30  }
0xbb: {  	s0 =	sor.u32 s3, s0;
	s1 =	sshll.u32 s1, $0x11  }
0xbc: {  	s0 =	sor.u32 s1, s0  }
0xbd: {  	s0 =	sadd.s32 $0x8F2B, s0  }
0xbe: {  	[sflag:s0] =	ssyncadd.remote.s32 $0x1  }
0xbf: {  	_ =	sfence.sel $0xFFFF  }
0xc0: {  	[dreg:$0x0] =	wrdreg $0xFFFFFFFF;
	(pc) =	sbr.abs _section_cstart, $3  }
0xc1: {  	[dreg:$0x1] =	wrdreg $0xFFFFFFFF  }
0xc2: {  	_ =	task.clear_ibuf [dreg:s7], $0x2FFFF;
	_ =	strace $0x9FFFFFFF  }
0xc3: {  	(tm) =	ssettm $0x7FFFFFFF  }
tec
execute0_lowered:
.L_overlay_start_1:
0x0: {  	(tag) =	ssettag $0x1  }
0x1: {  	s0 =	rddreg [dreg:$0x0]  }
0x2: {  	s1 =	srdreg.scid;
	s5 =	rddreg [dreg:$0x1]  }
0x3: {  	s12 =	stileid.u32;
	s2 =	rddreg [dreg:$0x2]  }
0x4: {  	s3 =	simm.s32 $0x0;
	s13 =	simm.s32 $0x400;
	s14 =	simm.s32 $0x80  }
0x5: {  	s15 =	simm.s32 $0x800;
	s16 =	simm.s32 $0x4800;
	s17 =	simm.s32 $0x1  }
0x6: {  	s18 =	simm.s32 $0x100;
	s19 =	simm.s32 $0x2;
	s20 =	simm.s32 $0x480  }
0x7: {  	s28 =	simm.s32 $0x300;
	s29 =	simm.s32 $0x680;
	s6 =	smul.u32 $0x50, s12  }
0x8: {  	s30 =	simm.s32 $0x380;
	s31 =	simm.s32 $0x700;
	s21 =	smul.u32 $0x13C00, s12  }
0x9: {  	s1 =	sand.u32 $0x1, s1;
	[smem:$0x7FF] =	sst s3;
	s22 =	smul.u32 $0x4F000, s12  }
0xa: {  	s25 =	sshll.u32 s12, $0x6;
	s12 =	simm.s32 $0x3;
	s4 =	smul.u32 $0x500, s1  }
0xb: {  	_ =	strace $0x8000004D;
	s8 =	smul.u32 $0x13C000, s1;
	s1 =	ssub.s32 $0x2, s1  }
0xc: {  	s10 =	sshrl.u32 s21, $0x3;
	s11 =	sshrl.u32 s1, $0x1;
	s23 =	sshrl.u32 s22, $0x2  }
0xd: {  	s22 =	simm.s32 $0x500;
	s4 =	sadd.s32 s6, s4;
	s6 =	sadd.s32 s21, s8  }
0xe: {  	s10 =	sadd.s32 s10, s0;
	s1 =	ssub.s32 s1, s11;
	s8 =	sadd.s32 s23, s2  }
0xf: {  	s21 =	simm.s32 $0x180;
	s23 =	simm.s32 $0x200;
	s7 =	sshll.u32 s4, $0x4  }
0x10: {  	s4 =	sadd.s32 $0x35400, s0;
	s6 =	sshrl.u32 s6, $0x3;
	s24 =	sadd.s32 $0xDC00, s10  }
0x11: {  	s26 =	smax.u32 s1, $0x1;
	s1 =	simm.s32 $0x780;
	s9 =	sadd.s32 s7, s0  }
0x12: {  	s0 =	sadd.s32 s6, s0;
	[dreg:$0x4] =	wrdreg s24;
	s6 =	sor.u32 $0x1C03, s25  }
0x13: {  	[dreg:$0x7] =	wrdreg s26;
	s10 =	sadd.s32 s7, s5;
	s7 =	sshrl.u32 s8, $0x3  }
0x14: {  	s24 =	simm.s32 $0x580;
	s25 =	simm.s32 $0x280;
	[dreg:$0x5] =	wrdreg s6  }
0x15: {  	s26 =	simm.s32 $0x600;
	s0 =	sadd.s32 $0x5C600, s0;
	[dreg:$0x8] =	wrdreg s7  }
0x16: {  	s9 =	sadd.s32 $0x3C00, s9;
	[dreg:$0x6] =	wrdreg s0;
	s0 =	simm.s32 $0x0  }
.LBB2_1:
0x17: {  	s5 =	rddreg [dreg:$0x4]  }
0x18: {  	[spmem:s7], [sflag:s6] =	dma.local [hbm:s5], $0x2780  }
0x19: {  	_ =	swait.ge [sflag:s12], $0x2780  }
0x1a: {  	[sflag:s12] =	ssyncset.done $0x0  }
0x1b: {  	[sflag:s12] =	ssyncadd.s32 $0xFFFFD880  }
0x1c: {  	s8 =	sadd.s32 $0x0, s10;
	[bflag:$0x0] =	sbarrier.arrive $0xFFFF  }
0x1d: {  	[tilespmem:s3], [sflag:$0x3] =	stream.linear.gather [hbm4b:s8+s3], $0x400, $0x38;
	[tilespmem:$0x1C400] =	vst v63  }
0x1e: {  	_ =	swait.ge [sflag:s12], $0x400  }
0x1f: {  	[sflag:s12] =	ssyncset.done $0x0  }
0x20: {  	s11 =	sadd.s32 $0x0, s9;
	[sflag:s12] =	ssyncadd.s32 $0xFFFFFC00  }
0x21: {  	[tilespmem:s13], [sflag:$0x3] =	stream.linear.gather [hbm4b:s11+s3], $0x400, $0x38;
	[tilespmem:$0x1C400] =	vst v63  }
0x22: {  	_ =	swait.ge [sflag:s12], $0x400  }
0x23: {  	[sflag:s12] =	ssyncset.done $0x0  }
0x24: {  	[sflag:s12] =	ssyncadd.s32 $0xFFFFFC00  }
0x25: {  	[tilespmem:s15], [sflag:$0x1] =	stream.indirect.gather [hbm4b:s4+s14], $0x80, s3, s14, $0xb8;
	[tilespmem:$0x1C400] =	vst v63  }
0x26: {  	_ = 	snop  }
0x27: {  	[tilespmem:s16], [sflag:$0x2] =	stream.indirect.gather [hbm4b:s4+s14], $0x80, s14, s14, $0xb8;
	[tilespmem:$0x1C400] =	vst v63  }
0x28: {  	_ =	swait.ge [sflag:s17], $0x4000  }
0x29: {  	[sflag:s17] =	ssyncset.done $0x0  }
0x2a: {  	[sflag:s17] =	ssyncadd.s32 $0xFFFFC000  }
0x2b: {  	[spmem:s2] =	stream.indirect.scatter.add.f32 [tilespmem:s15], [sflag:$0x3], $0x80, s13, s14, $0xb8;
	[tilespmem:$0x1C400] =	vst v63  }
0x2c: {  	_ =	swait.ge [sflag:s12], $0x4000  }
0x2d: {  	[sflag:s12] =	ssyncset.done $0x0  }
0x2e: {  	[sflag:s12] =	ssyncadd.s32 $0xFFFFC000  }
0x2f: {  	[tilespmem:s15], [sflag:$0x1] =	stream.indirect.gather [hbm4b:s4+s14], $0x80, s18, s14, $0xb8;
	[tilespmem:$0x1C400] =	vst v63  }
0x30: {  	_ =	swait.ge [sflag:s19], $0x4000  }
0x31: {  	[sflag:s19] =	ssyncset.done $0x0  }
0x32: {  	[sflag:s19] =	ssyncadd.s32 $0xFFFFC000  }
0x33: {  	[spmem:s2] =	stream.indirect.scatter.add.f32 [tilespmem:s16], [sflag:$0x3], $0x80, s20, s14, $0xb8;
	[tilespmem:$0x1C400] =	vst v63  }
0x34: {  	_ =	swait.ge [sflag:s12], $0x4000  }
0x35: {  	[sflag:s12] =	ssyncset.done $0x0  }
0x36: {  	[sflag:s12] =	ssyncadd.s32 $0xFFFFC000  }
0x37: {  	[tilespmem:s16], [sflag:$0x2] =	stream.indirect.gather [hbm4b:s4+s14], $0x80, s21, s14, $0xb8;
	[tilespmem:$0x1C400] =	vst v63  }
0x38: {  	_ =	swait.ge [sflag:s17], $0x4000  }
0x39: {  	[sflag:s17] =	ssyncset.done $0x0  }
0x3a: {  	[sflag:s17] =	ssyncadd.s32 $0xFFFFC000  }
0x3b: {  	[spmem:s2] =	stream.indirect.scatter.add.f32 [tilespmem:s15], [sflag:$0x3], $0x80, s22, s14, $0xb8;
	[tilespmem:$0x1C400] =	vst v63  }
0x3c: {  	_ =	swait.ge [sflag:s12], $0x4000  }
0x3d: {  	[sflag:s12] =	ssyncset.done $0x0  }
0x3e: {  	[sflag:s12] =	ssyncadd.s32 $0xFFFFC000  }
0x3f: {  	[tilespmem:s15], [sflag:$0x1] =	stream.indirect.gather [hbm4b:s4+s14], $0x80, s23, s14, $0xb8;
	[tilespmem:$0x1C400] =	vst v63  }
0x40: {  	_ =	swait.ge [sflag:s19], $0x4000  }
0x41: {  	[sflag:s19] =	ssyncset.done $0x0  }
0x42: {  	[sflag:s19] =	ssyncadd.s32 $0xFFFFC000  }
0x43: {  	[spmem:s2] =	stream.indirect.scatter.add.f32 [tilespmem:s16], [sflag:$0x3], $0x80, s24, s14, $0xb8;
	[tilespmem:$0x1C400] =	vst v63  }
0x44: {  	_ =	swait.ge [sflag:s12], $0x4000  }
0x45: {  	[sflag:s12] =	ssyncset.done $0x0  }
0x46: {  	[sflag:s12] =	ssyncadd.s32 $0xFFFFC000  }
0x47: {  	[tilespmem:s16], [sflag:$0x2] =	stream.indirect.gather [hbm4b:s4+s14], $0x80, s25, s14, $0xb8;
	[tilespmem:$0x1C400] =	vst v63  }
0x48: {  	_ =	swait.ge [sflag:s17], $0x4000  }
0x49: {  	[sflag:s17] =	ssyncset.done $0x0  }
0x4a: {  	[sflag:s17] =	ssyncadd.s32 $0xFFFFC000  }
0x4b: {  	[spmem:s2] =	stream.indirect.scatter.add.f32 [tilespmem:s15], [sflag:$0x3], $0x80, s26, s14, $0xb8;
	[tilespmem:$0x1C400] =	vst v63  }
0x4c: {  	_ =	swait.ge [sflag:s12], $0x4000  }
0x4d: {  	[sflag:s12] =	ssyncset.done $0x0  }
0x4e: {  	[sflag:s12] =	ssyncadd.s32 $0xFFFFC000  }
0x4f: {  	[tilespmem:s15], [sflag:$0x1] =	stream.indirect.gather [hbm4b:s4+s14], $0x80, s28, s14, $0xb8;
	[tilespmem:$0x1C400] =	vst v63  }
0x50: {  	_ =	swait.ge [sflag:s19], $0x4000  }
0x51: {  	[sflag:s19] =	ssyncset.done $0x0  }
0x52: {  	[sflag:s19] =	ssyncadd.s32 $0xFFFFC000  }
0x53: {  	[spmem:s2] =	stream.indirect.scatter.add.f32 [tilespmem:s16], [sflag:$0x3], $0x80, s29, s14, $0xb8;
	[tilespmem:$0x1C400] =	vst v63  }
0x54: {  	_ =	swait.ge [sflag:s12], $0x4000  }
0x55: {  	[sflag:s12] =	ssyncset.done $0x0  }
0x56: {  	[sflag:s12] =	ssyncadd.s32 $0xFFFFC000  }
0x57: {  	[tilespmem:s16], [sflag:$0x2] =	stream.indirect.gather [hbm4b:s4+s14], $0x80, s30, s14, $0xb8;
	[tilespmem:$0x1C400] =	vst v63  }
0x58: {  	_ =	swait.ge [sflag:s17], $0x4000  }
0x59: {  	[sflag:s17] =	ssyncset.done $0x0  }
0x5a: {  	[sflag:s17] =	ssyncadd.s32 $0xFFFFC000  }
0x5b: {  	[spmem:s2] =	stream.indirect.scatter.add.f32 [tilespmem:s15], [sflag:$0x3], $0x80, s31, s14, $0xb8;
	[tilespmem:$0x1C400] =	vst v63  }
0x5c: {  	_ =	swait.ge [sflag:s12], $0x4000  }
0x5d: {  	[sflag:s12] =	ssyncset.done $0x0  }
0x5e: {  	[sflag:s12] =	ssyncadd.s32 $0xFFFFC000  }
0x5f: {  	_ =	swait.ge [sflag:s19], $0x4000  }
0x60: {  	[sflag:s19] =	ssyncset.done $0x0  }
0x61: {  	[sflag:s19] =	ssyncadd.s32 $0xFFFFC000  }
0x62: {  	[spmem:s2] =	stream.indirect.scatter.add.f32 [tilespmem:s16], [sflag:$0x3], $0x80, s1, s14, $0xb8;
	[tilespmem:$0x1C400] =	vst v63  }
0x63: {  	_ =	swait.ge [sflag:s12], $0x4000  }
0x64: {  	s5 =	simm.s32 $0x80;
	s7 =	simm.s32 $0x100;
	[sflag:s12] =	ssyncset.done $0x0  }
.LBB2_2:
0x65: {  	s6 =	sadd.s32 s5, s10  }
0x66: {  	[sflag:s12] =	ssyncadd.s32 $0xFFFFC000;
	s11 =	smov.u32 s7;
	s8 =	sadd.s32 $0x80, s7  }
0x67: {  	[tilespmem:s3], [sflag:$0x3] =	stream.linear.gather [hbm4b:s6+s3], $0x400, $0x38;
	[tilespmem:$0x1C400] =	vst v63  }
0x68: {  	p0 =	sne.s32 s7, $0x480;
	_ =	swait.ge [sflag:s12], $0x400  }
0x69: {  	[sflag:s12] =	ssyncset.done $0x0  }
0x6a: {  	s6 =	sadd.s32 s5, s9;
	s5 =	smov.u32 s11;
	[sflag:s12] =	ssyncadd.s32 $0xFFFFFC00  }
0x6b: {  	[tilespmem:s13], [sflag:$0x3] =	stream.linear.gather [hbm4b:s6+s3], $0x400, $0x38;
	[tilespmem:$0x1C400] =	vst v63  }
0x6c: {  	_ =	swait.ge [sflag:s12], $0x400  }
0x6d: {  	[sflag:s12] =	ssyncset.done $0x0  }
0x6e: {  	[sflag:s12] =	ssyncadd.s32 $0xFFFFFC00  }
0x6f: {  	[tilespmem:s15], [sflag:$0x1] =	stream.indirect.gather [hbm4b:s4+s14], $0x80, s3, s14, $0xb8;
	[tilespmem:$0x1C400] =	vst v63  }
0x70: {  	_ = 	snop  }
0x71: {  	[tilespmem:s16], [sflag:$0x2] =	stream.indirect.gather [hbm4b:s4+s14], $0x80, s14, s14, $0xb8;
	[tilespmem:$0x1C400] =	vst v63  }
0x72: {  	_ =	swait.ge [sflag:s17], $0x4000  }
0x73: {  	[sflag:s17] =	ssyncset.done $0x0  }
0x74: {  	[sflag:s17] =	ssyncadd.s32 $0xFFFFC000  }
0x75: {  	[spmem:s2] =	stream.indirect.scatter.add.f32 [tilespmem:s15], [sflag:$0x3], $0x80, s13, s14, $0xb8;
	[tilespmem:$0x1C400] =	vst v63  }
0x76: {  	_ =	swait.ge [sflag:s12], $0x4000  }
0x77: {  	[sflag:s12] =	ssyncset.done $0x0  }
0x78: {  	[sflag:s12] =	ssyncadd.s32 $0xFFFFC000  }
0x79: {  	[tilespmem:s15], [sflag:$0x1] =	stream.indirect.gather [hbm4b:s4+s14], $0x80, s18, s14, $0xb8;
	[tilespmem:$0x1C400] =	vst v63  }
0x7a: {  	_ =	swait.ge [sflag:s19], $0x4000  }
0x7b: {  	[sflag:s19] =	ssyncset.done $0x0  }
0x7c: {  	[sflag:s19] =	ssyncadd.s32 $0xFFFFC000  }
0x7d: {  	[spmem:s2] =	stream.indirect.scatter.add.f32 [tilespmem:s16], [sflag:$0x3], $0x80, s20, s14, $0xb8;
	[tilespmem:$0x1C400] =	vst v63  }
0x7e: {  	_ =	swait.ge [sflag:s12], $0x4000  }
0x7f: {  	[sflag:s12] =	ssyncset.done $0x0  }
0x80: {  	[sflag:s12] =	ssyncadd.s32 $0xFFFFC000  }
0x81: {  	[tilespmem:s16], [sflag:$0x2] =	stream.indirect.gather [hbm4b:s4+s14], $0x80, s21, s14, $0xb8;
	[tilespmem:$0x1C400] =	vst v63  }
0x82: {  	_ =	swait.ge [sflag:s17], $0x4000  }
0x83: {  	[sflag:s17] =	ssyncset.done $0x0  }
0x84: {  	[sflag:s17] =	ssyncadd.s32 $0xFFFFC000  }
0x85: {  	[spmem:s2] =	stream.indirect.scatter.add.f32 [tilespmem:s15], [sflag:$0x3], $0x80, s22, s14, $0xb8;
	[tilespmem:$0x1C400] =	vst v63  }
0x86: {  	_ =	swait.ge [sflag:s12], $0x4000  }
0x87: {  	[sflag:s12] =	ssyncset.done $0x0  }
0x88: {  	[sflag:s12] =	ssyncadd.s32 $0xFFFFC000  }
0x89: {  	[tilespmem:s15], [sflag:$0x1] =	stream.indirect.gather [hbm4b:s4+s14], $0x80, s23, s14, $0xb8;
	[tilespmem:$0x1C400] =	vst v63  }
0x8a: {  	_ =	swait.ge [sflag:s19], $0x4000  }
0x8b: {  	[sflag:s19] =	ssyncset.done $0x0  }
0x8c: {  	[sflag:s19] =	ssyncadd.s32 $0xFFFFC000  }
0x8d: {  	[spmem:s2] =	stream.indirect.scatter.add.f32 [tilespmem:s16], [sflag:$0x3], $0x80, s24, s14, $0xb8;
	[tilespmem:$0x1C400] =	vst v63  }
0x8e: {  	_ =	swait.ge [sflag:s12], $0x4000  }
0x8f: {  	[sflag:s12] =	ssyncset.done $0x0  }
0x90: {  	[sflag:s12] =	ssyncadd.s32 $0xFFFFC000  }
0x91: {  	[tilespmem:s16], [sflag:$0x2] =	stream.indirect.gather [hbm4b:s4+s14], $0x80, s25, s14, $0xb8;
	[tilespmem:$0x1C400] =	vst v63  }
0x92: {  	_ =	swait.ge [sflag:s17], $0x4000  }
0x93: {  	[sflag:s17] =	ssyncset.done $0x0  }
0x94: {  	[sflag:s17] =	ssyncadd.s32 $0xFFFFC000  }
0x95: {  	[spmem:s2] =	stream.indirect.scatter.add.f32 [tilespmem:s15], [sflag:$0x3], $0x80, s26, s14, $0xb8;
	[tilespmem:$0x1C400] =	vst v63  }
0x96: {  	_ =	swait.ge [sflag:s12], $0x4000  }
0x97: {  	[sflag:s12] =	ssyncset.done $0x0  }
0x98: {  	[sflag:s12] =	ssyncadd.s32 $0xFFFFC000  }
0x99: {  	[tilespmem:s15], [sflag:$0x1] =	stream.indirect.gather [hbm4b:s4+s14], $0x80, s28, s14, $0xb8;
	[tilespmem:$0x1C400] =	vst v63  }
0x9a: {  	_ =	swait.ge [sflag:s19], $0x4000  }
0x9b: {  	[sflag:s19] =	ssyncset.done $0x0  }
0x9c: {  	[sflag:s19] =	ssyncadd.s32 $0xFFFFC000  }
0x9d: {  	[spmem:s2] =	stream.indirect.scatter.add.f32 [tilespmem:s16], [sflag:$0x3], $0x80, s29, s14, $0xb8;
	[tilespmem:$0x1C400] =	vst v63  }
0x9e: {  	_ =	swait.ge [sflag:s12], $0x4000  }
0x9f: {  	[sflag:s12] =	ssyncset.done $0x0  }
0xa0: {  	[sflag:s12] =	ssyncadd.s32 $0xFFFFC000  }
0xa1: {  	[tilespmem:s16], [sflag:$0x2] =	stream.indirect.gather [hbm4b:s4+s14], $0x80, s30, s14, $0xb8;
	[tilespmem:$0x1C400] =	vst v63  }
0xa2: {  	_ =	swait.ge [sflag:s17], $0x4000  }
0xa3: {  	[sflag:s17] =	ssyncset.done $0x0  }
0xa4: {  	[sflag:s17] =	ssyncadd.s32 $0xFFFFC000  }
0xa5: {  	[spmem:s2] =	stream.indirect.scatter.add.f32 [tilespmem:s15], [sflag:$0x3], $0x80, s31, s14, $0xb8;
	[tilespmem:$0x1C400] =	vst v63  }
0xa6: {  	_ =	swait.ge [sflag:s12], $0x4000  }
0xa7: {  	[sflag:s12] =	ssyncset.done $0x0  }
0xa8: {  	[sflag:s12] =	ssyncadd.s32 $0xFFFFC000  }
0xa9: {  	_ =	swait.ge [sflag:s19], $0x4000  }
.Ltmp0:
0xaa: {  	[sflag:s19] =	ssyncset.done $0x0;
	(pc) =	sbr.rel @p0 .LBB2_2-.Ltmp0, $4  }
0xab: {  	[sflag:s19] =	ssyncadd.s32 $0xFFFFC000  }
0xac: {  	[spmem:s2] =	stream.indirect.scatter.add.f32 [tilespmem:s16], [sflag:$0x3], $0x80, s1, s14, $0xb8;
	[tilespmem:$0x1C400] =	vst v63  }
0xad: {  	_ =	swait.ge [sflag:s12], $0x4000  }
0xae: {  	s7 =	smov.u32 s8;
	[sflag:s12] =	ssyncset.done $0x0  }
0xaf: {  	s6 =	sadd.s32 s5, s10;
	[sflag:s12] =	ssyncadd.s32 $0xFFFFC000  }
0xb0: {  	[tilespmem:s3], [sflag:$0x3] =	stream.linear.gather [hbm4b:s6+s3], $0x400, $0x38;
	[tilespmem:$0x1C400] =	vst v63  }
0xb1: {  	_ =	swait.ge [sflag:s12], $0x400  }
0xb2: {  	[sflag:s12] =	ssyncset.done $0x0  }
0xb3: {  	s7 =	sadd.s32 s5, s9;
	[sflag:s12] =	ssyncadd.s32 $0xFFFFFC00  }
0xb4: {  	[tilespmem:s13], [sflag:$0x3] =	stream.linear.gather [hbm4b:s7+s3], $0x400, $0x38;
	[tilespmem:$0x1C400] =	vst v63  }
0xb5: {  	_ =	swait.ge [sflag:s12], $0x400  }
0xb6: {  	[sflag:s12] =	ssyncset.done $0x0  }
0xb7: {  	[sflag:s12] =	ssyncadd.s32 $0xFFFFFC00  }
0xb8: {  	[tilespmem:s15], [sflag:$0x1] =	stream.indirect.gather [hbm4b:s4+s14], $0x80, s3, s14, $0xb8;
	[tilespmem:$0x1C400] =	vst v63  }
0xb9: {  	_ = 	snop  }
0xba: {  	[tilespmem:s16], [sflag:$0x2] =	stream.indirect.gather [hbm4b:s4+s14], $0x80, s14, s14, $0xb8;
	[tilespmem:$0x1C400] =	vst v63  }
0xbb: {  	_ =	swait.ge [sflag:s17], $0x4000  }
0xbc: {  	[sflag:s17] =	ssyncset.done $0x0  }
0xbd: {  	[sflag:s17] =	ssyncadd.s32 $0xFFFFC000  }
0xbe: {  	[spmem:s2] =	stream.indirect.scatter.add.f32 [tilespmem:s15], [sflag:$0x3], $0x80, s13, s14, $0xb8;
	[tilespmem:$0x1C400] =	vst v63  }
0xbf: {  	_ =	swait.ge [sflag:s12], $0x4000  }
0xc0: {  	[sflag:s12] =	ssyncset.done $0x0  }
0xc1: {  	[sflag:s12] =	ssyncadd.s32 $0xFFFFC000  }
0xc2: {  	[tilespmem:s15], [sflag:$0x1] =	stream.indirect.gather [hbm4b:s4+s14], $0x80, s18, s14, $0xb8;
	[tilespmem:$0x1C400] =	vst v63  }
0xc3: {  	_ =	swait.ge [sflag:s19], $0x4000  }
0xc4: {  	[sflag:s19] =	ssyncset.done $0x0  }
0xc5: {  	[sflag:s19] =	ssyncadd.s32 $0xFFFFC000  }
0xc6: {  	[spmem:s2] =	stream.indirect.scatter.add.f32 [tilespmem:s16], [sflag:$0x3], $0x80, s20, s14, $0xb8;
	[tilespmem:$0x1C400] =	vst v63  }
0xc7: {  	_ =	swait.ge [sflag:s12], $0x4000  }
0xc8: {  	[sflag:s12] =	ssyncset.done $0x0  }
0xc9: {  	[sflag:s12] =	ssyncadd.s32 $0xFFFFC000  }
0xca: {  	[tilespmem:s16], [sflag:$0x2] =	stream.indirect.gather [hbm4b:s4+s14], $0x80, s21, s14, $0xb8;
	[tilespmem:$0x1C400] =	vst v63  }
0xcb: {  	_ =	swait.ge [sflag:s17], $0x4000  }
0xcc: {  	[sflag:s17] =	ssyncset.done $0x0  }
0xcd: {  	[sflag:s17] =	ssyncadd.s32 $0xFFFFC000  }
0xce: {  	[spmem:s2] =	stream.indirect.scatter.add.f32 [tilespmem:s15], [sflag:$0x3], $0x80, s22, s14, $0xb8;
	[tilespmem:$0x1C400] =	vst v63  }
0xcf: {  	_ =	swait.ge [sflag:s12], $0x4000  }
0xd0: {  	[sflag:s12] =	ssyncset.done $0x0  }
0xd1: {  	[sflag:s12] =	ssyncadd.s32 $0xFFFFC000  }
0xd2: {  	[tilespmem:s15], [sflag:$0x1] =	stream.indirect.gather [hbm4b:s4+s14], $0x80, s23, s14, $0xb8;
	[tilespmem:$0x1C400] =	vst v63  }
0xd3: {  	_ =	swait.ge [sflag:s19], $0x4000  }
0xd4: {  	[sflag:s19] =	ssyncset.done $0x0  }
0xd5: {  	[sflag:s19] =	ssyncadd.s32 $0xFFFFC000  }
0xd6: {  	[spmem:s2] =	stream.indirect.scatter.add.f32 [tilespmem:s16], [sflag:$0x3], $0x80, s24, s14, $0xb8;
	[tilespmem:$0x1C400] =	vst v63  }
0xd7: {  	_ =	swait.ge [sflag:s12], $0x4000  }
0xd8: {  	[sflag:s12] =	ssyncset.done $0x0  }
0xd9: {  	[sflag:s12] =	ssyncadd.s32 $0xFFFFC000  }
0xda: {  	[tilespmem:s16], [sflag:$0x2] =	stream.indirect.gather [hbm4b:s4+s14], $0x80, s25, s14, $0xb8;
	[tilespmem:$0x1C400] =	vst v63  }
0xdb: {  	_ =	swait.ge [sflag:s17], $0x4000  }
0xdc: {  	[sflag:s17] =	ssyncset.done $0x0  }
0xdd: {  	[sflag:s17] =	ssyncadd.s32 $0xFFFFC000  }
0xde: {  	[spmem:s2] =	stream.indirect.scatter.add.f32 [tilespmem:s15], [sflag:$0x3], $0x80, s26, s14, $0xb8;
	[tilespmem:$0x1C400] =	vst v63  }
0xdf: {  	_ =	swait.ge [sflag:s12], $0x4000  }
0xe0: {  	[sflag:s12] =	ssyncset.done $0x0  }
0xe1: {  	[sflag:s12] =	ssyncadd.s32 $0xFFFFC000  }
0xe2: {  	[tilespmem:s15], [sflag:$0x1] =	stream.indirect.gather [hbm4b:s4+s14], $0x80, s28, s14, $0xb8;
	[tilespmem:$0x1C400] =	vst v63  }
0xe3: {  	_ =	swait.ge [sflag:s19], $0x4000  }
0xe4: {  	[sflag:s19] =	ssyncset.done $0x0  }
0xe5: {  	[sflag:s19] =	ssyncadd.s32 $0xFFFFC000  }
0xe6: {  	[spmem:s2] =	stream.indirect.scatter.add.f32 [tilespmem:s16], [sflag:$0x3], $0x80, s29, s14, $0xb8;
	[tilespmem:$0x1C400] =	vst v63  }
0xe7: {  	_ =	swait.ge [sflag:s12], $0x4000  }
0xe8: {  	[sflag:s12] =	ssyncset.done $0x0  }
0xe9: {  	[sflag:s12] =	ssyncadd.s32 $0xFFFFC000  }
0xea: {  	[tilespmem:s16], [sflag:$0x2] =	stream.indirect.gather [hbm4b:s4+s14], $0x80, s30, s14, $0xb8;
	[tilespmem:$0x1C400] =	vst v63  }
0xeb: {  	_ =	swait.ge [sflag:s17], $0x4000  }
0xec: {  	[sflag:s17] =	ssyncset.done $0x0  }
0xed: {  	[sflag:s17] =	ssyncadd.s32 $0xFFFFC000  }
0xee: {  	[spmem:s2] =	stream.indirect.scatter.add.f32 [tilespmem:s15], [sflag:$0x3], $0x80, s31, s14, $0xb8;
	[tilespmem:$0x1C400] =	vst v63  }
0xef: {  	_ =	swait.ge [sflag:s12], $0x4000  }
0xf0: {  	[sflag:s12] =	ssyncset.done $0x0  }
0xf1: {  	[sflag:s12] =	ssyncadd.s32 $0xFFFFC000  }
0xf2: {  	_ =	swait.ge [sflag:s19], $0x4000  }
0xf3: {  	[sflag:s19] =	ssyncset.done $0x0  }
0xf4: {  	[sflag:s19] =	ssyncadd.s32 $0xFFFFC000  }
0xf5: {  	[spmem:s2] =	stream.indirect.scatter.add.f32 [tilespmem:s16], [sflag:$0x3], $0x80, s1, s14, $0xb8;
	[tilespmem:$0x1C400] =	vst v63  }
0xf6: {  	_ =	swait.ge [sflag:s12], $0x4000  }
0xf7: {  	[sflag:s12] =	ssyncset.done $0x0  }
0xf8: {  	[sflag:s12] =	ssyncadd.s32 $0xFFFFC000  }
0xf9: {  	[bflag:$0x0] =	sbarrier.arrive $0xFFFF  }
0xfa: {  	s6 =	rddreg [dreg:$0x5]  }
0xfb: {  	s8 =	rddreg [dreg:$0x6]  }
0xfc: {  	s7 =	rddreg [dreg:$0x8]  }
0xfd: {  	[hbm:s8], [sflag:s6] =	dma.local [spmem:s7], $0x2780  }
0xfe: {  	_ =	swait.ge [sflag:s12], $0x2780  }
0xff: {  	s0 =	sadd.s32 $0x1, s0;
	s11 =	rddreg [dreg:$0x7]  }
0x100: {  	p0 =	sne.s32 s0, s11  }
.Ltmp1:
0x101: {  	_ = 	snop;
	(pc) =	sbr.rel @p0 .LBB2_1-.Ltmp1, $3  }
0x102: {  	_ =	sdelay $0x1  }
0x103: {  	[sflag:s12] =	ssyncset.done $0x0  }
0x104: {  	[sflag:s12] =	ssyncadd.s32 $0xFFFFD880  }
0x105: {  	_ =	sfence.sel $0x180000  }
0x106: {  	[bflag:$0x0] =	sbarrier.arrive $0xFFFF  }
0x107: {  	_ =	strace $0x9000004D  }
0x108: {  	s0 =	stileid.u32;
	[bflag:$0x2] =	sbarrier.arrive $0xFFFF  }
0x109: {  	p0 =	sne.s32 s0, $0x0;
	s0 =	rddreg [dreg:$0x3]  }
0x10a: {  	s0 =	sadd.s32 @!p0 $0x100000, s0  }
0x10b: {  	[sflag:s0] =	ssyncadd.tile.s32 @!p0 $0x1;
	_ =	shalt  }
.Lfunc_end2:
_tile_overlayer_lowered:
.L_overlay_start_2:
0x10c: {  	(tag) =	ssettag $0x2  }
0x10d: {  	s0 =	rddreg [dreg:$0x0];
	s2 =	stileid.u32  }
0x10e: {  	s1 =	rddreg [dreg:$0x1];
	p0 =	sne.s32 s2, $0x0  }
0x10f: {  	s3 =	rddreg [dreg:$0x2];
	[bflag:$0x3] =	sbarrier.arrive $0xFFFF;
	s2 =	simm.s32 @!p0 $0x1C03  }
0x110: {  	[timem:s3], [sflag:s2] =	dma.local @!p0 [hbm:s0], s1  }
0x111: {  	s0 =	simm.s32 @!p0 $0x3  }
0x112: {  	_ =	swait.ge @!p0 [sflag:s0], s1  }
0x113: {  	s1 =	ssub.s32 @!p0 $0x0, s1;
	[sflag:s0] =	ssyncset.done @!p0 $0x0  }
0x114: {  	[sflag:s0] =	ssyncadd.s32 @!p0 s1  }
0x115: {  	[bflag:$0x3] =	sbarrier.arrive $0xFFFF  }
0x116: {  	_ =	shalt  }

// kernel: kernel.8.cloned.1.call-start
scs
__scs_entry_jumppad:
0x0: {  	(pc) =	sbr.rel $0x88, $3  }
0x1: {  	(tag) =	ssettag $0x0;
	lr =	simm.s32 $0x1  }
0x2: {  	[smem:$0x3F94] =	sst lr;
	_ =	strace $0xD0000000  }
0x3: {  	_ = 	snop  }
0x4: {  	_ = 	snop  }
0x5: {  	_ = 	snop  }
0x6: {  	_ = 	snop  }
0x7: {  	_ = 	snop  }
__scs_overlays_trampoline_lowered:
0x8: {  	[smem:$0x3FA3] =	sst s0  }
0x9: {  	[smem:$0x3FA4] =	sst s1  }
0xa: {  	[smem:$0x3FA5] =	sst s2  }
0xb: {  	[smem:$0x3FA6] =	sst s3  }
0xc: {  	[smem:$0x3FA7] =	sst s4  }
0xd: {  	[smem:$0x3FA8] =	sst s5  }
0xe: {  	[smem:$0x3FA9] =	sst s6  }
0xf: {  	[smem:$0x3FAA] =	sst s7  }
0x10: {  	[smem:$0x3FAB] =	sst s8  }
0x11: {  	[smem:$0x3FAC] =	sst s9;
	s0 =	simm.s32 @!p0 $0x0  }
0x12: {  	s1 =	sld [smem:$0x3F92];
	s0 =	simm.s32 @p0 $0x1  }
0x13: {  	[smem:$0x3FAD] =	sst s0;
	s0 =	simm.s32 @!p1 $0x0  }
0x14: {  	s2 =	sld [smem:$0x3F91];
	s0 =	simm.s32 @p1 $0x1  }
0x15: {  	[smem:$0x3FAE] =	sst s0;
	s0 =	simm.s32 @!p2 $0x0  }
0x16: {  	s3 =	sld [smem:$0x3FDB];
	s0 =	simm.s32 @p2 $0x1  }
0x17: {  	s4 =	simm.s32 $0x1BF5;
	[smem:$0x3FB0] =	sst s0  }
0x18: {  	s0 =	sld [smem:$0x3F93];
	_ =	swait.ge [sflag:s4], $0x0  }
0x19: {  	s7 =	sld [smem:$0x3F94]  }
0x1a: {  	s8 =	sadd.s32 $0xFFFFE003, lr  }
0x1b: {  	s9 =	sadd.s32 $0xFFFFFEF7, lr;
	s5 =	simm.s32 $0xFFFFFFFF;
	p2 =	slt.u32 s8, $0xFFFFF086  }
0x1c: {  	p1 =	slt.u32 s9, $0xF7A;
	s5 =	simm.s32 @!p2 $0x0  }
0x1d: {  	s5 =	simm.s32 @p1 $0x1;
	p0 =	seq.s32 s7, s2  }
0x1e: {  	s7 =	smul.u32 @!p0 $0xF7A, s2;
	p2 =	seq.s32 @!p0 s5, $0x0  }
0x1f: {  	s9 =	smul.u32 $0xF7A, s1;
	s8 =	simm.s32 @!p0 $0x1BF5;
	p2 =	por !p2, p0  }
0x20: {  	[sflag:s8] =	ssyncset.s32 @!p0 $0xFFFFF086;
	s6 =	sadd.s32 @!p0 s3, s7;
	s7 =	simm.s32 @!p0 $0x108  }
0x21: {  	s3 =	sadd.s32 s3, s9;
	s6 =	sadd.s32 @!p0 $0x88, s6;
	s7 =	simm.s32 @p2 $0x1082  }
0x22: {  	[simem:s7], [sflag:s8] =	dma.local @!p0 [hbm:s6], $0xF7A  }
0x23: {  	s9 =	sor.u32 $0xD0000000, s2;
	s6 =	simm.s32 $0x108;
	_ =	swait.ge @!p0 [sflag:s8], $0x0  }
0x24: {  	s3 =	sadd.s32 $0x88, s3;
	s6 =	simm.s32 @!p1 $0x1082;
	[sflag:s4] =	ssyncset.s32 $0xFFFFF086  }
0x25: {  	[simem:s6], [sflag:s4] =	dma.local [hbm:s3], $0xF7A  }
0x26: {  	[smem:$0x3F94] =	sst s1;
	(tag) =	ssettag s2;
	_ =	strace s9  }
0x27: {  	s1 =	sld [smem:$0x3FA4]  }
0x28: {  	s2 =	sld [smem:$0x3FA5]  }
0x29: {  	s4 =	sld [smem:$0x3FA7]  }
0x2a: {  	p0 =	seq.s32 s5, $0x0;
	s5 =	sld [smem:$0x3FA8]  }
0x2b: {  	s6 =	sld [smem:$0x3FA9]  }
0x2c: {  	s7 =	sld [smem:$0x3FAA]  }
0x2d: {  	s3 =	simm.s32 $0x108;
	s8 =	sld [smem:$0x3FAB]  }
0x2e: {  	s3 =	simm.s32 @!p0 $0x1082;
	s9 =	sld [smem:$0x3FAC]  }
0x2f: {  	lr =	sadd.s32 s0, s3;
	s0 =	sld [smem:$0x3FA3]  }
0x30: {  	s3 =	sld [smem:$0x3FA6]  }
0x31: {  	[smem:$0x3FAF] =	sst s10  }
0x32: {  	s10 =	sld [smem:$0x3FAD];
	_ =	sdelay $0x3  }
0x33: {  	p0 =	seq.s32 s10, $0x1;
	s10 =	sld [smem:$0x3FAF];
	_ =	sdelay $0x3  }
0x34: {  	[smem:$0x3FAF] =	sst s10  }
0x35: {  	s10 =	sld [smem:$0x3FAE];
	_ =	sdelay $0x3  }
0x36: {  	p1 =	seq.s32 s10, $0x1;
	s10 =	sld [smem:$0x3FAF];
	_ =	sdelay $0x3  }
0x37: {  	[smem:$0x3FAF] =	sst s10  }
0x38: {  	s10 =	sld [smem:$0x3FB0]  }
0x39: {  	_ = 	snop;
	(pc) =	sbr.ind lr, $3  }
0x3a: {  	_ = 	snop  }
0x3b: {  	_ = 	snop  }
0x3c: {  	p2 =	seq.s32 s10, $0x1;
	s10 =	sld [smem:$0x3FAF]  }
0x3d: {  	_ =	shalt  }
0x3e: {  	_ =	shalt  }
0x3f: {  	_ =	shalt  }
0x40: {  	_ =	shalt  }
0x41: {  	_ =	shalt  }
0x42: {  	_ =	shalt  }
0x43: {  	_ =	shalt  }
0x44: {  	_ =	shalt  }
0x45: {  	_ =	shalt  }
0x46: {  	_ =	shalt  }
0x47: {  	_ =	shalt  }
0x48: {  	_ =	shalt  }
0x49: {  	_ =	shalt  }
0x4a: {  	_ =	shalt  }
0x4b: {  	_ =	shalt  }
0x4c: {  	_ =	shalt  }
0x4d: {  	_ =	shalt  }
0x4e: {  	_ =	shalt  }
0x4f: {  	_ =	shalt  }
0x50: {  	_ =	shalt  }
0x51: {  	_ =	shalt  }
0x52: {  	_ =	shalt  }
0x53: {  	_ =	shalt  }
0x54: {  	_ =	shalt  }
0x55: {  	_ =	shalt  }
0x56: {  	_ =	shalt  }
0x57: {  	_ =	shalt  }
0x58: {  	_ =	shalt  }
0x59: {  	_ =	shalt  }
0x5a: {  	_ =	shalt  }
0x5b: {  	_ =	shalt  }
0x5c: {  	_ =	shalt  }
0x5d: {  	_ =	shalt  }
0x5e: {  	_ =	shalt  }
0x5f: {  	_ =	shalt  }
0x60: {  	_ =	shalt  }
0x61: {  	_ =	shalt  }
0x62: {  	_ =	shalt  }
0x63: {  	_ =	shalt  }
0x64: {  	_ =	shalt  }
0x65: {  	_ =	shalt  }
0x66: {  	_ =	shalt  }
0x67: {  	_ =	shalt  }
0x68: {  	_ =	shalt  }
0x69: {  	_ =	shalt  }
0x6a: {  	_ =	shalt  }
0x6b: {  	_ =	shalt  }
0x6c: {  	_ =	shalt  }
0x6d: {  	_ =	shalt  }
0x6e: {  	_ =	shalt  }
0x6f: {  	_ =	shalt  }
0x70: {  	_ =	shalt  }
0x71: {  	_ =	shalt  }
0x72: {  	_ =	shalt  }
0x73: {  	_ =	shalt  }
0x74: {  	_ =	shalt  }
0x75: {  	_ =	shalt  }
0x76: {  	_ =	shalt  }
0x77: {  	_ =	shalt  }
0x78: {  	_ =	shalt  }
0x79: {  	_ =	shalt  }
0x7a: {  	_ =	shalt  }
0x7b: {  	_ =	shalt  }
0x7c: {  	_ =	shalt  }
0x7d: {  	_ =	shalt  }
0x7e: {  	_ =	shalt  }
0x7f: {  	_ =	shalt  }
0x80: {  	_ =	shalt  }
0x81: {  	_ =	shalt  }
0x82: {  	_ =	shalt  }
0x83: {  	_ =	shalt  }
0x84: {  	_ =	shalt  }
0x85: {  	_ =	shalt  }
0x86: {  	_ =	shalt  }
0x87: {  	_ =	shalt  }
.Lfunc_end0:
.L_simem_size_0:
called_computation_lowered:
.L_overlay_start_0:
0x88: {  	s2 =	sld [smem:$0x3FD9]  }
0x89: {  	s3 =	sld [smem:$0x3FFE];
	_ =	sdelay $0x1  }
0x8a: {  	s1 =	srdreg.scid  }
0x8b: {  	s0 =	sand.u32 $0x1, s1  }
0x8c: {  	s17 =	sshll.u32 s0, $0xA;
	s2 =	sadd.s32 s3, s2  }
0x8d: {  	s2 =	sadd.s32 s2, s17  }
0x8e: {  	[smem:$0x3FBB] =	sst s2  }
0x8f: {  	_ = 	snop  }
0x90: {  	s2 =	sld [smem:$0x3FC9]  }
0x91: {  	s18 =	sld [smem:$0x3FD0];
	(tm) =	ssettm $0x1  }
0x92: {  	s4 =	sld [smem:$0x3FFB];
	_ =	sdelay $0x3  }
0x93: {  	_ =	strace s4  }
0x94: {  	s4 =	sld [smem:$0x3FFC];
	_ =	sdelay $0x3  }
0x95: {  	_ =	strace s4  }
0x96: {  	s4 =	sld [smem:$0x3FFD];
	_ =	sdelay $0x3  }
0x97: {  	_ =	strace s4  }
0x98: {  	_ =	strace $0x8FFFFFFF  }
0x99: {  	s19 =	sld [smem:$0x3FDB];
	_ =	sdelay $0x1  }
0x9a: {  	s5 =	simm.s32 $_scs_section_size  }
0x9b: {  	s6 =	simm.s32 $_size__tile_overlayer_lowered;
	s7 =	simm.s32 $_tile_overlayer_lowered  }
0x9c: {  	s22 =	simm.s32 $0x1BFF;
	s21 =	sshll.u32 s7, $0x1;
	s4 =	sadd.s32 s5, s19  }
0x9d: {  	s8 =	simm.s32 $0x0;
	s20 =	sshll.u32 s6, $0x1;
	s6 =	sadd.s32 s21, s4  }
0x9e: {  	[timem:s8], [sflag:s22] =	dma.local [hbm:s6], s20  }
0x9f: {  	_ =	swait.ge [sflag:s22], s20  }
0xa0: {  	s5 =	ssub.s32 $0x0, s20;
	[sflag:s22] =	ssyncset.done $0x0  }
0xa1: {  	[sflag:s22] =	ssyncadd.s32 s5;
	_ =	sdelay $0x1  }
0xa2: {  	s23 =	simm.s32 $0x1B8B  }
0xa3: {  	_ =	swait.ge [sflag:s23], $0x1  }
0xa4: {  	[sflag:s23] =	ssyncset.done $0x0  }
0xa5: {  	s25 =	simm.s32 $0x1B8E;
	s24 =	sld [smem:$0x3FFE];
	[sflag:s23] =	ssyncadd.s32 $0xFFFFFFFF  }
0xa6: {  	s26 =	simm.s32 $execute0_lowered;
	[smem:$0x3FD2] =	sst s25  }
0xa7: {  	s6 =	sshll.u32 s26, $0x1;
	_ =	strace $0x80000046;
	[dreg:$0x1] =	wrdreg $0xFFFFFFFF  }
0xa8: {  	s28 =	simm.s32 $_size_execute0_lowered;
	s4 =	sadd.s32 s4, s6;
	[dreg:$0x0] =	wrdreg $0x0  }
0xa9: {  	s6 =	sshll.u32 s28, $0x1;
	[dreg:$0x2] =	wrdreg s4  }
0xaa: {  	[dreg:$0x3] =	wrdreg s6  }
0xab: {  	[dreg:$0x4] =	wrdreg $0xC0  }
0xac: {  	_ =	task [dreg:s8], $0x5FFFF  }
0xad: {  	[dreg:$0x1] =	wrdreg $0xFFFFFFFF  }
0xae: {  	[dreg:$0x0] =	wrdreg $0x60  }
0xaf: {  	[dreg:$0x2] =	wrdreg s2  }
0xb0: {  	[dreg:$0x3] =	wrdreg s18  }
0xb1: {  	[dreg:$0x4] =	wrdreg s24  }
0xb2: {  	[dreg:$0x5] =	wrdreg $0x88000  }
0xb3: {  	[dreg:$0x6] =	wrdreg $0x9  }
0xb4: {  	_ =	task.clear_ibuf [dreg:s8], $0x7FFFF;
	_ =	strace $0x90000046  }
0xb5: {  	s29 =	simm.s32 $0x9;
	_ =	strace $0x80000048  }
0xb6: {  	_ =	swait.ge [sflag:s29], $0x1  }
0xb7: {  	[sflag:s29] =	ssyncadd.s32 $0xFFFFFFFF  }
0xb8: {  	_ =	strace $0x90000048  }
0xb9: {  	_ =	sfence  }
0xba: {  	s30 =	sld [smem:$0x0];
	_ =	sdelay $0x2  }
0xbb: {  	s31 =	sshll.u32 s1, $0xD;
	s1 =	sshrl.u32 s1, $0x2  }
0xbc: {  	s3 =	sand.u32 $0x4000, s31;
	s1 =	sadd.s32 s1, s30  }
0xbd: {  	s0 =	sor.u32 s3, s0;
	s1 =	sshll.u32 s1, $0x11  }
0xbe: {  	s0 =	sor.u32 s1, s0  }
0xbf: {  	s0 =	sadd.s32 $0x8F2B, s0  }
0xc0: {  	[sflag:s0] =	ssyncadd.remote.s32 $0x1  }
0xc1: {  	_ =	sfence.sel $0xFFFF  }
0xc2: {  	[dreg:$0x0] =	wrdreg $0xFFFFFFFF;
	(pc) =	sbr.abs _section_cstart, $3  }
0xc3: {  	[dreg:$0x1] =	wrdreg $0xFFFFFFFF  }
0xc4: {  	_ =	task.clear_ibuf [dreg:s8], $0x2FFFF;
	_ =	strace $0x9FFFFFFF  }
0xc5: {  	(tm) =	ssettm $0x7FFFFFFF  }
tec
execute0_lowered:
.L_overlay_start_1:
0x0: {  	(tag) =	ssettag $0x1  }
0x1: {  	s0 =	rddreg [dreg:$0x0]  }
0x2: {  	s1 =	rddreg [dreg:$0x1]  }
0x3: {  	s2 =	srdreg.scid;
	s5 =	rddreg [dreg:$0x2]  }
0x4: {  	s14 =	stileid.u32;
	s3 =	rddreg [dreg:$0x3]  }
0x5: {  	s4 =	simm.s32 $0x0;
	s15 =	simm.s32 $0x80;
	s16 =	simm.s32 $0x800  }
0x6: {  	s17 =	simm.s32 $0x4800;
	s18 =	simm.s32 $0x1C400;
	s19 =	simm.s32 $0x1  }
0x7: {  	s28 =	simm.s32 $0x280;
	s29 =	simm.s32 $0x600;
	s7 =	smul.u32 $0x50, s14  }
0x8: {  	s30 =	simm.s32 $0x300;
	s31 =	simm.s32 $0x680;
	s20 =	smul.u32 $0x13C00, s14  }
0x9: {  	s2 =	sand.u32 $0x1, s2;
	[smem:$0x7FF] =	sst s4;
	s23 =	smul.u32 $0x4F000, s14  }
0xa: {  	s11 =	sshrl.u32 s14, $0x2;
	s12 =	sshll.u32 s14, $0x8;
	s6 =	smul.u32 $0x500, s2  }
0xb: {  	s26 =	sshll.u32 s14, $0x6;
	s14 =	simm.s32 $0x400;
	s9 =	smul.u32 $0x13C000, s2  }
0xc: {  	_ =	strace $0x80000047;
	s11 =	smul.u32 $0x13C00, s11;
	s13 =	sshll.u32 s2, $0x7  }
0xd: {  	s12 =	sand.u32 $0x300, s12;
	s2 =	ssub.s32 $0x2, s2;
	s21 =	sshrl.u32 s20, $0x3  }
0xe: {  	s22 =	sor.u32 s13, s12;
	s24 =	sshrl.u32 s2, $0x1;
	s13 =	simm.s32 $0x3  }
0xf: {  	s6 =	sadd.s32 s7, s6;
	s7 =	sadd.s32 s20, s9;
	s9 =	sor.u32 s11, s22  }
0x10: {  	s11 =	sshrl.u32 s23, $0x2;
	s2 =	ssub.s32 s2, s24;
	s20 =	simm.s32 $0x100  }
0x11: {  	s22 =	simm.s32 $0x480;
	s23 =	simm.s32 $0x180;
	s24 =	simm.s32 $0x500  }
0x12: {  	s8 =	sshll.u32 s6, $0x4;
	s6 =	sadd.s32 s21, s5;
	s7 =	sshrl.u32 s7, $0x3  }
0x13: {  	s9 =	sshrl.u32 s9, $0x3;
	s25 =	sadd.s32 s11, s3;
	s2 =	smax.u32 s2, $0x1  }
0x14: {  	s21 =	simm.s32 $0x2;
	s10 =	sadd.s32 s8, s5;
	s7 =	sadd.s32 s7, s5  }
0x15: {  	s5 =	sadd.s32 s9, s5;
	s6 =	sadd.s32 $0xDC00, s6;
	[dreg:$0x8] =	wrdreg s2  }
0x16: {  	s11 =	sadd.s32 s8, s1;
	s12 =	sshrl.u32 s25, $0x3;
	s25 =	simm.s32 $0x200  }
0x17: {  	s2 =	simm.s32 $0x380;
	s1 =	simm.s32 $0x700;
	[dreg:$0x5] =	wrdreg s6  }
0x18: {  	s6 =	sor.u32 $0x1C03, s26;
	s7 =	sadd.s32 $0x3F200, s7;
	s5 =	sadd.s32 $0x35400, s5  }
0x19: {  	s10 =	sadd.s32 $0x3C00, s10;
	s26 =	simm.s32 $0x580;
	[dreg:$0x6] =	wrdreg s7  }
0x1a: {  	v0 =	vimm.f32 $0.0e+00;
	v1 =	vimm.f32 $1.000000000e+00;
	[dreg:$0x7] =	wrdreg s5;
	s5 =	simm.s32 $0x780;
	s7 =	simm.s32 $0x0  }
.LBB2_1:
0x1b: {  	s8 =	rddreg [dreg:$0x5]  }
0x1c: {  	[spmem:s12], [sflag:s6] =	dma.local [hbm:s8], $0x2780  }
0x1d: {  	_ =	swait.ge [sflag:s13], $0x2780  }
0x1e: {  	[sflag:s13] =	ssyncset.done $0x0  }
0x1f: {  	[sflag:s13] =	ssyncadd.s32 $0xFFFFD880  }
0x20: {  	[tilespmem:$0x1C400] =	vst v0  }
0x21: {  	[tilespmem:$0x1C410] =	vst v0  }
0x22: {  	[tilespmem:$0x1C420] =	vst v0  }
0x23: {  	[tilespmem:$0x1C430] =	vst v0  }
0x24: {  	[tilespmem:$0x1C440] =	vst v0  }
0x25: {  	[tilespmem:$0x1C450] =	vst v0  }
0x26: {  	[tilespmem:$0x1C460] =	vst v0  }
0x27: {  	[tilespmem:$0x1C470] =	vst v0  }
0x28: {  	[tilespmem:$0x1C480] =	vst v0  }
0x29: {  	[tilespmem:$0x1C490] =	vst v0  }
0x2a: {  	[tilespmem:$0x1C4A0] =	vst v0  }
0x2b: {  	[tilespmem:$0x1C4B0] =	vst v0  }
0x2c: {  	[tilespmem:$0x1C4C0] =	vst v0  }
0x2d: {  	[tilespmem:$0x1C4D0] =	vst v0  }
0x2e: {  	[tilespmem:$0x1C4E0] =	vst v0  }
0x2f: {  	[tilespmem:$0x1C4F0] =	vst v0  }
0x30: {  	[tilespmem:$0x1C500] =	vst v0  }
0x31: {  	[tilespmem:$0x1C510] =	vst v0  }
0x32: {  	[tilespmem:$0x1C520] =	vst v0  }
0x33: {  	[tilespmem:$0x1C530] =	vst v0  }
0x34: {  	[tilespmem:$0x1C540] =	vst v0  }
0x35: {  	[tilespmem:$0x1C550] =	vst v0  }
0x36: {  	[tilespmem:$0x1C560] =	vst v0  }
0x37: {  	[tilespmem:$0x1C570] =	vst v0  }
0x38: {  	[tilespmem:$0x1C580] =	vst v0  }
0x39: {  	[tilespmem:$0x1C590] =	vst v0  }
0x3a: {  	[tilespmem:$0x1C5A0] =	vst v0  }
0x3b: {  	[tilespmem:$0x1C5B0] =	vst v0  }
0x3c: {  	[tilespmem:$0x1C5C0] =	vst v0  }
0x3d: {  	[tilespmem:$0x1C5D0] =	vst v0  }
0x3e: {  	[tilespmem:$0x1C5E0] =	vst v0  }
0x3f: {  	[tilespmem:$0x1C5F0] =	vst v0  }
0x40: {  	[tilespmem:$0x1C600] =	vst v0  }
0x41: {  	[tilespmem:$0x1C610] =	vst v0  }
0x42: {  	[tilespmem:$0x1C620] =	vst v0  }
0x43: {  	[tilespmem:$0x1C630] =	vst v0  }
0x44: {  	[tilespmem:$0x1C640] =	vst v0  }
0x45: {  	[tilespmem:$0x1C650] =	vst v0  }
0x46: {  	[tilespmem:$0x1C660] =	vst v0  }
0x47: {  	[tilespmem:$0x1C670] =	vst v0  }
0x48: {  	[tilespmem:$0x1C680] =	vst v0  }
0x49: {  	[tilespmem:$0x1C690] =	vst v0  }
0x4a: {  	[tilespmem:$0x1C6A0] =	vst v0  }
0x4b: {  	[tilespmem:$0x1C6B0] =	vst v0  }
0x4c: {  	[tilespmem:$0x1C6C0] =	vst v0  }
0x4d: {  	[tilespmem:$0x1C6D0] =	vst v0  }
0x4e: {  	[tilespmem:$0x1C6E0] =	vst v0  }
0x4f: {  	[tilespmem:$0x1C6F0] =	vst v0  }
0x50: {  	[tilespmem:$0x1C700] =	vst v0  }
0x51: {  	[tilespmem:$0x1C710] =	vst v0  }
0x52: {  	[tilespmem:$0x1C720] =	vst v0  }
0x53: {  	[tilespmem:$0x1C730] =	vst v0  }
0x54: {  	[tilespmem:$0x1C740] =	vst v0  }
0x55: {  	[tilespmem:$0x1C750] =	vst v0  }
0x56: {  	[tilespmem:$0x1C760] =	vst v0  }
0x57: {  	[tilespmem:$0x1C770] =	vst v0  }
0x58: {  	[tilespmem:$0x1C780] =	vst v0  }
0x59: {  	[tilespmem:$0x1C790] =	vst v0  }
0x5a: {  	[tilespmem:$0x1C7A0] =	vst v0  }
0x5b: {  	[tilespmem:$0x1C7B0] =	vst v0  }
0x5c: {  	[tilespmem:$0x1C7C0] =	vst v0  }
0x5d: {  	[tilespmem:$0x1C7D0] =	vst v0  }
0x5e: {  	[tilespmem:$0x1C7E0] =	vst v0  }
0x5f: {  	[tilespmem:$0x1C7F0] =	vst v0  }
0x60: {  	[tilespmem:$0x1C800] =	vst v0  }
0x61: {  	[tilespmem:$0x1C810] =	vst v0  }
0x62: {  	[tilespmem:$0x1C820] =	vst v0  }
0x63: {  	[tilespmem:$0x1C830] =	vst v0  }
0x64: {  	[tilespmem:$0x1C840] =	vst v0  }
0x65: {  	[tilespmem:$0x1C850] =	vst v0  }
0x66: {  	[tilespmem:$0x1C860] =	vst v0  }
0x67: {  	[tilespmem:$0x1C870] =	vst v0  }
0x68: {  	[tilespmem:$0x1C880] =	vst v0  }
0x69: {  	[tilespmem:$0x1C890] =	vst v0  }
0x6a: {  	[tilespmem:$0x1C8A0] =	vst v0  }
0x6b: {  	[tilespmem:$0x1C8B0] =	vst v0  }
0x6c: {  	[tilespmem:$0x1C8C0] =	vst v0  }
0x6d: {  	[tilespmem:$0x1C8D0] =	vst v0  }
0x6e: {  	[tilespmem:$0x1C8E0] =	vst v0  }
0x6f: {  	[tilespmem:$0x1C8F0] =	vst v0  }
0x70: {  	[tilespmem:$0x1C900] =	vst v0  }
0x71: {  	[tilespmem:$0x1C910] =	vst v0  }
0x72: {  	[tilespmem:$0x1C920] =	vst v0  }
0x73: {  	[tilespmem:$0x1C930] =	vst v0  }
0x74: {  	[tilespmem:$0x1C940] =	vst v0  }
0x75: {  	[tilespmem:$0x1C950] =	vst v0  }
0x76: {  	[tilespmem:$0x1C960] =	vst v0  }
0x77: {  	[tilespmem:$0x1C970] =	vst v0  }
0x78: {  	[tilespmem:$0x1C980] =	vst v0  }
0x79: {  	[tilespmem:$0x1C990] =	vst v0  }
0x7a: {  	[tilespmem:$0x1C9A0] =	vst v0  }
0x7b: {  	[tilespmem:$0x1C9B0] =	vst v0  }
0x7c: {  	[tilespmem:$0x1C9C0] =	vst v0  }
0x7d: {  	[tilespmem:$0x1C9D0] =	vst v0  }
0x7e: {  	[tilespmem:$0x1C9E0] =	vst v0  }
0x7f: {  	[tilespmem:$0x1C9F0] =	vst v0  }
0x80: {  	[tilespmem:$0x1CA00] =	vst v0  }
0x81: {  	[tilespmem:$0x1CA10] =	vst v0  }
0x82: {  	[tilespmem:$0x1CA20] =	vst v0  }
0x83: {  	[tilespmem:$0x1CA30] =	vst v0  }
0x84: {  	[tilespmem:$0x1CA40] =	vst v0  }
0x85: {  	[tilespmem:$0x1CA50] =	vst v0  }
0x86: {  	[tilespmem:$0x1CA60] =	vst v0  }
0x87: {  	[tilespmem:$0x1CA70] =	vst v0  }
0x88: {  	[tilespmem:$0x1CA80] =	vst v0  }
0x89: {  	[tilespmem:$0x1CA90] =	vst v0  }
0x8a: {  	[tilespmem:$0x1CAA0] =	vst v0  }
0x8b: {  	[tilespmem:$0x1CAB0] =	vst v0  }
0x8c: {  	[tilespmem:$0x1CAC0] =	vst v0  }
0x8d: {  	[tilespmem:$0x1CAD0] =	vst v0  }
0x8e: {  	[tilespmem:$0x1CAE0] =	vst v0  }
0x8f: {  	[tilespmem:$0x1CAF0] =	vst v0  }
0x90: {  	[tilespmem:$0x1CB00] =	vst v0  }
0x91: {  	[tilespmem:$0x1CB10] =	vst v0  }
0x92: {  	[tilespmem:$0x1CB20] =	vst v0  }
0x93: {  	[tilespmem:$0x1CB30] =	vst v0  }
0x94: {  	[tilespmem:$0x1CB40] =	vst v0  }
0x95: {  	[tilespmem:$0x1CB50] =	vst v0  }
0x96: {  	[tilespmem:$0x1CB60] =	vst v0  }
0x97: {  	[tilespmem:$0x1CB70] =	vst v0  }
0x98: {  	[tilespmem:$0x1CB80] =	vst v0  }
0x99: {  	[tilespmem:$0x1CB90] =	vst v0  }
0x9a: {  	[tilespmem:$0x1CBA0] =	vst v0  }
0x9b: {  	[tilespmem:$0x1CBB0] =	vst v0  }
0x9c: {  	[tilespmem:$0x1CBC0] =	vst v0  }
0x9d: {  	[tilespmem:$0x1CBD0] =	vst v0  }
0x9e: {  	[tilespmem:$0x1CBE0] =	vst v0  }
0x9f: {  	[tilespmem:$0x1CBF0] =	vst v0  }
0xa0: {  	[tilespmem:$0x1CC00] =	vst v0  }
0xa1: {  	[tilespmem:$0x1CC10] =	vst v0  }
0xa2: {  	[tilespmem:$0x1CC20] =	vst v0  }
0xa3: {  	[tilespmem:$0x1CC30] =	vst v0  }
0xa4: {  	[tilespmem:$0x1CC40] =	vst v0  }
0xa5: {  	[tilespmem:$0x1CC50] =	vst v0  }
0xa6: {  	[tilespmem:$0x1CC60] =	vst v0  }
0xa7: {  	[tilespmem:$0x1CC70] =	vst v0  }
0xa8: {  	[tilespmem:$0x1CC80] =	vst v0  }
0xa9: {  	[tilespmem:$0x1CC90] =	vst v0  }
0xaa: {  	[tilespmem:$0x1CCA0] =	vst v0  }
0xab: {  	[tilespmem:$0x1CCB0] =	vst v0  }
0xac: {  	[tilespmem:$0x1CCC0] =	vst v0  }
0xad: {  	[tilespmem:$0x1CCD0] =	vst v0  }
0xae: {  	[tilespmem:$0x1CCE0] =	vst v0  }
0xaf: {  	[tilespmem:$0x1CCF0] =	vst v0  }
0xb0: {  	[tilespmem:$0x1CD00] =	vst v0  }
0xb1: {  	[tilespmem:$0x1CD10] =	vst v0  }
0xb2: {  	[tilespmem:$0x1CD20] =	vst v0  }
0xb3: {  	[tilespmem:$0x1CD30] =	vst v0  }
0xb4: {  	[tilespmem:$0x1CD40] =	vst v0  }
0xb5: {  	[tilespmem:$0x1CD50] =	vst v0  }
0xb6: {  	[tilespmem:$0x1CD60] =	vst v0  }
0xb7: {  	[tilespmem:$0x1CD70] =	vst v0  }
0xb8: {  	[tilespmem:$0x1CD80] =	vst v0  }
0xb9: {  	[tilespmem:$0x1CD90] =	vst v0  }
0xba: {  	[tilespmem:$0x1CDA0] =	vst v0  }
0xbb: {  	[tilespmem:$0x1CDB0] =	vst v0  }
0xbc: {  	[tilespmem:$0x1CDC0] =	vst v0  }
0xbd: {  	[tilespmem:$0x1CDD0] =	vst v0  }
0xbe: {  	[tilespmem:$0x1CDE0] =	vst v0  }
0xbf: {  	[tilespmem:$0x1CDF0] =	vst v0  }
0xc0: {  	[tilespmem:$0x1CE00] =	vst v0  }
0xc1: {  	[tilespmem:$0x1CE10] =	vst v0  }
0xc2: {  	[tilespmem:$0x1CE20] =	vst v0  }
0xc3: {  	[tilespmem:$0x1CE30] =	vst v0  }
0xc4: {  	[tilespmem:$0x1CE40] =	vst v0  }
0xc5: {  	[tilespmem:$0x1CE50] =	vst v0  }
0xc6: {  	[tilespmem:$0x1CE60] =	vst v0  }
0xc7: {  	[tilespmem:$0x1CE70] =	vst v0  }
0xc8: {  	[tilespmem:$0x1CE80] =	vst v0  }
0xc9: {  	[tilespmem:$0x1CE90] =	vst v0  }
0xca: {  	[tilespmem:$0x1CEA0] =	vst v0  }
0xcb: {  	[tilespmem:$0x1CEB0] =	vst v0  }
0xcc: {  	[tilespmem:$0x1CEC0] =	vst v0  }
0xcd: {  	[tilespmem:$0x1CED0] =	vst v0  }
0xce: {  	[tilespmem:$0x1CEE0] =	vst v0  }
0xcf: {  	[tilespmem:$0x1CEF0] =	vst v0  }
0xd0: {  	[tilespmem:$0x1CF00] =	vst v0  }
0xd1: {  	[tilespmem:$0x1CF10] =	vst v0  }
0xd2: {  	[tilespmem:$0x1CF20] =	vst v0  }
0xd3: {  	[tilespmem:$0x1CF30] =	vst v0  }
0xd4: {  	[tilespmem:$0x1CF40] =	vst v0  }
0xd5: {  	[tilespmem:$0x1CF50] =	vst v0  }
0xd6: {  	[tilespmem:$0x1CF60] =	vst v0  }
0xd7: {  	[tilespmem:$0x1CF70] =	vst v0  }
0xd8: {  	[tilespmem:$0x1CF80] =	vst v0  }
0xd9: {  	[tilespmem:$0x1CF90] =	vst v0  }
0xda: {  	[tilespmem:$0x1CFA0] =	vst v0  }
0xdb: {  	[tilespmem:$0x1CFB0] =	vst v0  }
0xdc: {  	[tilespmem:$0x1CFC0] =	vst v0  }
0xdd: {  	[tilespmem:$0x1CFD0] =	vst v0  }
0xde: {  	[tilespmem:$0x1CFE0] =	vst v0  }
0xdf: {  	[tilespmem:$0x1CFF0] =	vst v0  }
0xe0: {  	[tilespmem:$0x1D000] =	vst v0  }
0xe1: {  	[tilespmem:$0x1D010] =	vst v0  }
0xe2: {  	[tilespmem:$0x1D020] =	vst v0  }
0xe3: {  	[tilespmem:$0x1D030] =	vst v0  }
0xe4: {  	[tilespmem:$0x1D040] =	vst v0  }
0xe5: {  	[tilespmem:$0x1D050] =	vst v0  }
0xe6: {  	[tilespmem:$0x1D060] =	vst v0  }
0xe7: {  	[tilespmem:$0x1D070] =	vst v0  }
0xe8: {  	[tilespmem:$0x1D080] =	vst v0  }
0xe9: {  	[tilespmem:$0x1D090] =	vst v0  }
0xea: {  	[tilespmem:$0x1D0A0] =	vst v0  }
0xeb: {  	[tilespmem:$0x1D0B0] =	vst v0  }
0xec: {  	[tilespmem:$0x1D0C0] =	vst v0  }
0xed: {  	[tilespmem:$0x1D0D0] =	vst v0  }
0xee: {  	[tilespmem:$0x1D0E0] =	vst v0  }
0xef: {  	[tilespmem:$0x1D0F0] =	vst v0  }
0xf0: {  	[tilespmem:$0x1D100] =	vst v0  }
0xf1: {  	[tilespmem:$0x1D110] =	vst v0  }
0xf2: {  	[tilespmem:$0x1D120] =	vst v0  }
0xf3: {  	[tilespmem:$0x1D130] =	vst v0  }
0xf4: {  	[tilespmem:$0x1D140] =	vst v0  }
0xf5: {  	[tilespmem:$0x1D150] =	vst v0  }
0xf6: {  	[tilespmem:$0x1D160] =	vst v0  }
0xf7: {  	[tilespmem:$0x1D170] =	vst v0  }
0xf8: {  	[tilespmem:$0x1D180] =	vst v0  }
0xf9: {  	[tilespmem:$0x1D190] =	vst v0  }
0xfa: {  	[tilespmem:$0x1D1A0] =	vst v0  }
0xfb: {  	[tilespmem:$0x1D1B0] =	vst v0  }
0xfc: {  	[tilespmem:$0x1D1C0] =	vst v0  }
0xfd: {  	[tilespmem:$0x1D1D0] =	vst v0  }
0xfe: {  	[tilespmem:$0x1D1E0] =	vst v0  }
0xff: {  	[tilespmem:$0x1D1F0] =	vst v0  }
0x100: {  	[tilespmem:$0x1D200] =	vst v0  }
0x101: {  	[tilespmem:$0x1D210] =	vst v0  }
0x102: {  	[tilespmem:$0x1D220] =	vst v0  }
0x103: {  	[tilespmem:$0x1D230] =	vst v0  }
0x104: {  	[tilespmem:$0x1D240] =	vst v0  }
0x105: {  	[tilespmem:$0x1D250] =	vst v0  }
0x106: {  	[tilespmem:$0x1D260] =	vst v0  }
0x107: {  	[tilespmem:$0x1D270] =	vst v0  }
0x108: {  	[tilespmem:$0x1D280] =	vst v0  }
0x109: {  	[tilespmem:$0x1D290] =	vst v0  }
0x10a: {  	[tilespmem:$0x1D2A0] =	vst v0  }
0x10b: {  	[tilespmem:$0x1D2B0] =	vst v0  }
0x10c: {  	[tilespmem:$0x1D2C0] =	vst v0  }
0x10d: {  	[tilespmem:$0x1D2D0] =	vst v0  }
0x10e: {  	[tilespmem:$0x1D2E0] =	vst v0  }
0x10f: {  	[tilespmem:$0x1D2F0] =	vst v0  }
0x110: {  	[tilespmem:$0x1D300] =	vst v0  }
0x111: {  	[tilespmem:$0x1D310] =	vst v0  }
0x112: {  	[tilespmem:$0x1D320] =	vst v0  }
0x113: {  	[tilespmem:$0x1D330] =	vst v0  }
0x114: {  	[tilespmem:$0x1D340] =	vst v0  }
0x115: {  	[tilespmem:$0x1D350] =	vst v0  }
0x116: {  	[tilespmem:$0x1D360] =	vst v0  }
0x117: {  	[tilespmem:$0x1D370] =	vst v0  }
0x118: {  	[tilespmem:$0x1D380] =	vst v0  }
0x119: {  	[tilespmem:$0x1D390] =	vst v0  }
0x11a: {  	[tilespmem:$0x1D3A0] =	vst v0  }
0x11b: {  	[tilespmem:$0x1D3B0] =	vst v0  }
0x11c: {  	[tilespmem:$0x1D3C0] =	vst v0  }
0x11d: {  	[tilespmem:$0x1D3D0] =	vst v0  }
0x11e: {  	[tilespmem:$0x1D3E0] =	vst v0  }
0x11f: {  	[tilespmem:$0x1D3F0] =	vst v0  }
0x120: {  	[tilespmem:$0x1D400] =	vst v0  }
0x121: {  	[tilespmem:$0x1D410] =	vst v0  }
0x122: {  	[tilespmem:$0x1D420] =	vst v0  }
0x123: {  	[tilespmem:$0x1D430] =	vst v0  }
0x124: {  	[tilespmem:$0x1D440] =	vst v0  }
0x125: {  	[tilespmem:$0x1D450] =	vst v0  }
0x126: {  	[tilespmem:$0x1D460] =	vst v0  }
0x127: {  	[tilespmem:$0x1D470] =	vst v0  }
0x128: {  	[tilespmem:$0x1D480] =	vst v0  }
0x129: {  	[tilespmem:$0x1D490] =	vst v0  }
0x12a: {  	[tilespmem:$0x1D4A0] =	vst v0  }
0x12b: {  	[tilespmem:$0x1D4B0] =	vst v0  }
0x12c: {  	[tilespmem:$0x1D4C0] =	vst v0  }
0x12d: {  	[tilespmem:$0x1D4D0] =	vst v0  }
0x12e: {  	[tilespmem:$0x1D4E0] =	vst v0  }
0x12f: {  	[tilespmem:$0x1D4F0] =	vst v0  }
0x130: {  	[tilespmem:$0x1D500] =	vst v0  }
0x131: {  	[tilespmem:$0x1D510] =	vst v0  }
0x132: {  	[tilespmem:$0x1D520] =	vst v0  }
0x133: {  	[tilespmem:$0x1D530] =	vst v0  }
0x134: {  	[tilespmem:$0x1D540] =	vst v0  }
0x135: {  	[tilespmem:$0x1D550] =	vst v0  }
0x136: {  	[tilespmem:$0x1D560] =	vst v0  }
0x137: {  	[tilespmem:$0x1D570] =	vst v0  }
0x138: {  	[tilespmem:$0x1D580] =	vst v0  }
0x139: {  	[tilespmem:$0x1D590] =	vst v0  }
0x13a: {  	[tilespmem:$0x1D5A0] =	vst v0  }
0x13b: {  	[tilespmem:$0x1D5B0] =	vst v0  }
0x13c: {  	[tilespmem:$0x1D5C0] =	vst v0  }
0x13d: {  	[tilespmem:$0x1D5D0] =	vst v0  }
0x13e: {  	[tilespmem:$0x1D5E0] =	vst v0  }
0x13f: {  	[tilespmem:$0x1D5F0] =	vst v0  }
0x140: {  	[tilespmem:$0x1D600] =	vst v0  }
0x141: {  	[tilespmem:$0x1D610] =	vst v0  }
0x142: {  	[tilespmem:$0x1D620] =	vst v0  }
0x143: {  	[tilespmem:$0x1D630] =	vst v0  }
0x144: {  	[tilespmem:$0x1D640] =	vst v0  }
0x145: {  	[tilespmem:$0x1D650] =	vst v0  }
0x146: {  	[tilespmem:$0x1D660] =	vst v0  }
0x147: {  	[tilespmem:$0x1D670] =	vst v0  }
0x148: {  	[tilespmem:$0x1D680] =	vst v0  }
0x149: {  	[tilespmem:$0x1D690] =	vst v0  }
0x14a: {  	[tilespmem:$0x1D6A0] =	vst v0  }
0x14b: {  	[tilespmem:$0x1D6B0] =	vst v0  }
0x14c: {  	[tilespmem:$0x1D6C0] =	vst v0  }
0x14d: {  	[tilespmem:$0x1D6D0] =	vst v0  }
0x14e: {  	[tilespmem:$0x1D6E0] =	vst v0  }
0x14f: {  	[tilespmem:$0x1D6F0] =	vst v0  }
0x150: {  	[tilespmem:$0x1D700] =	vst v0  }
0x151: {  	[tilespmem:$0x1D710] =	vst v0  }
0x152: {  	[tilespmem:$0x1D720] =	vst v0  }
0x153: {  	[tilespmem:$0x1D730] =	vst v0  }
0x154: {  	[tilespmem:$0x1D740] =	vst v0  }
0x155: {  	[tilespmem:$0x1D750] =	vst v0  }
0x156: {  	[tilespmem:$0x1D760] =	vst v0  }
0x157: {  	[tilespmem:$0x1D770] =	vst v0  }
0x158: {  	[tilespmem:$0x1D780] =	vst v0  }
0x159: {  	[tilespmem:$0x1D790] =	vst v0  }
0x15a: {  	[tilespmem:$0x1D7A0] =	vst v0  }
0x15b: {  	[tilespmem:$0x1D7B0] =	vst v0  }
0x15c: {  	[tilespmem:$0x1D7C0] =	vst v0  }
0x15d: {  	[tilespmem:$0x1D7D0] =	vst v0  }
0x15e: {  	[tilespmem:$0x1D7E0] =	vst v0  }
0x15f: {  	[tilespmem:$0x1D7F0] =	vst v0  }
0x160: {  	[tilespmem:$0x1D800] =	vst v0  }
0x161: {  	[tilespmem:$0x1D810] =	vst v0  }
0x162: {  	[tilespmem:$0x1D820] =	vst v0  }
0x163: {  	[tilespmem:$0x1D830] =	vst v0  }
0x164: {  	[tilespmem:$0x1D840] =	vst v0  }
0x165: {  	[tilespmem:$0x1D850] =	vst v0  }
0x166: {  	[tilespmem:$0x1D860] =	vst v0  }
0x167: {  	[tilespmem:$0x1D870] =	vst v0  }
0x168: {  	[tilespmem:$0x1D880] =	vst v0  }
0x169: {  	[tilespmem:$0x1D890] =	vst v0  }
0x16a: {  	[tilespmem:$0x1D8A0] =	vst v0  }
0x16b: {  	[tilespmem:$0x1D8B0] =	vst v0  }
0x16c: {  	[tilespmem:$0x1D8C0] =	vst v0  }
0x16d: {  	[tilespmem:$0x1D8D0] =	vst v0  }
0x16e: {  	[tilespmem:$0x1D8E0] =	vst v0  }
0x16f: {  	[tilespmem:$0x1D8F0] =	vst v0  }
0x170: {  	[tilespmem:$0x1D900] =	vst v0  }
0x171: {  	[tilespmem:$0x1D910] =	vst v0  }
0x172: {  	[tilespmem:$0x1D920] =	vst v0  }
0x173: {  	[tilespmem:$0x1D930] =	vst v0  }
0x174: {  	[tilespmem:$0x1D940] =	vst v0  }
0x175: {  	[tilespmem:$0x1D950] =	vst v0  }
0x176: {  	[tilespmem:$0x1D960] =	vst v0  }
0x177: {  	[tilespmem:$0x1D970] =	vst v0  }
0x178: {  	[tilespmem:$0x1D980] =	vst v0  }
0x179: {  	[tilespmem:$0x1D990] =	vst v0  }
0x17a: {  	[tilespmem:$0x1D9A0] =	vst v0  }
0x17b: {  	[tilespmem:$0x1D9B0] =	vst v0  }
0x17c: {  	[tilespmem:$0x1D9C0] =	vst v0  }
0x17d: {  	[tilespmem:$0x1D9D0] =	vst v0  }
0x17e: {  	[tilespmem:$0x1D9E0] =	vst v0  }
0x17f: {  	[tilespmem:$0x1D9F0] =	vst v0  }
0x180: {  	[tilespmem:$0x1DA00] =	vst v0  }
0x181: {  	[tilespmem:$0x1DA10] =	vst v0  }
0x182: {  	[tilespmem:$0x1DA20] =	vst v0  }
0x183: {  	[tilespmem:$0x1DA30] =	vst v0  }
0x184: {  	[tilespmem:$0x1DA40] =	vst v0  }
0x185: {  	[tilespmem:$0x1DA50] =	vst v0  }
0x186: {  	[tilespmem:$0x1DA60] =	vst v0  }
0x187: {  	[tilespmem:$0x1DA70] =	vst v0  }
0x188: {  	[tilespmem:$0x1DA80] =	vst v0  }
0x189: {  	[tilespmem:$0x1DA90] =	vst v0  }
0x18a: {  	[tilespmem:$0x1DAA0] =	vst v0  }
0x18b: {  	[tilespmem:$0x1DAB0] =	vst v0  }
0x18c: {  	[tilespmem:$0x1DAC0] =	vst v0  }
0x18d: {  	[tilespmem:$0x1DAD0] =	vst v0  }
0x18e: {  	[tilespmem:$0x1DAE0] =	vst v0  }
0x18f: {  	[tilespmem:$0x1DAF0] =	vst v0  }
0x190: {  	[tilespmem:$0x1DB00] =	vst v0  }
0x191: {  	[tilespmem:$0x1DB10] =	vst v0  }
0x192: {  	[tilespmem:$0x1DB20] =	vst v0  }
0x193: {  	[tilespmem:$0x1DB30] =	vst v0  }
0x194: {  	[tilespmem:$0x1DB40] =	vst v0  }
0x195: {  	[tilespmem:$0x1DB50] =	vst v0  }
0x196: {  	[tilespmem:$0x1DB60] =	vst v0  }
0x197: {  	[tilespmem:$0x1DB70] =	vst v0  }
0x198: {  	[tilespmem:$0x1DB80] =	vst v0  }
0x199: {  	[tilespmem:$0x1DB90] =	vst v0  }
0x19a: {  	[tilespmem:$0x1DBA0] =	vst v0  }
0x19b: {  	[tilespmem:$0x1DBB0] =	vst v0  }
0x19c: {  	[tilespmem:$0x1DBC0] =	vst v0  }
0x19d: {  	[tilespmem:$0x1DBD0] =	vst v0  }
0x19e: {  	[tilespmem:$0x1DBE0] =	vst v0  }
0x19f: {  	[tilespmem:$0x1DBF0] =	vst v0  }
0x1a0: {  	[tilespmem:$0x1DC00] =	vst v0  }
0x1a1: {  	[tilespmem:$0x1DC10] =	vst v0  }
0x1a2: {  	[tilespmem:$0x1DC20] =	vst v0  }
0x1a3: {  	[tilespmem:$0x1DC30] =	vst v0  }
0x1a4: {  	[tilespmem:$0x1DC40] =	vst v0  }
0x1a5: {  	[tilespmem:$0x1DC50] =	vst v0  }
0x1a6: {  	[tilespmem:$0x1DC60] =	vst v0  }
0x1a7: {  	[tilespmem:$0x1DC70] =	vst v0  }
0x1a8: {  	[tilespmem:$0x1DC80] =	vst v0  }
0x1a9: {  	[tilespmem:$0x1DC90] =	vst v0  }
0x1aa: {  	[tilespmem:$0x1DCA0] =	vst v0  }
0x1ab: {  	[tilespmem:$0x1DCB0] =	vst v0  }
0x1ac: {  	[tilespmem:$0x1DCC0] =	vst v0  }
0x1ad: {  	[tilespmem:$0x1DCD0] =	vst v0  }
0x1ae: {  	[tilespmem:$0x1DCE0] =	vst v0  }
0x1af: {  	[tilespmem:$0x1DCF0] =	vst v0  }
0x1b0: {  	[tilespmem:$0x1DD00] =	vst v0  }
0x1b1: {  	[tilespmem:$0x1DD10] =	vst v0  }
0x1b2: {  	[tilespmem:$0x1DD20] =	vst v0  }
0x1b3: {  	[tilespmem:$0x1DD30] =	vst v0  }
0x1b4: {  	[tilespmem:$0x1DD40] =	vst v0  }
0x1b5: {  	[tilespmem:$0x1DD50] =	vst v0  }
0x1b6: {  	[tilespmem:$0x1DD60] =	vst v0  }
0x1b7: {  	[tilespmem:$0x1DD70] =	vst v0  }
0x1b8: {  	[tilespmem:$0x1DD80] =	vst v0  }
0x1b9: {  	[tilespmem:$0x1DD90] =	vst v0  }
0x1ba: {  	[tilespmem:$0x1DDA0] =	vst v0  }
0x1bb: {  	[tilespmem:$0x1DDB0] =	vst v0  }
0x1bc: {  	[tilespmem:$0x1DDC0] =	vst v0  }
0x1bd: {  	[tilespmem:$0x1DDD0] =	vst v0  }
0x1be: {  	[tilespmem:$0x1DDE0] =	vst v0  }
0x1bf: {  	[tilespmem:$0x1DDF0] =	vst v0  }
0x1c0: {  	[tilespmem:$0x1DE00] =	vst v0  }
0x1c1: {  	[tilespmem:$0x1DE10] =	vst v0  }
0x1c2: {  	[tilespmem:$0x1DE20] =	vst v0  }
0x1c3: {  	[tilespmem:$0x1DE30] =	vst v0  }
0x1c4: {  	[tilespmem:$0x1DE40] =	vst v0  }
0x1c5: {  	[tilespmem:$0x1DE50] =	vst v0  }
0x1c6: {  	[tilespmem:$0x1DE60] =	vst v0  }
0x1c7: {  	[tilespmem:$0x1DE70] =	vst v0  }
0x1c8: {  	[tilespmem:$0x1DE80] =	vst v0  }
0x1c9: {  	[tilespmem:$0x1DE90] =	vst v0  }
0x1ca: {  	[tilespmem:$0x1DEA0] =	vst v0  }
0x1cb: {  	[tilespmem:$0x1DEB0] =	vst v0  }
0x1cc: {  	[tilespmem:$0x1DEC0] =	vst v0  }
0x1cd: {  	[tilespmem:$0x1DED0] =	vst v0  }
0x1ce: {  	[tilespmem:$0x1DEE0] =	vst v0  }
0x1cf: {  	[tilespmem:$0x1DEF0] =	vst v0  }
0x1d0: {  	[tilespmem:$0x1DF00] =	vst v0  }
0x1d1: {  	[tilespmem:$0x1DF10] =	vst v0  }
0x1d2: {  	[tilespmem:$0x1DF20] =	vst v0  }
0x1d3: {  	[tilespmem:$0x1DF30] =	vst v0  }
0x1d4: {  	[tilespmem:$0x1DF40] =	vst v0  }
0x1d5: {  	[tilespmem:$0x1DF50] =	vst v0  }
0x1d6: {  	[tilespmem:$0x1DF60] =	vst v0  }
0x1d7: {  	[tilespmem:$0x1DF70] =	vst v0  }
0x1d8: {  	[tilespmem:$0x1DF80] =	vst v0  }
0x1d9: {  	[tilespmem:$0x1DF90] =	vst v0  }
0x1da: {  	[tilespmem:$0x1DFA0] =	vst v0  }
0x1db: {  	[tilespmem:$0x1DFB0] =	vst v0  }
0x1dc: {  	[tilespmem:$0x1DFC0] =	vst v0  }
0x1dd: {  	[tilespmem:$0x1DFD0] =	vst v0  }
0x1de: {  	[tilespmem:$0x1DFE0] =	vst v0  }
0x1df: {  	[tilespmem:$0x1DFF0] =	vst v0  }
0x1e0: {  	[tilespmem:$0x1E000] =	vst v0  }
0x1e1: {  	[tilespmem:$0x1E010] =	vst v0  }
0x1e2: {  	[tilespmem:$0x1E020] =	vst v0  }
0x1e3: {  	[tilespmem:$0x1E030] =	vst v0  }
0x1e4: {  	[tilespmem:$0x1E040] =	vst v0  }
0x1e5: {  	[tilespmem:$0x1E050] =	vst v0  }
0x1e6: {  	[tilespmem:$0x1E060] =	vst v0  }
0x1e7: {  	[tilespmem:$0x1E070] =	vst v0  }
0x1e8: {  	[tilespmem:$0x1E080] =	vst v0  }
0x1e9: {  	[tilespmem:$0x1E090] =	vst v0  }
0x1ea: {  	[tilespmem:$0x1E0A0] =	vst v0  }
0x1eb: {  	[tilespmem:$0x1E0B0] =	vst v0  }
0x1ec: {  	[tilespmem:$0x1E0C0] =	vst v0  }
0x1ed: {  	[tilespmem:$0x1E0D0] =	vst v0  }
0x1ee: {  	[tilespmem:$0x1E0E0] =	vst v0  }
0x1ef: {  	[tilespmem:$0x1E0F0] =	vst v0  }
0x1f0: {  	[tilespmem:$0x1E100] =	vst v0  }
0x1f1: {  	[tilespmem:$0x1E110] =	vst v0  }
0x1f2: {  	[tilespmem:$0x1E120] =	vst v0  }
0x1f3: {  	[tilespmem:$0x1E130] =	vst v0  }
0x1f4: {  	[tilespmem:$0x1E140] =	vst v0  }
0x1f5: {  	[tilespmem:$0x1E150] =	vst v0  }
0x1f6: {  	[tilespmem:$0x1E160] =	vst v0  }
0x1f7: {  	[tilespmem:$0x1E170] =	vst v0  }
0x1f8: {  	[tilespmem:$0x1E180] =	vst v0  }
0x1f9: {  	[tilespmem:$0x1E190] =	vst v0  }
0x1fa: {  	[tilespmem:$0x1E1A0] =	vst v0  }
0x1fb: {  	[tilespmem:$0x1E1B0] =	vst v0  }
0x1fc: {  	[tilespmem:$0x1E1C0] =	vst v0  }
0x1fd: {  	[tilespmem:$0x1E1D0] =	vst v0  }
0x1fe: {  	[tilespmem:$0x1E1E0] =	vst v0  }
0x1ff: {  	[tilespmem:$0x1E1F0] =	vst v0  }
0x200: {  	[tilespmem:$0x1E200] =	vst v0  }
0x201: {  	[tilespmem:$0x1E210] =	vst v0  }
0x202: {  	[tilespmem:$0x1E220] =	vst v0  }
0x203: {  	[tilespmem:$0x1E230] =	vst v0  }
0x204: {  	[tilespmem:$0x1E240] =	vst v0  }
0x205: {  	[tilespmem:$0x1E250] =	vst v0  }
0x206: {  	[tilespmem:$0x1E260] =	vst v0  }
0x207: {  	[tilespmem:$0x1E270] =	vst v0  }
0x208: {  	[tilespmem:$0x1E280] =	vst v0  }
0x209: {  	[tilespmem:$0x1E290] =	vst v0  }
0x20a: {  	[tilespmem:$0x1E2A0] =	vst v0  }
0x20b: {  	[tilespmem:$0x1E2B0] =	vst v0  }
0x20c: {  	[tilespmem:$0x1E2C0] =	vst v0  }
0x20d: {  	[tilespmem:$0x1E2D0] =	vst v0  }
0x20e: {  	[tilespmem:$0x1E2E0] =	vst v0  }
0x20f: {  	[tilespmem:$0x1E2F0] =	vst v0  }
0x210: {  	[tilespmem:$0x1E300] =	vst v0  }
0x211: {  	[tilespmem:$0x1E310] =	vst v0  }
0x212: {  	[tilespmem:$0x1E320] =	vst v0  }
0x213: {  	[tilespmem:$0x1E330] =	vst v0  }
0x214: {  	[tilespmem:$0x1E340] =	vst v0  }
0x215: {  	[tilespmem:$0x1E350] =	vst v0  }
0x216: {  	[tilespmem:$0x1E360] =	vst v0  }
0x217: {  	[tilespmem:$0x1E370] =	vst v0  }
0x218: {  	[tilespmem:$0x1E380] =	vst v0  }
0x219: {  	[tilespmem:$0x1E390] =	vst v0  }
0x21a: {  	[tilespmem:$0x1E3A0] =	vst v0  }
0x21b: {  	[tilespmem:$0x1E3B0] =	vst v0  }
0x21c: {  	[tilespmem:$0x1E3C0] =	vst v0  }
0x21d: {  	[tilespmem:$0x1E3D0] =	vst v0  }
0x21e: {  	[tilespmem:$0x1E3E0] =	vst v0  }
0x21f: {  	[tilespmem:$0x1E3F0] =	vst v0  }
0x220: {  	[tilespmem:$0x1E400] =	vst v0  }
0x221: {  	[tilespmem:$0x1E410] =	vst v0  }
0x222: {  	[tilespmem:$0x1E420] =	vst v0  }
0x223: {  	[tilespmem:$0x1E430] =	vst v0  }
0x224: {  	[tilespmem:$0x1E440] =	vst v0  }
0x225: {  	[tilespmem:$0x1E450] =	vst v0  }
0x226: {  	[tilespmem:$0x1E460] =	vst v0  }
0x227: {  	[tilespmem:$0x1E470] =	vst v0  }
0x228: {  	[tilespmem:$0x1E480] =	vst v0  }
0x229: {  	[tilespmem:$0x1E490] =	vst v0  }
0x22a: {  	[tilespmem:$0x1E4A0] =	vst v0  }
0x22b: {  	[tilespmem:$0x1E4B0] =	vst v0  }
0x22c: {  	[tilespmem:$0x1E4C0] =	vst v0  }
0x22d: {  	[tilespmem:$0x1E4D0] =	vst v0  }
0x22e: {  	[tilespmem:$0x1E4E0] =	vst v0  }
0x22f: {  	[tilespmem:$0x1E4F0] =	vst v0  }
0x230: {  	[tilespmem:$0x1E500] =	vst v0  }
0x231: {  	[tilespmem:$0x1E510] =	vst v0  }
0x232: {  	[tilespmem:$0x1E520] =	vst v0  }
0x233: {  	[tilespmem:$0x1E530] =	vst v0  }
0x234: {  	[tilespmem:$0x1E540] =	vst v0  }
0x235: {  	[tilespmem:$0x1E550] =	vst v0  }
0x236: {  	[tilespmem:$0x1E560] =	vst v0  }
0x237: {  	[tilespmem:$0x1E570] =	vst v0  }
0x238: {  	[tilespmem:$0x1E580] =	vst v0  }
0x239: {  	[tilespmem:$0x1E590] =	vst v0  }
0x23a: {  	[tilespmem:$0x1E5A0] =	vst v0  }
0x23b: {  	[tilespmem:$0x1E5B0] =	vst v0  }
0x23c: {  	[tilespmem:$0x1E5C0] =	vst v0  }
0x23d: {  	[tilespmem:$0x1E5D0] =	vst v0  }
0x23e: {  	[tilespmem:$0x1E5E0] =	vst v0  }
0x23f: {  	[tilespmem:$0x1E5F0] =	vst v0  }
0x240: {  	[tilespmem:$0x1E600] =	vst v0  }
0x241: {  	[tilespmem:$0x1E610] =	vst v0  }
0x242: {  	[tilespmem:$0x1E620] =	vst v0  }
0x243: {  	[tilespmem:$0x1E630] =	vst v0  }
0x244: {  	[tilespmem:$0x1E640] =	vst v0  }
0x245: {  	[tilespmem:$0x1E650] =	vst v0  }
0x246: {  	[tilespmem:$0x1E660] =	vst v0  }
0x247: {  	[tilespmem:$0x1E670] =	vst v0  }
0x248: {  	[tilespmem:$0x1E680] =	vst v0  }
0x249: {  	[tilespmem:$0x1E690] =	vst v0  }
0x24a: {  	[tilespmem:$0x1E6A0] =	vst v0  }
0x24b: {  	[tilespmem:$0x1E6B0] =	vst v0  }
0x24c: {  	[tilespmem:$0x1E6C0] =	vst v0  }
0x24d: {  	[tilespmem:$0x1E6D0] =	vst v0  }
0x24e: {  	[tilespmem:$0x1E6E0] =	vst v0  }
0x24f: {  	[tilespmem:$0x1E6F0] =	vst v0  }
0x250: {  	[tilespmem:$0x1E700] =	vst v0  }
0x251: {  	[tilespmem:$0x1E710] =	vst v0  }
0x252: {  	[tilespmem:$0x1E720] =	vst v0  }
0x253: {  	[tilespmem:$0x1E730] =	vst v0  }
0x254: {  	[tilespmem:$0x1E740] =	vst v0  }
0x255: {  	[tilespmem:$0x1E750] =	vst v0  }
0x256: {  	[tilespmem:$0x1E760] =	vst v0  }
0x257: {  	[tilespmem:$0x1E770] =	vst v0  }
0x258: {  	[tilespmem:$0x1E780] =	vst v0  }
0x259: {  	[tilespmem:$0x1E790] =	vst v0  }
0x25a: {  	[tilespmem:$0x1E7A0] =	vst v0  }
0x25b: {  	[tilespmem:$0x1E7B0] =	vst v0  }
0x25c: {  	[tilespmem:$0x1E7C0] =	vst v0  }
0x25d: {  	[tilespmem:$0x1E7D0] =	vst v0  }
0x25e: {  	[tilespmem:$0x1E7E0] =	vst v0  }
0x25f: {  	[tilespmem:$0x1E7F0] =	vst v0  }
0x260: {  	[tilespmem:$0x1E800] =	vst v0  }
0x261: {  	[tilespmem:$0x1E810] =	vst v0  }
0x262: {  	[tilespmem:$0x1E820] =	vst v0  }
0x263: {  	[tilespmem:$0x1E830] =	vst v0  }
0x264: {  	[tilespmem:$0x1E840] =	vst v0  }
0x265: {  	[tilespmem:$0x1E850] =	vst v0  }
0x266: {  	[tilespmem:$0x1E860] =	vst v0  }
0x267: {  	[tilespmem:$0x1E870] =	vst v0  }
0x268: {  	[tilespmem:$0x1E880] =	vst v0  }
0x269: {  	[tilespmem:$0x1E890] =	vst v0  }
0x26a: {  	[tilespmem:$0x1E8A0] =	vst v0  }
0x26b: {  	[tilespmem:$0x1E8B0] =	vst v0  }
0x26c: {  	[tilespmem:$0x1E8C0] =	vst v0  }
0x26d: {  	[tilespmem:$0x1E8D0] =	vst v0  }
0x26e: {  	[tilespmem:$0x1E8E0] =	vst v0  }
0x26f: {  	[tilespmem:$0x1E8F0] =	vst v0  }
0x270: {  	[tilespmem:$0x1E900] =	vst v0  }
0x271: {  	[tilespmem:$0x1E910] =	vst v0  }
0x272: {  	[tilespmem:$0x1E920] =	vst v0  }
0x273: {  	[tilespmem:$0x1E930] =	vst v0  }
0x274: {  	[tilespmem:$0x1E940] =	vst v0  }
0x275: {  	[tilespmem:$0x1E950] =	vst v0  }
0x276: {  	[tilespmem:$0x1E960] =	vst v0  }
0x277: {  	[tilespmem:$0x1E970] =	vst v0  }
0x278: {  	[tilespmem:$0x1E980] =	vst v0  }
0x279: {  	[tilespmem:$0x1E990] =	vst v0  }
0x27a: {  	[tilespmem:$0x1E9A0] =	vst v0  }
0x27b: {  	[tilespmem:$0x1E9B0] =	vst v0  }
0x27c: {  	[tilespmem:$0x1E9C0] =	vst v0  }
0x27d: {  	[tilespmem:$0x1E9D0] =	vst v0  }
0x27e: {  	[tilespmem:$0x1E9E0] =	vst v0  }
0x27f: {  	[tilespmem:$0x1E9F0] =	vst v0  }
0x280: {  	[tilespmem:$0x1EA00] =	vst v0  }
0x281: {  	[tilespmem:$0x1EA10] =	vst v0  }
0x282: {  	[tilespmem:$0x1EA20] =	vst v0  }
0x283: {  	[tilespmem:$0x1EA30] =	vst v0  }
0x284: {  	[tilespmem:$0x1EA40] =	vst v0  }
0x285: {  	[tilespmem:$0x1EA50] =	vst v0  }
0x286: {  	[tilespmem:$0x1EA60] =	vst v0  }
0x287: {  	[tilespmem:$0x1EA70] =	vst v0  }
0x288: {  	[tilespmem:$0x1EA80] =	vst v0  }
0x289: {  	[tilespmem:$0x1EA90] =	vst v0  }
0x28a: {  	[tilespmem:$0x1EAA0] =	vst v0  }
0x28b: {  	[tilespmem:$0x1EAB0] =	vst v0  }
0x28c: {  	[tilespmem:$0x1EAC0] =	vst v0  }
0x28d: {  	[tilespmem:$0x1EAD0] =	vst v0  }
0x28e: {  	[tilespmem:$0x1EAE0] =	vst v0  }
0x28f: {  	[tilespmem:$0x1EAF0] =	vst v0  }
0x290: {  	[tilespmem:$0x1EB00] =	vst v0  }
0x291: {  	[tilespmem:$0x1EB10] =	vst v0  }
0x292: {  	[tilespmem:$0x1EB20] =	vst v0  }
0x293: {  	[tilespmem:$0x1EB30] =	vst v0  }
0x294: {  	[tilespmem:$0x1EB40] =	vst v0  }
0x295: {  	[tilespmem:$0x1EB50] =	vst v0  }
0x296: {  	[tilespmem:$0x1EB60] =	vst v0  }
0x297: {  	[tilespmem:$0x1EB70] =	vst v0  }
0x298: {  	s8 =	simm.s32 $0x0;
	[bflag:$0x0] =	sbarrier.arrive $0xFFFF  }
.LBB2_2:
0x299: {  	s9 =	sadd.s32 s8, s11  }
0x29a: {  	[tilespmem:s4], [sflag:$0x3] =	stream.linear.gather [hbm4b:s9+s4], $0x400, $0x38;
	[tilespmem:$0x1EB80] =	vst v63  }
0x29b: {  	_ =	swait.ge [sflag:s13], $0x400  }
0x29c: {  	[sflag:s13] =	ssyncset.done $0x0  }
0x29d: {  	s9 =	sadd.s32 s8, s10;
	[sflag:s13] =	ssyncadd.s32 $0xFFFFFC00  }
0x29e: {  	[tilespmem:s14], [sflag:$0x3] =	stream.linear.gather [hbm4b:s9+s4], $0x400, $0x38;
	[tilespmem:$0x1EB80] =	vst v63  }
0x29f: {  	_ =	swait.ge [sflag:s13], $0x400  }
0x2a0: {  	[sflag:s13] =	ssyncset.done $0x0  }
0x2a1: {  	[sflag:s13] =	ssyncadd.s32 $0xFFFFFC00  }
0x2a2: {  	[tilespmem:s16], [sflag:$0x1] =	stream.indirect.gather [hbm4b:s0+s15], $0x80, s4, s15, $0xb8;
	[tilespmem:$0x1EB80] =	vst v63  }
0x2a3: {  	_ = 	snop  }
0x2a4: {  	[tilespmem:s17], [sflag:$0x2] =	stream.indirect.gather [hbm4b:s0+s15], $0x80, s15, s15, $0xb8;
	[tilespmem:$0x1EB80] =	vst v63  }
0x2a5: {  	v2 =	vld [tilespmem:$0x400];
	_ =	sdelay $0x7  }
0x2a6: {  	[tilespmem:v2+s18+$0x0] =	vst.idx.add.f32.msk $0xffff, v1  }
0x2a7: {  	v2 =	vld [tilespmem:$0x410];
	_ =	sdelay $0x7  }
0x2a8: {  	[tilespmem:v2+s18+$0x0] =	vst.idx.add.f32.msk $0xffff, v1  }
0x2a9: {  	v2 =	vld [tilespmem:$0x420];
	_ =	sdelay $0x7  }
0x2aa: {  	[tilespmem:v2+s18+$0x0] =	vst.idx.add.f32.msk $0xffff, v1  }
0x2ab: {  	v2 =	vld [tilespmem:$0x430];
	_ =	sdelay $0x7  }
0x2ac: {  	[tilespmem:v2+s18+$0x0] =	vst.idx.add.f32.msk $0xffff, v1  }
0x2ad: {  	v2 =	vld [tilespmem:$0x440];
	_ =	sdelay $0x7  }
0x2ae: {  	[tilespmem:v2+s18+$0x0] =	vst.idx.add.f32.msk $0xffff, v1  }
0x2af: {  	v2 =	vld [tilespmem:$0x450];
	_ =	sdelay $0x7  }
0x2b0: {  	[tilespmem:v2+s18+$0x0] =	vst.idx.add.f32.msk $0xffff, v1  }
0x2b1: {  	v2 =	vld [tilespmem:$0x460];
	_ =	sdelay $0x7  }
0x2b2: {  	[tilespmem:v2+s18+$0x0] =	vst.idx.add.f32.msk $0xffff, v1  }
0x2b3: {  	v2 =	vld [tilespmem:$0x470];
	_ =	sdelay $0x7  }
0x2b4: {  	[tilespmem:v2+s18+$0x0] =	vst.idx.add.f32.msk $0xffff, v1  }
0x2b5: {  	_ =	swait.ge [sflag:s19], $0x4000  }
0x2b6: {  	[sflag:s19] =	ssyncset.done $0x0  }
0x2b7: {  	[sflag:s19] =	ssyncadd.s32 $0xFFFFC000  }
0x2b8: {  	[spmem:s3] =	stream.indirect.scatter.add.f32 [tilespmem:s16], [sflag:$0x3], $0x80, s14, s15, $0xb8;
	[tilespmem:$0x1EB80] =	vst v63  }
0x2b9: {  	_ =	swait.ge [sflag:s13], $0x4000  }
0x2ba: {  	[sflag:s13] =	ssyncset.done $0x0  }
0x2bb: {  	[sflag:s13] =	ssyncadd.s32 $0xFFFFC000  }
0x2bc: {  	[tilespmem:s16], [sflag:$0x1] =	stream.indirect.gather [hbm4b:s0+s15], $0x80, s20, s15, $0xb8;
	[tilespmem:$0x1EB80] =	vst v63  }
0x2bd: {  	v2 =	vld [tilespmem:$0x480];
	_ =	sdelay $0x7  }
0x2be: {  	[tilespmem:v2+s18+$0x0] =	vst.idx.add.f32.msk $0xffff, v1  }
0x2bf: {  	v2 =	vld [tilespmem:$0x490];
	_ =	sdelay $0x7  }
0x2c0: {  	[tilespmem:v2+s18+$0x0] =	vst.idx.add.f32.msk $0xffff, v1  }
0x2c1: {  	v2 =	vld [tilespmem:$0x4A0];
	_ =	sdelay $0x7  }
0x2c2: {  	[tilespmem:v2+s18+$0x0] =	vst.idx.add.f32.msk $0xffff, v1  }
0x2c3: {  	v2 =	vld [tilespmem:$0x4B0];
	_ =	sdelay $0x7  }
0x2c4: {  	[tilespmem:v2+s18+$0x0] =	vst.idx.add.f32.msk $0xffff, v1  }
0x2c5: {  	v2 =	vld [tilespmem:$0x4C0];
	_ =	sdelay $0x7  }
0x2c6: {  	[tilespmem:v2+s18+$0x0] =	vst.idx.add.f32.msk $0xffff, v1  }
0x2c7: {  	v2 =	vld [tilespmem:$0x4D0];
	_ =	sdelay $0x7  }
0x2c8: {  	[tilespmem:v2+s18+$0x0] =	vst.idx.add.f32.msk $0xffff, v1  }
0x2c9: {  	v2 =	vld [tilespmem:$0x4E0];
	_ =	sdelay $0x7  }
0x2ca: {  	[tilespmem:v2+s18+$0x0] =	vst.idx.add.f32.msk $0xffff, v1  }
0x2cb: {  	v2 =	vld [tilespmem:$0x4F0];
	_ =	sdelay $0x7  }
0x2cc: {  	[tilespmem:v2+s18+$0x0] =	vst.idx.add.f32.msk $0xffff, v1  }
0x2cd: {  	_ =	swait.ge [sflag:s21], $0x4000  }
0x2ce: {  	[sflag:s21] =	ssyncset.done $0x0  }
0x2cf: {  	[sflag:s21] =	ssyncadd.s32 $0xFFFFC000  }
0x2d0: {  	[spmem:s3] =	stream.indirect.scatter.add.f32 [tilespmem:s17], [sflag:$0x3], $0x80, s22, s15, $0xb8;
	[tilespmem:$0x1EB80] =	vst v63  }
0x2d1: {  	_ =	swait.ge [sflag:s13], $0x4000  }
0x2d2: {  	[sflag:s13] =	ssyncset.done $0x0  }
0x2d3: {  	[sflag:s13] =	ssyncadd.s32 $0xFFFFC000  }
0x2d4: {  	[tilespmem:s17], [sflag:$0x2] =	stream.indirect.gather [hbm4b:s0+s15], $0x80, s23, s15, $0xb8;
	[tilespmem:$0x1EB80] =	vst v63  }
0x2d5: {  	v2 =	vld [tilespmem:$0x500];
	_ =	sdelay $0x7  }
0x2d6: {  	[tilespmem:v2+s18+$0x0] =	vst.idx.add.f32.msk $0xffff, v1  }
0x2d7: {  	v2 =	vld [tilespmem:$0x510];
	_ =	sdelay $0x7  }
0x2d8: {  	[tilespmem:v2+s18+$0x0] =	vst.idx.add.f32.msk $0xffff, v1  }
0x2d9: {  	v2 =	vld [tilespmem:$0x520];
	_ =	sdelay $0x7  }
0x2da: {  	[tilespmem:v2+s18+$0x0] =	vst.idx.add.f32.msk $0xffff, v1  }
0x2db: {  	v2 =	vld [tilespmem:$0x530];
	_ =	sdelay $0x7  }
0x2dc: {  	[tilespmem:v2+s18+$0x0] =	vst.idx.add.f32.msk $0xffff, v1  }
0x2dd: {  	v2 =	vld [tilespmem:$0x540];
	_ =	sdelay $0x7  }
0x2de: {  	[tilespmem:v2+s18+$0x0] =	vst.idx.add.f32.msk $0xffff, v1  }
0x2df: {  	v2 =	vld [tilespmem:$0x550];
	_ =	sdelay $0x7  }
0x2e0: {  	[tilespmem:v2+s18+$0x0] =	vst.idx.add.f32.msk $0xffff, v1  }
0x2e1: {  	v2 =	vld [tilespmem:$0x560];
	_ =	sdelay $0x7  }
0x2e2: {  	[tilespmem:v2+s18+$0x0] =	vst.idx.add.f32.msk $0xffff, v1  }
0x2e3: {  	v2 =	vld [tilespmem:$0x570];
	_ =	sdelay $0x7  }
0x2e4: {  	[tilespmem:v2+s18+$0x0] =	vst.idx.add.f32.msk $0xffff, v1  }
0x2e5: {  	_ =	swait.ge [sflag:s19], $0x4000  }
0x2e6: {  	[sflag:s19] =	ssyncset.done $0x0  }
0x2e7: {  	[sflag:s19] =	ssyncadd.s32 $0xFFFFC000  }
0x2e8: {  	[spmem:s3] =	stream.indirect.scatter.add.f32 [tilespmem:s16], [sflag:$0x3], $0x80, s24, s15, $0xb8;
	[tilespmem:$0x1EB80] =	vst v63  }
0x2e9: {  	_ =	swait.ge [sflag:s13], $0x4000  }
0x2ea: {  	[sflag:s13] =	ssyncset.done $0x0  }
0x2eb: {  	[sflag:s13] =	ssyncadd.s32 $0xFFFFC000  }
0x2ec: {  	[tilespmem:s16], [sflag:$0x1] =	stream.indirect.gather [hbm4b:s0+s15], $0x80, s25, s15, $0xb8;
	[tilespmem:$0x1EB80] =	vst v63  }
0x2ed: {  	v2 =	vld [tilespmem:$0x580];
	_ =	sdelay $0x7  }
0x2ee: {  	[tilespmem:v2+s18+$0x0] =	vst.idx.add.f32.msk $0xffff, v1  }
0x2ef: {  	v2 =	vld [tilespmem:$0x590];
	_ =	sdelay $0x7  }
0x2f0: {  	[tilespmem:v2+s18+$0x0] =	vst.idx.add.f32.msk $0xffff, v1  }
0x2f1: {  	v2 =	vld [tilespmem:$0x5A0];
	_ =	sdelay $0x7  }
0x2f2: {  	[tilespmem:v2+s18+$0x0] =	vst.idx.add.f32.msk $0xffff, v1  }
0x2f3: {  	v2 =	vld [tilespmem:$0x5B0];
	_ =	sdelay $0x7  }
0x2f4: {  	[tilespmem:v2+s18+$0x0] =	vst.idx.add.f32.msk $0xffff, v1  }
0x2f5: {  	v2 =	vld [tilespmem:$0x5C0];
	_ =	sdelay $0x7  }
0x2f6: {  	[tilespmem:v2+s18+$0x0] =	vst.idx.add.f32.msk $0xffff, v1  }
0x2f7: {  	v2 =	vld [tilespmem:$0x5D0];
	_ =	sdelay $0x7  }
0x2f8: {  	[tilespmem:v2+s18+$0x0] =	vst.idx.add.f32.msk $0xffff, v1  }
0x2f9: {  	v2 =	vld [tilespmem:$0x5E0];
	_ =	sdelay $0x7  }
0x2fa: {  	[tilespmem:v2+s18+$0x0] =	vst.idx.add.f32.msk $0xffff, v1  }
0x2fb: {  	v2 =	vld [tilespmem:$0x5F0];
	_ =	sdelay $0x7  }
0x2fc: {  	[tilespmem:v2+s18+$0x0] =	vst.idx.add.f32.msk $0xffff, v1  }
0x2fd: {  	_ =	swait.ge [sflag:s21], $0x4000  }
0x2fe: {  	[sflag:s21] =	ssyncset.done $0x0  }
0x2ff: {  	[sflag:s21] =	ssyncadd.s32 $0xFFFFC000  }
0x300: {  	[spmem:s3] =	stream.indirect.scatter.add.f32 [tilespmem:s17], [sflag:$0x3], $0x80, s26, s15, $0xb8;
	[tilespmem:$0x1EB80] =	vst v63  }
0x301: {  	_ =	swait.ge [sflag:s13], $0x4000  }
0x302: {  	[sflag:s13] =	ssyncset.done $0x0  }
0x303: {  	[sflag:s13] =	ssyncadd.s32 $0xFFFFC000  }
0x304: {  	[tilespmem:s17], [sflag:$0x2] =	stream.indirect.gather [hbm4b:s0+s15], $0x80, s28, s15, $0xb8;
	[tilespmem:$0x1EB80] =	vst v63  }
0x305: {  	v2 =	vld [tilespmem:$0x600];
	_ =	sdelay $0x7  }
0x306: {  	[tilespmem:v2+s18+$0x0] =	vst.idx.add.f32.msk $0xffff, v1  }
0x307: {  	v2 =	vld [tilespmem:$0x610];
	_ =	sdelay $0x7  }
0x308: {  	[tilespmem:v2+s18+$0x0] =	vst.idx.add.f32.msk $0xffff, v1  }
0x309: {  	v2 =	vld [tilespmem:$0x620];
	_ =	sdelay $0x7  }
0x30a: {  	[tilespmem:v2+s18+$0x0] =	vst.idx.add.f32.msk $0xffff, v1  }
0x30b: {  	v2 =	vld [tilespmem:$0x630];
	_ =	sdelay $0x7  }
0x30c: {  	[tilespmem:v2+s18+$0x0] =	vst.idx.add.f32.msk $0xffff, v1  }
0x30d: {  	v2 =	vld [tilespmem:$0x640];
	_ =	sdelay $0x7  }
0x30e: {  	[tilespmem:v2+s18+$0x0] =	vst.idx.add.f32.msk $0xffff, v1  }
0x30f: {  	v2 =	vld [tilespmem:$0x650];
	_ =	sdelay $0x7  }
0x310: {  	[tilespmem:v2+s18+$0x0] =	vst.idx.add.f32.msk $0xffff, v1  }
0x311: {  	v2 =	vld [tilespmem:$0x660];
	_ =	sdelay $0x7  }
0x312: {  	[tilespmem:v2+s18+$0x0] =	vst.idx.add.f32.msk $0xffff, v1  }
0x313: {  	v2 =	vld [tilespmem:$0x670];
	_ =	sdelay $0x7  }
0x314: {  	[tilespmem:v2+s18+$0x0] =	vst.idx.add.f32.msk $0xffff, v1  }
0x315: {  	_ =	swait.ge [sflag:s19], $0x4000  }
0x316: {  	[sflag:s19] =	ssyncset.done $0x0  }
0x317: {  	[sflag:s19] =	ssyncadd.s32 $0xFFFFC000  }
0x318: {  	[spmem:s3] =	stream.indirect.scatter.add.f32 [tilespmem:s16], [sflag:$0x3], $0x80, s29, s15, $0xb8;
	[tilespmem:$0x1EB80] =	vst v63  }
0x319: {  	_ =	swait.ge [sflag:s13], $0x4000  }
0x31a: {  	[sflag:s13] =	ssyncset.done $0x0  }
0x31b: {  	[sflag:s13] =	ssyncadd.s32 $0xFFFFC000  }
0x31c: {  	[tilespmem:s16], [sflag:$0x1] =	stream.indirect.gather [hbm4b:s0+s15], $0x80, s30, s15, $0xb8;
	[tilespmem:$0x1EB80] =	vst v63  }
0x31d: {  	v2 =	vld [tilespmem:$0x680];
	_ =	sdelay $0x7  }
0x31e: {  	[tilespmem:v2+s18+$0x0] =	vst.idx.add.f32.msk $0xffff, v1  }
0x31f: {  	v2 =	vld [tilespmem:$0x690];
	_ =	sdelay $0x7  }
0x320: {  	[tilespmem:v2+s18+$0x0] =	vst.idx.add.f32.msk $0xffff, v1  }
0x321: {  	v2 =	vld [tilespmem:$0x6A0];
	_ =	sdelay $0x7  }
0x322: {  	[tilespmem:v2+s18+$0x0] =	vst.idx.add.f32.msk $0xffff, v1  }
0x323: {  	v2 =	vld [tilespmem:$0x6B0];
	_ =	sdelay $0x7  }
0x324: {  	[tilespmem:v2+s18+$0x0] =	vst.idx.add.f32.msk $0xffff, v1  }
0x325: {  	v2 =	vld [tilespmem:$0x6C0];
	_ =	sdelay $0x7  }
0x326: {  	[tilespmem:v2+s18+$0x0] =	vst.idx.add.f32.msk $0xffff, v1  }
0x327: {  	v2 =	vld [tilespmem:$0x6D0];
	_ =	sdelay $0x7  }
0x328: {  	[tilespmem:v2+s18+$0x0] =	vst.idx.add.f32.msk $0xffff, v1  }
0x329: {  	v2 =	vld [tilespmem:$0x6E0];
	_ =	sdelay $0x7  }
0x32a: {  	[tilespmem:v2+s18+$0x0] =	vst.idx.add.f32.msk $0xffff, v1  }
0x32b: {  	v2 =	vld [tilespmem:$0x6F0];
	_ =	sdelay $0x7  }
0x32c: {  	[tilespmem:v2+s18+$0x0] =	vst.idx.add.f32.msk $0xffff, v1  }
0x32d: {  	_ =	swait.ge [sflag:s21], $0x4000  }
0x32e: {  	[sflag:s21] =	ssyncset.done $0x0  }
0x32f: {  	[sflag:s21] =	ssyncadd.s32 $0xFFFFC000  }
0x330: {  	[spmem:s3] =	stream.indirect.scatter.add.f32 [tilespmem:s17], [sflag:$0x3], $0x80, s31, s15, $0xb8;
	[tilespmem:$0x1EB80] =	vst v63  }
0x331: {  	_ =	swait.ge [sflag:s13], $0x4000  }
0x332: {  	[sflag:s13] =	ssyncset.done $0x0  }
0x333: {  	[sflag:s13] =	ssyncadd.s32 $0xFFFFC000  }
0x334: {  	[tilespmem:s17], [sflag:$0x2] =	stream.indirect.gather [hbm4b:s0+s15], $0x80, s2, s15, $0xb8;
	[tilespmem:$0x1EB80] =	vst v63  }
0x335: {  	v2 =	vld [tilespmem:$0x700];
	_ =	sdelay $0x7  }
0x336: {  	[tilespmem:v2+s18+$0x0] =	vst.idx.add.f32.msk $0xffff, v1  }
0x337: {  	v2 =	vld [tilespmem:$0x710];
	_ =	sdelay $0x7  }
0x338: {  	[tilespmem:v2+s18+$0x0] =	vst.idx.add.f32.msk $0xffff, v1  }
0x339: {  	v2 =	vld [tilespmem:$0x720];
	_ =	sdelay $0x7  }
0x33a: {  	[tilespmem:v2+s18+$0x0] =	vst.idx.add.f32.msk $0xffff, v1  }
0x33b: {  	v2 =	vld [tilespmem:$0x730];
	_ =	sdelay $0x7  }
0x33c: {  	[tilespmem:v2+s18+$0x0] =	vst.idx.add.f32.msk $0xffff, v1  }
0x33d: {  	v2 =	vld [tilespmem:$0x740];
	_ =	sdelay $0x7  }
0x33e: {  	[tilespmem:v2+s18+$0x0] =	vst.idx.add.f32.msk $0xffff, v1  }
0x33f: {  	v2 =	vld [tilespmem:$0x750];
	_ =	sdelay $0x7  }
0x340: {  	[tilespmem:v2+s18+$0x0] =	vst.idx.add.f32.msk $0xffff, v1  }
0x341: {  	v2 =	vld [tilespmem:$0x760];
	_ =	sdelay $0x7  }
0x342: {  	[tilespmem:v2+s18+$0x0] =	vst.idx.add.f32.msk $0xffff, v1  }
0x343: {  	v2 =	vld [tilespmem:$0x770];
	_ =	sdelay $0x7  }
0x344: {  	[tilespmem:v2+s18+$0x0] =	vst.idx.add.f32.msk $0xffff, v1  }
0x345: {  	_ =	swait.ge [sflag:s19], $0x4000  }
0x346: {  	[sflag:s19] =	ssyncset.done $0x0  }
0x347: {  	[sflag:s19] =	ssyncadd.s32 $0xFFFFC000  }
0x348: {  	[spmem:s3] =	stream.indirect.scatter.add.f32 [tilespmem:s16], [sflag:$0x3], $0x80, s1, s15, $0xb8;
	[tilespmem:$0x1EB80] =	vst v63  }
0x349: {  	_ =	swait.ge [sflag:s13], $0x4000  }
0x34a: {  	[sflag:s13] =	ssyncset.done $0x0  }
0x34b: {  	[sflag:s13] =	ssyncadd.s32 $0xFFFFC000  }
0x34c: {  	v2 =	vld [tilespmem:$0x780];
	_ =	sdelay $0x7  }
0x34d: {  	[tilespmem:v2+s18+$0x0] =	vst.idx.add.f32.msk $0xffff, v1  }
0x34e: {  	v2 =	vld [tilespmem:$0x790];
	_ =	sdelay $0x7  }
0x34f: {  	[tilespmem:v2+s18+$0x0] =	vst.idx.add.f32.msk $0xffff, v1  }
0x350: {  	v2 =	vld [tilespmem:$0x7A0];
	_ =	sdelay $0x7  }
0x351: {  	[tilespmem:v2+s18+$0x0] =	vst.idx.add.f32.msk $0xffff, v1  }
0x352: {  	v2 =	vld [tilespmem:$0x7B0];
	_ =	sdelay $0x7  }
0x353: {  	[tilespmem:v2+s18+$0x0] =	vst.idx.add.f32.msk $0xffff, v1  }
0x354: {  	v2 =	vld [tilespmem:$0x7C0];
	_ =	sdelay $0x7  }
0x355: {  	[tilespmem:v2+s18+$0x0] =	vst.idx.add.f32.msk $0xffff, v1  }
0x356: {  	v2 =	vld [tilespmem:$0x7D0];
	_ =	sdelay $0x7  }
0x357: {  	[tilespmem:v2+s18+$0x0] =	vst.idx.add.f32.msk $0xffff, v1  }
0x358: {  	v2 =	vld [tilespmem:$0x7E0];
	_ =	sdelay $0x7  }
0x359: {  	[tilespmem:v2+s18+$0x0] =	vst.idx.add.f32.msk $0xffff, v1  }
0x35a: {  	v2 =	vld [tilespmem:$0x7F0];
	_ =	sdelay $0x7  }
0x35b: {  	[tilespmem:v2+s18+$0x0] =	vst.idx.add.f32.msk $0xffff, v1  }
0x35c: {  	_ =	swait.ge [sflag:s21], $0x4000  }
0x35d: {  	p0 =	sne.s32 s8, $0x480;
	[sflag:s21] =	ssyncset.done $0x0  }
.Ltmp0:
0x35e: {  	[sflag:s21] =	ssyncadd.s32 $0xFFFFC000;
	(pc) =	sbr.rel @p0 .LBB2_2-.Ltmp0, $4  }
0x35f: {  	[spmem:s3] =	stream.indirect.scatter.add.f32 [tilespmem:s17], [sflag:$0x3], $0x80, s5, s15, $0xb8;
	[tilespmem:$0x1EB80] =	vst v63  }
0x360: {  	_ =	swait.ge [sflag:s13], $0x4000  }
0x361: {  	[sflag:s13] =	ssyncset.done $0x0  }
0x362: {  	s8 =	sadd.s32 $0x80, s8;
	[sflag:s13] =	ssyncadd.s32 $0xFFFFC000  }
0x363: {  	[bflag:$0x0] =	sbarrier.arrive $0xFFFF  }
0x364: {  	s8 =	rddreg [dreg:$0x6]  }
0x365: {  	[hbm:s8], [sflag:s6] =	dma.local [spmem:s12], $0x2780  }
0x366: {  	_ =	swait.ge [sflag:s13], $0x2780  }
0x367: {  	[sflag:s13] =	ssyncset.done $0x0  }
0x368: {  	s9 =	rddreg [dreg:$0x7];
	[sflag:s13] =	ssyncadd.s32 $0xFFFFD880  }
0x369: {  	[hbm4b:s9+s15] =	stream.strided.scatter [tilespmem:s18], [sflag:$0x3], $0x2780, s14, s15, $0x38;
	[tilespmem:$0x1EB80] =	vst v63  }
0x36a: {  	_ =	swait.ge [sflag:s13], $0x2780  }
0x36b: {  	s7 =	sadd.s32 $0x1, s7;
	s9 =	rddreg [dreg:$0x8]  }
0x36c: {  	p0 =	sne.s32 s7, s9  }
.Ltmp1:
0x36d: {  	_ = 	snop;
	(pc) =	sbr.rel @p0 .LBB2_1-.Ltmp1, $3  }
0x36e: {  	_ =	sdelay $0x1  }
0x36f: {  	[sflag:s13] =	ssyncset.done $0x0  }
0x370: {  	[sflag:s13] =	ssyncadd.s32 $0xFFFFD880  }
0x371: {  	_ =	sfence.sel $0x180000  }
0x372: {  	[bflag:$0x0] =	sbarrier.arrive $0xFFFF  }
0x373: {  	_ =	strace $0x90000047  }
0x374: {  	s0 =	stileid.u32;
	[bflag:$0x2] =	sbarrier.arrive $0xFFFF  }
0x375: {  	p0 =	sne.s32 s0, $0x0;
	s0 =	rddreg [dreg:$0x4]  }
0x376: {  	s0 =	sadd.s32 @!p0 $0x100000, s0  }
0x377: {  	[sflag:s0] =	ssyncadd.tile.s32 @!p0 $0x1;
	_ =	shalt  }
.Lfunc_end2:
_tile_overlayer_lowered:
.L_overlay_start_2:
0x378: {  	(tag) =	ssettag $0x2  }
0x379: {  	s0 =	rddreg [dreg:$0x0];
	s2 =	stileid.u32  }
0x37a: {  	s1 =	rddreg [dreg:$0x1];
	p0 =	sne.s32 s2, $0x0  }
0x37b: {  	s3 =	rddreg [dreg:$0x2];
	[bflag:$0x3] =	sbarrier.arrive $0xFFFF;
	s2 =	simm.s32 @!p0 $0x1C03  }
0x37c: {  	[timem:s3], [sflag:s2] =	dma.local @!p0 [hbm:s0], s1  }
0x37d: {  	s0 =	simm.s32 @!p0 $0x3  }
0x37e: {  	_ =	swait.ge @!p0 [sflag:s0], s1  }
0x37f: {  	s1 =	ssub.s32 @!p0 $0x0, s1;
	[sflag:s0] =	ssyncset.done @!p0 $0x0  }
0x380: {  	[sflag:s0] =	ssyncadd.s32 @!p0 s1  }
0x381: {  	[bflag:$0x3] =	sbarrier.arrive $0xFFFF  }
0x382: {  	_ =	shalt  }

</sc_bundles>
